<compile_context>
chip_gen: v7x
topology: tpu7x:2x2x1
jax: 0.10.2.dev20260603
libtpu: 0.0.44.dev20260713+nightly
codegen_flags: <defaults>
</compile_context>

<pallas_src>
import functools

import jax
import jax.numpy as jnp
from jax import lax
from jax.experimental import pallas as pl
from jax.experimental.pallas import tpu as pltpu
from jax.experimental.pallas import tpu_sc as plsc

N = 10000
E = 320000
R = 8
D_IN = 128
H = 16

NC = 2
NS = 16
NW = NC * NS
ROWS = N * R
EW = E // NW
CHUNK1 = 624
CHUNK2 = 840
TR = ROWS // NS
ZR = 250
ZCOPIES = TR // ZR
CZ_LEN = 1008



def _idx_body(src_ref, dst_ref, et_ref, g_ref, s_ref):
    et = et_ref[...]
    g_ref[...] = src_ref[...] * R + et
    s_ref[...] = dst_ref[...] * R + et


def _edge_indices(src, dst, et):
    rows, cols = 625, 512
    src2 = src.reshape(rows, cols)
    dst2 = dst.reshape(rows, cols)
    et2 = et.reshape(rows, cols)
    g, s = pl.pallas_call(
        _idx_body,
        grid=(1,),
        in_specs=[pl.BlockSpec((rows, cols), lambda i: (0, 0))] * 3,
        out_specs=[pl.BlockSpec((rows, cols), lambda i: (0, 0))] * 2,
        out_shape=[jax.ShapeDtypeStruct((rows, cols), jnp.int32)] * 2,
    )(src2, dst2, et2)
    return g.reshape(E), s.reshape(E)


def _proj_body(x_ref, w_ref, t_ref, r_ref):
    res = jnp.dot(x_ref[...], w_ref[...], preferred_element_type=jnp.float32)
    t_ref[...] = res[:, : R * H]
    r_ref[...] = res[:, R * H :]


def _project(x, wcat):
    bn = 1000
    k = x.shape[1]
    wc = R * H + H
    return pl.pallas_call(
        _proj_body,
        grid=(N // bn,),
        in_specs=[
            pl.BlockSpec((bn, k), lambda i: (i, 0)),
            pl.BlockSpec((k, wc), lambda i: (0, 0)),
        ],
        out_specs=[
            pl.BlockSpec((bn, R * H), lambda i: (i, 0)),
            pl.BlockSpec((bn, H), lambda i: (i, 0)),
        ],
        out_shape=[
            jax.ShapeDtypeStruct((N, R * H), jnp.float32),
            jax.ShapeDtypeStruct((N, H), jnp.float32),
        ],
    )(x, wcat)


def _merge_msgs(rootp, agg, cnt, b):
    inv = 1.0 / jnp.maximum(cnt[0] + cnt[1], 1.0)
    a = agg[0] + agg[1]
    o = rootp + b[0:1, :]
    for r in range(R):
        o = o + a[:, r * H : (r + 1) * H] * inv[:, r : r + 1]
    return o


def _norm1_body(rootp_ref, agg_ref, cnt_ref, b_ref, w2_ref, t2_ref, r2_ref):
    h = _merge_msgs(rootp_ref[...], agg_ref[...], cnt_ref[...], b_ref[...])
    h = jnp.maximum(h, 0.0)
    res = jnp.dot(h, w2_ref[...], preferred_element_type=jnp.float32)
    t2_ref[...] = res[:, : R * H]
    r2_ref[...] = res[:, R * H :]


def _normalize_relu_project(rootp, agg, cnt, b1b, wcat2):
    bn = 2000
    wc = R * H + H
    return pl.pallas_call(
        _norm1_body,
        grid=(N // bn,),
        in_specs=[
            pl.BlockSpec((bn, H), lambda i: (i, 0)),
            pl.BlockSpec((NC, bn, R * H), lambda i: (0, i, 0)),
            pl.BlockSpec((NC, bn, R), lambda i: (0, i, 0)),
            pl.BlockSpec((8, H), lambda i: (0, 0)),
            pl.BlockSpec((H, wc), lambda i: (0, 0)),
        ],
        out_specs=[
            pl.BlockSpec((bn, R * H), lambda i: (i, 0)),
            pl.BlockSpec((bn, H), lambda i: (i, 0)),
        ],
        out_shape=[
            jax.ShapeDtypeStruct((N, R * H), jnp.float32),
            jax.ShapeDtypeStruct((N, H), jnp.float32),
        ],
    )(rootp, agg, cnt, b1b, wcat2)


def _final_body(rootp_ref, agg_ref, cnt_ref, b_ref, out_ref):
    o = _merge_msgs(rootp_ref[...], agg_ref[...], cnt_ref[...], b_ref[...])
    m = jnp.max(o, axis=1, keepdims=True)
    s = jnp.log(jnp.sum(jnp.exp(o - m), axis=1, keepdims=True))
    out_ref[...] = o - m - s


def _normalize_logsoftmax(rootp, agg, cnt, b2b):
    bn = 2000
    return pl.pallas_call(
        _final_body,
        grid=(N // bn,),
        in_specs=[
            pl.BlockSpec((bn, H), lambda i: (i, 0)),
            pl.BlockSpec((NC, bn, R * H), lambda i: (0, i, 0)),
            pl.BlockSpec((NC, bn, R), lambda i: (0, i, 0)),
            pl.BlockSpec((8, H), lambda i: (0, 0)),
        ],
        out_specs=pl.BlockSpec((bn, H), lambda i: (i, 0)),
        out_shape=jax.ShapeDtypeStruct((N, H), jnp.float32),
    )(rootp, agg, cnt, b2b)



def _edge_pass(table, gidx, sidx, with_counts, chunk):
    nfull = EW // chunk
    tail = EW - nfull * chunk
    sizes = [chunk] * nfull + ([tail] if tail else [])
    nchunk = len(sizes)
    ones_len = -(-chunk // 16) * 16
    mesh = plsc.VectorSubcoreMesh(
        core_axis_name="c", subcore_axis_name="s",
        num_cores=NC, num_subcores=NS)

    out_type = [jax.ShapeDtypeStruct((NC, ROWS, H), jnp.float32)]
    scratch = [
        pltpu.VMEM((EW,), jnp.int32),
        pltpu.VMEM((EW,), jnp.int32),
        pltpu.VMEM((chunk, H), jnp.float32),
        pltpu.VMEM((chunk, H), jnp.float32),
        pltpu.VMEM((ZR, H), jnp.float32),
        pltpu.VMEM_SHARED((ROWS, H), jnp.float32),
        pltpu.SemaphoreType.DMA,
        pltpu.SemaphoreType.DMA,
        pltpu.SemaphoreType.DMA,
        pltpu.SemaphoreType.DMA,
        pltpu.SemaphoreType.DMA,
        pltpu.SemaphoreType.DMA,
    ]
    if with_counts:
        out_type.append(jax.ShapeDtypeStruct((NC, NS, TR), jnp.float32))
        scratch += [
            pltpu.VMEM((ones_len,), jnp.float32),
            pltpu.VMEM((CZ_LEN,), jnp.float32),
            pltpu.VMEM_SHARED((ROWS,), jnp.float32),
        ]

    def body(table_h, gidx_h, sidx_h, agg_out, *rest):
        if with_counts:
            (cnt_out, gidx_all, sidx_all, rows0, rows1, zero_v, agg_sh,
             isem, zsem, gsem0, gsem1, ssem0, ssem1,
             ones_v, czero_v, cnt_sh) = rest
        else:
            (gidx_all, sidx_all, rows0, rows1, zero_v, agg_sh,
             isem, zsem, gsem0, gsem1, ssem0, ssem1) = rest
        rows = (rows0, rows1)
        gsem = (gsem0, gsem1)
        ssem = (ssem0, ssem1)
        cid = lax.axis_index("c")
        sid = lax.axis_index("s")
        wid = cid * NS + sid

        off = pl.multiple_of(wid * EW, 8)
        idx_d = [pltpu.async_copy(gidx_h.at[pl.ds(off, EW)], gidx_all, isem),
                 pltpu.async_copy(sidx_h.at[pl.ds(off, EW)], sidx_all, isem)]

        def zfill(i, _):
            zero_v[i, :] = jnp.zeros((H,), jnp.float32)
            return 0
        lax.fori_loop(0, ZR, zfill, 0)

        zero_d = [
            pltpu.async_copy(
                zero_v, agg_sh.at[pl.ds(sid * TR + j * ZR, ZR)], zsem)
            for j in range(ZCOPIES)
        ]
        if with_counts:
            def fill1(i, _):
                ones_v[pl.ds(i * 16, 16)] = jnp.ones((16,), jnp.float32)
                return 0
            lax.fori_loop(0, ones_len // 16, fill1, 0)

            def fill0(i, _):
                czero_v[pl.ds(i * 16, 16)] = jnp.zeros((16,), jnp.float32)
                return 0
            lax.fori_loop(0, CZ_LEN // 16, fill0, 0)
            done = 0
            while done < TR:
                step = min(CZ_LEN, TR - done)
                zero_d.append(pltpu.async_copy(
                    czero_v.at[pl.ds(0, step)],
                    cnt_sh.at[pl.ds(sid * TR + done, step)], zsem))
                done += step

        for d in idx_d:
            d.wait()

        gather_d = {}
        scatter_d = {}

        def issue_gather(i):
            b = i % 2
            return pltpu.async_copy(
                table_h.at[gidx_all.at[pl.ds(i * chunk, sizes[i])]],
                rows[b].at[pl.ds(0, sizes[i])], gsem[b])

        gather_d[0] = issue_gather(0)
        for d in zero_d:
            d.wait()
        plsc.subcore_barrier()

        for i in range(nchunk):
            b = i % 2
            if i + 1 < nchunk:
                if i - 1 >= 0:
                    for d in scatter_d.pop(i - 1):
                        d.wait()
                gather_d[i + 1] = issue_gather(i + 1)
            gather_d.pop(i).wait()
            sl = sidx_all.at[pl.ds(i * chunk, sizes[i])]
            ds_ = [pltpu.async_copy(rows[b].at[pl.ds(0, sizes[i])],
                                    agg_sh.at[sl], ssem[b], add=True)]
            if with_counts:
                ds_.append(pltpu.async_copy(ones_v.at[pl.ds(0, sizes[i])],
                                            cnt_sh.at[sl], ssem[b],
                                            add=True))
            scatter_d[i] = ds_
        for k in sorted(scatter_d):
            for d in scatter_d[k]:
                d.wait()

        plsc.subcore_barrier()

        pltpu.sync_copy(agg_sh.at[pl.ds(sid * TR, TR)],
                        agg_out.at[cid, pl.ds(sid * TR, TR)])
        if with_counts:
            pltpu.sync_copy(cnt_sh.at[pl.ds(sid * TR, TR)],
                            cnt_out.at[cid, sid])

    run = pl.kernel(body, out_type=out_type, mesh=mesh,
                    scratch_types=scratch,
                    compiler_params=pltpu.CompilerParams(
                        use_tc_tiling_on_sc=False))
    return run(table, gidx, sidx)



@jax.jit
def _rgcn(x, edge_index, edge_type, W1, root1, b1, W2, root2, b2):
    src, dst = edge_index[0], edge_index[1]

    wcat1 = jnp.concatenate(
        [W1.transpose(1, 0, 2).reshape(D_IN, R * H), root1], axis=1)
    wcat2 = jnp.concatenate(
        [W2.transpose(1, 0, 2).reshape(H, R * H), root2], axis=1)
    b1b = jnp.broadcast_to(b1[None, :], (8, H))
    b2b = jnp.broadcast_to(b2[None, :], (8, H))

    gidx, sidx = _edge_indices(src, dst, edge_type)
    table1, rootp1 = _project(x, wcat1)
    agg1, cnt = _edge_pass(table1.reshape(ROWS, H), gidx, sidx,
                           with_counts=True, chunk=CHUNK1)
    cnt_r = cnt.reshape(NC, N, R)

    table2, rootp2 = _normalize_relu_project(
        rootp1, agg1.reshape(NC, N, R * H), cnt_r, b1b, wcat2)

    (agg2,) = _edge_pass(table2.reshape(ROWS, H), gidx, sidx,
                         with_counts=False, chunk=CHUNK2)

    return _normalize_logsoftmax(rootp2, agg2.reshape(NC, N, R * H),
                                 cnt_r, b2b)


def kernel(x, edge_index, edge_type, W1, root1, b1, W2, root2, b2):
    return _rgcn(x, edge_index, edge_type, W1, root1, b1, W2, root2, b2)

# --- scband reference (transcript-rebuilt; emitter-appended) ---
"""Pipeline reference for scband-rgcn-51479478010373 (READ-ONLY COPY).

The authoritative reference and input builder live on the scoring server;
editing this copy changes nothing except your own understanding.
"""

import jax, jax.numpy as jnp
import numpy as np

N = 10000
E = 320000
R = 8
D_IN = 128
H = 16
D_OUT = 16


def setup_inputs(seed: int = 0) -> dict:
    key = jax.random.key(seed)
    ks = jax.random.split(key, 10)
    x = jax.random.normal(ks[0], (N, D_IN), dtype=jnp.float32)
    edge_index = jax.random.randint(ks[1], (2, E), 0, N, dtype=jnp.int32)
    edge_type = jax.random.randint(ks[2], (E,), 0, R, dtype=jnp.int32)
    # RGCNConv layer 1 params (in=128, out=16, R relations)
    W1 = jax.random.normal(ks[3], (R, D_IN, H), dtype=jnp.float32) * (1.0 / np.sqrt(D_IN))
    root1 = jax.random.normal(ks[4], (D_IN, H), dtype=jnp.float32) * (1.0 / np.sqrt(D_IN))
    b1 = jnp.zeros((H,), dtype=jnp.float32)
    # RGCNConv layer 2 params (in=16, out=16)
    W2 = jax.random.normal(ks[5], (R, H, D_OUT), dtype=jnp.float32) * (1.0 / np.sqrt(H))
    root2 = jax.random.normal(ks[6], (H, D_OUT), dtype=jnp.float32) * (1.0 / np.sqrt(H))
    b2 = jnp.zeros((D_OUT,), dtype=jnp.float32)
    return {"x": x, "edge_index": edge_index, "edge_type": edge_type,
            "W1": W1, "root1": root1, "b1": b1,
            "W2": W2, "root2": root2, "b2": b2}


def rgcn_layer(x, src, dst, edge_type, W, Wroot, b):
    # PyG RGCNConv: out_i = x_i @ root + b + sum_r mean_{j in N_r(i)} x_j @ W_r
    n = x.shape[0]
    out = x @ Wroot + b
    num_rel = W.shape[0]
    for r in range(num_rel):
        mask = (edge_type == r).astype(x.dtype)
        h = x @ W[r]
        msg = h[src] * mask[:, None]
        agg = jax.ops.segment_sum(msg, dst, num_segments=n)
        cnt = jax.ops.segment_sum(mask, dst, num_segments=n)
        out = out + agg / jnp.maximum(cnt, 1.0)[:, None]
    return out


def reference(x, edge_index, edge_type, W1, root1, b1, W2, root2, b2):
    src, dst = edge_index[0], edge_index[1]
    h = jax.nn.relu(rgcn_layer(x, src, dst, edge_type, W1, root1, b1))
    out = rgcn_layer(h, src, dst, edge_type, W2, root2, b2)
    return jax.nn.log_softmax(out, axis=1)

if __name__ == "__main__":
    import jax
    _d = setup_inputs()
    print(jax.jit(kernel)(*tuple(_d.values())))

</pallas_src>

<mosaic_0001>
#map = affine_map<(d0, d1) -> (0, 0)>
#map1 = affine_map<(d0, d1) -> (0)>
#map2 = affine_map<(d0, d1) -> (0, 0, 0)>
module attributes {stable_mosaic.version = 14 : i64} {
  func.func @body(%arg0: i32, %arg1: i32, %arg2: memref<80000x16xf32, #tpu.memory_space<hbm>>, %arg3: memref<320000xi32, #tpu.memory_space<hbm>>, %arg4: memref<320000xi32, #tpu.memory_space<hbm>>, %arg5: memref<2x80000x16xf32, #tpu.memory_space<hbm>>, %arg6: memref<10000xi32, #tpu.memory_space<vmem>>, %arg7: memref<10000xi32, #tpu.memory_space<vmem>>, %arg8: memref<840x16xf32, #tpu.memory_space<vmem>>, %arg9: memref<840x16xf32, #tpu.memory_space<vmem>>, %arg10: memref<250x16xf32, #tpu.memory_space<vmem>>, %arg11: memref<80000x16xf32, #tpu.memory_space<vmem_shared>>, %arg12: memref<!tpu.dma_semaphore, #tpu.memory_space<semaphore_mem>>, %arg13: memref<!tpu.dma_semaphore, #tpu.memory_space<semaphore_mem>>, %arg14: memref<!tpu.dma_semaphore, #tpu.memory_space<semaphore_mem>>, %arg15: memref<!tpu.dma_semaphore, #tpu.memory_space<semaphore_mem>>, %arg16: memref<!tpu.dma_semaphore, #tpu.memory_space<semaphore_mem>>, %arg17: memref<!tpu.dma_semaphore, #tpu.memory_space<semaphore_mem>>) attributes {dimension_semantics = [#tpu.dimension_semantics<core_parallel>, #tpu.dimension_semantics<subcore_parallel>], iteration_bounds = array<i64: 2, 16>, scalar_prefetch = 0 : i64, scratch_operands = 12 : i64, tpu.core_type = #tpu.core_type<sc_vector_subcore>, window_params = [{transform_indices = #map}, {transform_indices = #map1}, {transform_indices = #map1}, {transform_indices = #map2}]} {
    %mul3A = arith.constant 16 : i32
    %mul3A_0 = arith.muli %arg0, %mul3A : i32
    %add3A = arith.addi %mul3A_0, %arg1 : i32
    %mul3A_1 = arith.constant 10000 : i32
    %mul3A_2 = arith.muli %add3A, %mul3A_1 : i32
    %multiple_of3A = tpu.assume_multiple %mul3A_2, 8 : i32
    %dma_start3A = tpu.memref_slice %arg3[%multiple_of3A] : memref<320000xi32, #tpu.memory_space<hbm>> -> memref<10000xi32, #tpu.memory_space<hbm>>
    %dma_start3A_3 = tpu.memref_slice %arg3[%multiple_of3A] : memref<320000xi32, #tpu.memory_space<hbm>> -> memref<10000xi32, #tpu.memory_space<hbm>>
    tpu.enqueue_dma source(%dma_start3A_3 : memref<10000xi32, #tpu.memory_space<hbm>>) target(%arg6 : memref<10000xi32, #tpu.memory_space<vmem>>) target_semaphore(%arg12 : memref<!tpu.dma_semaphore, #tpu.memory_space<semaphore_mem>>)
    %dma_start3A_4 = tpu.memref_slice %arg4[%multiple_of3A] : memref<320000xi32, #tpu.memory_space<hbm>> -> memref<10000xi32, #tpu.memory_space<hbm>>
    %dma_start3A_5 = tpu.memref_slice %arg4[%multiple_of3A] : memref<320000xi32, #tpu.memory_space<hbm>> -> memref<10000xi32, #tpu.memory_space<hbm>>
    tpu.enqueue_dma source(%dma_start3A_5 : memref<10000xi32, #tpu.memory_space<hbm>>) target(%arg7 : memref<10000xi32, #tpu.memory_space<vmem>>) target_semaphore(%arg12 : memref<!tpu.dma_semaphore, #tpu.memory_space<semaphore_mem>>)
    %scan3A = arith.constant 0 : i32
    %scan3A_6 = arith.constant 0 : i32
    %scan3A_7 = arith.constant 250 : i32
    %scan3A_8 = arith.addi %scan3A_6, %scan3A_7 : i32
    %scan3A_9 = arith.constant 1 : i32
    %scan3A_10 = scf.for %scan3A_644 = %scan3A_6 to %scan3A_8 step %scan3A_9 iter_args(%scan3A_645 = %scan3A) -> (i32)  : i32 {
      %broadcast_in_dim3A = arith.constant 0.000000e+00 : f32
      %broadcast_in_dim3A_646 = vector.broadcast %broadcast_in_dim3A : f32 to vector<16xf32>
      %swap3A = arith.index_cast %scan3A_644 : i32 to index
      %swap3A_647 = arith.constant 0 : index
      %swap3A_648 = tpu.vector_load %arg10[%swap3A, %swap3A_647] {strides = array<i32>} : memref<250x16xf32, #tpu.memory_space<vmem>>, vector<1x16xf32>,
      %swap3A_649 = vector.shape_cast %swap3A_648 : vector<1x16xf32> to vector<16xf32>
      %swap3A_650 = vector.shape_cast %broadcast_in_dim3A_646 : vector<16xf32> to vector<1x16xf32>
      tpu.vector_store %arg10[%swap3A, %swap3A_647], %swap3A_650 {strides = array<i32>} : memref<250x16xf32, #tpu.memory_space<vmem>>, vector<1x16xf32>,
      %scan3A_651 = arith.constant 0 : i32
      scf.yield %scan3A_651 : i32
    }
    %scan3A_11 = arith.constant 250 : i32
    %mul3A_12 = arith.constant 5000 : i32
    %mul3A_13 = arith.muli %arg1, %mul3A_12 : i32
    %add3A_14 = arith.constant 0 : i32
    %add3A_15 = arith.addi %mul3A_13, %add3A_14 : i32
    %dma_start3A_16 = arith.constant 0 : i32
    %dma_start3A_17 = tpu.memref_slice %arg11[%add3A_15, %dma_start3A_16] : memref<80000x16xf32, #tpu.memory_space<vmem_shared>> -> memref<250x16xf32, #tpu.memory_space<vmem_shared>>
    %dma_start3A_18 = arith.constant 0 : i32
    %dma_start3A_19 = tpu.memref_slice %arg11[%add3A_15, %dma_start3A_18] : memref<80000x16xf32, #tpu.memory_space<vmem_shared>> -> memref<250x16xf32, #tpu.memory_space<vmem_shared>>
    tpu.enqueue_dma source(%arg10 : memref<250x16xf32, #tpu.memory_space<vmem>>) target(%dma_start3A_19 : memref<250x16xf32, #tpu.memory_space<vmem_shared>>) target_semaphore(%arg13 : memref<!tpu.dma_semaphore, #tpu.memory_space<semaphore_mem>>)
    %mul3A_20 = arith.constant 5000 : i32
    %mul3A_21 = arith.muli %arg1, %mul3A_20 : i32
    %add3A_22 = arith.constant 250 : i32
    %add3A_23 = arith.addi %mul3A_21, %add3A_22 : i32
    %dma_start3A_24 = arith.constant 0 : i32
    %dma_start3A_25 = tpu.memref_slice %arg11[%add3A_23, %dma_start3A_24] : memref<80000x16xf32, #tpu.memory_space<vmem_shared>> -> memref<250x16xf32, #tpu.memory_space<vmem_shared>>
    %dma_start3A_26 = arith.constant 0 : i32
    %dma_start3A_27 = tpu.memref_slice %arg11[%add3A_23, %dma_start3A_26] : memref<80000x16xf32, #tpu.memory_space<vmem_shared>> -> memref<250x16xf32, #tpu.memory_space<vmem_shared>>
    tpu.enqueue_dma source(%arg10 : memref<250x16xf32, #tpu.memory_space<vmem>>) target(%dma_start3A_27 : memref<250x16xf32, #tpu.memory_space<vmem_shared>>) target_semaphore(%arg13 : memref<!tpu.dma_semaphore, #tpu.memory_space<semaphore_mem>>)
    %mul3A_28 = arith.constant 5000 : i32
    %mul3A_29 = arith.muli %arg1, %mul3A_28 : i32
    %add3A_30 = arith.constant 500 : i32
    %add3A_31 = arith.addi %mul3A_29, %add3A_30 : i32
    %dma_start3A_32 = arith.constant 0 : i32
    %dma_start3A_33 = tpu.memref_slice %arg11[%add3A_31, %dma_start3A_32] : memref<80000x16xf32, #tpu.memory_space<vmem_shared>> -> memref<250x16xf32, #tpu.memory_space<vmem_shared>>
    %dma_start3A_34 = arith.constant 0 : i32
    %dma_start3A_35 = tpu.memref_slice %arg11[%add3A_31, %dma_start3A_34] : memref<80000x16xf32, #tpu.memory_space<vmem_shared>> -> memref<250x16xf32, #tpu.memory_space<vmem_shared>>
    tpu.enqueue_dma source(%arg10 : memref<250x16xf32, #tpu.memory_space<vmem>>) target(%dma_start3A_35 : memref<250x16xf32, #tpu.memory_space<vmem_shared>>) target_semaphore(%arg13 : memref<!tpu.dma_semaphore, #tpu.memory_space<semaphore_mem>>)
    %mul3A_36 = arith.constant 5000 : i32
    %mul3A_37 = arith.muli %arg1, %mul3A_36 : i32
    %add3A_38 = arith.constant 750 : i32
    %add3A_39 = arith.addi %mul3A_37, %add3A_38 : i32
    %dma_start3A_40 = arith.constant 0 : i32
    %dma_start3A_41 = tpu.memref_slice %arg11[%add3A_39, %dma_start3A_40] : memref<80000x16xf32, #tpu.memory_space<vmem_shared>> -> memref<250x16xf32, #tpu.memory_space<vmem_shared>>
    %dma_start3A_42 = arith.constant 0 : i32
    %dma_start3A_43 = tpu.memref_slice %arg11[%add3A_39, %dma_start3A_42] : memref<80000x16xf32, #tpu.memory_space<vmem_shared>> -> memref<250x16xf32, #tpu.memory_space<vmem_shared>>
    tpu.enqueue_dma source(%arg10 : memref<250x16xf32, #tpu.memory_space<vmem>>) target(%dma_start3A_43 : memref<250x16xf32, #tpu.memory_space<vmem_shared>>) target_semaphore(%arg13 : memref<!tpu.dma_semaphore, #tpu.memory_space<semaphore_mem>>)
    %mul3A_44 = arith.constant 5000 : i32
    %mul3A_45 = arith.muli %arg1, %mul3A_44 : i32
    %add3A_46 = arith.constant 1000 : i32
    %add3A_47 = arith.addi %mul3A_45, %add3A_46 : i32
    %dma_start3A_48 = arith.constant 0 : i32
    %dma_start3A_49 = tpu.memref_slice %arg11[%add3A_47, %dma_start3A_48] : memref<80000x16xf32, #tpu.memory_space<vmem_shared>> -> memref<250x16xf32, #tpu.memory_space<vmem_shared>>
    %dma_start3A_50 = arith.constant 0 : i32
    %dma_start3A_51 = tpu.memref_slice %arg11[%add3A_47, %dma_start3A_50] : memref<80000x16xf32, #tpu.memory_space<vmem_shared>> -> memref<250x16xf32, #tpu.memory_space<vmem_shared>>
    tpu.enqueue_dma source(%arg10 : memref<250x16xf32, #tpu.memory_space<vmem>>) target(%dma_start3A_51 : memref<250x16xf32, #tpu.memory_space<vmem_shared>>) target_semaphore(%arg13 : memref<!tpu.dma_semaphore, #tpu.memory_space<semaphore_mem>>)
    %mul3A_52 = arith.constant 5000 : i32
    %mul3A_53 = arith.muli %arg1, %mul3A_52 : i32
    %add3A_54 = arith.constant 1250 : i32
    %add3A_55 = arith.addi %mul3A_53, %add3A_54 : i32
    %dma_start3A_56 = arith.constant 0 : i32
    %dma_start3A_57 = tpu.memref_slice %arg11[%add3A_55, %dma_start3A_56] : memref<80000x16xf32, #tpu.memory_space<vmem_shared>> -> memref<250x16xf32, #tpu.memory_space<vmem_shared>>
    %dma_start3A_58 = arith.constant 0 : i32
    %dma_start3A_59 = tpu.memref_slice %arg11[%add3A_55, %dma_start3A_58] : memref<80000x16xf32, #tpu.memory_space<vmem_shared>> -> memref<250x16xf32, #tpu.memory_space<vmem_shared>>
    tpu.enqueue_dma source(%arg10 : memref<250x16xf32, #tpu.memory_space<vmem>>) target(%dma_start3A_59 : memref<250x16xf32, #tpu.memory_space<vmem_shared>>) target_semaphore(%arg13 : memref<!tpu.dma_semaphore, #tpu.memory_space<semaphore_mem>>)
    %mul3A_60 = arith.constant 5000 : i32
    %mul3A_61 = arith.muli %arg1, %mul3A_60 : i32
    %add3A_62 = arith.constant 1500 : i32
    %add3A_63 = arith.addi %mul3A_61, %add3A_62 : i32
    %dma_start3A_64 = arith.constant 0 : i32
    %dma_start3A_65 = tpu.memref_slice %arg11[%add3A_63, %dma_start3A_64] : memref<80000x16xf32, #tpu.memory_space<vmem_shared>> -> memref<250x16xf32, #tpu.memory_space<vmem_shared>>
    %dma_start3A_66 = arith.constant 0 : i32
    %dma_start3A_67 = tpu.memref_slice %arg11[%add3A_63, %dma_start3A_66] : memref<80000x16xf32, #tpu.memory_space<vmem_shared>> -> memref<250x16xf32, #tpu.memory_space<vmem_shared>>
    tpu.enqueue_dma source(%arg10 : memref<250x16xf32, #tpu.memory_space<vmem>>) target(%dma_start3A_67 : memref<250x16xf32, #tpu.memory_space<vmem_shared>>) target_semaphore(%arg13 : memref<!tpu.dma_semaphore, #tpu.memory_space<semaphore_mem>>)
    %mul3A_68 = arith.constant 5000 : i32
    %mul3A_69 = arith.muli %arg1, %mul3A_68 : i32
    %add3A_70 = arith.constant 1750 : i32
    %add3A_71 = arith.addi %mul3A_69, %add3A_70 : i32
    %dma_start3A_72 = arith.constant 0 : i32
    %dma_start3A_73 = tpu.memref_slice %arg11[%add3A_71, %dma_start3A_72] : memref<80000x16xf32, #tpu.memory_space<vmem_shared>> -> memref<250x16xf32, #tpu.memory_space<vmem_shared>>
    %dma_start3A_74 = arith.constant 0 : i32
    %dma_start3A_75 = tpu.memref_slice %arg11[%add3A_71, %dma_start3A_74] : memref<80000x16xf32, #tpu.memory_space<vmem_shared>> -> memref<250x16xf32, #tpu.memory_space<vmem_shared>>
    tpu.enqueue_dma source(%arg10 : memref<250x16xf32, #tpu.memory_space<vmem>>) target(%dma_start3A_75 : memref<250x16xf32, #tpu.memory_space<vmem_shared>>) target_semaphore(%arg13 : memref<!tpu.dma_semaphore, #tpu.memory_space<semaphore_mem>>)
    %mul3A_76 = arith.constant 5000 : i32
    %mul3A_77 = arith.muli %arg1, %mul3A_76 : i32
    %add3A_78 = arith.constant 2000 : i32
    %add3A_79 = arith.addi %mul3A_77, %add3A_78 : i32
    %dma_start3A_80 = arith.constant 0 : i32
    %dma_start3A_81 = tpu.memref_slice %arg11[%add3A_79, %dma_start3A_80] : memref<80000x16xf32, #tpu.memory_space<vmem_shared>> -> memref<250x16xf32, #tpu.memory_space<vmem_shared>>
    %dma_start3A_82 = arith.constant 0 : i32
    %dma_start3A_83 = tpu.memref_slice %arg11[%add3A_79, %dma_start3A_82] : memref<80000x16xf32, #tpu.memory_space<vmem_shared>> -> memref<250x16xf32, #tpu.memory_space<vmem_shared>>
    tpu.enqueue_dma source(%arg10 : memref<250x16xf32, #tpu.memory_space<vmem>>) target(%dma_start3A_83 : memref<250x16xf32, #tpu.memory_space<vmem_shared>>) target_semaphore(%arg13 : memref<!tpu.dma_semaphore, #tpu.memory_space<semaphore_mem>>)
    %mul3A_84 = arith.constant 5000 : i32
    %mul3A_85 = arith.muli %arg1, %mul3A_84 : i32
    %add3A_86 = arith.constant 2250 : i32
    %add3A_87 = arith.addi %mul3A_85, %add3A_86 : i32
    %dma_start3A_88 = arith.constant 0 : i32
    %dma_start3A_89 = tpu.memref_slice %arg11[%add3A_87, %dma_start3A_88] : memref<80000x16xf32, #tpu.memory_space<vmem_shared>> -> memref<250x16xf32, #tpu.memory_space<vmem_shared>>
    %dma_start3A_90 = arith.constant 0 : i32
    %dma_start3A_91 = tpu.memref_slice %arg11[%add3A_87, %dma_start3A_90] : memref<80000x16xf32, #tpu.memory_space<vmem_shared>> -> memref<250x16xf32, #tpu.memory_space<vmem_shared>>
    tpu.enqueue_dma source(%arg10 : memref<250x16xf32, #tpu.memory_space<vmem>>) target(%dma_start3A_91 : memref<250x16xf32, #tpu.memory_space<vmem_shared>>) target_semaphore(%arg13 : memref<!tpu.dma_semaphore, #tpu.memory_space<semaphore_mem>>)
    %mul3A_92 = arith.constant 5000 : i32
    %mul3A_93 = arith.muli %arg1, %mul3A_92 : i32
    %add3A_94 = arith.constant 2500 : i32
    %add3A_95 = arith.addi %mul3A_93, %add3A_94 : i32
    %dma_start3A_96 = arith.constant 0 : i32
    %dma_start3A_97 = tpu.memref_slice %arg11[%add3A_95, %dma_start3A_96] : memref<80000x16xf32, #tpu.memory_space<vmem_shared>> -> memref<250x16xf32, #tpu.memory_space<vmem_shared>>
    %dma_start3A_98 = arith.constant 0 : i32
    %dma_start3A_99 = tpu.memref_slice %arg11[%add3A_95, %dma_start3A_98] : memref<80000x16xf32, #tpu.memory_space<vmem_shared>> -> memref<250x16xf32, #tpu.memory_space<vmem_shared>>
    tpu.enqueue_dma source(%arg10 : memref<250x16xf32, #tpu.memory_space<vmem>>) target(%dma_start3A_99 : memref<250x16xf32, #tpu.memory_space<vmem_shared>>) target_semaphore(%arg13 : memref<!tpu.dma_semaphore, #tpu.memory_space<semaphore_mem>>)
    %mul3A_100 = arith.constant 5000 : i32
    %mul3A_101 = arith.muli %arg1, %mul3A_100 : i32
    %add3A_102 = arith.constant 2750 : i32
    %add3A_103 = arith.addi %mul3A_101, %add3A_102 : i32
    %dma_start3A_104 = arith.constant 0 : i32
    %dma_start3A_105 = tpu.memref_slice %arg11[%add3A_103, %dma_start3A_104] : memref<80000x16xf32, #tpu.memory_space<vmem_shared>> -> memref<250x16xf32, #tpu.memory_space<vmem_shared>>
    %dma_start3A_106 = arith.constant 0 : i32
    %dma_start3A_107 = tpu.memref_slice %arg11[%add3A_103, %dma_start3A_106] : memref<80000x16xf32, #tpu.memory_space<vmem_shared>> -> memref<250x16xf32, #tpu.memory_space<vmem_shared>>
    tpu.enqueue_dma source(%arg10 : memref<250x16xf32, #tpu.memory_space<vmem>>) target(%dma_start3A_107 : memref<250x16xf32, #tpu.memory_space<vmem_shared>>) target_semaphore(%arg13 : memref<!tpu.dma_semaphore, #tpu.memory_space<semaphore_mem>>)
    %mul3A_108 = arith.constant 5000 : i32
    %mul3A_109 = arith.muli %arg1, %mul3A_108 : i32
    %add3A_110 = arith.constant 3000 : i32
    %add3A_111 = arith.addi %mul3A_109, %add3A_110 : i32
    %dma_start3A_112 = arith.constant 0 : i32
    %dma_start3A_113 = tpu.memref_slice %arg11[%add3A_111, %dma_start3A_112] : memref<80000x16xf32, #tpu.memory_space<vmem_shared>> -> memref<250x16xf32, #tpu.memory_space<vmem_shared>>
    %dma_start3A_114 = arith.constant 0 : i32
    %dma_start3A_115 = tpu.memref_slice %arg11[%add3A_111, %dma_start3A_114] : memref<80000x16xf32, #tpu.memory_space<vmem_shared>> -> memref<250x16xf32, #tpu.memory_space<vmem_shared>>
    tpu.enqueue_dma source(%arg10 : memref<250x16xf32, #tpu.memory_space<vmem>>) target(%dma_start3A_115 : memref<250x16xf32, #tpu.memory_space<vmem_shared>>) target_semaphore(%arg13 : memref<!tpu.dma_semaphore, #tpu.memory_space<semaphore_mem>>)
    %mul3A_116 = arith.constant 5000 : i32
    %mul3A_117 = arith.muli %arg1, %mul3A_116 : i32
    %add3A_118 = arith.constant 3250 : i32
    %add3A_119 = arith.addi %mul3A_117, %add3A_118 : i32
    %dma_start3A_120 = arith.constant 0 : i32
    %dma_start3A_121 = tpu.memref_slice %arg11[%add3A_119, %dma_start3A_120] : memref<80000x16xf32, #tpu.memory_space<vmem_shared>> -> memref<250x16xf32, #tpu.memory_space<vmem_shared>>
    %dma_start3A_122 = arith.constant 0 : i32
    %dma_start3A_123 = tpu.memref_slice %arg11[%add3A_119, %dma_start3A_122] : memref<80000x16xf32, #tpu.memory_space<vmem_shared>> -> memref<250x16xf32, #tpu.memory_space<vmem_shared>>
    tpu.enqueue_dma source(%arg10 : memref<250x16xf32, #tpu.memory_space<vmem>>) target(%dma_start3A_123 : memref<250x16xf32, #tpu.memory_space<vmem_shared>>) target_semaphore(%arg13 : memref<!tpu.dma_semaphore, #tpu.memory_space<semaphore_mem>>)
    %mul3A_124 = arith.constant 5000 : i32
    %mul3A_125 = arith.muli %arg1, %mul3A_124 : i32
    %add3A_126 = arith.constant 3500 : i32
    %add3A_127 = arith.addi %mul3A_125, %add3A_126 : i32
    %dma_start3A_128 = arith.constant 0 : i32
    %dma_start3A_129 = tpu.memref_slice %arg11[%add3A_127, %dma_start3A_128] : memref<80000x16xf32, #tpu.memory_space<vmem_shared>> -> memref<250x16xf32, #tpu.memory_space<vmem_shared>>
    %dma_start3A_130 = arith.constant 0 : i32
    %dma_start3A_131 = tpu.memref_slice %arg11[%add3A_127, %dma_start3A_130] : memref<80000x16xf32, #tpu.memory_space<vmem_shared>> -> memref<250x16xf32, #tpu.memory_space<vmem_shared>>
    tpu.enqueue_dma source(%arg10 : memref<250x16xf32, #tpu.memory_space<vmem>>) target(%dma_start3A_131 : memref<250x16xf32, #tpu.memory_space<vmem_shared>>) target_semaphore(%arg13 : memref<!tpu.dma_semaphore, #tpu.memory_space<semaphore_mem>>)
    %mul3A_132 = arith.constant 5000 : i32
    %mul3A_133 = arith.muli %arg1, %mul3A_132 : i32
    %add3A_134 = arith.constant 3750 : i32
    %add3A_135 = arith.addi %mul3A_133, %add3A_134 : i32
    %dma_start3A_136 = arith.constant 0 : i32
    %dma_start3A_137 = tpu.memref_slice %arg11[%add3A_135, %dma_start3A_136] : memref<80000x16xf32, #tpu.memory_space<vmem_shared>> -> memref<250x16xf32, #tpu.memory_space<vmem_shared>>
    %dma_start3A_138 = arith.constant 0 : i32
    %dma_start3A_139 = tpu.memref_slice %arg11[%add3A_135, %dma_start3A_138] : memref<80000x16xf32, #tpu.memory_space<vmem_shared>> -> memref<250x16xf32, #tpu.memory_space<vmem_shared>>
    tpu.enqueue_dma source(%arg10 : memref<250x16xf32, #tpu.memory_space<vmem>>) target(%dma_start3A_139 : memref<250x16xf32, #tpu.memory_space<vmem_shared>>) target_semaphore(%arg13 : memref<!tpu.dma_semaphore, #tpu.memory_space<semaphore_mem>>)
    %mul3A_140 = arith.constant 5000 : i32
    %mul3A_141 = arith.muli %arg1, %mul3A_140 : i32
    %add3A_142 = arith.constant 4000 : i32
    %add3A_143 = arith.addi %mul3A_141, %add3A_142 : i32
    %dma_start3A_144 = arith.constant 0 : i32
    %dma_start3A_145 = tpu.memref_slice %arg11[%add3A_143, %dma_start3A_144] : memref<80000x16xf32, #tpu.memory_space<vmem_shared>> -> memref<250x16xf32, #tpu.memory_space<vmem_shared>>
    %dma_start3A_146 = arith.constant 0 : i32
    %dma_start3A_147 = tpu.memref_slice %arg11[%add3A_143, %dma_start3A_146] : memref<80000x16xf32, #tpu.memory_space<vmem_shared>> -> memref<250x16xf32, #tpu.memory_space<vmem_shared>>
    tpu.enqueue_dma source(%arg10 : memref<250x16xf32, #tpu.memory_space<vmem>>) target(%dma_start3A_147 : memref<250x16xf32, #tpu.memory_space<vmem_shared>>) target_semaphore(%arg13 : memref<!tpu.dma_semaphore, #tpu.memory_space<semaphore_mem>>)
    %mul3A_148 = arith.constant 5000 : i32
    %mul3A_149 = arith.muli %arg1, %mul3A_148 : i32
    %add3A_150 = arith.constant 4250 : i32
    %add3A_151 = arith.addi %mul3A_149, %add3A_150 : i32
    %dma_start3A_152 = arith.constant 0 : i32
    %dma_start3A_153 = tpu.memref_slice %arg11[%add3A_151, %dma_start3A_152] : memref<80000x16xf32, #tpu.memory_space<vmem_shared>> -> memref<250x16xf32, #tpu.memory_space<vmem_shared>>
    %dma_start3A_154 = arith.constant 0 : i32
    %dma_start3A_155 = tpu.memref_slice %arg11[%add3A_151, %dma_start3A_154] : memref<80000x16xf32, #tpu.memory_space<vmem_shared>> -> memref<250x16xf32, #tpu.memory_space<vmem_shared>>
    tpu.enqueue_dma source(%arg10 : memref<250x16xf32, #tpu.memory_space<vmem>>) target(%dma_start3A_155 : memref<250x16xf32, #tpu.memory_space<vmem_shared>>) target_semaphore(%arg13 : memref<!tpu.dma_semaphore, #tpu.memory_space<semaphore_mem>>)
    %mul3A_156 = arith.constant 5000 : i32
    %mul3A_157 = arith.muli %arg1, %mul3A_156 : i32
    %add3A_158 = arith.constant 4500 : i32
    %add3A_159 = arith.addi %mul3A_157, %add3A_158 : i32
    %dma_start3A_160 = arith.constant 0 : i32
    %dma_start3A_161 = tpu.memref_slice %arg11[%add3A_159, %dma_start3A_160] : memref<80000x16xf32, #tpu.memory_space<vmem_shared>> -> memref<250x16xf32, #tpu.memory_space<vmem_shared>>
    %dma_start3A_162 = arith.constant 0 : i32
    %dma_start3A_163 = tpu.memref_slice %arg11[%add3A_159, %dma_start3A_162] : memref<80000x16xf32, #tpu.memory_space<vmem_shared>> -> memref<250x16xf32, #tpu.memory_space<vmem_shared>>
    tpu.enqueue_dma source(%arg10 : memref<250x16xf32, #tpu.memory_space<vmem>>) target(%dma_start3A_163 : memref<250x16xf32, #tpu.memory_space<vmem_shared>>) target_semaphore(%arg13 : memref<!tpu.dma_semaphore, #tpu.memory_space<semaphore_mem>>)
    %mul3A_164 = arith.constant 5000 : i32
    %mul3A_165 = arith.muli %arg1, %mul3A_164 : i32
    %add3A_166 = arith.constant 4750 : i32
    %add3A_167 = arith.addi %mul3A_165, %add3A_166 : i32
    %dma_start3A_168 = arith.constant 0 : i32
    %dma_start3A_169 = tpu.memref_slice %arg11[%add3A_167, %dma_start3A_168] : memref<80000x16xf32, #tpu.memory_space<vmem_shared>> -> memref<250x16xf32, #tpu.memory_space<vmem_shared>>
    %dma_start3A_170 = arith.constant 0 : i32
    %dma_start3A_171 = tpu.memref_slice %arg11[%add3A_167, %dma_start3A_170] : memref<80000x16xf32, #tpu.memory_space<vmem_shared>> -> memref<250x16xf32, #tpu.memory_space<vmem_shared>>
    tpu.enqueue_dma source(%arg10 : memref<250x16xf32, #tpu.memory_space<vmem>>) target(%dma_start3A_171 : memref<250x16xf32, #tpu.memory_space<vmem_shared>>) target_semaphore(%arg13 : memref<!tpu.dma_semaphore, #tpu.memory_space<semaphore_mem>>)
    %dma_wait3A = tpu.memref_slice %arg3[%multiple_of3A] : memref<320000xi32, #tpu.memory_space<hbm>> -> memref<10000xi32, #tpu.memory_space<hbm>>
    %dma_wait3A_172 = tpu.memref_slice %arg3[%multiple_of3A] : memref<320000xi32, #tpu.memory_space<hbm>> -> memref<10000xi32, #tpu.memory_space<hbm>>
    tpu.wait_dma2 semaphore(%arg12 : memref<!tpu.dma_semaphore, #tpu.memory_space<semaphore_mem>>) src(%dma_wait3A_172 : memref<10000xi32, #tpu.memory_space<hbm>>) dst(%arg6 : memref<10000xi32, #tpu.memory_space<vmem>>)
    %dma_wait3A_173 = tpu.memref_slice %arg4[%multiple_of3A] : memref<320000xi32, #tpu.memory_space<hbm>> -> memref<10000xi32, #tpu.memory_space<hbm>>
    %dma_wait3A_174 = tpu.memref_slice %arg4[%multiple_of3A] : memref<320000xi32, #tpu.memory_space<hbm>> -> memref<10000xi32, #tpu.memory_space<hbm>>
    tpu.wait_dma2 semaphore(%arg12 : memref<!tpu.dma_semaphore, #tpu.memory_space<semaphore_mem>>) src(%dma_wait3A_174 : memref<10000xi32, #tpu.memory_space<hbm>>) dst(%arg7 : memref<10000xi32, #tpu.memory_space<vmem>>)
    %dma_start3A_175 = arith.constant 0 : i32
    %dma_start3A_176 = arith.constant 0 : i32
    %dma_start3A_177 = tpu.memref_slice %arg8[%dma_start3A_175, %dma_start3A_176] : memref<840x16xf32, #tpu.memory_space<vmem>> -> memref<840x16xf32, #tpu.memory_space<vmem>>
    %dma_start3A_178 = arith.constant 0 : i32
    %dma_start3A_179 = tpu.memref_slice %arg6[%dma_start3A_178] : memref<10000xi32, #tpu.memory_space<vmem>> -> memref<840xi32, #tpu.memory_space<vmem>>
    %dma_start3A_180 = arith.constant 0 : i32
    %dma_start3A_181 = arith.constant 0 : i32
    %dma_start3A_182 = tpu.memref_slice %arg2[%dma_start3A_180, %dma_start3A_181] : memref<80000x16xf32, #tpu.memory_space<hbm>> -> memref<80000x16xf32, #tpu.memory_space<hbm>>
    tpu.enqueue_indirect_dma source(%dma_start3A_182 : memref<80000x16xf32, #tpu.memory_space<hbm>>) target(%dma_start3A_177 : memref<840x16xf32, #tpu.memory_space<vmem>>) offsets(%dma_start3A_179 : memref<840xi32, #tpu.memory_space<vmem>>) semaphore(%arg14 : memref<!tpu.dma_semaphore, #tpu.memory_space<semaphore_mem>>)
    %dma_wait3A_183 = arith.constant 0 : i32
    %dma_wait3A_184 = tpu.memref_slice %arg11[%add3A_15, %dma_wait3A_183] : memref<80000x16xf32, #tpu.memory_space<vmem_shared>> -> memref<250x16xf32, #tpu.memory_space<vmem_shared>>
    %dma_wait3A_185 = arith.constant 0 : i32
    %dma_wait3A_186 = tpu.memref_slice %arg11[%add3A_15, %dma_wait3A_185] : memref<80000x16xf32, #tpu.memory_space<vmem_shared>> -> memref<250x16xf32, #tpu.memory_space<vmem_shared>>
    tpu.wait_dma2 semaphore(%arg13 : memref<!tpu.dma_semaphore, #tpu.memory_space<semaphore_mem>>) src(%arg10 : memref<250x16xf32, #tpu.memory_space<vmem>>) dst(%dma_wait3A_186 : memref<250x16xf32, #tpu.memory_space<vmem_shared>>)
    %dma_wait3A_187 = arith.constant 0 : i32
    %dma_wait3A_188 = tpu.memref_slice %arg11[%add3A_23, %dma_wait3A_187] : memref<80000x16xf32, #tpu.memory_space<vmem_shared>> -> memref<250x16xf32, #tpu.memory_space<vmem_shared>>
    %dma_wait3A_189 = arith.constant 0 : i32
    %dma_wait3A_190 = tpu.memref_slice %arg11[%add3A_23, %dma_wait3A_189] : memref<80000x16xf32, #tpu.memory_space<vmem_shared>> -> memref<250x16xf32, #tpu.memory_space<vmem_shared>>
    tpu.wait_dma2 semaphore(%arg13 : memref<!tpu.dma_semaphore, #tpu.memory_space<semaphore_mem>>) src(%arg10 : memref<250x16xf32, #tpu.memory_space<vmem>>) dst(%dma_wait3A_190 : memref<250x16xf32, #tpu.memory_space<vmem_shared>>)
    %dma_wait3A_191 = arith.constant 0 : i32
    %dma_wait3A_192 = tpu.memref_slice %arg11[%add3A_31, %dma_wait3A_191] : memref<80000x16xf32, #tpu.memory_space<vmem_shared>> -> memref<250x16xf32, #tpu.memory_space<vmem_shared>>
    %dma_wait3A_193 = arith.constant 0 : i32
    %dma_wait3A_194 = tpu.memref_slice %arg11[%add3A_31, %dma_wait3A_193] : memref<80000x16xf32, #tpu.memory_space<vmem_shared>> -> memref<250x16xf32, #tpu.memory_space<vmem_shared>>
    tpu.wait_dma2 semaphore(%arg13 : memref<!tpu.dma_semaphore, #tpu.memory_space<semaphore_mem>>) src(%arg10 : memref<250x16xf32, #tpu.memory_space<vmem>>) dst(%dma_wait3A_194 : memref<250x16xf32, #tpu.memory_space<vmem_shared>>)
    %dma_wait3A_195 = arith.constant 0 : i32
    %dma_wait3A_196 = tpu.memref_slice %arg11[%add3A_39, %dma_wait3A_195] : memref<80000x16xf32, #tpu.memory_space<vmem_shared>> -> memref<250x16xf32, #tpu.memory_space<vmem_shared>>
    %dma_wait3A_197 = arith.constant 0 : i32
    %dma_wait3A_198 = tpu.memref_slice %arg11[%add3A_39, %dma_wait3A_197] : memref<80000x16xf32, #tpu.memory_space<vmem_shared>> -> memref<250x16xf32, #tpu.memory_space<vmem_shared>>
    tpu.wait_dma2 semaphore(%arg13 : memref<!tpu.dma_semaphore, #tpu.memory_space<semaphore_mem>>) src(%arg10 : memref<250x16xf32, #tpu.memory_space<vmem>>) dst(%dma_wait3A_198 : memref<250x16xf32, #tpu.memory_space<vmem_shared>>)
    %dma_wait3A_199 = arith.constant 0 : i32
    %dma_wait3A_200 = tpu.memref_slice %arg11[%add3A_47, %dma_wait3A_199] : memref<80000x16xf32, #tpu.memory_space<vmem_shared>> -> memref<250x16xf32, #tpu.memory_space<vmem_shared>>
    %dma_wait3A_201 = arith.constant 0 : i32
    %dma_wait3A_202 = tpu.memref_slice %arg11[%add3A_47, %dma_wait3A_201] : memref<80000x16xf32, #tpu.memory_space<vmem_shared>> -> memref<250x16xf32, #tpu.memory_space<vmem_shared>>
    tpu.wait_dma2 semaphore(%arg13 : memref<!tpu.dma_semaphore, #tpu.memory_space<semaphore_mem>>) src(%arg10 : memref<250x16xf32, #tpu.memory_space<vmem>>) dst(%dma_wait3A_202 : memref<250x16xf32, #tpu.memory_space<vmem_shared>>)
    %dma_wait3A_203 = arith.constant 0 : i32
    %dma_wait3A_204 = tpu.memref_slice %arg11[%add3A_55, %dma_wait3A_203] : memref<80000x16xf32, #tpu.memory_space<vmem_shared>> -> memref<250x16xf32, #tpu.memory_space<vmem_shared>>
    %dma_wait3A_205 = arith.constant 0 : i32
    %dma_wait3A_206 = tpu.memref_slice %arg11[%add3A_55, %dma_wait3A_205] : memref<80000x16xf32, #tpu.memory_space<vmem_shared>> -> memref<250x16xf32, #tpu.memory_space<vmem_shared>>
    tpu.wait_dma2 semaphore(%arg13 : memref<!tpu.dma_semaphore, #tpu.memory_space<semaphore_mem>>) src(%arg10 : memref<250x16xf32, #tpu.memory_space<vmem>>) dst(%dma_wait3A_206 : memref<250x16xf32, #tpu.memory_space<vmem_shared>>)
    %dma_wait3A_207 = arith.constant 0 : i32
    %dma_wait3A_208 = tpu.memref_slice %arg11[%add3A_63, %dma_wait3A_207] : memref<80000x16xf32, #tpu.memory_space<vmem_shared>> -> memref<250x16xf32, #tpu.memory_space<vmem_shared>>
    %dma_wait3A_209 = arith.constant 0 : i32
    %dma_wait3A_210 = tpu.memref_slice %arg11[%add3A_63, %dma_wait3A_209] : memref<80000x16xf32, #tpu.memory_space<vmem_shared>> -> memref<250x16xf32, #tpu.memory_space<vmem_shared>>
    tpu.wait_dma2 semaphore(%arg13 : memref<!tpu.dma_semaphore, #tpu.memory_space<semaphore_mem>>) src(%arg10 : memref<250x16xf32, #tpu.memory_space<vmem>>) dst(%dma_wait3A_210 : memref<250x16xf32, #tpu.memory_space<vmem_shared>>)
    %dma_wait3A_211 = arith.constant 0 : i32
    %dma_wait3A_212 = tpu.memref_slice %arg11[%add3A_71, %dma_wait3A_211] : memref<80000x16xf32, #tpu.memory_space<vmem_shared>> -> memref<250x16xf32, #tpu.memory_space<vmem_shared>>
    %dma_wait3A_213 = arith.constant 0 : i32
    %dma_wait3A_214 = tpu.memref_slice %arg11[%add3A_71, %dma_wait3A_213] : memref<80000x16xf32, #tpu.memory_space<vmem_shared>> -> memref<250x16xf32, #tpu.memory_space<vmem_shared>>
    tpu.wait_dma2 semaphore(%arg13 : memref<!tpu.dma_semaphore, #tpu.memory_space<semaphore_mem>>) src(%arg10 : memref<250x16xf32, #tpu.memory_space<vmem>>) dst(%dma_wait3A_214 : memref<250x16xf32, #tpu.memory_space<vmem_shared>>)
    %dma_wait3A_215 = arith.constant 0 : i32
    %dma_wait3A_216 = tpu.memref_slice %arg11[%add3A_79, %dma_wait3A_215] : memref<80000x16xf32, #tpu.memory_space<vmem_shared>> -> memref<250x16xf32, #tpu.memory_space<vmem_shared>>
    %dma_wait3A_217 = arith.constant 0 : i32
    %dma_wait3A_218 = tpu.memref_slice %arg11[%add3A_79, %dma_wait3A_217] : memref<80000x16xf32, #tpu.memory_space<vmem_shared>> -> memref<250x16xf32, #tpu.memory_space<vmem_shared>>
    tpu.wait_dma2 semaphore(%arg13 : memref<!tpu.dma_semaphore, #tpu.memory_space<semaphore_mem>>) src(%arg10 : memref<250x16xf32, #tpu.memory_space<vmem>>) dst(%dma_wait3A_218 : memref<250x16xf32, #tpu.memory_space<vmem_shared>>)
    %dma_wait3A_219 = arith.constant 0 : i32
    %dma_wait3A_220 = tpu.memref_slice %arg11[%add3A_87, %dma_wait3A_219] : memref<80000x16xf32, #tpu.memory_space<vmem_shared>> -> memref<250x16xf32, #tpu.memory_space<vmem_shared>>
    %dma_wait3A_221 = arith.constant 0 : i32
    %dma_wait3A_222 = tpu.memref_slice %arg11[%add3A_87, %dma_wait3A_221] : memref<80000x16xf32, #tpu.memory_space<vmem_shared>> -> memref<250x16xf32, #tpu.memory_space<vmem_shared>>
    tpu.wait_dma2 semaphore(%arg13 : memref<!tpu.dma_semaphore, #tpu.memory_space<semaphore_mem>>) src(%arg10 : memref<250x16xf32, #tpu.memory_space<vmem>>) dst(%dma_wait3A_222 : memref<250x16xf32, #tpu.memory_space<vmem_shared>>)
    %dma_wait3A_223 = arith.constant 0 : i32
    %dma_wait3A_224 = tpu.memref_slice %arg11[%add3A_95, %dma_wait3A_223] : memref<80000x16xf32, #tpu.memory_space<vmem_shared>> -> memref<250x16xf32, #tpu.memory_space<vmem_shared>>
    %dma_wait3A_225 = arith.constant 0 : i32
    %dma_wait3A_226 = tpu.memref_slice %arg11[%add3A_95, %dma_wait3A_225] : memref<80000x16xf32, #tpu.memory_space<vmem_shared>> -> memref<250x16xf32, #tpu.memory_space<vmem_shared>>
    tpu.wait_dma2 semaphore(%arg13 : memref<!tpu.dma_semaphore, #tpu.memory_space<semaphore_mem>>) src(%arg10 : memref<250x16xf32, #tpu.memory_space<vmem>>) dst(%dma_wait3A_226 : memref<250x16xf32, #tpu.memory_space<vmem_shared>>)
    %dma_wait3A_227 = arith.constant 0 : i32
    %dma_wait3A_228 = tpu.memref_slice %arg11[%add3A_103, %dma_wait3A_227] : memref<80000x16xf32, #tpu.memory_space<vmem_shared>> -> memref<250x16xf32, #tpu.memory_space<vmem_shared>>
    %dma_wait3A_229 = arith.constant 0 : i32
    %dma_wait3A_230 = tpu.memref_slice %arg11[%add3A_103, %dma_wait3A_229] : memref<80000x16xf32, #tpu.memory_space<vmem_shared>> -> memref<250x16xf32, #tpu.memory_space<vmem_shared>>
    tpu.wait_dma2 semaphore(%arg13 : memref<!tpu.dma_semaphore, #tpu.memory_space<semaphore_mem>>) src(%arg10 : memref<250x16xf32, #tpu.memory_space<vmem>>) dst(%dma_wait3A_230 : memref<250x16xf32, #tpu.memory_space<vmem_shared>>)
    %dma_wait3A_231 = arith.constant 0 : i32
    %dma_wait3A_232 = tpu.memref_slice %arg11[%add3A_111, %dma_wait3A_231] : memref<80000x16xf32, #tpu.memory_space<vmem_shared>> -> memref<250x16xf32, #tpu.memory_space<vmem_shared>>
    %dma_wait3A_233 = arith.constant 0 : i32
    %dma_wait3A_234 = tpu.memref_slice %arg11[%add3A_111, %dma_wait3A_233] : memref<80000x16xf32, #tpu.memory_space<vmem_shared>> -> memref<250x16xf32, #tpu.memory_space<vmem_shared>>
    tpu.wait_dma2 semaphore(%arg13 : memref<!tpu.dma_semaphore, #tpu.memory_space<semaphore_mem>>) src(%arg10 : memref<250x16xf32, #tpu.memory_space<vmem>>) dst(%dma_wait3A_234 : memref<250x16xf32, #tpu.memory_space<vmem_shared>>)
    %dma_wait3A_235 = arith.constant 0 : i32
    %dma_wait3A_236 = tpu.memref_slice %arg11[%add3A_119, %dma_wait3A_235] : memref<80000x16xf32, #tpu.memory_space<vmem_shared>> -> memref<250x16xf32, #tpu.memory_space<vmem_shared>>
    %dma_wait3A_237 = arith.constant 0 : i32
    %dma_wait3A_238 = tpu.memref_slice %arg11[%add3A_119, %dma_wait3A_237] : memref<80000x16xf32, #tpu.memory_space<vmem_shared>> -> memref<250x16xf32, #tpu.memory_space<vmem_shared>>
    tpu.wait_dma2 semaphore(%arg13 : memref<!tpu.dma_semaphore, #tpu.memory_space<semaphore_mem>>) src(%arg10 : memref<250x16xf32, #tpu.memory_space<vmem>>) dst(%dma_wait3A_238 : memref<250x16xf32, #tpu.memory_space<vmem_shared>>)
    %dma_wait3A_239 = arith.constant 0 : i32
    %dma_wait3A_240 = tpu.memref_slice %arg11[%add3A_127, %dma_wait3A_239] : memref<80000x16xf32, #tpu.memory_space<vmem_shared>> -> memref<250x16xf32, #tpu.memory_space<vmem_shared>>
    %dma_wait3A_241 = arith.constant 0 : i32
    %dma_wait3A_242 = tpu.memref_slice %arg11[%add3A_127, %dma_wait3A_241] : memref<80000x16xf32, #tpu.memory_space<vmem_shared>> -> memref<250x16xf32, #tpu.memory_space<vmem_shared>>
    tpu.wait_dma2 semaphore(%arg13 : memref<!tpu.dma_semaphore, #tpu.memory_space<semaphore_mem>>) src(%arg10 : memref<250x16xf32, #tpu.memory_space<vmem>>) dst(%dma_wait3A_242 : memref<250x16xf32, #tpu.memory_space<vmem_shared>>)
    %dma_wait3A_243 = arith.constant 0 : i32
    %dma_wait3A_244 = tpu.memref_slice %arg11[%add3A_135, %dma_wait3A_243] : memref<80000x16xf32, #tpu.memory_space<vmem_shared>> -> memref<250x16xf32, #tpu.memory_space<vmem_shared>>
    %dma_wait3A_245 = arith.constant 0 : i32
    %dma_wait3A_246 = tpu.memref_slice %arg11[%add3A_135, %dma_wait3A_245] : memref<80000x16xf32, #tpu.memory_space<vmem_shared>> -> memref<250x16xf32, #tpu.memory_space<vmem_shared>>
    tpu.wait_dma2 semaphore(%arg13 : memref<!tpu.dma_semaphore, #tpu.memory_space<semaphore_mem>>) src(%arg10 : memref<250x16xf32, #tpu.memory_space<vmem>>) dst(%dma_wait3A_246 : memref<250x16xf32, #tpu.memory_space<vmem_shared>>)
    %dma_wait3A_247 = arith.constant 0 : i32
    %dma_wait3A_248 = tpu.memref_slice %arg11[%add3A_143, %dma_wait3A_247] : memref<80000x16xf32, #tpu.memory_space<vmem_shared>> -> memref<250x16xf32, #tpu.memory_space<vmem_shared>>
    %dma_wait3A_249 = arith.constant 0 : i32
    %dma_wait3A_250 = tpu.memref_slice %arg11[%add3A_143, %dma_wait3A_249] : memref<80000x16xf32, #tpu.memory_space<vmem_shared>> -> memref<250x16xf32, #tpu.memory_space<vmem_shared>>
    tpu.wait_dma2 semaphore(%arg13 : memref<!tpu.dma_semaphore, #tpu.memory_space<semaphore_mem>>) src(%arg10 : memref<250x16xf32, #tpu.memory_space<vmem>>) dst(%dma_wait3A_250 : memref<250x16xf32, #tpu.memory_space<vmem_shared>>)
    %dma_wait3A_251 = arith.constant 0 : i32
    %dma_wait3A_252 = tpu.memref_slice %arg11[%add3A_151, %dma_wait3A_251] : memref<80000x16xf32, #tpu.memory_space<vmem_shared>> -> memref<250x16xf32, #tpu.memory_space<vmem_shared>>
    %dma_wait3A_253 = arith.constant 0 : i32
    %dma_wait3A_254 = tpu.memref_slice %arg11[%add3A_151, %dma_wait3A_253] : memref<80000x16xf32, #tpu.memory_space<vmem_shared>> -> memref<250x16xf32, #tpu.memory_space<vmem_shared>>
    tpu.wait_dma2 semaphore(%arg13 : memref<!tpu.dma_semaphore, #tpu.memory_space<semaphore_mem>>) src(%arg10 : memref<250x16xf32, #tpu.memory_space<vmem>>) dst(%dma_wait3A_254 : memref<250x16xf32, #tpu.memory_space<vmem_shared>>)
    %dma_wait3A_255 = arith.constant 0 : i32
    %dma_wait3A_256 = tpu.memref_slice %arg11[%add3A_159, %dma_wait3A_255] : memref<80000x16xf32, #tpu.memory_space<vmem_shared>> -> memref<250x16xf32, #tpu.memory_space<vmem_shared>>
    %dma_wait3A_257 = arith.constant 0 : i32
    %dma_wait3A_258 = tpu.memref_slice %arg11[%add3A_159, %dma_wait3A_257] : memref<80000x16xf32, #tpu.memory_space<vmem_shared>> -> memref<250x16xf32, #tpu.memory_space<vmem_shared>>
    tpu.wait_dma2 semaphore(%arg13 : memref<!tpu.dma_semaphore, #tpu.memory_space<semaphore_mem>>) src(%arg10 : memref<250x16xf32, #tpu.memory_space<vmem>>) dst(%dma_wait3A_258 : memref<250x16xf32, #tpu.memory_space<vmem_shared>>)
    %dma_wait3A_259 = arith.constant 0 : i32
    %dma_wait3A_260 = tpu.memref_slice %arg11[%add3A_167, %dma_wait3A_259] : memref<80000x16xf32, #tpu.memory_space<vmem_shared>> -> memref<250x16xf32, #tpu.memory_space<vmem_shared>>
    %dma_wait3A_261 = arith.constant 0 : i32
    %dma_wait3A_262 = tpu.memref_slice %arg11[%add3A_167, %dma_wait3A_261] : memref<80000x16xf32, #tpu.memory_space<vmem_shared>> -> memref<250x16xf32, #tpu.memory_space<vmem_shared>>
    tpu.wait_dma2 semaphore(%arg13 : memref<!tpu.dma_semaphore, #tpu.memory_space<semaphore_mem>>) src(%arg10 : memref<250x16xf32, #tpu.memory_space<vmem>>) dst(%dma_wait3A_262 : memref<250x16xf32, #tpu.memory_space<vmem_shared>>)
    %barrier3A = arith.constant 0 : index
    tpu.barrier barrier_id(%barrier3A)
    %dma_start3A_263 = arith.constant 0 : i32
    %dma_start3A_264 = arith.constant 0 : i32
    %dma_start3A_265 = tpu.memref_slice %arg9[%dma_start3A_263, %dma_start3A_264] : memref<840x16xf32, #tpu.memory_space<vmem>> -> memref<840x16xf32, #tpu.memory_space<vmem>>
    %dma_start3A_266 = arith.constant 840 : i32
    %dma_start3A_267 = tpu.memref_slice %arg6[%dma_start3A_266] : memref<10000xi32, #tpu.memory_space<vmem>> -> memref<840xi32, #tpu.memory_space<vmem>>
    %dma_start3A_268 = arith.constant 0 : i32
    %dma_start3A_269 = arith.constant 0 : i32
    %dma_start3A_270 = tpu.memref_slice %arg2[%dma_start3A_268, %dma_start3A_269] : memref<80000x16xf32, #tpu.memory_space<hbm>> -> memref<80000x16xf32, #tpu.memory_space<hbm>>
    tpu.enqueue_indirect_dma source(%dma_start3A_270 : memref<80000x16xf32, #tpu.memory_space<hbm>>) target(%dma_start3A_265 : memref<840x16xf32, #tpu.memory_space<vmem>>) offsets(%dma_start3A_267 : memref<840xi32, #tpu.memory_space<vmem>>) semaphore(%arg15 : memref<!tpu.dma_semaphore, #tpu.memory_space<semaphore_mem>>)
    %dma_wait3A_271 = arith.constant 0 : i32
    %dma_wait3A_272 = arith.constant 0 : i32
    %dma_wait3A_273 = tpu.memref_slice %arg8[%dma_wait3A_271, %dma_wait3A_272] : memref<840x16xf32, #tpu.memory_space<vmem>> -> memref<840x16xf32, #tpu.memory_space<vmem>>
    %dma_wait3A_274 = arith.constant 0 : i32
    %dma_wait3A_275 = tpu.memref_slice %arg6[%dma_wait3A_274] : memref<10000xi32, #tpu.memory_space<vmem>> -> memref<840xi32, #tpu.memory_space<vmem>>
    %dma_wait3A_276 = arith.constant 0 : i32
    %dma_wait3A_277 = arith.constant 0 : i32
    %dma_wait3A_278 = tpu.memref_slice %arg2[%dma_wait3A_276, %dma_wait3A_277] : memref<80000x16xf32, #tpu.memory_space<hbm>> -> memref<80000x16xf32, #tpu.memory_space<hbm>>
    tpu.wait_indirect_dma semaphore(%arg14 : memref<!tpu.dma_semaphore, #tpu.memory_space<semaphore_mem>>) src(%dma_wait3A_278 : memref<80000x16xf32, #tpu.memory_space<hbm>>) dst(%dma_wait3A_273 : memref<840x16xf32, #tpu.memory_space<vmem>>)
    %dma_start3A_279 = arith.constant 0 : i32
    %dma_start3A_280 = arith.constant 0 : i32
    %dma_start3A_281 = tpu.memref_slice %arg8[%dma_start3A_279, %dma_start3A_280] : memref<840x16xf32, #tpu.memory_space<vmem>> -> memref<840x16xf32, #tpu.memory_space<vmem>>
    %dma_start3A_282 = arith.constant 0 : i32
    %dma_start3A_283 = tpu.memref_slice %arg7[%dma_start3A_282] : memref<10000xi32, #tpu.memory_space<vmem>> -> memref<840xi32, #tpu.memory_space<vmem>>
    %dma_start3A_284 = arith.constant 0 : i32
    %dma_start3A_285 = arith.constant 0 : i32
    %dma_start3A_286 = tpu.memref_slice %arg11[%dma_start3A_284, %dma_start3A_285] : memref<80000x16xf32, #tpu.memory_space<vmem_shared>> -> memref<80000x16xf32, #tpu.memory_space<vmem_shared>>
    tpu.enqueue_indirect_dma source(%dma_start3A_281 : memref<840x16xf32, #tpu.memory_space<vmem>>) target(%dma_start3A_286 : memref<80000x16xf32, #tpu.memory_space<vmem_shared>>) offsets(%dma_start3A_283 : memref<840xi32, #tpu.memory_space<vmem>>) semaphore(%arg16 : memref<!tpu.dma_semaphore, #tpu.memory_space<semaphore_mem>>) {add = true}
    %dma_wait3A_287 = arith.constant 0 : i32
    %dma_wait3A_288 = arith.constant 0 : i32
    %dma_wait3A_289 = tpu.memref_slice %arg8[%dma_wait3A_287, %dma_wait3A_288] : memref<840x16xf32, #tpu.memory_space<vmem>> -> memref<840x16xf32, #tpu.memory_space<vmem>>
    %dma_wait3A_290 = arith.constant 0 : i32
    %dma_wait3A_291 = tpu.memref_slice %arg7[%dma_wait3A_290] : memref<10000xi32, #tpu.memory_space<vmem>> -> memref<840xi32, #tpu.memory_space<vmem>>
    %dma_wait3A_292 = arith.constant 0 : i32
    %dma_wait3A_293 = arith.constant 0 : i32
    %dma_wait3A_294 = tpu.memref_slice %arg11[%dma_wait3A_292, %dma_wait3A_293] : memref<80000x16xf32, #tpu.memory_space<vmem_shared>> -> memref<80000x16xf32, #tpu.memory_space<vmem_shared>>
    tpu.wait_indirect_dma semaphore(%arg16 : memref<!tpu.dma_semaphore, #tpu.memory_space<semaphore_mem>>) src(%dma_wait3A_289 : memref<840x16xf32, #tpu.memory_space<vmem>>) dst(%dma_wait3A_294 : memref<80000x16xf32, #tpu.memory_space<vmem_shared>>)
    %dma_start3A_295 = arith.constant 0 : i32
    %dma_start3A_296 = arith.constant 0 : i32
    %dma_start3A_297 = tpu.memref_slice %arg8[%dma_start3A_295, %dma_start3A_296] : memref<840x16xf32, #tpu.memory_space<vmem>> -> memref<840x16xf32, #tpu.memory_space<vmem>>
    %dma_start3A_298 = arith.constant 1680 : i32
    %dma_start3A_299 = tpu.memref_slice %arg6[%dma_start3A_298] : memref<10000xi32, #tpu.memory_space<vmem>> -> memref<840xi32, #tpu.memory_space<vmem>>
    %dma_start3A_300 = arith.constant 0 : i32
    %dma_start3A_301 = arith.constant 0 : i32
    %dma_start3A_302 = tpu.memref_slice %arg2[%dma_start3A_300, %dma_start3A_301] : memref<80000x16xf32, #tpu.memory_space<hbm>> -> memref<80000x16xf32, #tpu.memory_space<hbm>>
    tpu.enqueue_indirect_dma source(%dma_start3A_302 : memref<80000x16xf32, #tpu.memory_space<hbm>>) target(%dma_start3A_297 : memref<840x16xf32, #tpu.memory_space<vmem>>) offsets(%dma_start3A_299 : memref<840xi32, #tpu.memory_space<vmem>>) semaphore(%arg14 : memref<!tpu.dma_semaphore, #tpu.memory_space<semaphore_mem>>)
    %dma_wait3A_303 = arith.constant 0 : i32
    %dma_wait3A_304 = arith.constant 0 : i32
    %dma_wait3A_305 = tpu.memref_slice %arg9[%dma_wait3A_303, %dma_wait3A_304] : memref<840x16xf32, #tpu.memory_space<vmem>> -> memref<840x16xf32, #tpu.memory_space<vmem>>
    %dma_wait3A_306 = arith.constant 840 : i32
    %dma_wait3A_307 = tpu.memref_slice %arg6[%dma_wait3A_306] : memref<10000xi32, #tpu.memory_space<vmem>> -> memref<840xi32, #tpu.memory_space<vmem>>
    %dma_wait3A_308 = arith.constant 0 : i32
    %dma_wait3A_309 = arith.constant 0 : i32
    %dma_wait3A_310 = tpu.memref_slice %arg2[%dma_wait3A_308, %dma_wait3A_309] : memref<80000x16xf32, #tpu.memory_space<hbm>> -> memref<80000x16xf32, #tpu.memory_space<hbm>>
    tpu.wait_indirect_dma semaphore(%arg15 : memref<!tpu.dma_semaphore, #tpu.memory_space<semaphore_mem>>) src(%dma_wait3A_310 : memref<80000x16xf32, #tpu.memory_space<hbm>>) dst(%dma_wait3A_305 : memref<840x16xf32, #tpu.memory_space<vmem>>)
    %dma_start3A_311 = arith.constant 0 : i32
    %dma_start3A_312 = arith.constant 0 : i32
    %dma_start3A_313 = tpu.memref_slice %arg9[%dma_start3A_311, %dma_start3A_312] : memref<840x16xf32, #tpu.memory_space<vmem>> -> memref<840x16xf32, #tpu.memory_space<vmem>>
    %dma_start3A_314 = arith.constant 840 : i32
    %dma_start3A_315 = tpu.memref_slice %arg7[%dma_start3A_314] : memref<10000xi32, #tpu.memory_space<vmem>> -> memref<840xi32, #tpu.memory_space<vmem>>
    %dma_start3A_316 = arith.constant 0 : i32
    %dma_start3A_317 = arith.constant 0 : i32
    %dma_start3A_318 = tpu.memref_slice %arg11[%dma_start3A_316, %dma_start3A_317] : memref<80000x16xf32, #tpu.memory_space<vmem_shared>> -> memref<80000x16xf32, #tpu.memory_space<vmem_shared>>
    tpu.enqueue_indirect_dma source(%dma_start3A_313 : memref<840x16xf32, #tpu.memory_space<vmem>>) target(%dma_start3A_318 : memref<80000x16xf32, #tpu.memory_space<vmem_shared>>) offsets(%dma_start3A_315 : memref<840xi32, #tpu.memory_space<vmem>>) semaphore(%arg17 : memref<!tpu.dma_semaphore, #tpu.memory_space<semaphore_mem>>) {add = true}
    %dma_wait3A_319 = arith.constant 0 : i32
    %dma_wait3A_320 = arith.constant 0 : i32
    %dma_wait3A_321 = tpu.memref_slice %arg9[%dma_wait3A_319, %dma_wait3A_320] : memref<840x16xf32, #tpu.memory_space<vmem>> -> memref<840x16xf32, #tpu.memory_space<vmem>>
    %dma_wait3A_322 = arith.constant 840 : i32
    %dma_wait3A_323 = tpu.memref_slice %arg7[%dma_wait3A_322] : memref<10000xi32, #tpu.memory_space<vmem>> -> memref<840xi32, #tpu.memory_space<vmem>>
    %dma_wait3A_324 = arith.constant 0 : i32
    %dma_wait3A_325 = arith.constant 0 : i32
    %dma_wait3A_326 = tpu.memref_slice %arg11[%dma_wait3A_324, %dma_wait3A_325] : memref<80000x16xf32, #tpu.memory_space<vmem_shared>> -> memref<80000x16xf32, #tpu.memory_space<vmem_shared>>
    tpu.wait_indirect_dma semaphore(%arg17 : memref<!tpu.dma_semaphore, #tpu.memory_space<semaphore_mem>>) src(%dma_wait3A_321 : memref<840x16xf32, #tpu.memory_space<vmem>>) dst(%dma_wait3A_326 : memref<80000x16xf32, #tpu.memory_space<vmem_shared>>)
    %dma_start3A_327 = arith.constant 0 : i32
    %dma_start3A_328 = arith.constant 0 : i32
    %dma_start3A_329 = tpu.memref_slice %arg9[%dma_start3A_327, %dma_start3A_328] : memref<840x16xf32, #tpu.memory_space<vmem>> -> memref<840x16xf32, #tpu.memory_space<vmem>>
    %dma_start3A_330 = arith.constant 2520 : i32
    %dma_start3A_331 = tpu.memref_slice %arg6[%dma_start3A_330] : memref<10000xi32, #tpu.memory_space<vmem>> -> memref<840xi32, #tpu.memory_space<vmem>>
    %dma_start3A_332 = arith.constant 0 : i32
    %dma_start3A_333 = arith.constant 0 : i32
    %dma_start3A_334 = tpu.memref_slice %arg2[%dma_start3A_332, %dma_start3A_333] : memref<80000x16xf32, #tpu.memory_space<hbm>> -> memref<80000x16xf32, #tpu.memory_space<hbm>>
    tpu.enqueue_indirect_dma source(%dma_start3A_334 : memref<80000x16xf32, #tpu.memory_space<hbm>>) target(%dma_start3A_329 : memref<840x16xf32, #tpu.memory_space<vmem>>) offsets(%dma_start3A_331 : memref<840xi32, #tpu.memory_space<vmem>>) semaphore(%arg15 : memref<!tpu.dma_semaphore, #tpu.memory_space<semaphore_mem>>)
    %dma_wait3A_335 = arith.constant 0 : i32
    %dma_wait3A_336 = arith.constant 0 : i32
    %dma_wait3A_337 = tpu.memref_slice %arg8[%dma_wait3A_335, %dma_wait3A_336] : memref<840x16xf32, #tpu.memory_space<vmem>> -> memref<840x16xf32, #tpu.memory_space<vmem>>
    %dma_wait3A_338 = arith.constant 1680 : i32
    %dma_wait3A_339 = tpu.memref_slice %arg6[%dma_wait3A_338] : memref<10000xi32, #tpu.memory_space<vmem>> -> memref<840xi32, #tpu.memory_space<vmem>>
    %dma_wait3A_340 = arith.constant 0 : i32
    %dma_wait3A_341 = arith.constant 0 : i32
    %dma_wait3A_342 = tpu.memref_slice %arg2[%dma_wait3A_340, %dma_wait3A_341] : memref<80000x16xf32, #tpu.memory_space<hbm>> -> memref<80000x16xf32, #tpu.memory_space<hbm>>
    tpu.wait_indirect_dma semaphore(%arg14 : memref<!tpu.dma_semaphore, #tpu.memory_space<semaphore_mem>>) src(%dma_wait3A_342 : memref<80000x16xf32, #tpu.memory_space<hbm>>) dst(%dma_wait3A_337 : memref<840x16xf32, #tpu.memory_space<vmem>>)
    %dma_start3A_343 = arith.constant 0 : i32
    %dma_start3A_344 = arith.constant 0 : i32
    %dma_start3A_345 = tpu.memref_slice %arg8[%dma_start3A_343, %dma_start3A_344] : memref<840x16xf32, #tpu.memory_space<vmem>> -> memref<840x16xf32, #tpu.memory_space<vmem>>
    %dma_start3A_346 = arith.constant 1680 : i32
    %dma_start3A_347 = tpu.memref_slice %arg7[%dma_start3A_346] : memref<10000xi32, #tpu.memory_space<vmem>> -> memref<840xi32, #tpu.memory_space<vmem>>
    %dma_start3A_348 = arith.constant 0 : i32
    %dma_start3A_349 = arith.constant 0 : i32
    %dma_start3A_350 = tpu.memref_slice %arg11[%dma_start3A_348, %dma_start3A_349] : memref<80000x16xf32, #tpu.memory_space<vmem_shared>> -> memref<80000x16xf32, #tpu.memory_space<vmem_shared>>
    tpu.enqueue_indirect_dma source(%dma_start3A_345 : memref<840x16xf32, #tpu.memory_space<vmem>>) target(%dma_start3A_350 : memref<80000x16xf32, #tpu.memory_space<vmem_shared>>) offsets(%dma_start3A_347 : memref<840xi32, #tpu.memory_space<vmem>>) semaphore(%arg16 : memref<!tpu.dma_semaphore, #tpu.memory_space<semaphore_mem>>) {add = true}
    %dma_wait3A_351 = arith.constant 0 : i32
    %dma_wait3A_352 = arith.constant 0 : i32
    %dma_wait3A_353 = tpu.memref_slice %arg8[%dma_wait3A_351, %dma_wait3A_352] : memref<840x16xf32, #tpu.memory_space<vmem>> -> memref<840x16xf32, #tpu.memory_space<vmem>>
    %dma_wait3A_354 = arith.constant 1680 : i32
    %dma_wait3A_355 = tpu.memref_slice %arg7[%dma_wait3A_354] : memref<10000xi32, #tpu.memory_space<vmem>> -> memref<840xi32, #tpu.memory_space<vmem>>
    %dma_wait3A_356 = arith.constant 0 : i32
    %dma_wait3A_357 = arith.constant 0 : i32
    %dma_wait3A_358 = tpu.memref_slice %arg11[%dma_wait3A_356, %dma_wait3A_357] : memref<80000x16xf32, #tpu.memory_space<vmem_shared>> -> memref<80000x16xf32, #tpu.memory_space<vmem_shared>>
    tpu.wait_indirect_dma semaphore(%arg16 : memref<!tpu.dma_semaphore, #tpu.memory_space<semaphore_mem>>) src(%dma_wait3A_353 : memref<840x16xf32, #tpu.memory_space<vmem>>) dst(%dma_wait3A_358 : memref<80000x16xf32, #tpu.memory_space<vmem_shared>>)
    %dma_start3A_359 = arith.constant 0 : i32
    %dma_start3A_360 = arith.constant 0 : i32
    %dma_start3A_361 = tpu.memref_slice %arg8[%dma_start3A_359, %dma_start3A_360] : memref<840x16xf32, #tpu.memory_space<vmem>> -> memref<840x16xf32, #tpu.memory_space<vmem>>
    %dma_start3A_362 = arith.constant 3360 : i32
    %dma_start3A_363 = tpu.memref_slice %arg6[%dma_start3A_362] : memref<10000xi32, #tpu.memory_space<vmem>> -> memref<840xi32, #tpu.memory_space<vmem>>
    %dma_start3A_364 = arith.constant 0 : i32
    %dma_start3A_365 = arith.constant 0 : i32
    %dma_start3A_366 = tpu.memref_slice %arg2[%dma_start3A_364, %dma_start3A_365] : memref<80000x16xf32, #tpu.memory_space<hbm>> -> memref<80000x16xf32, #tpu.memory_space<hbm>>
    tpu.enqueue_indirect_dma source(%dma_start3A_366 : memref<80000x16xf32, #tpu.memory_space<hbm>>) target(%dma_start3A_361 : memref<840x16xf32, #tpu.memory_space<vmem>>) offsets(%dma_start3A_363 : memref<840xi32, #tpu.memory_space<vmem>>) semaphore(%arg14 : memref<!tpu.dma_semaphore, #tpu.memory_space<semaphore_mem>>)
    %dma_wait3A_367 = arith.constant 0 : i32
    %dma_wait3A_368 = arith.constant 0 : i32
    %dma_wait3A_369 = tpu.memref_slice %arg9[%dma_wait3A_367, %dma_wait3A_368] : memref<840x16xf32, #tpu.memory_space<vmem>> -> memref<840x16xf32, #tpu.memory_space<vmem>>
    %dma_wait3A_370 = arith.constant 2520 : i32
    %dma_wait3A_371 = tpu.memref_slice %arg6[%dma_wait3A_370] : memref<10000xi32, #tpu.memory_space<vmem>> -> memref<840xi32, #tpu.memory_space<vmem>>
    %dma_wait3A_372 = arith.constant 0 : i32
    %dma_wait3A_373 = arith.constant 0 : i32
    %dma_wait3A_374 = tpu.memref_slice %arg2[%dma_wait3A_372, %dma_wait3A_373] : memref<80000x16xf32, #tpu.memory_space<hbm>> -> memref<80000x16xf32, #tpu.memory_space<hbm>>
    tpu.wait_indirect_dma semaphore(%arg15 : memref<!tpu.dma_semaphore, #tpu.memory_space<semaphore_mem>>) src(%dma_wait3A_374 : memref<80000x16xf32, #tpu.memory_space<hbm>>) dst(%dma_wait3A_369 : memref<840x16xf32, #tpu.memory_space<vmem>>)
    %dma_start3A_375 = arith.constant 0 : i32
    %dma_start3A_376 = arith.constant 0 : i32
    %dma_start3A_377 = tpu.memref_slice %arg9[%dma_start3A_375, %dma_start3A_376] : memref<840x16xf32, #tpu.memory_space<vmem>> -> memref<840x16xf32, #tpu.memory_space<vmem>>
    %dma_start3A_378 = arith.constant 2520 : i32
    %dma_start3A_379 = tpu.memref_slice %arg7[%dma_start3A_378] : memref<10000xi32, #tpu.memory_space<vmem>> -> memref<840xi32, #tpu.memory_space<vmem>>
    %dma_start3A_380 = arith.constant 0 : i32
    %dma_start3A_381 = arith.constant 0 : i32
    %dma_start3A_382 = tpu.memref_slice %arg11[%dma_start3A_380, %dma_start3A_381] : memref<80000x16xf32, #tpu.memory_space<vmem_shared>> -> memref<80000x16xf32, #tpu.memory_space<vmem_shared>>
    tpu.enqueue_indirect_dma source(%dma_start3A_377 : memref<840x16xf32, #tpu.memory_space<vmem>>) target(%dma_start3A_382 : memref<80000x16xf32, #tpu.memory_space<vmem_shared>>) offsets(%dma_start3A_379 : memref<840xi32, #tpu.memory_space<vmem>>) semaphore(%arg17 : memref<!tpu.dma_semaphore, #tpu.memory_space<semaphore_mem>>) {add = true}
    %dma_wait3A_383 = arith.constant 0 : i32
    %dma_wait3A_384 = arith.constant 0 : i32
    %dma_wait3A_385 = tpu.memref_slice %arg9[%dma_wait3A_383, %dma_wait3A_384] : memref<840x16xf32, #tpu.memory_space<vmem>> -> memref<840x16xf32, #tpu.memory_space<vmem>>
    %dma_wait3A_386 = arith.constant 2520 : i32
    %dma_wait3A_387 = tpu.memref_slice %arg7[%dma_wait3A_386] : memref<10000xi32, #tpu.memory_space<vmem>> -> memref<840xi32, #tpu.memory_space<vmem>>
    %dma_wait3A_388 = arith.constant 0 : i32
    %dma_wait3A_389 = arith.constant 0 : i32
    %dma_wait3A_390 = tpu.memref_slice %arg11[%dma_wait3A_388, %dma_wait3A_389] : memref<80000x16xf32, #tpu.memory_space<vmem_shared>> -> memref<80000x16xf32, #tpu.memory_space<vmem_shared>>
    tpu.wait_indirect_dma semaphore(%arg17 : memref<!tpu.dma_semaphore, #tpu.memory_space<semaphore_mem>>) src(%dma_wait3A_385 : memref<840x16xf32, #tpu.memory_space<vmem>>) dst(%dma_wait3A_390 : memref<80000x16xf32, #tpu.memory_space<vmem_shared>>)
    %dma_start3A_391 = arith.constant 0 : i32
    %dma_start3A_392 = arith.constant 0 : i32
    %dma_start3A_393 = tpu.memref_slice %arg9[%dma_start3A_391, %dma_start3A_392] : memref<840x16xf32, #tpu.memory_space<vmem>> -> memref<840x16xf32, #tpu.memory_space<vmem>>
    %dma_start3A_394 = arith.constant 4200 : i32
    %dma_start3A_395 = tpu.memref_slice %arg6[%dma_start3A_394] : memref<10000xi32, #tpu.memory_space<vmem>> -> memref<840xi32, #tpu.memory_space<vmem>>
    %dma_start3A_396 = arith.constant 0 : i32
    %dma_start3A_397 = arith.constant 0 : i32
    %dma_start3A_398 = tpu.memref_slice %arg2[%dma_start3A_396, %dma_start3A_397] : memref<80000x16xf32, #tpu.memory_space<hbm>> -> memref<80000x16xf32, #tpu.memory_space<hbm>>
    tpu.enqueue_indirect_dma source(%dma_start3A_398 : memref<80000x16xf32, #tpu.memory_space<hbm>>) target(%dma_start3A_393 : memref<840x16xf32, #tpu.memory_space<vmem>>) offsets(%dma_start3A_395 : memref<840xi32, #tpu.memory_space<vmem>>) semaphore(%arg15 : memref<!tpu.dma_semaphore, #tpu.memory_space<semaphore_mem>>)
    %dma_wait3A_399 = arith.constant 0 : i32
    %dma_wait3A_400 = arith.constant 0 : i32
    %dma_wait3A_401 = tpu.memref_slice %arg8[%dma_wait3A_399, %dma_wait3A_400] : memref<840x16xf32, #tpu.memory_space<vmem>> -> memref<840x16xf32, #tpu.memory_space<vmem>>
    %dma_wait3A_402 = arith.constant 3360 : i32
    %dma_wait3A_403 = tpu.memref_slice %arg6[%dma_wait3A_402] : memref<10000xi32, #tpu.memory_space<vmem>> -> memref<840xi32, #tpu.memory_space<vmem>>
    %dma_wait3A_404 = arith.constant 0 : i32
    %dma_wait3A_405 = arith.constant 0 : i32
    %dma_wait3A_406 = tpu.memref_slice %arg2[%dma_wait3A_404, %dma_wait3A_405] : memref<80000x16xf32, #tpu.memory_space<hbm>> -> memref<80000x16xf32, #tpu.memory_space<hbm>>
    tpu.wait_indirect_dma semaphore(%arg14 : memref<!tpu.dma_semaphore, #tpu.memory_space<semaphore_mem>>) src(%dma_wait3A_406 : memref<80000x16xf32, #tpu.memory_space<hbm>>) dst(%dma_wait3A_401 : memref<840x16xf32, #tpu.memory_space<vmem>>)
    %dma_start3A_407 = arith.constant 0 : i32
    %dma_start3A_408 = arith.constant 0 : i32
    %dma_start3A_409 = tpu.memref_slice %arg8[%dma_start3A_407, %dma_start3A_408] : memref<840x16xf32, #tpu.memory_space<vmem>> -> memref<840x16xf32, #tpu.memory_space<vmem>>
    %dma_start3A_410 = arith.constant 3360 : i32
    %dma_start3A_411 = tpu.memref_slice %arg7[%dma_start3A_410] : memref<10000xi32, #tpu.memory_space<vmem>> -> memref<840xi32, #tpu.memory_space<vmem>>
    %dma_start3A_412 = arith.constant 0 : i32
    %dma_start3A_413 = arith.constant 0 : i32
    %dma_start3A_414 = tpu.memref_slice %arg11[%dma_start3A_412, %dma_start3A_413] : memref<80000x16xf32, #tpu.memory_space<vmem_shared>> -> memref<80000x16xf32, #tpu.memory_space<vmem_shared>>
    tpu.enqueue_indirect_dma source(%dma_start3A_409 : memref<840x16xf32, #tpu.memory_space<vmem>>) target(%dma_start3A_414 : memref<80000x16xf32, #tpu.memory_space<vmem_shared>>) offsets(%dma_start3A_411 : memref<840xi32, #tpu.memory_space<vmem>>) semaphore(%arg16 : memref<!tpu.dma_semaphore, #tpu.memory_space<semaphore_mem>>) {add = true}
    %dma_wait3A_415 = arith.constant 0 : i32
    %dma_wait3A_416 = arith.constant 0 : i32
    %dma_wait3A_417 = tpu.memref_slice %arg8[%dma_wait3A_415, %dma_wait3A_416] : memref<840x16xf32, #tpu.memory_space<vmem>> -> memref<840x16xf32, #tpu.memory_space<vmem>>
    %dma_wait3A_418 = arith.constant 3360 : i32
    %dma_wait3A_419 = tpu.memref_slice %arg7[%dma_wait3A_418] : memref<10000xi32, #tpu.memory_space<vmem>> -> memref<840xi32, #tpu.memory_space<vmem>>
    %dma_wait3A_420 = arith.constant 0 : i32
    %dma_wait3A_421 = arith.constant 0 : i32
    %dma_wait3A_422 = tpu.memref_slice %arg11[%dma_wait3A_420, %dma_wait3A_421] : memref<80000x16xf32, #tpu.memory_space<vmem_shared>> -> memref<80000x16xf32, #tpu.memory_space<vmem_shared>>
    tpu.wait_indirect_dma semaphore(%arg16 : memref<!tpu.dma_semaphore, #tpu.memory_space<semaphore_mem>>) src(%dma_wait3A_417 : memref<840x16xf32, #tpu.memory_space<vmem>>) dst(%dma_wait3A_422 : memref<80000x16xf32, #tpu.memory_space<vmem_shared>>)
    %dma_start3A_423 = arith.constant 0 : i32
    %dma_start3A_424 = arith.constant 0 : i32
    %dma_start3A_425 = tpu.memref_slice %arg8[%dma_start3A_423, %dma_start3A_424] : memref<840x16xf32, #tpu.memory_space<vmem>> -> memref<840x16xf32, #tpu.memory_space<vmem>>
    %dma_start3A_426 = arith.constant 5040 : i32
    %dma_start3A_427 = tpu.memref_slice %arg6[%dma_start3A_426] : memref<10000xi32, #tpu.memory_space<vmem>> -> memref<840xi32, #tpu.memory_space<vmem>>
    %dma_start3A_428 = arith.constant 0 : i32
    %dma_start3A_429 = arith.constant 0 : i32
    %dma_start3A_430 = tpu.memref_slice %arg2[%dma_start3A_428, %dma_start3A_429] : memref<80000x16xf32, #tpu.memory_space<hbm>> -> memref<80000x16xf32, #tpu.memory_space<hbm>>
    tpu.enqueue_indirect_dma source(%dma_start3A_430 : memref<80000x16xf32, #tpu.memory_space<hbm>>) target(%dma_start3A_425 : memref<840x16xf32, #tpu.memory_space<vmem>>) offsets(%dma_start3A_427 : memref<840xi32, #tpu.memory_space<vmem>>) semaphore(%arg14 : memref<!tpu.dma_semaphore, #tpu.memory_space<semaphore_mem>>)
    %dma_wait3A_431 = arith.constant 0 : i32
    %dma_wait3A_432 = arith.constant 0 : i32
    %dma_wait3A_433 = tpu.memref_slice %arg9[%dma_wait3A_431, %dma_wait3A_432] : memref<840x16xf32, #tpu.memory_space<vmem>> -> memref<840x16xf32, #tpu.memory_space<vmem>>
    %dma_wait3A_434 = arith.constant 4200 : i32
    %dma_wait3A_435 = tpu.memref_slice %arg6[%dma_wait3A_434] : memref<10000xi32, #tpu.memory_space<vmem>> -> memref<840xi32, #tpu.memory_space<vmem>>
    %dma_wait3A_436 = arith.constant 0 : i32
    %dma_wait3A_437 = arith.constant 0 : i32
    %dma_wait3A_438 = tpu.memref_slice %arg2[%dma_wait3A_436, %dma_wait3A_437] : memref<80000x16xf32, #tpu.memory_space<hbm>> -> memref<80000x16xf32, #tpu.memory_space<hbm>>
    tpu.wait_indirect_dma semaphore(%arg15 : memref<!tpu.dma_semaphore, #tpu.memory_space<semaphore_mem>>) src(%dma_wait3A_438 : memref<80000x16xf32, #tpu.memory_space<hbm>>) dst(%dma_wait3A_433 : memref<840x16xf32, #tpu.memory_space<vmem>>)
    %dma_start3A_439 = arith.constant 0 : i32
    %dma_start3A_440 = arith.constant 0 : i32
    %dma_start3A_441 = tpu.memref_slice %arg9[%dma_start3A_439, %dma_start3A_440] : memref<840x16xf32, #tpu.memory_space<vmem>> -> memref<840x16xf32, #tpu.memory_space<vmem>>
    %dma_start3A_442 = arith.constant 4200 : i32
    %dma_start3A_443 = tpu.memref_slice %arg7[%dma_start3A_442] : memref<10000xi32, #tpu.memory_space<vmem>> -> memref<840xi32, #tpu.memory_space<vmem>>
    %dma_start3A_444 = arith.constant 0 : i32
    %dma_start3A_445 = arith.constant 0 : i32
    %dma_start3A_446 = tpu.memref_slice %arg11[%dma_start3A_444, %dma_start3A_445] : memref<80000x16xf32, #tpu.memory_space<vmem_shared>> -> memref<80000x16xf32, #tpu.memory_space<vmem_shared>>
    tpu.enqueue_indirect_dma source(%dma_start3A_441 : memref<840x16xf32, #tpu.memory_space<vmem>>) target(%dma_start3A_446 : memref<80000x16xf32, #tpu.memory_space<vmem_shared>>) offsets(%dma_start3A_443 : memref<840xi32, #tpu.memory_space<vmem>>) semaphore(%arg17 : memref<!tpu.dma_semaphore, #tpu.memory_space<semaphore_mem>>) {add = true}
    %dma_wait3A_447 = arith.constant 0 : i32
    %dma_wait3A_448 = arith.constant 0 : i32
    %dma_wait3A_449 = tpu.memref_slice %arg9[%dma_wait3A_447, %dma_wait3A_448] : memref<840x16xf32, #tpu.memory_space<vmem>> -> memref<840x16xf32, #tpu.memory_space<vmem>>
    %dma_wait3A_450 = arith.constant 4200 : i32
    %dma_wait3A_451 = tpu.memref_slice %arg7[%dma_wait3A_450] : memref<10000xi32, #tpu.memory_space<vmem>> -> memref<840xi32, #tpu.memory_space<vmem>>
    %dma_wait3A_452 = arith.constant 0 : i32
    %dma_wait3A_453 = arith.constant 0 : i32
    %dma_wait3A_454 = tpu.memref_slice %arg11[%dma_wait3A_452, %dma_wait3A_453] : memref<80000x16xf32, #tpu.memory_space<vmem_shared>> -> memref<80000x16xf32, #tpu.memory_space<vmem_shared>>
    tpu.wait_indirect_dma semaphore(%arg17 : memref<!tpu.dma_semaphore, #tpu.memory_space<semaphore_mem>>) src(%dma_wait3A_449 : memref<840x16xf32, #tpu.memory_space<vmem>>) dst(%dma_wait3A_454 : memref<80000x16xf32, #tpu.memory_space<vmem_shared>>)
    %dma_start3A_455 = arith.constant 0 : i32
    %dma_start3A_456 = arith.constant 0 : i32
    %dma_start3A_457 = tpu.memref_slice %arg9[%dma_start3A_455, %dma_start3A_456] : memref<840x16xf32, #tpu.memory_space<vmem>> -> memref<840x16xf32, #tpu.memory_space<vmem>>
    %dma_start3A_458 = arith.constant 5880 : i32
    %dma_start3A_459 = tpu.memref_slice %arg6[%dma_start3A_458] : memref<10000xi32, #tpu.memory_space<vmem>> -> memref<840xi32, #tpu.memory_space<vmem>>
    %dma_start3A_460 = arith.constant 0 : i32
    %dma_start3A_461 = arith.constant 0 : i32
    %dma_start3A_462 = tpu.memref_slice %arg2[%dma_start3A_460, %dma_start3A_461] : memref<80000x16xf32, #tpu.memory_space<hbm>> -> memref<80000x16xf32, #tpu.memory_space<hbm>>
    tpu.enqueue_indirect_dma source(%dma_start3A_462 : memref<80000x16xf32, #tpu.memory_space<hbm>>) target(%dma_start3A_457 : memref<840x16xf32, #tpu.memory_space<vmem>>) offsets(%dma_start3A_459 : memref<840xi32, #tpu.memory_space<vmem>>) semaphore(%arg15 : memref<!tpu.dma_semaphore, #tpu.memory_space<semaphore_mem>>)
    %dma_wait3A_463 = arith.constant 0 : i32
    %dma_wait3A_464 = arith.constant 0 : i32
    %dma_wait3A_465 = tpu.memref_slice %arg8[%dma_wait3A_463, %dma_wait3A_464] : memref<840x16xf32, #tpu.memory_space<vmem>> -> memref<840x16xf32, #tpu.memory_space<vmem>>
    %dma_wait3A_466 = arith.constant 5040 : i32
    %dma_wait3A_467 = tpu.memref_slice %arg6[%dma_wait3A_466] : memref<10000xi32, #tpu.memory_space<vmem>> -> memref<840xi32, #tpu.memory_space<vmem>>
    %dma_wait3A_468 = arith.constant 0 : i32
    %dma_wait3A_469 = arith.constant 0 : i32
    %dma_wait3A_470 = tpu.memref_slice %arg2[%dma_wait3A_468, %dma_wait3A_469] : memref<80000x16xf32, #tpu.memory_space<hbm>> -> memref<80000x16xf32, #tpu.memory_space<hbm>>
    tpu.wait_indirect_dma semaphore(%arg14 : memref<!tpu.dma_semaphore, #tpu.memory_space<semaphore_mem>>) src(%dma_wait3A_470 : memref<80000x16xf32, #tpu.memory_space<hbm>>) dst(%dma_wait3A_465 : memref<840x16xf32, #tpu.memory_space<vmem>>)
    %dma_start3A_471 = arith.constant 0 : i32
    %dma_start3A_472 = arith.constant 0 : i32
    %dma_start3A_473 = tpu.memref_slice %arg8[%dma_start3A_471, %dma_start3A_472] : memref<840x16xf32, #tpu.memory_space<vmem>> -> memref<840x16xf32, #tpu.memory_space<vmem>>
    %dma_start3A_474 = arith.constant 5040 : i32
    %dma_start3A_475 = tpu.memref_slice %arg7[%dma_start3A_474] : memref<10000xi32, #tpu.memory_space<vmem>> -> memref<840xi32, #tpu.memory_space<vmem>>
    %dma_start3A_476 = arith.constant 0 : i32
    %dma_start3A_477 = arith.constant 0 : i32
    %dma_start3A_478 = tpu.memref_slice %arg11[%dma_start3A_476, %dma_start3A_477] : memref<80000x16xf32, #tpu.memory_space<vmem_shared>> -> memref<80000x16xf32, #tpu.memory_space<vmem_shared>>
    tpu.enqueue_indirect_dma source(%dma_start3A_473 : memref<840x16xf32, #tpu.memory_space<vmem>>) target(%dma_start3A_478 : memref<80000x16xf32, #tpu.memory_space<vmem_shared>>) offsets(%dma_start3A_475 : memref<840xi32, #tpu.memory_space<vmem>>) semaphore(%arg16 : memref<!tpu.dma_semaphore, #tpu.memory_space<semaphore_mem>>) {add = true}
    %dma_wait3A_479 = arith.constant 0 : i32
    %dma_wait3A_480 = arith.constant 0 : i32
    %dma_wait3A_481 = tpu.memref_slice %arg8[%dma_wait3A_479, %dma_wait3A_480] : memref<840x16xf32, #tpu.memory_space<vmem>> -> memref<840x16xf32, #tpu.memory_space<vmem>>
    %dma_wait3A_482 = arith.constant 5040 : i32
    %dma_wait3A_483 = tpu.memref_slice %arg7[%dma_wait3A_482] : memref<10000xi32, #tpu.memory_space<vmem>> -> memref<840xi32, #tpu.memory_space<vmem>>
    %dma_wait3A_484 = arith.constant 0 : i32
    %dma_wait3A_485 = arith.constant 0 : i32
    %dma_wait3A_486 = tpu.memref_slice %arg11[%dma_wait3A_484, %dma_wait3A_485] : memref<80000x16xf32, #tpu.memory_space<vmem_shared>> -> memref<80000x16xf32, #tpu.memory_space<vmem_shared>>
    tpu.wait_indirect_dma semaphore(%arg16 : memref<!tpu.dma_semaphore, #tpu.memory_space<semaphore_mem>>) src(%dma_wait3A_481 : memref<840x16xf32, #tpu.memory_space<vmem>>) dst(%dma_wait3A_486 : memref<80000x16xf32, #tpu.memory_space<vmem_shared>>)
    %dma_start3A_487 = arith.constant 0 : i32
    %dma_start3A_488 = arith.constant 0 : i32
    %dma_start3A_489 = tpu.memref_slice %arg8[%dma_start3A_487, %dma_start3A_488] : memref<840x16xf32, #tpu.memory_space<vmem>> -> memref<840x16xf32, #tpu.memory_space<vmem>>
    %dma_start3A_490 = arith.constant 6720 : i32
    %dma_start3A_491 = tpu.memref_slice %arg6[%dma_start3A_490] : memref<10000xi32, #tpu.memory_space<vmem>> -> memref<840xi32, #tpu.memory_space<vmem>>
    %dma_start3A_492 = arith.constant 0 : i32
    %dma_start3A_493 = arith.constant 0 : i32
    %dma_start3A_494 = tpu.memref_slice %arg2[%dma_start3A_492, %dma_start3A_493] : memref<80000x16xf32, #tpu.memory_space<hbm>> -> memref<80000x16xf32, #tpu.memory_space<hbm>>
    tpu.enqueue_indirect_dma source(%dma_start3A_494 : memref<80000x16xf32, #tpu.memory_space<hbm>>) target(%dma_start3A_489 : memref<840x16xf32, #tpu.memory_space<vmem>>) offsets(%dma_start3A_491 : memref<840xi32, #tpu.memory_space<vmem>>) semaphore(%arg14 : memref<!tpu.dma_semaphore, #tpu.memory_space<semaphore_mem>>)
    %dma_wait3A_495 = arith.constant 0 : i32
    %dma_wait3A_496 = arith.constant 0 : i32
    %dma_wait3A_497 = tpu.memref_slice %arg9[%dma_wait3A_495, %dma_wait3A_496] : memref<840x16xf32, #tpu.memory_space<vmem>> -> memref<840x16xf32, #tpu.memory_space<vmem>>
    %dma_wait3A_498 = arith.constant 5880 : i32
    %dma_wait3A_499 = tpu.memref_slice %arg6[%dma_wait3A_498] : memref<10000xi32, #tpu.memory_space<vmem>> -> memref<840xi32, #tpu.memory_space<vmem>>
    %dma_wait3A_500 = arith.constant 0 : i32
    %dma_wait3A_501 = arith.constant 0 : i32
    %dma_wait3A_502 = tpu.memref_slice %arg2[%dma_wait3A_500, %dma_wait3A_501] : memref<80000x16xf32, #tpu.memory_space<hbm>> -> memref<80000x16xf32, #tpu.memory_space<hbm>>
    tpu.wait_indirect_dma semaphore(%arg15 : memref<!tpu.dma_semaphore, #tpu.memory_space<semaphore_mem>>) src(%dma_wait3A_502 : memref<80000x16xf32, #tpu.memory_space<hbm>>) dst(%dma_wait3A_497 : memref<840x16xf32, #tpu.memory_space<vmem>>)
    %dma_start3A_503 = arith.constant 0 : i32
    %dma_start3A_504 = arith.constant 0 : i32
    %dma_start3A_505 = tpu.memref_slice %arg9[%dma_start3A_503, %dma_start3A_504] : memref<840x16xf32, #tpu.memory_space<vmem>> -> memref<840x16xf32, #tpu.memory_space<vmem>>
    %dma_start3A_506 = arith.constant 5880 : i32
    %dma_start3A_507 = tpu.memref_slice %arg7[%dma_start3A_506] : memref<10000xi32, #tpu.memory_space<vmem>> -> memref<840xi32, #tpu.memory_space<vmem>>
    %dma_start3A_508 = arith.constant 0 : i32
    %dma_start3A_509 = arith.constant 0 : i32
    %dma_start3A_510 = tpu.memref_slice %arg11[%dma_start3A_508, %dma_start3A_509] : memref<80000x16xf32, #tpu.memory_space<vmem_shared>> -> memref<80000x16xf32, #tpu.memory_space<vmem_shared>>
    tpu.enqueue_indirect_dma source(%dma_start3A_505 : memref<840x16xf32, #tpu.memory_space<vmem>>) target(%dma_start3A_510 : memref<80000x16xf32, #tpu.memory_space<vmem_shared>>) offsets(%dma_start3A_507 : memref<840xi32, #tpu.memory_space<vmem>>) semaphore(%arg17 : memref<!tpu.dma_semaphore, #tpu.memory_space<semaphore_mem>>) {add = true}
    %dma_wait3A_511 = arith.constant 0 : i32
    %dma_wait3A_512 = arith.constant 0 : i32
    %dma_wait3A_513 = tpu.memref_slice %arg9[%dma_wait3A_511, %dma_wait3A_512] : memref<840x16xf32, #tpu.memory_space<vmem>> -> memref<840x16xf32, #tpu.memory_space<vmem>>
    %dma_wait3A_514 = arith.constant 5880 : i32
    %dma_wait3A_515 = tpu.memref_slice %arg7[%dma_wait3A_514] : memref<10000xi32, #tpu.memory_space<vmem>> -> memref<840xi32, #tpu.memory_space<vmem>>
    %dma_wait3A_516 = arith.constant 0 : i32
    %dma_wait3A_517 = arith.constant 0 : i32
    %dma_wait3A_518 = tpu.memref_slice %arg11[%dma_wait3A_516, %dma_wait3A_517] : memref<80000x16xf32, #tpu.memory_space<vmem_shared>> -> memref<80000x16xf32, #tpu.memory_space<vmem_shared>>
    tpu.wait_indirect_dma semaphore(%arg17 : memref<!tpu.dma_semaphore, #tpu.memory_space<semaphore_mem>>) src(%dma_wait3A_513 : memref<840x16xf32, #tpu.memory_space<vmem>>) dst(%dma_wait3A_518 : memref<80000x16xf32, #tpu.memory_space<vmem_shared>>)
    %dma_start3A_519 = arith.constant 0 : i32
    %dma_start3A_520 = arith.constant 0 : i32
    %dma_start3A_521 = tpu.memref_slice %arg9[%dma_start3A_519, %dma_start3A_520] : memref<840x16xf32, #tpu.memory_space<vmem>> -> memref<840x16xf32, #tpu.memory_space<vmem>>
    %dma_start3A_522 = arith.constant 7560 : i32
    %dma_start3A_523 = tpu.memref_slice %arg6[%dma_start3A_522] : memref<10000xi32, #tpu.memory_space<vmem>> -> memref<840xi32, #tpu.memory_space<vmem>>
    %dma_start3A_524 = arith.constant 0 : i32
    %dma_start3A_525 = arith.constant 0 : i32
    %dma_start3A_526 = tpu.memref_slice %arg2[%dma_start3A_524, %dma_start3A_525] : memref<80000x16xf32, #tpu.memory_space<hbm>> -> memref<80000x16xf32, #tpu.memory_space<hbm>>
    tpu.enqueue_indirect_dma source(%dma_start3A_526 : memref<80000x16xf32, #tpu.memory_space<hbm>>) target(%dma_start3A_521 : memref<840x16xf32, #tpu.memory_space<vmem>>) offsets(%dma_start3A_523 : memref<840xi32, #tpu.memory_space<vmem>>) semaphore(%arg15 : memref<!tpu.dma_semaphore, #tpu.memory_space<semaphore_mem>>)
    %dma_wait3A_527 = arith.constant 0 : i32
    %dma_wait3A_528 = arith.constant 0 : i32
    %dma_wait3A_529 = tpu.memref_slice %arg8[%dma_wait3A_527, %dma_wait3A_528] : memref<840x16xf32, #tpu.memory_space<vmem>> -> memref<840x16xf32, #tpu.memory_space<vmem>>
    %dma_wait3A_530 = arith.constant 6720 : i32
    %dma_wait3A_531 = tpu.memref_slice %arg6[%dma_wait3A_530] : memref<10000xi32, #tpu.memory_space<vmem>> -> memref<840xi32, #tpu.memory_space<vmem>>
    %dma_wait3A_532 = arith.constant 0 : i32
    %dma_wait3A_533 = arith.constant 0 : i32
    %dma_wait3A_534 = tpu.memref_slice %arg2[%dma_wait3A_532, %dma_wait3A_533] : memref<80000x16xf32, #tpu.memory_space<hbm>> -> memref<80000x16xf32, #tpu.memory_space<hbm>>
    tpu.wait_indirect_dma semaphore(%arg14 : memref<!tpu.dma_semaphore, #tpu.memory_space<semaphore_mem>>) src(%dma_wait3A_534 : memref<80000x16xf32, #tpu.memory_space<hbm>>) dst(%dma_wait3A_529 : memref<840x16xf32, #tpu.memory_space<vmem>>)
    %dma_start3A_535 = arith.constant 0 : i32
    %dma_start3A_536 = arith.constant 0 : i32
    %dma_start3A_537 = tpu.memref_slice %arg8[%dma_start3A_535, %dma_start3A_536] : memref<840x16xf32, #tpu.memory_space<vmem>> -> memref<840x16xf32, #tpu.memory_space<vmem>>
    %dma_start3A_538 = arith.constant 6720 : i32
    %dma_start3A_539 = tpu.memref_slice %arg7[%dma_start3A_538] : memref<10000xi32, #tpu.memory_space<vmem>> -> memref<840xi32, #tpu.memory_space<vmem>>
    %dma_start3A_540 = arith.constant 0 : i32
    %dma_start3A_541 = arith.constant 0 : i32
    %dma_start3A_542 = tpu.memref_slice %arg11[%dma_start3A_540, %dma_start3A_541] : memref<80000x16xf32, #tpu.memory_space<vmem_shared>> -> memref<80000x16xf32, #tpu.memory_space<vmem_shared>>
    tpu.enqueue_indirect_dma source(%dma_start3A_537 : memref<840x16xf32, #tpu.memory_space<vmem>>) target(%dma_start3A_542 : memref<80000x16xf32, #tpu.memory_space<vmem_shared>>) offsets(%dma_start3A_539 : memref<840xi32, #tpu.memory_space<vmem>>) semaphore(%arg16 : memref<!tpu.dma_semaphore, #tpu.memory_space<semaphore_mem>>) {add = true}
    %dma_wait3A_543 = arith.constant 0 : i32
    %dma_wait3A_544 = arith.constant 0 : i32
    %dma_wait3A_545 = tpu.memref_slice %arg8[%dma_wait3A_543, %dma_wait3A_544] : memref<840x16xf32, #tpu.memory_space<vmem>> -> memref<840x16xf32, #tpu.memory_space<vmem>>
    %dma_wait3A_546 = arith.constant 6720 : i32
    %dma_wait3A_547 = tpu.memref_slice %arg7[%dma_wait3A_546] : memref<10000xi32, #tpu.memory_space<vmem>> -> memref<840xi32, #tpu.memory_space<vmem>>
    %dma_wait3A_548 = arith.constant 0 : i32
    %dma_wait3A_549 = arith.constant 0 : i32
    %dma_wait3A_550 = tpu.memref_slice %arg11[%dma_wait3A_548, %dma_wait3A_549] : memref<80000x16xf32, #tpu.memory_space<vmem_shared>> -> memref<80000x16xf32, #tpu.memory_space<vmem_shared>>
    tpu.wait_indirect_dma semaphore(%arg16 : memref<!tpu.dma_semaphore, #tpu.memory_space<semaphore_mem>>) src(%dma_wait3A_545 : memref<840x16xf32, #tpu.memory_space<vmem>>) dst(%dma_wait3A_550 : memref<80000x16xf32, #tpu.memory_space<vmem_shared>>)
    %dma_start3A_551 = arith.constant 0 : i32
    %dma_start3A_552 = arith.constant 0 : i32
    %dma_start3A_553 = tpu.memref_slice %arg8[%dma_start3A_551, %dma_start3A_552] : memref<840x16xf32, #tpu.memory_space<vmem>> -> memref<840x16xf32, #tpu.memory_space<vmem>>
    %dma_start3A_554 = arith.constant 8400 : i32
    %dma_start3A_555 = tpu.memref_slice %arg6[%dma_start3A_554] : memref<10000xi32, #tpu.memory_space<vmem>> -> memref<840xi32, #tpu.memory_space<vmem>>
    %dma_start3A_556 = arith.constant 0 : i32
    %dma_start3A_557 = arith.constant 0 : i32
    %dma_start3A_558 = tpu.memref_slice %arg2[%dma_start3A_556, %dma_start3A_557] : memref<80000x16xf32, #tpu.memory_space<hbm>> -> memref<80000x16xf32, #tpu.memory_space<hbm>>
    tpu.enqueue_indirect_dma source(%dma_start3A_558 : memref<80000x16xf32, #tpu.memory_space<hbm>>) target(%dma_start3A_553 : memref<840x16xf32, #tpu.memory_space<vmem>>) offsets(%dma_start3A_555 : memref<840xi32, #tpu.memory_space<vmem>>) semaphore(%arg14 : memref<!tpu.dma_semaphore, #tpu.memory_space<semaphore_mem>>)
    %dma_wait3A_559 = arith.constant 0 : i32
    %dma_wait3A_560 = arith.constant 0 : i32
    %dma_wait3A_561 = tpu.memref_slice %arg9[%dma_wait3A_559, %dma_wait3A_560] : memref<840x16xf32, #tpu.memory_space<vmem>> -> memref<840x16xf32, #tpu.memory_space<vmem>>
    %dma_wait3A_562 = arith.constant 7560 : i32
    %dma_wait3A_563 = tpu.memref_slice %arg6[%dma_wait3A_562] : memref<10000xi32, #tpu.memory_space<vmem>> -> memref<840xi32, #tpu.memory_space<vmem>>
    %dma_wait3A_564 = arith.constant 0 : i32
    %dma_wait3A_565 = arith.constant 0 : i32
    %dma_wait3A_566 = tpu.memref_slice %arg2[%dma_wait3A_564, %dma_wait3A_565] : memref<80000x16xf32, #tpu.memory_space<hbm>> -> memref<80000x16xf32, #tpu.memory_space<hbm>>
    tpu.wait_indirect_dma semaphore(%arg15 : memref<!tpu.dma_semaphore, #tpu.memory_space<semaphore_mem>>) src(%dma_wait3A_566 : memref<80000x16xf32, #tpu.memory_space<hbm>>) dst(%dma_wait3A_561 : memref<840x16xf32, #tpu.memory_space<vmem>>)
    %dma_start3A_567 = arith.constant 0 : i32
    %dma_start3A_568 = arith.constant 0 : i32
    %dma_start3A_569 = tpu.memref_slice %arg9[%dma_start3A_567, %dma_start3A_568] : memref<840x16xf32, #tpu.memory_space<vmem>> -> memref<840x16xf32, #tpu.memory_space<vmem>>
    %dma_start3A_570 = arith.constant 7560 : i32
    %dma_start3A_571 = tpu.memref_slice %arg7[%dma_start3A_570] : memref<10000xi32, #tpu.memory_space<vmem>> -> memref<840xi32, #tpu.memory_space<vmem>>
    %dma_start3A_572 = arith.constant 0 : i32
    %dma_start3A_573 = arith.constant 0 : i32
    %dma_start3A_574 = tpu.memref_slice %arg11[%dma_start3A_572, %dma_start3A_573] : memref<80000x16xf32, #tpu.memory_space<vmem_shared>> -> memref<80000x16xf32, #tpu.memory_space<vmem_shared>>
    tpu.enqueue_indirect_dma source(%dma_start3A_569 : memref<840x16xf32, #tpu.memory_space<vmem>>) target(%dma_start3A_574 : memref<80000x16xf32, #tpu.memory_space<vmem_shared>>) offsets(%dma_start3A_571 : memref<840xi32, #tpu.memory_space<vmem>>) semaphore(%arg17 : memref<!tpu.dma_semaphore, #tpu.memory_space<semaphore_mem>>) {add = true}
    %dma_wait3A_575 = arith.constant 0 : i32
    %dma_wait3A_576 = arith.constant 0 : i32
    %dma_wait3A_577 = tpu.memref_slice %arg9[%dma_wait3A_575, %dma_wait3A_576] : memref<840x16xf32, #tpu.memory_space<vmem>> -> memref<840x16xf32, #tpu.memory_space<vmem>>
    %dma_wait3A_578 = arith.constant 7560 : i32
    %dma_wait3A_579 = tpu.memref_slice %arg7[%dma_wait3A_578] : memref<10000xi32, #tpu.memory_space<vmem>> -> memref<840xi32, #tpu.memory_space<vmem>>
    %dma_wait3A_580 = arith.constant 0 : i32
    %dma_wait3A_581 = arith.constant 0 : i32
    %dma_wait3A_582 = tpu.memref_slice %arg11[%dma_wait3A_580, %dma_wait3A_581] : memref<80000x16xf32, #tpu.memory_space<vmem_shared>> -> memref<80000x16xf32, #tpu.memory_space<vmem_shared>>
    tpu.wait_indirect_dma semaphore(%arg17 : memref<!tpu.dma_semaphore, #tpu.memory_space<semaphore_mem>>) src(%dma_wait3A_577 : memref<840x16xf32, #tpu.memory_space<vmem>>) dst(%dma_wait3A_582 : memref<80000x16xf32, #tpu.memory_space<vmem_shared>>)
    %dma_start3A_583 = arith.constant 0 : i32
    %dma_start3A_584 = arith.constant 0 : i32
    %dma_start3A_585 = tpu.memref_slice %arg9[%dma_start3A_583, %dma_start3A_584] : memref<840x16xf32, #tpu.memory_space<vmem>> -> memref<760x16xf32, #tpu.memory_space<vmem>>
    %dma_start3A_586 = arith.constant 9240 : i32
    %dma_start3A_587 = tpu.memref_slice %arg6[%dma_start3A_586] : memref<10000xi32, #tpu.memory_space<vmem>> -> memref<760xi32, #tpu.memory_space<vmem>>
    %dma_start3A_588 = arith.constant 0 : i32
    %dma_start3A_589 = arith.constant 0 : i32
    %dma_start3A_590 = tpu.memref_slice %arg2[%dma_start3A_588, %dma_start3A_589] : memref<80000x16xf32, #tpu.memory_space<hbm>> -> memref<80000x16xf32, #tpu.memory_space<hbm>>
    tpu.enqueue_indirect_dma source(%dma_start3A_590 : memref<80000x16xf32, #tpu.memory_space<hbm>>) target(%dma_start3A_585 : memref<760x16xf32, #tpu.memory_space<vmem>>) offsets(%dma_start3A_587 : memref<760xi32, #tpu.memory_space<vmem>>) semaphore(%arg15 : memref<!tpu.dma_semaphore, #tpu.memory_space<semaphore_mem>>)
    %dma_wait3A_591 = arith.constant 0 : i32
    %dma_wait3A_592 = arith.constant 0 : i32
    %dma_wait3A_593 = tpu.memref_slice %arg8[%dma_wait3A_591, %dma_wait3A_592] : memref<840x16xf32, #tpu.memory_space<vmem>> -> memref<840x16xf32, #tpu.memory_space<vmem>>
    %dma_wait3A_594 = arith.constant 8400 : i32
    %dma_wait3A_595 = tpu.memref_slice %arg6[%dma_wait3A_594] : memref<10000xi32, #tpu.memory_space<vmem>> -> memref<840xi32, #tpu.memory_space<vmem>>
    %dma_wait3A_596 = arith.constant 0 : i32
    %dma_wait3A_597 = arith.constant 0 : i32
    %dma_wait3A_598 = tpu.memref_slice %arg2[%dma_wait3A_596, %dma_wait3A_597] : memref<80000x16xf32, #tpu.memory_space<hbm>> -> memref<80000x16xf32, #tpu.memory_space<hbm>>
    tpu.wait_indirect_dma semaphore(%arg14 : memref<!tpu.dma_semaphore, #tpu.memory_space<semaphore_mem>>) src(%dma_wait3A_598 : memref<80000x16xf32, #tpu.memory_space<hbm>>) dst(%dma_wait3A_593 : memref<840x16xf32, #tpu.memory_space<vmem>>)
    %dma_start3A_599 = arith.constant 0 : i32
    %dma_start3A_600 = arith.constant 0 : i32
    %dma_start3A_601 = tpu.memref_slice %arg8[%dma_start3A_599, %dma_start3A_600] : memref<840x16xf32, #tpu.memory_space<vmem>> -> memref<840x16xf32, #tpu.memory_space<vmem>>
    %dma_start3A_602 = arith.constant 8400 : i32
    %dma_start3A_603 = tpu.memref_slice %arg7[%dma_start3A_602] : memref<10000xi32, #tpu.memory_space<vmem>> -> memref<840xi32, #tpu.memory_space<vmem>>
    %dma_start3A_604 = arith.constant 0 : i32
    %dma_start3A_605 = arith.constant 0 : i32
    %dma_start3A_606 = tpu.memref_slice %arg11[%dma_start3A_604, %dma_start3A_605] : memref<80000x16xf32, #tpu.memory_space<vmem_shared>> -> memref<80000x16xf32, #tpu.memory_space<vmem_shared>>
    tpu.enqueue_indirect_dma source(%dma_start3A_601 : memref<840x16xf32, #tpu.memory_space<vmem>>) target(%dma_start3A_606 : memref<80000x16xf32, #tpu.memory_space<vmem_shared>>) offsets(%dma_start3A_603 : memref<840xi32, #tpu.memory_space<vmem>>) semaphore(%arg16 : memref<!tpu.dma_semaphore, #tpu.memory_space<semaphore_mem>>) {add = true}
    %dma_wait3A_607 = arith.constant 0 : i32
    %dma_wait3A_608 = arith.constant 0 : i32
    %dma_wait3A_609 = tpu.memref_slice %arg9[%dma_wait3A_607, %dma_wait3A_608] : memref<840x16xf32, #tpu.memory_space<vmem>> -> memref<760x16xf32, #tpu.memory_space<vmem>>
    %dma_wait3A_610 = arith.constant 9240 : i32
    %dma_wait3A_611 = tpu.memref_slice %arg6[%dma_wait3A_610] : memref<10000xi32, #tpu.memory_space<vmem>> -> memref<760xi32, #tpu.memory_space<vmem>>
    %dma_wait3A_612 = arith.constant 0 : i32
    %dma_wait3A_613 = arith.constant 0 : i32
    %dma_wait3A_614 = tpu.memref_slice %arg2[%dma_wait3A_612, %dma_wait3A_613] : memref<80000x16xf32, #tpu.memory_space<hbm>> -> memref<80000x16xf32, #tpu.memory_space<hbm>>
    tpu.wait_indirect_dma semaphore(%arg15 : memref<!tpu.dma_semaphore, #tpu.memory_space<semaphore_mem>>) src(%dma_wait3A_614 : memref<80000x16xf32, #tpu.memory_space<hbm>>) dst(%dma_wait3A_609 : memref<760x16xf32, #tpu.memory_space<vmem>>)
    %dma_start3A_615 = arith.constant 0 : i32
    %dma_start3A_616 = arith.constant 0 : i32
    %dma_start3A_617 = tpu.memref_slice %arg9[%dma_start3A_615, %dma_start3A_616] : memref<840x16xf32, #tpu.memory_space<vmem>> -> memref<760x16xf32, #tpu.memory_space<vmem>>
    %dma_start3A_618 = arith.constant 9240 : i32
    %dma_start3A_619 = tpu.memref_slice %arg7[%dma_start3A_618] : memref<10000xi32, #tpu.memory_space<vmem>> -> memref<760xi32, #tpu.memory_space<vmem>>
    %dma_start3A_620 = arith.constant 0 : i32
    %dma_start3A_621 = arith.constant 0 : i32
    %dma_start3A_622 = tpu.memref_slice %arg11[%dma_start3A_620, %dma_start3A_621] : memref<80000x16xf32, #tpu.memory_space<vmem_shared>> -> memref<80000x16xf32, #tpu.memory_space<vmem_shared>>
    tpu.enqueue_indirect_dma source(%dma_start3A_617 : memref<760x16xf32, #tpu.memory_space<vmem>>) target(%dma_start3A_622 : memref<80000x16xf32, #tpu.memory_space<vmem_shared>>) offsets(%dma_start3A_619 : memref<760xi32, #tpu.memory_space<vmem>>) semaphore(%arg17 : memref<!tpu.dma_semaphore, #tpu.memory_space<semaphore_mem>>) {add = true}
    %dma_wait3A_623 = arith.constant 0 : i32
    %dma_wait3A_624 = arith.constant 0 : i32
    %dma_wait3A_625 = tpu.memref_slice %arg8[%dma_wait3A_623, %dma_wait3A_624] : memref<840x16xf32, #tpu.memory_space<vmem>> -> memref<840x16xf32, #tpu.memory_space<vmem>>
    %dma_wait3A_626 = arith.constant 8400 : i32
    %dma_wait3A_627 = tpu.memref_slice %arg7[%dma_wait3A_626] : memref<10000xi32, #tpu.memory_space<vmem>> -> memref<840xi32, #tpu.memory_space<vmem>>
    %dma_wait3A_628 = arith.constant 0 : i32
    %dma_wait3A_629 = arith.constant 0 : i32
    %dma_wait3A_630 = tpu.memref_slice %arg11[%dma_wait3A_628, %dma_wait3A_629] : memref<80000x16xf32, #tpu.memory_space<vmem_shared>> -> memref<80000x16xf32, #tpu.memory_space<vmem_shared>>
    tpu.wait_indirect_dma semaphore(%arg16 : memref<!tpu.dma_semaphore, #tpu.memory_space<semaphore_mem>>) src(%dma_wait3A_625 : memref<840x16xf32, #tpu.memory_space<vmem>>) dst(%dma_wait3A_630 : memref<80000x16xf32, #tpu.memory_space<vmem_shared>>)
    %dma_wait3A_631 = arith.constant 0 : i32
    %dma_wait3A_632 = arith.constant 0 : i32
    %dma_wait3A_633 = tpu.memref_slice %arg9[%dma_wait3A_631, %dma_wait3A_632] : memref<840x16xf32, #tpu.memory_space<vmem>> -> memref<760x16xf32, #tpu.memory_space<vmem>>
    %dma_wait3A_634 = arith.constant 9240 : i32
    %dma_wait3A_635 = tpu.memref_slice %arg7[%dma_wait3A_634] : memref<10000xi32, #tpu.memory_space<vmem>> -> memref<760xi32, #tpu.memory_space<vmem>>
    %dma_wait3A_636 = arith.constant 0 : i32
    %dma_wait3A_637 = arith.constant 0 : i32
    %dma_wait3A_638 = tpu.memref_slice %arg11[%dma_wait3A_636, %dma_wait3A_637] : memref<80000x16xf32, #tpu.memory_space<vmem_shared>> -> memref<80000x16xf32, #tpu.memory_space<vmem_shared>>
    tpu.wait_indirect_dma semaphore(%arg17 : memref<!tpu.dma_semaphore, #tpu.memory_space<semaphore_mem>>) src(%dma_wait3A_633 : memref<760x16xf32, #tpu.memory_space<vmem>>) dst(%dma_wait3A_638 : memref<80000x16xf32, #tpu.memory_space<vmem_shared>>)
    %barrier3A_639 = arith.constant 0 : index
    tpu.barrier barrier_id(%barrier3A_639)
    %mul3A_640 = arith.constant 5000 : i32
    %mul3A_641 = arith.muli %arg1, %mul3A_640 : i32
    %mul3A_642 = arith.constant 5000 : i32
    %mul3A_643 = arith.muli %arg1, %mul3A_642 : i32
    "tpu.region"() ({
      %run_scoped3A = tpu.sem_alloc : memref<!tpu.dma_semaphore, #tpu.memory_space<semaphore_mem>>
      %dma_start3A_644 = arith.constant 0 : i32
      %dma_start3A_645 = tpu.memref_slice %arg5[%arg0, %mul3A_643, %dma_start3A_644] : memref<2x80000x16xf32, #tpu.memory_space<hbm>> -> memref<1x5000x16xf32, #tpu.memory_space<hbm>>
      %dma_start3A_646 = tpu.memref_squeeze %dma_start3A_645 : memref<1x5000x16xf32, #tpu.memory_space<hbm>> -> memref<5000x16xf32, #tpu.memory_space<hbm>>
      %dma_start3A_647 = arith.constant 0 : i32
      %dma_start3A_648 = tpu.memref_slice %arg11[%mul3A_641, %dma_start3A_647] : memref<80000x16xf32, #tpu.memory_space<vmem_shared>> -> memref<5000x16xf32, #tpu.memory_space<vmem_shared>>
      tpu.enqueue_dma source(%dma_start3A_648 : memref<5000x16xf32, #tpu.memory_space<vmem_shared>>) target(%dma_start3A_646 : memref<5000x16xf32, #tpu.memory_space<hbm>>) target_semaphore(%run_scoped3A : memref<!tpu.dma_semaphore, #tpu.memory_space<semaphore_mem>>)
      %dma_wait3A_649 = arith.constant 0 : i32
      %dma_wait3A_650 = tpu.memref_slice %arg5[%arg0, %mul3A_643, %dma_wait3A_649] : memref<2x80000x16xf32, #tpu.memory_space<hbm>> -> memref<1x5000x16xf32, #tpu.memory_space<hbm>>
      %dma_wait3A_651 = tpu.memref_squeeze %dma_wait3A_650 : memref<1x5000x16xf32, #tpu.memory_space<hbm>> -> memref<5000x16xf32, #tpu.memory_space<hbm>>
      %dma_wait3A_652 = arith.constant 0 : i32
      %dma_wait3A_653 = tpu.memref_slice %arg11[%mul3A_641, %dma_wait3A_652] : memref<80000x16xf32, #tpu.memory_space<vmem_shared>> -> memref<5000x16xf32, #tpu.memory_space<vmem_shared>>
      tpu.wait_dma2 semaphore(%run_scoped3A : memref<!tpu.dma_semaphore, #tpu.memory_space<semaphore_mem>>) src(%dma_wait3A_653 : memref<5000x16xf32, #tpu.memory_space<vmem_shared>>) dst(%dma_wait3A_651 : memref<5000x16xf32, #tpu.memory_space<hbm>>)
      tpu.yield
    }) : () -> ()
    return
  }
}

#map = affine_map<(d0, d1) -> (0, 0)>
#map1 = affine_map<(d0, d1) -> (0)>
#map2 = affine_map<(d0, d1) -> (0, 0, 0)>
module attributes {stable_mosaic.version = 14 : i64} {
  func.func @body(%arg0: i32, %arg1: i32, %arg2: memref<80000x16xf32, #tpu.memory_space<hbm>>, %arg3: memref<320000xi32, #tpu.memory_space<hbm>>, %arg4: memref<320000xi32, #tpu.memory_space<hbm>>, %arg5: memref<2x80000x16xf32, #tpu.memory_space<hbm>>, %arg6: memref<2x16x5000xf32, #tpu.memory_space<hbm>>, %arg7: memref<10000xi32, #tpu.memory_space<vmem>>, %arg8: memref<10000xi32, #tpu.memory_space<vmem>>, %arg9: memref<624x16xf32, #tpu.memory_space<vmem>>, %arg10: memref<624x16xf32, #tpu.memory_space<vmem>>, %arg11: memref<250x16xf32, #tpu.memory_space<vmem>>, %arg12: memref<80000x16xf32, #tpu.memory_space<vmem_shared>>, %arg13: memref<!tpu.dma_semaphore, #tpu.memory_space<semaphore_mem>>, %arg14: memref<!tpu.dma_semaphore, #tpu.memory_space<semaphore_mem>>, %arg15: memref<!tpu.dma_semaphore, #tpu.memory_space<semaphore_mem>>, %arg16: memref<!tpu.dma_semaphore, #tpu.memory_space<semaphore_mem>>, %arg17: memref<!tpu.dma_semaphore, #tpu.memory_space<semaphore_mem>>, %arg18: memref<!tpu.dma_semaphore, #tpu.memory_space<semaphore_mem>>, %arg19: memref<624xf32, #tpu.memory_space<vmem>>, %arg20: memref<1008xf32, #tpu.memory_space<vmem>>, %arg21: memref<80000xf32, #tpu.memory_space<vmem_shared>>) attributes {dimension_semantics = [#tpu.dimension_semantics<core_parallel>, #tpu.dimension_semantics<subcore_parallel>], iteration_bounds = array<i64: 2, 16>, scalar_prefetch = 0 : i64, scratch_operands = 15 : i64, tpu.core_type = #tpu.core_type<sc_vector_subcore>, window_params = [{transform_indices = #map}, {transform_indices = #map1}, {transform_indices = #map1}, {transform_indices = #map2}, {transform_indices = #map2}]} {
    %mul3A = arith.constant 16 : i32
    %mul3A_0 = arith.muli %arg0, %mul3A : i32
    %add3A = arith.addi %mul3A_0, %arg1 : i32
    %mul3A_1 = arith.constant 10000 : i32
    %mul3A_2 = arith.muli %add3A, %mul3A_1 : i32
    %multiple_of3A = tpu.assume_multiple %mul3A_2, 8 : i32
    %dma_start3A = tpu.memref_slice %arg3[%multiple_of3A] : memref<320000xi32, #tpu.memory_space<hbm>> -> memref<10000xi32, #tpu.memory_space<hbm>>
    %dma_start3A_3 = tpu.memref_slice %arg3[%multiple_of3A] : memref<320000xi32, #tpu.memory_space<hbm>> -> memref<10000xi32, #tpu.memory_space<hbm>>
    tpu.enqueue_dma source(%dma_start3A_3 : memref<10000xi32, #tpu.memory_space<hbm>>) target(%arg7 : memref<10000xi32, #tpu.memory_space<vmem>>) target_semaphore(%arg13 : memref<!tpu.dma_semaphore, #tpu.memory_space<semaphore_mem>>)
    %dma_start3A_4 = tpu.memref_slice %arg4[%multiple_of3A] : memref<320000xi32, #tpu.memory_space<hbm>> -> memref<10000xi32, #tpu.memory_space<hbm>>
    %dma_start3A_5 = tpu.memref_slice %arg4[%multiple_of3A] : memref<320000xi32, #tpu.memory_space<hbm>> -> memref<10000xi32, #tpu.memory_space<hbm>>
    tpu.enqueue_dma source(%dma_start3A_5 : memref<10000xi32, #tpu.memory_space<hbm>>) target(%arg8 : memref<10000xi32, #tpu.memory_space<vmem>>) target_semaphore(%arg13 : memref<!tpu.dma_semaphore, #tpu.memory_space<semaphore_mem>>)
    %scan3A = arith.constant 0 : i32
    %scan3A_6 = arith.constant 0 : i32
    %scan3A_7 = arith.constant 250 : i32
    %scan3A_8 = arith.addi %scan3A_6, %scan3A_7 : i32
    %scan3A_9 = arith.constant 1 : i32
    %scan3A_10 = scf.for %scan3A_1104 = %scan3A_6 to %scan3A_8 step %scan3A_9 iter_args(%scan3A_1105 = %scan3A) -> (i32)  : i32 {
      %broadcast_in_dim3A = arith.constant 0.000000e+00 : f32
      %broadcast_in_dim3A_1106 = vector.broadcast %broadcast_in_dim3A : f32 to vector<16xf32>
      %swap3A = arith.index_cast %scan3A_1104 : i32 to index
      %swap3A_1107 = arith.constant 0 : index
      %swap3A_1108 = tpu.vector_load %arg11[%swap3A, %swap3A_1107] {strides = array<i32>} : memref<250x16xf32, #tpu.memory_space<vmem>>, vector<1x16xf32>,
      %swap3A_1109 = vector.shape_cast %swap3A_1108 : vector<1x16xf32> to vector<16xf32>
      %swap3A_1110 = vector.shape_cast %broadcast_in_dim3A_1106 : vector<16xf32> to vector<1x16xf32>
      tpu.vector_store %arg11[%swap3A, %swap3A_1107], %swap3A_1110 {strides = array<i32>} : memref<250x16xf32, #tpu.memory_space<vmem>>, vector<1x16xf32>,
      %scan3A_1111 = arith.constant 0 : i32
      scf.yield %scan3A_1111 : i32
    }
    %scan3A_11 = arith.constant 250 : i32
    %mul3A_12 = arith.constant 5000 : i32
    %mul3A_13 = arith.muli %arg1, %mul3A_12 : i32
    %add3A_14 = arith.constant 0 : i32
    %add3A_15 = arith.addi %mul3A_13, %add3A_14 : i32
    %dma_start3A_16 = arith.constant 0 : i32
    %dma_start3A_17 = tpu.memref_slice %arg12[%add3A_15, %dma_start3A_16] : memref<80000x16xf32, #tpu.memory_space<vmem_shared>> -> memref<250x16xf32, #tpu.memory_space<vmem_shared>>
    %dma_start3A_18 = arith.constant 0 : i32
    %dma_start3A_19 = tpu.memref_slice %arg12[%add3A_15, %dma_start3A_18] : memref<80000x16xf32, #tpu.memory_space<vmem_shared>> -> memref<250x16xf32, #tpu.memory_space<vmem_shared>>
    tpu.enqueue_dma source(%arg11 : memref<250x16xf32, #tpu.memory_space<vmem>>) target(%dma_start3A_19 : memref<250x16xf32, #tpu.memory_space<vmem_shared>>) target_semaphore(%arg14 : memref<!tpu.dma_semaphore, #tpu.memory_space<semaphore_mem>>)
    %mul3A_20 = arith.constant 5000 : i32
    %mul3A_21 = arith.muli %arg1, %mul3A_20 : i32
    %add3A_22 = arith.constant 250 : i32
    %add3A_23 = arith.addi %mul3A_21, %add3A_22 : i32
    %dma_start3A_24 = arith.constant 0 : i32
    %dma_start3A_25 = tpu.memref_slice %arg12[%add3A_23, %dma_start3A_24] : memref<80000x16xf32, #tpu.memory_space<vmem_shared>> -> memref<250x16xf32, #tpu.memory_space<vmem_shared>>
    %dma_start3A_26 = arith.constant 0 : i32
    %dma_start3A_27 = tpu.memref_slice %arg12[%add3A_23, %dma_start3A_26] : memref<80000x16xf32, #tpu.memory_space<vmem_shared>> -> memref<250x16xf32, #tpu.memory_space<vmem_shared>>
    tpu.enqueue_dma source(%arg11 : memref<250x16xf32, #tpu.memory_space<vmem>>) target(%dma_start3A_27 : memref<250x16xf32, #tpu.memory_space<vmem_shared>>) target_semaphore(%arg14 : memref<!tpu.dma_semaphore, #tpu.memory_space<semaphore_mem>>)
    %mul3A_28 = arith.constant 5000 : i32
    %mul3A_29 = arith.muli %arg1, %mul3A_28 : i32
    %add3A_30 = arith.constant 500 : i32
    %add3A_31 = arith.addi %mul3A_29, %add3A_30 : i32
    %dma_start3A_32 = arith.constant 0 : i32
    %dma_start3A_33 = tpu.memref_slice %arg12[%add3A_31, %dma_start3A_32] : memref<80000x16xf32, #tpu.memory_space<vmem_shared>> -> memref<250x16xf32, #tpu.memory_space<vmem_shared>>
    %dma_start3A_34 = arith.constant 0 : i32
    %dma_start3A_35 = tpu.memref_slice %arg12[%add3A_31, %dma_start3A_34] : memref<80000x16xf32, #tpu.memory_space<vmem_shared>> -> memref<250x16xf32, #tpu.memory_space<vmem_shared>>
    tpu.enqueue_dma source(%arg11 : memref<250x16xf32, #tpu.memory_space<vmem>>) target(%dma_start3A_35 : memref<250x16xf32, #tpu.memory_space<vmem_shared>>) target_semaphore(%arg14 : memref<!tpu.dma_semaphore, #tpu.memory_space<semaphore_mem>>)
    %mul3A_36 = arith.constant 5000 : i32
    %mul3A_37 = arith.muli %arg1, %mul3A_36 : i32
    %add3A_38 = arith.constant 750 : i32
    %add3A_39 = arith.addi %mul3A_37, %add3A_38 : i32
    %dma_start3A_40 = arith.constant 0 : i32
    %dma_start3A_41 = tpu.memref_slice %arg12[%add3A_39, %dma_start3A_40] : memref<80000x16xf32, #tpu.memory_space<vmem_shared>> -> memref<250x16xf32, #tpu.memory_space<vmem_shared>>
    %dma_start3A_42 = arith.constant 0 : i32
    %dma_start3A_43 = tpu.memref_slice %arg12[%add3A_39, %dma_start3A_42] : memref<80000x16xf32, #tpu.memory_space<vmem_shared>> -> memref<250x16xf32, #tpu.memory_space<vmem_shared>>
    tpu.enqueue_dma source(%arg11 : memref<250x16xf32, #tpu.memory_space<vmem>>) target(%dma_start3A_43 : memref<250x16xf32, #tpu.memory_space<vmem_shared>>) target_semaphore(%arg14 : memref<!tpu.dma_semaphore, #tpu.memory_space<semaphore_mem>>)
    %mul3A_44 = arith.constant 5000 : i32
    %mul3A_45 = arith.muli %arg1, %mul3A_44 : i32
    %add3A_46 = arith.constant 1000 : i32
    %add3A_47 = arith.addi %mul3A_45, %add3A_46 : i32
    %dma_start3A_48 = arith.constant 0 : i32
    %dma_start3A_49 = tpu.memref_slice %arg12[%add3A_47, %dma_start3A_48] : memref<80000x16xf32, #tpu.memory_space<vmem_shared>> -> memref<250x16xf32, #tpu.memory_space<vmem_shared>>
    %dma_start3A_50 = arith.constant 0 : i32
    %dma_start3A_51 = tpu.memref_slice %arg12[%add3A_47, %dma_start3A_50] : memref<80000x16xf32, #tpu.memory_space<vmem_shared>> -> memref<250x16xf32, #tpu.memory_space<vmem_shared>>
    tpu.enqueue_dma source(%arg11 : memref<250x16xf32, #tpu.memory_space<vmem>>) target(%dma_start3A_51 : memref<250x16xf32, #tpu.memory_space<vmem_shared>>) target_semaphore(%arg14 : memref<!tpu.dma_semaphore, #tpu.memory_space<semaphore_mem>>)
    %mul3A_52 = arith.constant 5000 : i32
    %mul3A_53 = arith.muli %arg1, %mul3A_52 : i32
    %add3A_54 = arith.constant 1250 : i32
    %add3A_55 = arith.addi %mul3A_53, %add3A_54 : i32
    %dma_start3A_56 = arith.constant 0 : i32
    %dma_start3A_57 = tpu.memref_slice %arg12[%add3A_55, %dma_start3A_56] : memref<80000x16xf32, #tpu.memory_space<vmem_shared>> -> memref<250x16xf32, #tpu.memory_space<vmem_shared>>
    %dma_start3A_58 = arith.constant 0 : i32
    %dma_start3A_59 = tpu.memref_slice %arg12[%add3A_55, %dma_start3A_58] : memref<80000x16xf32, #tpu.memory_space<vmem_shared>> -> memref<250x16xf32, #tpu.memory_space<vmem_shared>>
    tpu.enqueue_dma source(%arg11 : memref<250x16xf32, #tpu.memory_space<vmem>>) target(%dma_start3A_59 : memref<250x16xf32, #tpu.memory_space<vmem_shared>>) target_semaphore(%arg14 : memref<!tpu.dma_semaphore, #tpu.memory_space<semaphore_mem>>)
    %mul3A_60 = arith.constant 5000 : i32
    %mul3A_61 = arith.muli %arg1, %mul3A_60 : i32
    %add3A_62 = arith.constant 1500 : i32
    %add3A_63 = arith.addi %mul3A_61, %add3A_62 : i32
    %dma_start3A_64 = arith.constant 0 : i32
    %dma_start3A_65 = tpu.memref_slice %arg12[%add3A_63, %dma_start3A_64] : memref<80000x16xf32, #tpu.memory_space<vmem_shared>> -> memref<250x16xf32, #tpu.memory_space<vmem_shared>>
    %dma_start3A_66 = arith.constant 0 : i32
    %dma_start3A_67 = tpu.memref_slice %arg12[%add3A_63, %dma_start3A_66] : memref<80000x16xf32, #tpu.memory_space<vmem_shared>> -> memref<250x16xf32, #tpu.memory_space<vmem_shared>>
    tpu.enqueue_dma source(%arg11 : memref<250x16xf32, #tpu.memory_space<vmem>>) target(%dma_start3A_67 : memref<250x16xf32, #tpu.memory_space<vmem_shared>>) target_semaphore(%arg14 : memref<!tpu.dma_semaphore, #tpu.memory_space<semaphore_mem>>)
    %mul3A_68 = arith.constant 5000 : i32
    %mul3A_69 = arith.muli %arg1, %mul3A_68 : i32
    %add3A_70 = arith.constant 1750 : i32
    %add3A_71 = arith.addi %mul3A_69, %add3A_70 : i32
    %dma_start3A_72 = arith.constant 0 : i32
    %dma_start3A_73 = tpu.memref_slice %arg12[%add3A_71, %dma_start3A_72] : memref<80000x16xf32, #tpu.memory_space<vmem_shared>> -> memref<250x16xf32, #tpu.memory_space<vmem_shared>>
    %dma_start3A_74 = arith.constant 0 : i32
    %dma_start3A_75 = tpu.memref_slice %arg12[%add3A_71, %dma_start3A_74] : memref<80000x16xf32, #tpu.memory_space<vmem_shared>> -> memref<250x16xf32, #tpu.memory_space<vmem_shared>>
    tpu.enqueue_dma source(%arg11 : memref<250x16xf32, #tpu.memory_space<vmem>>) target(%dma_start3A_75 : memref<250x16xf32, #tpu.memory_space<vmem_shared>>) target_semaphore(%arg14 : memref<!tpu.dma_semaphore, #tpu.memory_space<semaphore_mem>>)
    %mul3A_76 = arith.constant 5000 : i32
    %mul3A_77 = arith.muli %arg1, %mul3A_76 : i32
    %add3A_78 = arith.constant 2000 : i32
    %add3A_79 = arith.addi %mul3A_77, %add3A_78 : i32
    %dma_start3A_80 = arith.constant 0 : i32
    %dma_start3A_81 = tpu.memref_slice %arg12[%add3A_79, %dma_start3A_80] : memref<80000x16xf32, #tpu.memory_space<vmem_shared>> -> memref<250x16xf32, #tpu.memory_space<vmem_shared>>
    %dma_start3A_82 = arith.constant 0 : i32
    %dma_start3A_83 = tpu.memref_slice %arg12[%add3A_79, %dma_start3A_82] : memref<80000x16xf32, #tpu.memory_space<vmem_shared>> -> memref<250x16xf32, #tpu.memory_space<vmem_shared>>
    tpu.enqueue_dma source(%arg11 : memref<250x16xf32, #tpu.memory_space<vmem>>) target(%dma_start3A_83 : memref<250x16xf32, #tpu.memory_space<vmem_shared>>) target_semaphore(%arg14 : memref<!tpu.dma_semaphore, #tpu.memory_space<semaphore_mem>>)
    %mul3A_84 = arith.constant 5000 : i32
    %mul3A_85 = arith.muli %arg1, %mul3A_84 : i32
    %add3A_86 = arith.constant 2250 : i32
    %add3A_87 = arith.addi %mul3A_85, %add3A_86 : i32
    %dma_start3A_88 = arith.constant 0 : i32
    %dma_start3A_89 = tpu.memref_slice %arg12[%add3A_87, %dma_start3A_88] : memref<80000x16xf32, #tpu.memory_space<vmem_shared>> -> memref<250x16xf32, #tpu.memory_space<vmem_shared>>
    %dma_start3A_90 = arith.constant 0 : i32
    %dma_start3A_91 = tpu.memref_slice %arg12[%add3A_87, %dma_start3A_90] : memref<80000x16xf32, #tpu.memory_space<vmem_shared>> -> memref<250x16xf32, #tpu.memory_space<vmem_shared>>
    tpu.enqueue_dma source(%arg11 : memref<250x16xf32, #tpu.memory_space<vmem>>) target(%dma_start3A_91 : memref<250x16xf32, #tpu.memory_space<vmem_shared>>) target_semaphore(%arg14 : memref<!tpu.dma_semaphore, #tpu.memory_space<semaphore_mem>>)
    %mul3A_92 = arith.constant 5000 : i32
    %mul3A_93 = arith.muli %arg1, %mul3A_92 : i32
    %add3A_94 = arith.constant 2500 : i32
    %add3A_95 = arith.addi %mul3A_93, %add3A_94 : i32
    %dma_start3A_96 = arith.constant 0 : i32
    %dma_start3A_97 = tpu.memref_slice %arg12[%add3A_95, %dma_start3A_96] : memref<80000x16xf32, #tpu.memory_space<vmem_shared>> -> memref<250x16xf32, #tpu.memory_space<vmem_shared>>
    %dma_start3A_98 = arith.constant 0 : i32
    %dma_start3A_99 = tpu.memref_slice %arg12[%add3A_95, %dma_start3A_98] : memref<80000x16xf32, #tpu.memory_space<vmem_shared>> -> memref<250x16xf32, #tpu.memory_space<vmem_shared>>
    tpu.enqueue_dma source(%arg11 : memref<250x16xf32, #tpu.memory_space<vmem>>) target(%dma_start3A_99 : memref<250x16xf32, #tpu.memory_space<vmem_shared>>) target_semaphore(%arg14 : memref<!tpu.dma_semaphore, #tpu.memory_space<semaphore_mem>>)
    %mul3A_100 = arith.constant 5000 : i32
    %mul3A_101 = arith.muli %arg1, %mul3A_100 : i32
    %add3A_102 = arith.constant 2750 : i32
    %add3A_103 = arith.addi %mul3A_101, %add3A_102 : i32
    %dma_start3A_104 = arith.constant 0 : i32
    %dma_start3A_105 = tpu.memref_slice %arg12[%add3A_103, %dma_start3A_104] : memref<80000x16xf32, #tpu.memory_space<vmem_shared>> -> memref<250x16xf32, #tpu.memory_space<vmem_shared>>
    %dma_start3A_106 = arith.constant 0 : i32
    %dma_start3A_107 = tpu.memref_slice %arg12[%add3A_103, %dma_start3A_106] : memref<80000x16xf32, #tpu.memory_space<vmem_shared>> -> memref<250x16xf32, #tpu.memory_space<vmem_shared>>
    tpu.enqueue_dma source(%arg11 : memref<250x16xf32, #tpu.memory_space<vmem>>) target(%dma_start3A_107 : memref<250x16xf32, #tpu.memory_space<vmem_shared>>) target_semaphore(%arg14 : memref<!tpu.dma_semaphore, #tpu.memory_space<semaphore_mem>>)
    %mul3A_108 = arith.constant 5000 : i32
    %mul3A_109 = arith.muli %arg1, %mul3A_108 : i32
    %add3A_110 = arith.constant 3000 : i32
    %add3A_111 = arith.addi %mul3A_109, %add3A_110 : i32
    %dma_start3A_112 = arith.constant 0 : i32
    %dma_start3A_113 = tpu.memref_slice %arg12[%add3A_111, %dma_start3A_112] : memref<80000x16xf32, #tpu.memory_space<vmem_shared>> -> memref<250x16xf32, #tpu.memory_space<vmem_shared>>
    %dma_start3A_114 = arith.constant 0 : i32
    %dma_start3A_115 = tpu.memref_slice %arg12[%add3A_111, %dma_start3A_114] : memref<80000x16xf32, #tpu.memory_space<vmem_shared>> -> memref<250x16xf32, #tpu.memory_space<vmem_shared>>
    tpu.enqueue_dma source(%arg11 : memref<250x16xf32, #tpu.memory_space<vmem>>) target(%dma_start3A_115 : memref<250x16xf32, #tpu.memory_space<vmem_shared>>) target_semaphore(%arg14 : memref<!tpu.dma_semaphore, #tpu.memory_space<semaphore_mem>>)
    %mul3A_116 = arith.constant 5000 : i32
    %mul3A_117 = arith.muli %arg1, %mul3A_116 : i32
    %add3A_118 = arith.constant 3250 : i32
    %add3A_119 = arith.addi %mul3A_117, %add3A_118 : i32
    %dma_start3A_120 = arith.constant 0 : i32
    %dma_start3A_121 = tpu.memref_slice %arg12[%add3A_119, %dma_start3A_120] : memref<80000x16xf32, #tpu.memory_space<vmem_shared>> -> memref<250x16xf32, #tpu.memory_space<vmem_shared>>
    %dma_start3A_122 = arith.constant 0 : i32
    %dma_start3A_123 = tpu.memref_slice %arg12[%add3A_119, %dma_start3A_122] : memref<80000x16xf32, #tpu.memory_space<vmem_shared>> -> memref<250x16xf32, #tpu.memory_space<vmem_shared>>
    tpu.enqueue_dma source(%arg11 : memref<250x16xf32, #tpu.memory_space<vmem>>) target(%dma_start3A_123 : memref<250x16xf32, #tpu.memory_space<vmem_shared>>) target_semaphore(%arg14 : memref<!tpu.dma_semaphore, #tpu.memory_space<semaphore_mem>>)
    %mul3A_124 = arith.constant 5000 : i32
    %mul3A_125 = arith.muli %arg1, %mul3A_124 : i32
    %add3A_126 = arith.constant 3500 : i32
    %add3A_127 = arith.addi %mul3A_125, %add3A_126 : i32
    %dma_start3A_128 = arith.constant 0 : i32
    %dma_start3A_129 = tpu.memref_slice %arg12[%add3A_127, %dma_start3A_128] : memref<80000x16xf32, #tpu.memory_space<vmem_shared>> -> memref<250x16xf32, #tpu.memory_space<vmem_shared>>
    %dma_start3A_130 = arith.constant 0 : i32
    %dma_start3A_131 = tpu.memref_slice %arg12[%add3A_127, %dma_start3A_130] : memref<80000x16xf32, #tpu.memory_space<vmem_shared>> -> memref<250x16xf32, #tpu.memory_space<vmem_shared>>
    tpu.enqueue_dma source(%arg11 : memref<250x16xf32, #tpu.memory_space<vmem>>) target(%dma_start3A_131 : memref<250x16xf32, #tpu.memory_space<vmem_shared>>) target_semaphore(%arg14 : memref<!tpu.dma_semaphore, #tpu.memory_space<semaphore_mem>>)
    %mul3A_132 = arith.constant 5000 : i32
    %mul3A_133 = arith.muli %arg1, %mul3A_132 : i32
    %add3A_134 = arith.constant 3750 : i32
    %add3A_135 = arith.addi %mul3A_133, %add3A_134 : i32
    %dma_start3A_136 = arith.constant 0 : i32
    %dma_start3A_137 = tpu.memref_slice %arg12[%add3A_135, %dma_start3A_136] : memref<80000x16xf32, #tpu.memory_space<vmem_shared>> -> memref<250x16xf32, #tpu.memory_space<vmem_shared>>
    %dma_start3A_138 = arith.constant 0 : i32
    %dma_start3A_139 = tpu.memref_slice %arg12[%add3A_135, %dma_start3A_138] : memref<80000x16xf32, #tpu.memory_space<vmem_shared>> -> memref<250x16xf32, #tpu.memory_space<vmem_shared>>
    tpu.enqueue_dma source(%arg11 : memref<250x16xf32, #tpu.memory_space<vmem>>) target(%dma_start3A_139 : memref<250x16xf32, #tpu.memory_space<vmem_shared>>) target_semaphore(%arg14 : memref<!tpu.dma_semaphore, #tpu.memory_space<semaphore_mem>>)
    %mul3A_140 = arith.constant 5000 : i32
    %mul3A_141 = arith.muli %arg1, %mul3A_140 : i32
    %add3A_142 = arith.constant 4000 : i32
    %add3A_143 = arith.addi %mul3A_141, %add3A_142 : i32
    %dma_start3A_144 = arith.constant 0 : i32
    %dma_start3A_145 = tpu.memref_slice %arg12[%add3A_143, %dma_start3A_144] : memref<80000x16xf32, #tpu.memory_space<vmem_shared>> -> memref<250x16xf32, #tpu.memory_space<vmem_shared>>
    %dma_start3A_146 = arith.constant 0 : i32
    %dma_start3A_147 = tpu.memref_slice %arg12[%add3A_143, %dma_start3A_146] : memref<80000x16xf32, #tpu.memory_space<vmem_shared>> -> memref<250x16xf32, #tpu.memory_space<vmem_shared>>
    tpu.enqueue_dma source(%arg11 : memref<250x16xf32, #tpu.memory_space<vmem>>) target(%dma_start3A_147 : memref<250x16xf32, #tpu.memory_space<vmem_shared>>) target_semaphore(%arg14 : memref<!tpu.dma_semaphore, #tpu.memory_space<semaphore_mem>>)
    %mul3A_148 = arith.constant 5000 : i32
    %mul3A_149 = arith.muli %arg1, %mul3A_148 : i32
    %add3A_150 = arith.constant 4250 : i32
    %add3A_151 = arith.addi %mul3A_149, %add3A_150 : i32
    %dma_start3A_152 = arith.constant 0 : i32
    %dma_start3A_153 = tpu.memref_slice %arg12[%add3A_151, %dma_start3A_152] : memref<80000x16xf32, #tpu.memory_space<vmem_shared>> -> memref<250x16xf32, #tpu.memory_space<vmem_shared>>
    %dma_start3A_154 = arith.constant 0 : i32
    %dma_start3A_155 = tpu.memref_slice %arg12[%add3A_151, %dma_start3A_154] : memref<80000x16xf32, #tpu.memory_space<vmem_shared>> -> memref<250x16xf32, #tpu.memory_space<vmem_shared>>
    tpu.enqueue_dma source(%arg11 : memref<250x16xf32, #tpu.memory_space<vmem>>) target(%dma_start3A_155 : memref<250x16xf32, #tpu.memory_space<vmem_shared>>) target_semaphore(%arg14 : memref<!tpu.dma_semaphore, #tpu.memory_space<semaphore_mem>>)
    %mul3A_156 = arith.constant 5000 : i32
    %mul3A_157 = arith.muli %arg1, %mul3A_156 : i32
    %add3A_158 = arith.constant 4500 : i32
    %add3A_159 = arith.addi %mul3A_157, %add3A_158 : i32
    %dma_start3A_160 = arith.constant 0 : i32
    %dma_start3A_161 = tpu.memref_slice %arg12[%add3A_159, %dma_start3A_160] : memref<80000x16xf32, #tpu.memory_space<vmem_shared>> -> memref<250x16xf32, #tpu.memory_space<vmem_shared>>
    %dma_start3A_162 = arith.constant 0 : i32
    %dma_start3A_163 = tpu.memref_slice %arg12[%add3A_159, %dma_start3A_162] : memref<80000x16xf32, #tpu.memory_space<vmem_shared>> -> memref<250x16xf32, #tpu.memory_space<vmem_shared>>
    tpu.enqueue_dma source(%arg11 : memref<250x16xf32, #tpu.memory_space<vmem>>) target(%dma_start3A_163 : memref<250x16xf32, #tpu.memory_space<vmem_shared>>) target_semaphore(%arg14 : memref<!tpu.dma_semaphore, #tpu.memory_space<semaphore_mem>>)
    %mul3A_164 = arith.constant 5000 : i32
    %mul3A_165 = arith.muli %arg1, %mul3A_164 : i32
    %add3A_166 = arith.constant 4750 : i32
    %add3A_167 = arith.addi %mul3A_165, %add3A_166 : i32
    %dma_start3A_168 = arith.constant 0 : i32
    %dma_start3A_169 = tpu.memref_slice %arg12[%add3A_167, %dma_start3A_168] : memref<80000x16xf32, #tpu.memory_space<vmem_shared>> -> memref<250x16xf32, #tpu.memory_space<vmem_shared>>
    %dma_start3A_170 = arith.constant 0 : i32
    %dma_start3A_171 = tpu.memref_slice %arg12[%add3A_167, %dma_start3A_170] : memref<80000x16xf32, #tpu.memory_space<vmem_shared>> -> memref<250x16xf32, #tpu.memory_space<vmem_shared>>
    tpu.enqueue_dma source(%arg11 : memref<250x16xf32, #tpu.memory_space<vmem>>) target(%dma_start3A_171 : memref<250x16xf32, #tpu.memory_space<vmem_shared>>) target_semaphore(%arg14 : memref<!tpu.dma_semaphore, #tpu.memory_space<semaphore_mem>>)
    %scan3A_172 = arith.constant 0 : i32
    %scan3A_173 = arith.constant 0 : i32
    %scan3A_174 = arith.constant 39 : i32
    %scan3A_175 = arith.addi %scan3A_173, %scan3A_174 : i32
    %scan3A_176 = arith.constant 1 : i32
    %scan3A_177 = scf.for %scan3A_1104 = %scan3A_173 to %scan3A_175 step %scan3A_176 iter_args(%scan3A_1105 = %scan3A_172) -> (i32)  : i32 {
      %broadcast_in_dim3A = arith.constant 1.000000e+00 : f32
      %broadcast_in_dim3A_1106 = vector.broadcast %broadcast_in_dim3A : f32 to vector<16xf32>
      %mul3A_1107 = arith.constant 16 : i32
      %mul3A_1108 = arith.muli %scan3A_1104, %mul3A_1107 : i32
      %swap3A = arith.index_cast %mul3A_1108 : i32 to index
      %swap3A_1109 = tpu.vector_load %arg19[%swap3A] {strides = array<i32>} : memref<624xf32, #tpu.memory_space<vmem>>, vector<16xf32>,
      %swap3A_1110 = vector.shape_cast %swap3A_1109 : vector<16xf32> to vector<16xf32>
      %swap3A_1111 = vector.shape_cast %broadcast_in_dim3A_1106 : vector<16xf32> to vector<16xf32>
      tpu.vector_store %arg19[%swap3A], %swap3A_1111 {strides = array<i32>} : memref<624xf32, #tpu.memory_space<vmem>>, vector<16xf32>,
      %scan3A_1112 = arith.constant 0 : i32
      scf.yield %scan3A_1112 : i32
    }
    %scan3A_178 = arith.constant 39 : i32
    %scan3A_179 = arith.constant 0 : i32
    %scan3A_180 = arith.constant 0 : i32
    %scan3A_181 = arith.constant 63 : i32
    %scan3A_182 = arith.addi %scan3A_180, %scan3A_181 : i32
    %scan3A_183 = arith.constant 1 : i32
    %scan3A_184 = scf.for %scan3A_1104 = %scan3A_180 to %scan3A_182 step %scan3A_183 iter_args(%scan3A_1105 = %scan3A_179) -> (i32)  : i32 {
      %broadcast_in_dim3A = arith.constant 0.000000e+00 : f32
      %broadcast_in_dim3A_1106 = vector.broadcast %broadcast_in_dim3A : f32 to vector<16xf32>
      %mul3A_1107 = arith.constant 16 : i32
      %mul3A_1108 = arith.muli %scan3A_1104, %mul3A_1107 : i32
      %swap3A = arith.index_cast %mul3A_1108 : i32 to index
      %swap3A_1109 = tpu.vector_load %arg20[%swap3A] {strides = array<i32>} : memref<1008xf32, #tpu.memory_space<vmem>>, vector<16xf32>,
      %swap3A_1110 = vector.shape_cast %swap3A_1109 : vector<16xf32> to vector<16xf32>
      %swap3A_1111 = vector.shape_cast %broadcast_in_dim3A_1106 : vector<16xf32> to vector<16xf32>
      tpu.vector_store %arg20[%swap3A], %swap3A_1111 {strides = array<i32>} : memref<1008xf32, #tpu.memory_space<vmem>>, vector<16xf32>,
      %scan3A_1112 = arith.constant 0 : i32
      scf.yield %scan3A_1112 : i32
    }
    %scan3A_185 = arith.constant 63 : i32
    %mul3A_186 = arith.constant 5000 : i32
    %mul3A_187 = arith.muli %arg1, %mul3A_186 : i32
    %add3A_188 = arith.constant 0 : i32
    %add3A_189 = arith.addi %mul3A_187, %add3A_188 : i32
    %dma_start3A_190 = arith.constant 0 : i32
    %dma_start3A_191 = tpu.memref_slice %arg20[%dma_start3A_190] : memref<1008xf32, #tpu.memory_space<vmem>> -> memref<1008xf32, #tpu.memory_space<vmem>>
    %dma_start3A_192 = tpu.memref_slice %arg21[%add3A_189] : memref<80000xf32, #tpu.memory_space<vmem_shared>> -> memref<1008xf32, #tpu.memory_space<vmem_shared>>
    %dma_start3A_193 = tpu.memref_slice %arg21[%add3A_189] : memref<80000xf32, #tpu.memory_space<vmem_shared>> -> memref<1008xf32, #tpu.memory_space<vmem_shared>>
    %dma_start3A_194 = arith.constant 0 : i32
    %dma_start3A_195 = tpu.memref_slice %arg20[%dma_start3A_194] : memref<1008xf32, #tpu.memory_space<vmem>> -> memref<1008xf32, #tpu.memory_space<vmem>>
    tpu.enqueue_dma source(%dma_start3A_195 : memref<1008xf32, #tpu.memory_space<vmem>>) target(%dma_start3A_193 : memref<1008xf32, #tpu.memory_space<vmem_shared>>) target_semaphore(%arg14 : memref<!tpu.dma_semaphore, #tpu.memory_space<semaphore_mem>>)
    %mul3A_196 = arith.constant 5000 : i32
    %mul3A_197 = arith.muli %arg1, %mul3A_196 : i32
    %add3A_198 = arith.constant 1008 : i32
    %add3A_199 = arith.addi %mul3A_197, %add3A_198 : i32
    %dma_start3A_200 = arith.constant 0 : i32
    %dma_start3A_201 = tpu.memref_slice %arg20[%dma_start3A_200] : memref<1008xf32, #tpu.memory_space<vmem>> -> memref<1008xf32, #tpu.memory_space<vmem>>
    %dma_start3A_202 = tpu.memref_slice %arg21[%add3A_199] : memref<80000xf32, #tpu.memory_space<vmem_shared>> -> memref<1008xf32, #tpu.memory_space<vmem_shared>>
    %dma_start3A_203 = tpu.memref_slice %arg21[%add3A_199] : memref<80000xf32, #tpu.memory_space<vmem_shared>> -> memref<1008xf32, #tpu.memory_space<vmem_shared>>
    %dma_start3A_204 = arith.constant 0 : i32
    %dma_start3A_205 = tpu.memref_slice %arg20[%dma_start3A_204] : memref<1008xf32, #tpu.memory_space<vmem>> -> memref<1008xf32, #tpu.memory_space<vmem>>
    tpu.enqueue_dma source(%dma_start3A_205 : memref<1008xf32, #tpu.memory_space<vmem>>) target(%dma_start3A_203 : memref<1008xf32, #tpu.memory_space<vmem_shared>>) target_semaphore(%arg14 : memref<!tpu.dma_semaphore, #tpu.memory_space<semaphore_mem>>)
    %mul3A_206 = arith.constant 5000 : i32
    %mul3A_207 = arith.muli %arg1, %mul3A_206 : i32
    %add3A_208 = arith.constant 2016 : i32
    %add3A_209 = arith.addi %mul3A_207, %add3A_208 : i32
    %dma_start3A_210 = arith.constant 0 : i32
    %dma_start3A_211 = tpu.memref_slice %arg20[%dma_start3A_210] : memref<1008xf32, #tpu.memory_space<vmem>> -> memref<1008xf32, #tpu.memory_space<vmem>>
    %dma_start3A_212 = tpu.memref_slice %arg21[%add3A_209] : memref<80000xf32, #tpu.memory_space<vmem_shared>> -> memref<1008xf32, #tpu.memory_space<vmem_shared>>
    %dma_start3A_213 = tpu.memref_slice %arg21[%add3A_209] : memref<80000xf32, #tpu.memory_space<vmem_shared>> -> memref<1008xf32, #tpu.memory_space<vmem_shared>>
    %dma_start3A_214 = arith.constant 0 : i32
    %dma_start3A_215 = tpu.memref_slice %arg20[%dma_start3A_214] : memref<1008xf32, #tpu.memory_space<vmem>> -> memref<1008xf32, #tpu.memory_space<vmem>>
    tpu.enqueue_dma source(%dma_start3A_215 : memref<1008xf32, #tpu.memory_space<vmem>>) target(%dma_start3A_213 : memref<1008xf32, #tpu.memory_space<vmem_shared>>) target_semaphore(%arg14 : memref<!tpu.dma_semaphore, #tpu.memory_space<semaphore_mem>>)
    %mul3A_216 = arith.constant 5000 : i32
    %mul3A_217 = arith.muli %arg1, %mul3A_216 : i32
    %add3A_218 = arith.constant 3024 : i32
    %add3A_219 = arith.addi %mul3A_217, %add3A_218 : i32
    %dma_start3A_220 = arith.constant 0 : i32
    %dma_start3A_221 = tpu.memref_slice %arg20[%dma_start3A_220] : memref<1008xf32, #tpu.memory_space<vmem>> -> memref<1008xf32, #tpu.memory_space<vmem>>
    %dma_start3A_222 = tpu.memref_slice %arg21[%add3A_219] : memref<80000xf32, #tpu.memory_space<vmem_shared>> -> memref<1008xf32, #tpu.memory_space<vmem_shared>>
    %dma_start3A_223 = tpu.memref_slice %arg21[%add3A_219] : memref<80000xf32, #tpu.memory_space<vmem_shared>> -> memref<1008xf32, #tpu.memory_space<vmem_shared>>
    %dma_start3A_224 = arith.constant 0 : i32
    %dma_start3A_225 = tpu.memref_slice %arg20[%dma_start3A_224] : memref<1008xf32, #tpu.memory_space<vmem>> -> memref<1008xf32, #tpu.memory_space<vmem>>
    tpu.enqueue_dma source(%dma_start3A_225 : memref<1008xf32, #tpu.memory_space<vmem>>) target(%dma_start3A_223 : memref<1008xf32, #tpu.memory_space<vmem_shared>>) target_semaphore(%arg14 : memref<!tpu.dma_semaphore, #tpu.memory_space<semaphore_mem>>)
    %mul3A_226 = arith.constant 5000 : i32
    %mul3A_227 = arith.muli %arg1, %mul3A_226 : i32
    %add3A_228 = arith.constant 4032 : i32
    %add3A_229 = arith.addi %mul3A_227, %add3A_228 : i32
    %dma_start3A_230 = arith.constant 0 : i32
    %dma_start3A_231 = tpu.memref_slice %arg20[%dma_start3A_230] : memref<1008xf32, #tpu.memory_space<vmem>> -> memref<968xf32, #tpu.memory_space<vmem>>
    %dma_start3A_232 = tpu.memref_slice %arg21[%add3A_229] : memref<80000xf32, #tpu.memory_space<vmem_shared>> -> memref<968xf32, #tpu.memory_space<vmem_shared>>
    %dma_start3A_233 = tpu.memref_slice %arg21[%add3A_229] : memref<80000xf32, #tpu.memory_space<vmem_shared>> -> memref<968xf32, #tpu.memory_space<vmem_shared>>
    %dma_start3A_234 = arith.constant 0 : i32
    %dma_start3A_235 = tpu.memref_slice %arg20[%dma_start3A_234] : memref<1008xf32, #tpu.memory_space<vmem>> -> memref<968xf32, #tpu.memory_space<vmem>>
    tpu.enqueue_dma source(%dma_start3A_235 : memref<968xf32, #tpu.memory_space<vmem>>) target(%dma_start3A_233 : memref<968xf32, #tpu.memory_space<vmem_shared>>) target_semaphore(%arg14 : memref<!tpu.dma_semaphore, #tpu.memory_space<semaphore_mem>>)
    %dma_wait3A = tpu.memref_slice %arg3[%multiple_of3A] : memref<320000xi32, #tpu.memory_space<hbm>> -> memref<10000xi32, #tpu.memory_space<hbm>>
    %dma_wait3A_236 = tpu.memref_slice %arg3[%multiple_of3A] : memref<320000xi32, #tpu.memory_space<hbm>> -> memref<10000xi32, #tpu.memory_space<hbm>>
    tpu.wait_dma2 semaphore(%arg13 : memref<!tpu.dma_semaphore, #tpu.memory_space<semaphore_mem>>) src(%dma_wait3A_236 : memref<10000xi32, #tpu.memory_space<hbm>>) dst(%arg7 : memref<10000xi32, #tpu.memory_space<vmem>>)
    %dma_wait3A_237 = tpu.memref_slice %arg4[%multiple_of3A] : memref<320000xi32, #tpu.memory_space<hbm>> -> memref<10000xi32, #tpu.memory_space<hbm>>
    %dma_wait3A_238 = tpu.memref_slice %arg4[%multiple_of3A] : memref<320000xi32, #tpu.memory_space<hbm>> -> memref<10000xi32, #tpu.memory_space<hbm>>
    tpu.wait_dma2 semaphore(%arg13 : memref<!tpu.dma_semaphore, #tpu.memory_space<semaphore_mem>>) src(%dma_wait3A_238 : memref<10000xi32, #tpu.memory_space<hbm>>) dst(%arg8 : memref<10000xi32, #tpu.memory_space<vmem>>)
    %dma_start3A_239 = arith.constant 0 : i32
    %dma_start3A_240 = arith.constant 0 : i32
    %dma_start3A_241 = tpu.memref_slice %arg9[%dma_start3A_239, %dma_start3A_240] : memref<624x16xf32, #tpu.memory_space<vmem>> -> memref<624x16xf32, #tpu.memory_space<vmem>>
    %dma_start3A_242 = arith.constant 0 : i32
    %dma_start3A_243 = tpu.memref_slice %arg7[%dma_start3A_242] : memref<10000xi32, #tpu.memory_space<vmem>> -> memref<624xi32, #tpu.memory_space<vmem>>
    %dma_start3A_244 = arith.constant 0 : i32
    %dma_start3A_245 = arith.constant 0 : i32
    %dma_start3A_246 = tpu.memref_slice %arg2[%dma_start3A_244, %dma_start3A_245] : memref<80000x16xf32, #tpu.memory_space<hbm>> -> memref<80000x16xf32, #tpu.memory_space<hbm>>
    tpu.enqueue_indirect_dma source(%dma_start3A_246 : memref<80000x16xf32, #tpu.memory_space<hbm>>) target(%dma_start3A_241 : memref<624x16xf32, #tpu.memory_space<vmem>>) offsets(%dma_start3A_243 : memref<624xi32, #tpu.memory_space<vmem>>) semaphore(%arg15 : memref<!tpu.dma_semaphore, #tpu.memory_space<semaphore_mem>>)
    %dma_wait3A_247 = arith.constant 0 : i32
    %dma_wait3A_248 = tpu.memref_slice %arg12[%add3A_15, %dma_wait3A_247] : memref<80000x16xf32, #tpu.memory_space<vmem_shared>> -> memref<250x16xf32, #tpu.memory_space<vmem_shared>>
    %dma_wait3A_249 = arith.constant 0 : i32
    %dma_wait3A_250 = tpu.memref_slice %arg12[%add3A_15, %dma_wait3A_249] : memref<80000x16xf32, #tpu.memory_space<vmem_shared>> -> memref<250x16xf32, #tpu.memory_space<vmem_shared>>
    tpu.wait_dma2 semaphore(%arg14 : memref<!tpu.dma_semaphore, #tpu.memory_space<semaphore_mem>>) src(%arg11 : memref<250x16xf32, #tpu.memory_space<vmem>>) dst(%dma_wait3A_250 : memref<250x16xf32, #tpu.memory_space<vmem_shared>>)
    %dma_wait3A_251 = arith.constant 0 : i32
    %dma_wait3A_252 = tpu.memref_slice %arg12[%add3A_23, %dma_wait3A_251] : memref<80000x16xf32, #tpu.memory_space<vmem_shared>> -> memref<250x16xf32, #tpu.memory_space<vmem_shared>>
    %dma_wait3A_253 = arith.constant 0 : i32
    %dma_wait3A_254 = tpu.memref_slice %arg12[%add3A_23, %dma_wait3A_253] : memref<80000x16xf32, #tpu.memory_space<vmem_shared>> -> memref<250x16xf32, #tpu.memory_space<vmem_shared>>
    tpu.wait_dma2 semaphore(%arg14 : memref<!tpu.dma_semaphore, #tpu.memory_space<semaphore_mem>>) src(%arg11 : memref<250x16xf32, #tpu.memory_space<vmem>>) dst(%dma_wait3A_254 : memref<250x16xf32, #tpu.memory_space<vmem_shared>>)
    %dma_wait3A_255 = arith.constant 0 : i32
    %dma_wait3A_256 = tpu.memref_slice %arg12[%add3A_31, %dma_wait3A_255] : memref<80000x16xf32, #tpu.memory_space<vmem_shared>> -> memref<250x16xf32, #tpu.memory_space<vmem_shared>>
    %dma_wait3A_257 = arith.constant 0 : i32
    %dma_wait3A_258 = tpu.memref_slice %arg12[%add3A_31, %dma_wait3A_257] : memref<80000x16xf32, #tpu.memory_space<vmem_shared>> -> memref<250x16xf32, #tpu.memory_space<vmem_shared>>
    tpu.wait_dma2 semaphore(%arg14 : memref<!tpu.dma_semaphore, #tpu.memory_space<semaphore_mem>>) src(%arg11 : memref<250x16xf32, #tpu.memory_space<vmem>>) dst(%dma_wait3A_258 : memref<250x16xf32, #tpu.memory_space<vmem_shared>>)
    %dma_wait3A_259 = arith.constant 0 : i32
    %dma_wait3A_260 = tpu.memref_slice %arg12[%add3A_39, %dma_wait3A_259] : memref<80000x16xf32, #tpu.memory_space<vmem_shared>> -> memref<250x16xf32, #tpu.memory_space<vmem_shared>>
    %dma_wait3A_261 = arith.constant 0 : i32
    %dma_wait3A_262 = tpu.memref_slice %arg12[%add3A_39, %dma_wait3A_261] : memref<80000x16xf32, #tpu.memory_space<vmem_shared>> -> memref<250x16xf32, #tpu.memory_space<vmem_shared>>
    tpu.wait_dma2 semaphore(%arg14 : memref<!tpu.dma_semaphore, #tpu.memory_space<semaphore_mem>>) src(%arg11 : memref<250x16xf32, #tpu.memory_space<vmem>>) dst(%dma_wait3A_262 : memref<250x16xf32, #tpu.memory_space<vmem_shared>>)
    %dma_wait3A_263 = arith.constant 0 : i32
    %dma_wait3A_264 = tpu.memref_slice %arg12[%add3A_47, %dma_wait3A_263] : memref<80000x16xf32, #tpu.memory_space<vmem_shared>> -> memref<250x16xf32, #tpu.memory_space<vmem_shared>>
    %dma_wait3A_265 = arith.constant 0 : i32
    %dma_wait3A_266 = tpu.memref_slice %arg12[%add3A_47, %dma_wait3A_265] : memref<80000x16xf32, #tpu.memory_space<vmem_shared>> -> memref<250x16xf32, #tpu.memory_space<vmem_shared>>
    tpu.wait_dma2 semaphore(%arg14 : memref<!tpu.dma_semaphore, #tpu.memory_space<semaphore_mem>>) src(%arg11 : memref<250x16xf32, #tpu.memory_space<vmem>>) dst(%dma_wait3A_266 : memref<250x16xf32, #tpu.memory_space<vmem_shared>>)
    %dma_wait3A_267 = arith.constant 0 : i32
    %dma_wait3A_268 = tpu.memref_slice %arg12[%add3A_55, %dma_wait3A_267] : memref<80000x16xf32, #tpu.memory_space<vmem_shared>> -> memref<250x16xf32, #tpu.memory_space<vmem_shared>>
    %dma_wait3A_269 = arith.constant 0 : i32
    %dma_wait3A_270 = tpu.memref_slice %arg12[%add3A_55, %dma_wait3A_269] : memref<80000x16xf32, #tpu.memory_space<vmem_shared>> -> memref<250x16xf32, #tpu.memory_space<vmem_shared>>
    tpu.wait_dma2 semaphore(%arg14 : memref<!tpu.dma_semaphore, #tpu.memory_space<semaphore_mem>>) src(%arg11 : memref<250x16xf32, #tpu.memory_space<vmem>>) dst(%dma_wait3A_270 : memref<250x16xf32, #tpu.memory_space<vmem_shared>>)
    %dma_wait3A_271 = arith.constant 0 : i32
    %dma_wait3A_272 = tpu.memref_slice %arg12[%add3A_63, %dma_wait3A_271] : memref<80000x16xf32, #tpu.memory_space<vmem_shared>> -> memref<250x16xf32, #tpu.memory_space<vmem_shared>>
    %dma_wait3A_273 = arith.constant 0 : i32
    %dma_wait3A_274 = tpu.memref_slice %arg12[%add3A_63, %dma_wait3A_273] : memref<80000x16xf32, #tpu.memory_space<vmem_shared>> -> memref<250x16xf32, #tpu.memory_space<vmem_shared>>
    tpu.wait_dma2 semaphore(%arg14 : memref<!tpu.dma_semaphore, #tpu.memory_space<semaphore_mem>>) src(%arg11 : memref<250x16xf32, #tpu.memory_space<vmem>>) dst(%dma_wait3A_274 : memref<250x16xf32, #tpu.memory_space<vmem_shared>>)
    %dma_wait3A_275 = arith.constant 0 : i32
    %dma_wait3A_276 = tpu.memref_slice %arg12[%add3A_71, %dma_wait3A_275] : memref<80000x16xf32, #tpu.memory_space<vmem_shared>> -> memref<250x16xf32, #tpu.memory_space<vmem_shared>>
    %dma_wait3A_277 = arith.constant 0 : i32
    %dma_wait3A_278 = tpu.memref_slice %arg12[%add3A_71, %dma_wait3A_277] : memref<80000x16xf32, #tpu.memory_space<vmem_shared>> -> memref<250x16xf32, #tpu.memory_space<vmem_shared>>
    tpu.wait_dma2 semaphore(%arg14 : memref<!tpu.dma_semaphore, #tpu.memory_space<semaphore_mem>>) src(%arg11 : memref<250x16xf32, #tpu.memory_space<vmem>>) dst(%dma_wait3A_278 : memref<250x16xf32, #tpu.memory_space<vmem_shared>>)
    %dma_wait3A_279 = arith.constant 0 : i32
    %dma_wait3A_280 = tpu.memref_slice %arg12[%add3A_79, %dma_wait3A_279] : memref<80000x16xf32, #tpu.memory_space<vmem_shared>> -> memref<250x16xf32, #tpu.memory_space<vmem_shared>>
    %dma_wait3A_281 = arith.constant 0 : i32
    %dma_wait3A_282 = tpu.memref_slice %arg12[%add3A_79, %dma_wait3A_281] : memref<80000x16xf32, #tpu.memory_space<vmem_shared>> -> memref<250x16xf32, #tpu.memory_space<vmem_shared>>
    tpu.wait_dma2 semaphore(%arg14 : memref<!tpu.dma_semaphore, #tpu.memory_space<semaphore_mem>>) src(%arg11 : memref<250x16xf32, #tpu.memory_space<vmem>>) dst(%dma_wait3A_282 : memref<250x16xf32, #tpu.memory_space<vmem_shared>>)
    %dma_wait3A_283 = arith.constant 0 : i32
    %dma_wait3A_284 = tpu.memref_slice %arg12[%add3A_87, %dma_wait3A_283] : memref<80000x16xf32, #tpu.memory_space<vmem_shared>> -> memref<250x16xf32, #tpu.memory_space<vmem_shared>>
    %dma_wait3A_285 = arith.constant 0 : i32
    %dma_wait3A_286 = tpu.memref_slice %arg12[%add3A_87, %dma_wait3A_285] : memref<80000x16xf32, #tpu.memory_space<vmem_shared>> -> memref<250x16xf32, #tpu.memory_space<vmem_shared>>
    tpu.wait_dma2 semaphore(%arg14 : memref<!tpu.dma_semaphore, #tpu.memory_space<semaphore_mem>>) src(%arg11 : memref<250x16xf32, #tpu.memory_space<vmem>>) dst(%dma_wait3A_286 : memref<250x16xf32, #tpu.memory_space<vmem_shared>>)
    %dma_wait3A_287 = arith.constant 0 : i32
    %dma_wait3A_288 = tpu.memref_slice %arg12[%add3A_95, %dma_wait3A_287] : memref<80000x16xf32, #tpu.memory_space<vmem_shared>> -> memref<250x16xf32, #tpu.memory_space<vmem_shared>>
    %dma_wait3A_289 = arith.constant 0 : i32
    %dma_wait3A_290 = tpu.memref_slice %arg12[%add3A_95, %dma_wait3A_289] : memref<80000x16xf32, #tpu.memory_space<vmem_shared>> -> memref<250x16xf32, #tpu.memory_space<vmem_shared>>
    tpu.wait_dma2 semaphore(%arg14 : memref<!tpu.dma_semaphore, #tpu.memory_space<semaphore_mem>>) src(%arg11 : memref<250x16xf32, #tpu.memory_space<vmem>>) dst(%dma_wait3A_290 : memref<250x16xf32, #tpu.memory_space<vmem_shared>>)
    %dma_wait3A_291 = arith.constant 0 : i32
    %dma_wait3A_292 = tpu.memref_slice %arg12[%add3A_103, %dma_wait3A_291] : memref<80000x16xf32, #tpu.memory_space<vmem_shared>> -> memref<250x16xf32, #tpu.memory_space<vmem_shared>>
    %dma_wait3A_293 = arith.constant 0 : i32
    %dma_wait3A_294 = tpu.memref_slice %arg12[%add3A_103, %dma_wait3A_293] : memref<80000x16xf32, #tpu.memory_space<vmem_shared>> -> memref<250x16xf32, #tpu.memory_space<vmem_shared>>
    tpu.wait_dma2 semaphore(%arg14 : memref<!tpu.dma_semaphore, #tpu.memory_space<semaphore_mem>>) src(%arg11 : memref<250x16xf32, #tpu.memory_space<vmem>>) dst(%dma_wait3A_294 : memref<250x16xf32, #tpu.memory_space<vmem_shared>>)
    %dma_wait3A_295 = arith.constant 0 : i32
    %dma_wait3A_296 = tpu.memref_slice %arg12[%add3A_111, %dma_wait3A_295] : memref<80000x16xf32, #tpu.memory_space<vmem_shared>> -> memref<250x16xf32, #tpu.memory_space<vmem_shared>>
    %dma_wait3A_297 = arith.constant 0 : i32
    %dma_wait3A_298 = tpu.memref_slice %arg12[%add3A_111, %dma_wait3A_297] : memref<80000x16xf32, #tpu.memory_space<vmem_shared>> -> memref<250x16xf32, #tpu.memory_space<vmem_shared>>
    tpu.wait_dma2 semaphore(%arg14 : memref<!tpu.dma_semaphore, #tpu.memory_space<semaphore_mem>>) src(%arg11 : memref<250x16xf32, #tpu.memory_space<vmem>>) dst(%dma_wait3A_298 : memref<250x16xf32, #tpu.memory_space<vmem_shared>>)
    %dma_wait3A_299 = arith.constant 0 : i32
    %dma_wait3A_300 = tpu.memref_slice %arg12[%add3A_119, %dma_wait3A_299] : memref<80000x16xf32, #tpu.memory_space<vmem_shared>> -> memref<250x16xf32, #tpu.memory_space<vmem_shared>>
    %dma_wait3A_301 = arith.constant 0 : i32
    %dma_wait3A_302 = tpu.memref_slice %arg12[%add3A_119, %dma_wait3A_301] : memref<80000x16xf32, #tpu.memory_space<vmem_shared>> -> memref<250x16xf32, #tpu.memory_space<vmem_shared>>
    tpu.wait_dma2 semaphore(%arg14 : memref<!tpu.dma_semaphore, #tpu.memory_space<semaphore_mem>>) src(%arg11 : memref<250x16xf32, #tpu.memory_space<vmem>>) dst(%dma_wait3A_302 : memref<250x16xf32, #tpu.memory_space<vmem_shared>>)
    %dma_wait3A_303 = arith.constant 0 : i32
    %dma_wait3A_304 = tpu.memref_slice %arg12[%add3A_127, %dma_wait3A_303] : memref<80000x16xf32, #tpu.memory_space<vmem_shared>> -> memref<250x16xf32, #tpu.memory_space<vmem_shared>>
    %dma_wait3A_305 = arith.constant 0 : i32
    %dma_wait3A_306 = tpu.memref_slice %arg12[%add3A_127, %dma_wait3A_305] : memref<80000x16xf32, #tpu.memory_space<vmem_shared>> -> memref<250x16xf32, #tpu.memory_space<vmem_shared>>
    tpu.wait_dma2 semaphore(%arg14 : memref<!tpu.dma_semaphore, #tpu.memory_space<semaphore_mem>>) src(%arg11 : memref<250x16xf32, #tpu.memory_space<vmem>>) dst(%dma_wait3A_306 : memref<250x16xf32, #tpu.memory_space<vmem_shared>>)
    %dma_wait3A_307 = arith.constant 0 : i32
    %dma_wait3A_308 = tpu.memref_slice %arg12[%add3A_135, %dma_wait3A_307] : memref<80000x16xf32, #tpu.memory_space<vmem_shared>> -> memref<250x16xf32, #tpu.memory_space<vmem_shared>>
    %dma_wait3A_309 = arith.constant 0 : i32
    %dma_wait3A_310 = tpu.memref_slice %arg12[%add3A_135, %dma_wait3A_309] : memref<80000x16xf32, #tpu.memory_space<vmem_shared>> -> memref<250x16xf32, #tpu.memory_space<vmem_shared>>
    tpu.wait_dma2 semaphore(%arg14 : memref<!tpu.dma_semaphore, #tpu.memory_space<semaphore_mem>>) src(%arg11 : memref<250x16xf32, #tpu.memory_space<vmem>>) dst(%dma_wait3A_310 : memref<250x16xf32, #tpu.memory_space<vmem_shared>>)
    %dma_wait3A_311 = arith.constant 0 : i32
    %dma_wait3A_312 = tpu.memref_slice %arg12[%add3A_143, %dma_wait3A_311] : memref<80000x16xf32, #tpu.memory_space<vmem_shared>> -> memref<250x16xf32, #tpu.memory_space<vmem_shared>>
    %dma_wait3A_313 = arith.constant 0 : i32
    %dma_wait3A_314 = tpu.memref_slice %arg12[%add3A_143, %dma_wait3A_313] : memref<80000x16xf32, #tpu.memory_space<vmem_shared>> -> memref<250x16xf32, #tpu.memory_space<vmem_shared>>
    tpu.wait_dma2 semaphore(%arg14 : memref<!tpu.dma_semaphore, #tpu.memory_space<semaphore_mem>>) src(%arg11 : memref<250x16xf32, #tpu.memory_space<vmem>>) dst(%dma_wait3A_314 : memref<250x16xf32, #tpu.memory_space<vmem_shared>>)
    %dma_wait3A_315 = arith.constant 0 : i32
    %dma_wait3A_316 = tpu.memref_slice %arg12[%add3A_151, %dma_wait3A_315] : memref<80000x16xf32, #tpu.memory_space<vmem_shared>> -> memref<250x16xf32, #tpu.memory_space<vmem_shared>>
    %dma_wait3A_317 = arith.constant 0 : i32
    %dma_wait3A_318 = tpu.memref_slice %arg12[%add3A_151, %dma_wait3A_317] : memref<80000x16xf32, #tpu.memory_space<vmem_shared>> -> memref<250x16xf32, #tpu.memory_space<vmem_shared>>
    tpu.wait_dma2 semaphore(%arg14 : memref<!tpu.dma_semaphore, #tpu.memory_space<semaphore_mem>>) src(%arg11 : memref<250x16xf32, #tpu.memory_space<vmem>>) dst(%dma_wait3A_318 : memref<250x16xf32, #tpu.memory_space<vmem_shared>>)
    %dma_wait3A_319 = arith.constant 0 : i32
    %dma_wait3A_320 = tpu.memref_slice %arg12[%add3A_159, %dma_wait3A_319] : memref<80000x16xf32, #tpu.memory_space<vmem_shared>> -> memref<250x16xf32, #tpu.memory_space<vmem_shared>>
    %dma_wait3A_321 = arith.constant 0 : i32
    %dma_wait3A_322 = tpu.memref_slice %arg12[%add3A_159, %dma_wait3A_321] : memref<80000x16xf32, #tpu.memory_space<vmem_shared>> -> memref<250x16xf32, #tpu.memory_space<vmem_shared>>
    tpu.wait_dma2 semaphore(%arg14 : memref<!tpu.dma_semaphore, #tpu.memory_space<semaphore_mem>>) src(%arg11 : memref<250x16xf32, #tpu.memory_space<vmem>>) dst(%dma_wait3A_322 : memref<250x16xf32, #tpu.memory_space<vmem_shared>>)
    %dma_wait3A_323 = arith.constant 0 : i32
    %dma_wait3A_324 = tpu.memref_slice %arg12[%add3A_167, %dma_wait3A_323] : memref<80000x16xf32, #tpu.memory_space<vmem_shared>> -> memref<250x16xf32, #tpu.memory_space<vmem_shared>>
    %dma_wait3A_325 = arith.constant 0 : i32
    %dma_wait3A_326 = tpu.memref_slice %arg12[%add3A_167, %dma_wait3A_325] : memref<80000x16xf32, #tpu.memory_space<vmem_shared>> -> memref<250x16xf32, #tpu.memory_space<vmem_shared>>
    tpu.wait_dma2 semaphore(%arg14 : memref<!tpu.dma_semaphore, #tpu.memory_space<semaphore_mem>>) src(%arg11 : memref<250x16xf32, #tpu.memory_space<vmem>>) dst(%dma_wait3A_326 : memref<250x16xf32, #tpu.memory_space<vmem_shared>>)
    %dma_wait3A_327 = arith.constant 0 : i32
    %dma_wait3A_328 = tpu.memref_slice %arg20[%dma_wait3A_327] : memref<1008xf32, #tpu.memory_space<vmem>> -> memref<1008xf32, #tpu.memory_space<vmem>>
    %dma_wait3A_329 = tpu.memref_slice %arg21[%add3A_189] : memref<80000xf32, #tpu.memory_space<vmem_shared>> -> memref<1008xf32, #tpu.memory_space<vmem_shared>>
    %dma_wait3A_330 = tpu.memref_slice %arg21[%add3A_189] : memref<80000xf32, #tpu.memory_space<vmem_shared>> -> memref<1008xf32, #tpu.memory_space<vmem_shared>>
    %dma_wait3A_331 = arith.constant 0 : i32
    %dma_wait3A_332 = tpu.memref_slice %arg20[%dma_wait3A_331] : memref<1008xf32, #tpu.memory_space<vmem>> -> memref<1008xf32, #tpu.memory_space<vmem>>
    tpu.wait_dma2 semaphore(%arg14 : memref<!tpu.dma_semaphore, #tpu.memory_space<semaphore_mem>>) src(%dma_wait3A_332 : memref<1008xf32, #tpu.memory_space<vmem>>) dst(%dma_wait3A_330 : memref<1008xf32, #tpu.memory_space<vmem_shared>>)
    %dma_wait3A_333 = arith.constant 0 : i32
    %dma_wait3A_334 = tpu.memref_slice %arg20[%dma_wait3A_333] : memref<1008xf32, #tpu.memory_space<vmem>> -> memref<1008xf32, #tpu.memory_space<vmem>>
    %dma_wait3A_335 = tpu.memref_slice %arg21[%add3A_199] : memref<80000xf32, #tpu.memory_space<vmem_shared>> -> memref<1008xf32, #tpu.memory_space<vmem_shared>>
    %dma_wait3A_336 = tpu.memref_slice %arg21[%add3A_199] : memref<80000xf32, #tpu.memory_space<vmem_shared>> -> memref<1008xf32, #tpu.memory_space<vmem_shared>>
    %dma_wait3A_337 = arith.constant 0 : i32
    %dma_wait3A_338 = tpu.memref_slice %arg20[%dma_wait3A_337] : memref<1008xf32, #tpu.memory_space<vmem>> -> memref<1008xf32, #tpu.memory_space<vmem>>
    tpu.wait_dma2 semaphore(%arg14 : memref<!tpu.dma_semaphore, #tpu.memory_space<semaphore_mem>>) src(%dma_wait3A_338 : memref<1008xf32, #tpu.memory_space<vmem>>) dst(%dma_wait3A_336 : memref<1008xf32, #tpu.memory_space<vmem_shared>>)
    %dma_wait3A_339 = arith.constant 0 : i32
    %dma_wait3A_340 = tpu.memref_slice %arg20[%dma_wait3A_339] : memref<1008xf32, #tpu.memory_space<vmem>> -> memref<1008xf32, #tpu.memory_space<vmem>>
    %dma_wait3A_341 = tpu.memref_slice %arg21[%add3A_209] : memref<80000xf32, #tpu.memory_space<vmem_shared>> -> memref<1008xf32, #tpu.memory_space<vmem_shared>>
    %dma_wait3A_342 = tpu.memref_slice %arg21[%add3A_209] : memref<80000xf32, #tpu.memory_space<vmem_shared>> -> memref<1008xf32, #tpu.memory_space<vmem_shared>>
    %dma_wait3A_343 = arith.constant 0 : i32
    %dma_wait3A_344 = tpu.memref_slice %arg20[%dma_wait3A_343] : memref<1008xf32, #tpu.memory_space<vmem>> -> memref<1008xf32, #tpu.memory_space<vmem>>
    tpu.wait_dma2 semaphore(%arg14 : memref<!tpu.dma_semaphore, #tpu.memory_space<semaphore_mem>>) src(%dma_wait3A_344 : memref<1008xf32, #tpu.memory_space<vmem>>) dst(%dma_wait3A_342 : memref<1008xf32, #tpu.memory_space<vmem_shared>>)
    %dma_wait3A_345 = arith.constant 0 : i32
    %dma_wait3A_346 = tpu.memref_slice %arg20[%dma_wait3A_345] : memref<1008xf32, #tpu.memory_space<vmem>> -> memref<1008xf32, #tpu.memory_space<vmem>>
    %dma_wait3A_347 = tpu.memref_slice %arg21[%add3A_219] : memref<80000xf32, #tpu.memory_space<vmem_shared>> -> memref<1008xf32, #tpu.memory_space<vmem_shared>>
    %dma_wait3A_348 = tpu.memref_slice %arg21[%add3A_219] : memref<80000xf32, #tpu.memory_space<vmem_shared>> -> memref<1008xf32, #tpu.memory_space<vmem_shared>>
    %dma_wait3A_349 = arith.constant 0 : i32
    %dma_wait3A_350 = tpu.memref_slice %arg20[%dma_wait3A_349] : memref<1008xf32, #tpu.memory_space<vmem>> -> memref<1008xf32, #tpu.memory_space<vmem>>
    tpu.wait_dma2 semaphore(%arg14 : memref<!tpu.dma_semaphore, #tpu.memory_space<semaphore_mem>>) src(%dma_wait3A_350 : memref<1008xf32, #tpu.memory_space<vmem>>) dst(%dma_wait3A_348 : memref<1008xf32, #tpu.memory_space<vmem_shared>>)
    %dma_wait3A_351 = arith.constant 0 : i32
    %dma_wait3A_352 = tpu.memref_slice %arg20[%dma_wait3A_351] : memref<1008xf32, #tpu.memory_space<vmem>> -> memref<968xf32, #tpu.memory_space<vmem>>
    %dma_wait3A_353 = tpu.memref_slice %arg21[%add3A_229] : memref<80000xf32, #tpu.memory_space<vmem_shared>> -> memref<968xf32, #tpu.memory_space<vmem_shared>>
    %dma_wait3A_354 = tpu.memref_slice %arg21[%add3A_229] : memref<80000xf32, #tpu.memory_space<vmem_shared>> -> memref<968xf32, #tpu.memory_space<vmem_shared>>
    %dma_wait3A_355 = arith.constant 0 : i32
    %dma_wait3A_356 = tpu.memref_slice %arg20[%dma_wait3A_355] : memref<1008xf32, #tpu.memory_space<vmem>> -> memref<968xf32, #tpu.memory_space<vmem>>
    tpu.wait_dma2 semaphore(%arg14 : memref<!tpu.dma_semaphore, #tpu.memory_space<semaphore_mem>>) src(%dma_wait3A_356 : memref<968xf32, #tpu.memory_space<vmem>>) dst(%dma_wait3A_354 : memref<968xf32, #tpu.memory_space<vmem_shared>>)
    %barrier3A = arith.constant 0 : index
    tpu.barrier barrier_id(%barrier3A)
    %dma_start3A_357 = arith.constant 0 : i32
    %dma_start3A_358 = arith.constant 0 : i32
    %dma_start3A_359 = tpu.memref_slice %arg10[%dma_start3A_357, %dma_start3A_358] : memref<624x16xf32, #tpu.memory_space<vmem>> -> memref<624x16xf32, #tpu.memory_space<vmem>>
    %dma_start3A_360 = arith.constant 624 : i32
    %dma_start3A_361 = tpu.memref_slice %arg7[%dma_start3A_360] : memref<10000xi32, #tpu.memory_space<vmem>> -> memref<624xi32, #tpu.memory_space<vmem>>
    %dma_start3A_362 = arith.constant 0 : i32
    %dma_start3A_363 = arith.constant 0 : i32
    %dma_start3A_364 = tpu.memref_slice %arg2[%dma_start3A_362, %dma_start3A_363] : memref<80000x16xf32, #tpu.memory_space<hbm>> -> memref<80000x16xf32, #tpu.memory_space<hbm>>
    tpu.enqueue_indirect_dma source(%dma_start3A_364 : memref<80000x16xf32, #tpu.memory_space<hbm>>) target(%dma_start3A_359 : memref<624x16xf32, #tpu.memory_space<vmem>>) offsets(%dma_start3A_361 : memref<624xi32, #tpu.memory_space<vmem>>) semaphore(%arg16 : memref<!tpu.dma_semaphore, #tpu.memory_space<semaphore_mem>>)
    %dma_wait3A_365 = arith.constant 0 : i32
    %dma_wait3A_366 = arith.constant 0 : i32
    %dma_wait3A_367 = tpu.memref_slice %arg9[%dma_wait3A_365, %dma_wait3A_366] : memref<624x16xf32, #tpu.memory_space<vmem>> -> memref<624x16xf32, #tpu.memory_space<vmem>>
    %dma_wait3A_368 = arith.constant 0 : i32
    %dma_wait3A_369 = tpu.memref_slice %arg7[%dma_wait3A_368] : memref<10000xi32, #tpu.memory_space<vmem>> -> memref<624xi32, #tpu.memory_space<vmem>>
    %dma_wait3A_370 = arith.constant 0 : i32
    %dma_wait3A_371 = arith.constant 0 : i32
    %dma_wait3A_372 = tpu.memref_slice %arg2[%dma_wait3A_370, %dma_wait3A_371] : memref<80000x16xf32, #tpu.memory_space<hbm>> -> memref<80000x16xf32, #tpu.memory_space<hbm>>
    tpu.wait_indirect_dma semaphore(%arg15 : memref<!tpu.dma_semaphore, #tpu.memory_space<semaphore_mem>>) src(%dma_wait3A_372 : memref<80000x16xf32, #tpu.memory_space<hbm>>) dst(%dma_wait3A_367 : memref<624x16xf32, #tpu.memory_space<vmem>>)
    %dma_start3A_373 = arith.constant 0 : i32
    %dma_start3A_374 = arith.constant 0 : i32
    %dma_start3A_375 = tpu.memref_slice %arg9[%dma_start3A_373, %dma_start3A_374] : memref<624x16xf32, #tpu.memory_space<vmem>> -> memref<624x16xf32, #tpu.memory_space<vmem>>
    %dma_start3A_376 = arith.constant 0 : i32
    %dma_start3A_377 = tpu.memref_slice %arg8[%dma_start3A_376] : memref<10000xi32, #tpu.memory_space<vmem>> -> memref<624xi32, #tpu.memory_space<vmem>>
    %dma_start3A_378 = arith.constant 0 : i32
    %dma_start3A_379 = arith.constant 0 : i32
    %dma_start3A_380 = tpu.memref_slice %arg12[%dma_start3A_378, %dma_start3A_379] : memref<80000x16xf32, #tpu.memory_space<vmem_shared>> -> memref<80000x16xf32, #tpu.memory_space<vmem_shared>>
    tpu.enqueue_indirect_dma source(%dma_start3A_375 : memref<624x16xf32, #tpu.memory_space<vmem>>) target(%dma_start3A_380 : memref<80000x16xf32, #tpu.memory_space<vmem_shared>>) offsets(%dma_start3A_377 : memref<624xi32, #tpu.memory_space<vmem>>) semaphore(%arg17 : memref<!tpu.dma_semaphore, #tpu.memory_space<semaphore_mem>>) {add = true}
    %dma_start3A_381 = arith.constant 0 : i32
    %dma_start3A_382 = tpu.memref_slice %arg19[%dma_start3A_381] : memref<624xf32, #tpu.memory_space<vmem>> -> memref<624xf32, #tpu.memory_space<vmem>>
    %dma_start3A_383 = arith.constant 0 : i32
    %dma_start3A_384 = tpu.memref_slice %arg8[%dma_start3A_383] : memref<10000xi32, #tpu.memory_space<vmem>> -> memref<624xi32, #tpu.memory_space<vmem>>
    %dma_start3A_385 = arith.constant 0 : i32
    %dma_start3A_386 = tpu.memref_slice %arg21[%dma_start3A_385] : memref<80000xf32, #tpu.memory_space<vmem_shared>> -> memref<80000xf32, #tpu.memory_space<vmem_shared>>
    tpu.enqueue_indirect_dma source(%dma_start3A_382 : memref<624xf32, #tpu.memory_space<vmem>>) target(%dma_start3A_386 : memref<80000xf32, #tpu.memory_space<vmem_shared>>) offsets(%dma_start3A_384 : memref<624xi32, #tpu.memory_space<vmem>>) semaphore(%arg17 : memref<!tpu.dma_semaphore, #tpu.memory_space<semaphore_mem>>) {add = true}
    %dma_wait3A_387 = arith.constant 0 : i32
    %dma_wait3A_388 = arith.constant 0 : i32
    %dma_wait3A_389 = tpu.memref_slice %arg9[%dma_wait3A_387, %dma_wait3A_388] : memref<624x16xf32, #tpu.memory_space<vmem>> -> memref<624x16xf32, #tpu.memory_space<vmem>>
    %dma_wait3A_390 = arith.constant 0 : i32
    %dma_wait3A_391 = tpu.memref_slice %arg8[%dma_wait3A_390] : memref<10000xi32, #tpu.memory_space<vmem>> -> memref<624xi32, #tpu.memory_space<vmem>>
    %dma_wait3A_392 = arith.constant 0 : i32
    %dma_wait3A_393 = arith.constant 0 : i32
    %dma_wait3A_394 = tpu.memref_slice %arg12[%dma_wait3A_392, %dma_wait3A_393] : memref<80000x16xf32, #tpu.memory_space<vmem_shared>> -> memref<80000x16xf32, #tpu.memory_space<vmem_shared>>
    tpu.wait_indirect_dma semaphore(%arg17 : memref<!tpu.dma_semaphore, #tpu.memory_space<semaphore_mem>>) src(%dma_wait3A_389 : memref<624x16xf32, #tpu.memory_space<vmem>>) dst(%dma_wait3A_394 : memref<80000x16xf32, #tpu.memory_space<vmem_shared>>)
    %dma_wait3A_395 = arith.constant 0 : i32
    %dma_wait3A_396 = tpu.memref_slice %arg19[%dma_wait3A_395] : memref<624xf32, #tpu.memory_space<vmem>> -> memref<624xf32, #tpu.memory_space<vmem>>
    %dma_wait3A_397 = arith.constant 0 : i32
    %dma_wait3A_398 = tpu.memref_slice %arg8[%dma_wait3A_397] : memref<10000xi32, #tpu.memory_space<vmem>> -> memref<624xi32, #tpu.memory_space<vmem>>
    %dma_wait3A_399 = arith.constant 0 : i32
    %dma_wait3A_400 = tpu.memref_slice %arg21[%dma_wait3A_399] : memref<80000xf32, #tpu.memory_space<vmem_shared>> -> memref<80000xf32, #tpu.memory_space<vmem_shared>>
    tpu.wait_indirect_dma semaphore(%arg17 : memref<!tpu.dma_semaphore, #tpu.memory_space<semaphore_mem>>) src(%dma_wait3A_396 : memref<624xf32, #tpu.memory_space<vmem>>) dst(%dma_wait3A_400 : memref<80000xf32, #tpu.memory_space<vmem_shared>>)
    %dma_start3A_401 = arith.constant 0 : i32
    %dma_start3A_402 = arith.constant 0 : i32
    %dma_start3A_403 = tpu.memref_slice %arg9[%dma_start3A_401, %dma_start3A_402] : memref<624x16xf32, #tpu.memory_space<vmem>> -> memref<624x16xf32, #tpu.memory_space<vmem>>
    %dma_start3A_404 = arith.constant 1248 : i32
    %dma_start3A_405 = tpu.memref_slice %arg7[%dma_start3A_404] : memref<10000xi32, #tpu.memory_space<vmem>> -> memref<624xi32, #tpu.memory_space<vmem>>
    %dma_start3A_406 = arith.constant 0 : i32
    %dma_start3A_407 = arith.constant 0 : i32
    %dma_start3A_408 = tpu.memref_slice %arg2[%dma_start3A_406, %dma_start3A_407] : memref<80000x16xf32, #tpu.memory_space<hbm>> -> memref<80000x16xf32, #tpu.memory_space<hbm>>
    tpu.enqueue_indirect_dma source(%dma_start3A_408 : memref<80000x16xf32, #tpu.memory_space<hbm>>) target(%dma_start3A_403 : memref<624x16xf32, #tpu.memory_space<vmem>>) offsets(%dma_start3A_405 : memref<624xi32, #tpu.memory_space<vmem>>) semaphore(%arg15 : memref<!tpu.dma_semaphore, #tpu.memory_space<semaphore_mem>>)
    %dma_wait3A_409 = arith.constant 0 : i32
    %dma_wait3A_410 = arith.constant 0 : i32
    %dma_wait3A_411 = tpu.memref_slice %arg10[%dma_wait3A_409, %dma_wait3A_410] : memref<624x16xf32, #tpu.memory_space<vmem>> -> memref<624x16xf32, #tpu.memory_space<vmem>>
    %dma_wait3A_412 = arith.constant 624 : i32
    %dma_wait3A_413 = tpu.memref_slice %arg7[%dma_wait3A_412] : memref<10000xi32, #tpu.memory_space<vmem>> -> memref<624xi32, #tpu.memory_space<vmem>>
    %dma_wait3A_414 = arith.constant 0 : i32
    %dma_wait3A_415 = arith.constant 0 : i32
    %dma_wait3A_416 = tpu.memref_slice %arg2[%dma_wait3A_414, %dma_wait3A_415] : memref<80000x16xf32, #tpu.memory_space<hbm>> -> memref<80000x16xf32, #tpu.memory_space<hbm>>
    tpu.wait_indirect_dma semaphore(%arg16 : memref<!tpu.dma_semaphore, #tpu.memory_space<semaphore_mem>>) src(%dma_wait3A_416 : memref<80000x16xf32, #tpu.memory_space<hbm>>) dst(%dma_wait3A_411 : memref<624x16xf32, #tpu.memory_space<vmem>>)
    %dma_start3A_417 = arith.constant 0 : i32
    %dma_start3A_418 = arith.constant 0 : i32
    %dma_start3A_419 = tpu.memref_slice %arg10[%dma_start3A_417, %dma_start3A_418] : memref<624x16xf32, #tpu.memory_space<vmem>> -> memref<624x16xf32, #tpu.memory_space<vmem>>
    %dma_start3A_420 = arith.constant 624 : i32
    %dma_start3A_421 = tpu.memref_slice %arg8[%dma_start3A_420] : memref<10000xi32, #tpu.memory_space<vmem>> -> memref<624xi32, #tpu.memory_space<vmem>>
    %dma_start3A_422 = arith.constant 0 : i32
    %dma_start3A_423 = arith.constant 0 : i32
    %dma_start3A_424 = tpu.memref_slice %arg12[%dma_start3A_422, %dma_start3A_423] : memref<80000x16xf32, #tpu.memory_space<vmem_shared>> -> memref<80000x16xf32, #tpu.memory_space<vmem_shared>>
    tpu.enqueue_indirect_dma source(%dma_start3A_419 : memref<624x16xf32, #tpu.memory_space<vmem>>) target(%dma_start3A_424 : memref<80000x16xf32, #tpu.memory_space<vmem_shared>>) offsets(%dma_start3A_421 : memref<624xi32, #tpu.memory_space<vmem>>) semaphore(%arg18 : memref<!tpu.dma_semaphore, #tpu.memory_space<semaphore_mem>>) {add = true}
    %dma_start3A_425 = arith.constant 0 : i32
    %dma_start3A_426 = tpu.memref_slice %arg19[%dma_start3A_425] : memref<624xf32, #tpu.memory_space<vmem>> -> memref<624xf32, #tpu.memory_space<vmem>>
    %dma_start3A_427 = arith.constant 624 : i32
    %dma_start3A_428 = tpu.memref_slice %arg8[%dma_start3A_427] : memref<10000xi32, #tpu.memory_space<vmem>> -> memref<624xi32, #tpu.memory_space<vmem>>
    %dma_start3A_429 = arith.constant 0 : i32
    %dma_start3A_430 = tpu.memref_slice %arg21[%dma_start3A_429] : memref<80000xf32, #tpu.memory_space<vmem_shared>> -> memref<80000xf32, #tpu.memory_space<vmem_shared>>
    tpu.enqueue_indirect_dma source(%dma_start3A_426 : memref<624xf32, #tpu.memory_space<vmem>>) target(%dma_start3A_430 : memref<80000xf32, #tpu.memory_space<vmem_shared>>) offsets(%dma_start3A_428 : memref<624xi32, #tpu.memory_space<vmem>>) semaphore(%arg18 : memref<!tpu.dma_semaphore, #tpu.memory_space<semaphore_mem>>) {add = true}
    %dma_wait3A_431 = arith.constant 0 : i32
    %dma_wait3A_432 = arith.constant 0 : i32
    %dma_wait3A_433 = tpu.memref_slice %arg10[%dma_wait3A_431, %dma_wait3A_432] : memref<624x16xf32, #tpu.memory_space<vmem>> -> memref<624x16xf32, #tpu.memory_space<vmem>>
    %dma_wait3A_434 = arith.constant 624 : i32
    %dma_wait3A_435 = tpu.memref_slice %arg8[%dma_wait3A_434] : memref<10000xi32, #tpu.memory_space<vmem>> -> memref<624xi32, #tpu.memory_space<vmem>>
    %dma_wait3A_436 = arith.constant 0 : i32
    %dma_wait3A_437 = arith.constant 0 : i32
    %dma_wait3A_438 = tpu.memref_slice %arg12[%dma_wait3A_436, %dma_wait3A_437] : memref<80000x16xf32, #tpu.memory_space<vmem_shared>> -> memref<80000x16xf32, #tpu.memory_space<vmem_shared>>
    tpu.wait_indirect_dma semaphore(%arg18 : memref<!tpu.dma_semaphore, #tpu.memory_space<semaphore_mem>>) src(%dma_wait3A_433 : memref<624x16xf32, #tpu.memory_space<vmem>>) dst(%dma_wait3A_438 : memref<80000x16xf32, #tpu.memory_space<vmem_shared>>)
    %dma_wait3A_439 = arith.constant 0 : i32
    %dma_wait3A_440 = tpu.memref_slice %arg19[%dma_wait3A_439] : memref<624xf32, #tpu.memory_space<vmem>> -> memref<624xf32, #tpu.memory_space<vmem>>
    %dma_wait3A_441 = arith.constant 624 : i32
    %dma_wait3A_442 = tpu.memref_slice %arg8[%dma_wait3A_441] : memref<10000xi32, #tpu.memory_space<vmem>> -> memref<624xi32, #tpu.memory_space<vmem>>
    %dma_wait3A_443 = arith.constant 0 : i32
    %dma_wait3A_444 = tpu.memref_slice %arg21[%dma_wait3A_443] : memref<80000xf32, #tpu.memory_space<vmem_shared>> -> memref<80000xf32, #tpu.memory_space<vmem_shared>>
    tpu.wait_indirect_dma semaphore(%arg18 : memref<!tpu.dma_semaphore, #tpu.memory_space<semaphore_mem>>) src(%dma_wait3A_440 : memref<624xf32, #tpu.memory_space<vmem>>) dst(%dma_wait3A_444 : memref<80000xf32, #tpu.memory_space<vmem_shared>>)
    %dma_start3A_445 = arith.constant 0 : i32
    %dma_start3A_446 = arith.constant 0 : i32
    %dma_start3A_447 = tpu.memref_slice %arg10[%dma_start3A_445, %dma_start3A_446] : memref<624x16xf32, #tpu.memory_space<vmem>> -> memref<624x16xf32, #tpu.memory_space<vmem>>
    %dma_start3A_448 = arith.constant 1872 : i32
    %dma_start3A_449 = tpu.memref_slice %arg7[%dma_start3A_448] : memref<10000xi32, #tpu.memory_space<vmem>> -> memref<624xi32, #tpu.memory_space<vmem>>
    %dma_start3A_450 = arith.constant 0 : i32
    %dma_start3A_451 = arith.constant 0 : i32
    %dma_start3A_452 = tpu.memref_slice %arg2[%dma_start3A_450, %dma_start3A_451] : memref<80000x16xf32, #tpu.memory_space<hbm>> -> memref<80000x16xf32, #tpu.memory_space<hbm>>
    tpu.enqueue_indirect_dma source(%dma_start3A_452 : memref<80000x16xf32, #tpu.memory_space<hbm>>) target(%dma_start3A_447 : memref<624x16xf32, #tpu.memory_space<vmem>>) offsets(%dma_start3A_449 : memref<624xi32, #tpu.memory_space<vmem>>) semaphore(%arg16 : memref<!tpu.dma_semaphore, #tpu.memory_space<semaphore_mem>>)
    %dma_wait3A_453 = arith.constant 0 : i32
    %dma_wait3A_454 = arith.constant 0 : i32
    %dma_wait3A_455 = tpu.memref_slice %arg9[%dma_wait3A_453, %dma_wait3A_454] : memref<624x16xf32, #tpu.memory_space<vmem>> -> memref<624x16xf32, #tpu.memory_space<vmem>>
    %dma_wait3A_456 = arith.constant 1248 : i32
    %dma_wait3A_457 = tpu.memref_slice %arg7[%dma_wait3A_456] : memref<10000xi32, #tpu.memory_space<vmem>> -> memref<624xi32, #tpu.memory_space<vmem>>
    %dma_wait3A_458 = arith.constant 0 : i32
    %dma_wait3A_459 = arith.constant 0 : i32
    %dma_wait3A_460 = tpu.memref_slice %arg2[%dma_wait3A_458, %dma_wait3A_459] : memref<80000x16xf32, #tpu.memory_space<hbm>> -> memref<80000x16xf32, #tpu.memory_space<hbm>>
    tpu.wait_indirect_dma semaphore(%arg15 : memref<!tpu.dma_semaphore, #tpu.memory_space<semaphore_mem>>) src(%dma_wait3A_460 : memref<80000x16xf32, #tpu.memory_space<hbm>>) dst(%dma_wait3A_455 : memref<624x16xf32, #tpu.memory_space<vmem>>)
    %dma_start3A_461 = arith.constant 0 : i32
    %dma_start3A_462 = arith.constant 0 : i32
    %dma_start3A_463 = tpu.memref_slice %arg9[%dma_start3A_461, %dma_start3A_462] : memref<624x16xf32, #tpu.memory_space<vmem>> -> memref<624x16xf32, #tpu.memory_space<vmem>>
    %dma_start3A_464 = arith.constant 1248 : i32
    %dma_start3A_465 = tpu.memref_slice %arg8[%dma_start3A_464] : memref<10000xi32, #tpu.memory_space<vmem>> -> memref<624xi32, #tpu.memory_space<vmem>>
    %dma_start3A_466 = arith.constant 0 : i32
    %dma_start3A_467 = arith.constant 0 : i32
    %dma_start3A_468 = tpu.memref_slice %arg12[%dma_start3A_466, %dma_start3A_467] : memref<80000x16xf32, #tpu.memory_space<vmem_shared>> -> memref<80000x16xf32, #tpu.memory_space<vmem_shared>>
    tpu.enqueue_indirect_dma source(%dma_start3A_463 : memref<624x16xf32, #tpu.memory_space<vmem>>) target(%dma_start3A_468 : memref<80000x16xf32, #tpu.memory_space<vmem_shared>>) offsets(%dma_start3A_465 : memref<624xi32, #tpu.memory_space<vmem>>) semaphore(%arg17 : memref<!tpu.dma_semaphore, #tpu.memory_space<semaphore_mem>>) {add = true}
    %dma_start3A_469 = arith.constant 0 : i32
    %dma_start3A_470 = tpu.memref_slice %arg19[%dma_start3A_469] : memref<624xf32, #tpu.memory_space<vmem>> -> memref<624xf32, #tpu.memory_space<vmem>>
    %dma_start3A_471 = arith.constant 1248 : i32
    %dma_start3A_472 = tpu.memref_slice %arg8[%dma_start3A_471] : memref<10000xi32, #tpu.memory_space<vmem>> -> memref<624xi32, #tpu.memory_space<vmem>>
    %dma_start3A_473 = arith.constant 0 : i32
    %dma_start3A_474 = tpu.memref_slice %arg21[%dma_start3A_473] : memref<80000xf32, #tpu.memory_space<vmem_shared>> -> memref<80000xf32, #tpu.memory_space<vmem_shared>>
    tpu.enqueue_indirect_dma source(%dma_start3A_470 : memref<624xf32, #tpu.memory_space<vmem>>) target(%dma_start3A_474 : memref<80000xf32, #tpu.memory_space<vmem_shared>>) offsets(%dma_start3A_472 : memref<624xi32, #tpu.memory_space<vmem>>) semaphore(%arg17 : memref<!tpu.dma_semaphore, #tpu.memory_space<semaphore_mem>>) {add = true}
    %dma_wait3A_475 = arith.constant 0 : i32
    %dma_wait3A_476 = arith.constant 0 : i32
    %dma_wait3A_477 = tpu.memref_slice %arg9[%dma_wait3A_475, %dma_wait3A_476] : memref<624x16xf32, #tpu.memory_space<vmem>> -> memref<624x16xf32, #tpu.memory_space<vmem>>
    %dma_wait3A_478 = arith.constant 1248 : i32
    %dma_wait3A_479 = tpu.memref_slice %arg8[%dma_wait3A_478] : memref<10000xi32, #tpu.memory_space<vmem>> -> memref<624xi32, #tpu.memory_space<vmem>>
    %dma_wait3A_480 = arith.constant 0 : i32
    %dma_wait3A_481 = arith.constant 0 : i32
    %dma_wait3A_482 = tpu.memref_slice %arg12[%dma_wait3A_480, %dma_wait3A_481] : memref<80000x16xf32, #tpu.memory_space<vmem_shared>> -> memref<80000x16xf32, #tpu.memory_space<vmem_shared>>
    tpu.wait_indirect_dma semaphore(%arg17 : memref<!tpu.dma_semaphore, #tpu.memory_space<semaphore_mem>>) src(%dma_wait3A_477 : memref<624x16xf32, #tpu.memory_space<vmem>>) dst(%dma_wait3A_482 : memref<80000x16xf32, #tpu.memory_space<vmem_shared>>)
    %dma_wait3A_483 = arith.constant 0 : i32
    %dma_wait3A_484 = tpu.memref_slice %arg19[%dma_wait3A_483] : memref<624xf32, #tpu.memory_space<vmem>> -> memref<624xf32, #tpu.memory_space<vmem>>
    %dma_wait3A_485 = arith.constant 1248 : i32
    %dma_wait3A_486 = tpu.memref_slice %arg8[%dma_wait3A_485] : memref<10000xi32, #tpu.memory_space<vmem>> -> memref<624xi32, #tpu.memory_space<vmem>>
    %dma_wait3A_487 = arith.constant 0 : i32
    %dma_wait3A_488 = tpu.memref_slice %arg21[%dma_wait3A_487] : memref<80000xf32, #tpu.memory_space<vmem_shared>> -> memref<80000xf32, #tpu.memory_space<vmem_shared>>
    tpu.wait_indirect_dma semaphore(%arg17 : memref<!tpu.dma_semaphore, #tpu.memory_space<semaphore_mem>>) src(%dma_wait3A_484 : memref<624xf32, #tpu.memory_space<vmem>>) dst(%dma_wait3A_488 : memref<80000xf32, #tpu.memory_space<vmem_shared>>)
    %dma_start3A_489 = arith.constant 0 : i32
    %dma_start3A_490 = arith.constant 0 : i32
    %dma_start3A_491 = tpu.memref_slice %arg9[%dma_start3A_489, %dma_start3A_490] : memref<624x16xf32, #tpu.memory_space<vmem>> -> memref<624x16xf32, #tpu.memory_space<vmem>>
    %dma_start3A_492 = arith.constant 2496 : i32
    %dma_start3A_493 = tpu.memref_slice %arg7[%dma_start3A_492] : memref<10000xi32, #tpu.memory_space<vmem>> -> memref<624xi32, #tpu.memory_space<vmem>>
    %dma_start3A_494 = arith.constant 0 : i32
    %dma_start3A_495 = arith.constant 0 : i32
    %dma_start3A_496 = tpu.memref_slice %arg2[%dma_start3A_494, %dma_start3A_495] : memref<80000x16xf32, #tpu.memory_space<hbm>> -> memref<80000x16xf32, #tpu.memory_space<hbm>>
    tpu.enqueue_indirect_dma source(%dma_start3A_496 : memref<80000x16xf32, #tpu.memory_space<hbm>>) target(%dma_start3A_491 : memref<624x16xf32, #tpu.memory_space<vmem>>) offsets(%dma_start3A_493 : memref<624xi32, #tpu.memory_space<vmem>>) semaphore(%arg15 : memref<!tpu.dma_semaphore, #tpu.memory_space<semaphore_mem>>)
    %dma_wait3A_497 = arith.constant 0 : i32
    %dma_wait3A_498 = arith.constant 0 : i32
    %dma_wait3A_499 = tpu.memref_slice %arg10[%dma_wait3A_497, %dma_wait3A_498] : memref<624x16xf32, #tpu.memory_space<vmem>> -> memref<624x16xf32, #tpu.memory_space<vmem>>
    %dma_wait3A_500 = arith.constant 1872 : i32
    %dma_wait3A_501 = tpu.memref_slice %arg7[%dma_wait3A_500] : memref<10000xi32, #tpu.memory_space<vmem>> -> memref<624xi32, #tpu.memory_space<vmem>>
    %dma_wait3A_502 = arith.constant 0 : i32
    %dma_wait3A_503 = arith.constant 0 : i32
    %dma_wait3A_504 = tpu.memref_slice %arg2[%dma_wait3A_502, %dma_wait3A_503] : memref<80000x16xf32, #tpu.memory_space<hbm>> -> memref<80000x16xf32, #tpu.memory_space<hbm>>
    tpu.wait_indirect_dma semaphore(%arg16 : memref<!tpu.dma_semaphore, #tpu.memory_space<semaphore_mem>>) src(%dma_wait3A_504 : memref<80000x16xf32, #tpu.memory_space<hbm>>) dst(%dma_wait3A_499 : memref<624x16xf32, #tpu.memory_space<vmem>>)
    %dma_start3A_505 = arith.constant 0 : i32
    %dma_start3A_506 = arith.constant 0 : i32
    %dma_start3A_507 = tpu.memref_slice %arg10[%dma_start3A_505, %dma_start3A_506] : memref<624x16xf32, #tpu.memory_space<vmem>> -> memref<624x16xf32, #tpu.memory_space<vmem>>
    %dma_start3A_508 = arith.constant 1872 : i32
    %dma_start3A_509 = tpu.memref_slice %arg8[%dma_start3A_508] : memref<10000xi32, #tpu.memory_space<vmem>> -> memref<624xi32, #tpu.memory_space<vmem>>
    %dma_start3A_510 = arith.constant 0 : i32
    %dma_start3A_511 = arith.constant 0 : i32
    %dma_start3A_512 = tpu.memref_slice %arg12[%dma_start3A_510, %dma_start3A_511] : memref<80000x16xf32, #tpu.memory_space<vmem_shared>> -> memref<80000x16xf32, #tpu.memory_space<vmem_shared>>
    tpu.enqueue_indirect_dma source(%dma_start3A_507 : memref<624x16xf32, #tpu.memory_space<vmem>>) target(%dma_start3A_512 : memref<80000x16xf32, #tpu.memory_space<vmem_shared>>) offsets(%dma_start3A_509 : memref<624xi32, #tpu.memory_space<vmem>>) semaphore(%arg18 : memref<!tpu.dma_semaphore, #tpu.memory_space<semaphore_mem>>) {add = true}
    %dma_start3A_513 = arith.constant 0 : i32
    %dma_start3A_514 = tpu.memref_slice %arg19[%dma_start3A_513] : memref<624xf32, #tpu.memory_space<vmem>> -> memref<624xf32, #tpu.memory_space<vmem>>
    %dma_start3A_515 = arith.constant 1872 : i32
    %dma_start3A_516 = tpu.memref_slice %arg8[%dma_start3A_515] : memref<10000xi32, #tpu.memory_space<vmem>> -> memref<624xi32, #tpu.memory_space<vmem>>
    %dma_start3A_517 = arith.constant 0 : i32
    %dma_start3A_518 = tpu.memref_slice %arg21[%dma_start3A_517] : memref<80000xf32, #tpu.memory_space<vmem_shared>> -> memref<80000xf32, #tpu.memory_space<vmem_shared>>
    tpu.enqueue_indirect_dma source(%dma_start3A_514 : memref<624xf32, #tpu.memory_space<vmem>>) target(%dma_start3A_518 : memref<80000xf32, #tpu.memory_space<vmem_shared>>) offsets(%dma_start3A_516 : memref<624xi32, #tpu.memory_space<vmem>>) semaphore(%arg18 : memref<!tpu.dma_semaphore, #tpu.memory_space<semaphore_mem>>) {add = true}
    %dma_wait3A_519 = arith.constant 0 : i32
    %dma_wait3A_520 = arith.constant 0 : i32
    %dma_wait3A_521 = tpu.memref_slice %arg10[%dma_wait3A_519, %dma_wait3A_520] : memref<624x16xf32, #tpu.memory_space<vmem>> -> memref<624x16xf32, #tpu.memory_space<vmem>>
    %dma_wait3A_522 = arith.constant 1872 : i32
    %dma_wait3A_523 = tpu.memref_slice %arg8[%dma_wait3A_522] : memref<10000xi32, #tpu.memory_space<vmem>> -> memref<624xi32, #tpu.memory_space<vmem>>
    %dma_wait3A_524 = arith.constant 0 : i32
    %dma_wait3A_525 = arith.constant 0 : i32
    %dma_wait3A_526 = tpu.memref_slice %arg12[%dma_wait3A_524, %dma_wait3A_525] : memref<80000x16xf32, #tpu.memory_space<vmem_shared>> -> memref<80000x16xf32, #tpu.memory_space<vmem_shared>>
    tpu.wait_indirect_dma semaphore(%arg18 : memref<!tpu.dma_semaphore, #tpu.memory_space<semaphore_mem>>) src(%dma_wait3A_521 : memref<624x16xf32, #tpu.memory_space<vmem>>) dst(%dma_wait3A_526 : memref<80000x16xf32, #tpu.memory_space<vmem_shared>>)
    %dma_wait3A_527 = arith.constant 0 : i32
    %dma_wait3A_528 = tpu.memref_slice %arg19[%dma_wait3A_527] : memref<624xf32, #tpu.memory_space<vmem>> -> memref<624xf32, #tpu.memory_space<vmem>>
    %dma_wait3A_529 = arith.constant 1872 : i32
    %dma_wait3A_530 = tpu.memref_slice %arg8[%dma_wait3A_529] : memref<10000xi32, #tpu.memory_space<vmem>> -> memref<624xi32, #tpu.memory_space<vmem>>
    %dma_wait3A_531 = arith.constant 0 : i32
    %dma_wait3A_532 = tpu.memref_slice %arg21[%dma_wait3A_531] : memref<80000xf32, #tpu.memory_space<vmem_shared>> -> memref<80000xf32, #tpu.memory_space<vmem_shared>>
    tpu.wait_indirect_dma semaphore(%arg18 : memref<!tpu.dma_semaphore, #tpu.memory_space<semaphore_mem>>) src(%dma_wait3A_528 : memref<624xf32, #tpu.memory_space<vmem>>) dst(%dma_wait3A_532 : memref<80000xf32, #tpu.memory_space<vmem_shared>>)
    %dma_start3A_533 = arith.constant 0 : i32
    %dma_start3A_534 = arith.constant 0 : i32
    %dma_start3A_535 = tpu.memref_slice %arg10[%dma_start3A_533, %dma_start3A_534] : memref<624x16xf32, #tpu.memory_space<vmem>> -> memref<624x16xf32, #tpu.memory_space<vmem>>
    %dma_start3A_536 = arith.constant 3120 : i32
    %dma_start3A_537 = tpu.memref_slice %arg7[%dma_start3A_536] : memref<10000xi32, #tpu.memory_space<vmem>> -> memref<624xi32, #tpu.memory_space<vmem>>
    %dma_start3A_538 = arith.constant 0 : i32
    %dma_start3A_539 = arith.constant 0 : i32
    %dma_start3A_540 = tpu.memref_slice %arg2[%dma_start3A_538, %dma_start3A_539] : memref<80000x16xf32, #tpu.memory_space<hbm>> -> memref<80000x16xf32, #tpu.memory_space<hbm>>
    tpu.enqueue_indirect_dma source(%dma_start3A_540 : memref<80000x16xf32, #tpu.memory_space<hbm>>) target(%dma_start3A_535 : memref<624x16xf32, #tpu.memory_space<vmem>>) offsets(%dma_start3A_537 : memref<624xi32, #tpu.memory_space<vmem>>) semaphore(%arg16 : memref<!tpu.dma_semaphore, #tpu.memory_space<semaphore_mem>>)
    %dma_wait3A_541 = arith.constant 0 : i32
    %dma_wait3A_542 = arith.constant 0 : i32
    %dma_wait3A_543 = tpu.memref_slice %arg9[%dma_wait3A_541, %dma_wait3A_542] : memref<624x16xf32, #tpu.memory_space<vmem>> -> memref<624x16xf32, #tpu.memory_space<vmem>>
    %dma_wait3A_544 = arith.constant 2496 : i32
    %dma_wait3A_545 = tpu.memref_slice %arg7[%dma_wait3A_544] : memref<10000xi32, #tpu.memory_space<vmem>> -> memref<624xi32, #tpu.memory_space<vmem>>
    %dma_wait3A_546 = arith.constant 0 : i32
    %dma_wait3A_547 = arith.constant 0 : i32
    %dma_wait3A_548 = tpu.memref_slice %arg2[%dma_wait3A_546, %dma_wait3A_547] : memref<80000x16xf32, #tpu.memory_space<hbm>> -> memref<80000x16xf32, #tpu.memory_space<hbm>>
    tpu.wait_indirect_dma semaphore(%arg15 : memref<!tpu.dma_semaphore, #tpu.memory_space<semaphore_mem>>) src(%dma_wait3A_548 : memref<80000x16xf32, #tpu.memory_space<hbm>>) dst(%dma_wait3A_543 : memref<624x16xf32, #tpu.memory_space<vmem>>)
    %dma_start3A_549 = arith.constant 0 : i32
    %dma_start3A_550 = arith.constant 0 : i32
    %dma_start3A_551 = tpu.memref_slice %arg9[%dma_start3A_549, %dma_start3A_550] : memref<624x16xf32, #tpu.memory_space<vmem>> -> memref<624x16xf32, #tpu.memory_space<vmem>>
    %dma_start3A_552 = arith.constant 2496 : i32
    %dma_start3A_553 = tpu.memref_slice %arg8[%dma_start3A_552] : memref<10000xi32, #tpu.memory_space<vmem>> -> memref<624xi32, #tpu.memory_space<vmem>>
    %dma_start3A_554 = arith.constant 0 : i32
    %dma_start3A_555 = arith.constant 0 : i32
    %dma_start3A_556 = tpu.memref_slice %arg12[%dma_start3A_554, %dma_start3A_555] : memref<80000x16xf32, #tpu.memory_space<vmem_shared>> -> memref<80000x16xf32, #tpu.memory_space<vmem_shared>>
    tpu.enqueue_indirect_dma source(%dma_start3A_551 : memref<624x16xf32, #tpu.memory_space<vmem>>) target(%dma_start3A_556 : memref<80000x16xf32, #tpu.memory_space<vmem_shared>>) offsets(%dma_start3A_553 : memref<624xi32, #tpu.memory_space<vmem>>) semaphore(%arg17 : memref<!tpu.dma_semaphore, #tpu.memory_space<semaphore_mem>>) {add = true}
    %dma_start3A_557 = arith.constant 0 : i32
    %dma_start3A_558 = tpu.memref_slice %arg19[%dma_start3A_557] : memref<624xf32, #tpu.memory_space<vmem>> -> memref<624xf32, #tpu.memory_space<vmem>>
    %dma_start3A_559 = arith.constant 2496 : i32
    %dma_start3A_560 = tpu.memref_slice %arg8[%dma_start3A_559] : memref<10000xi32, #tpu.memory_space<vmem>> -> memref<624xi32, #tpu.memory_space<vmem>>
    %dma_start3A_561 = arith.constant 0 : i32
    %dma_start3A_562 = tpu.memref_slice %arg21[%dma_start3A_561] : memref<80000xf32, #tpu.memory_space<vmem_shared>> -> memref<80000xf32, #tpu.memory_space<vmem_shared>>
    tpu.enqueue_indirect_dma source(%dma_start3A_558 : memref<624xf32, #tpu.memory_space<vmem>>) target(%dma_start3A_562 : memref<80000xf32, #tpu.memory_space<vmem_shared>>) offsets(%dma_start3A_560 : memref<624xi32, #tpu.memory_space<vmem>>) semaphore(%arg17 : memref<!tpu.dma_semaphore, #tpu.memory_space<semaphore_mem>>) {add = true}
    %dma_wait3A_563 = arith.constant 0 : i32
    %dma_wait3A_564 = arith.constant 0 : i32
    %dma_wait3A_565 = tpu.memref_slice %arg9[%dma_wait3A_563, %dma_wait3A_564] : memref<624x16xf32, #tpu.memory_space<vmem>> -> memref<624x16xf32, #tpu.memory_space<vmem>>
    %dma_wait3A_566 = arith.constant 2496 : i32
    %dma_wait3A_567 = tpu.memref_slice %arg8[%dma_wait3A_566] : memref<10000xi32, #tpu.memory_space<vmem>> -> memref<624xi32, #tpu.memory_space<vmem>>
    %dma_wait3A_568 = arith.constant 0 : i32
    %dma_wait3A_569 = arith.constant 0 : i32
    %dma_wait3A_570 = tpu.memref_slice %arg12[%dma_wait3A_568, %dma_wait3A_569] : memref<80000x16xf32, #tpu.memory_space<vmem_shared>> -> memref<80000x16xf32, #tpu.memory_space<vmem_shared>>
    tpu.wait_indirect_dma semaphore(%arg17 : memref<!tpu.dma_semaphore, #tpu.memory_space<semaphore_mem>>) src(%dma_wait3A_565 : memref<624x16xf32, #tpu.memory_space<vmem>>) dst(%dma_wait3A_570 : memref<80000x16xf32, #tpu.memory_space<vmem_shared>>)
    %dma_wait3A_571 = arith.constant 0 : i32
    %dma_wait3A_572 = tpu.memref_slice %arg19[%dma_wait3A_571] : memref<624xf32, #tpu.memory_space<vmem>> -> memref<624xf32, #tpu.memory_space<vmem>>
    %dma_wait3A_573 = arith.constant 2496 : i32
    %dma_wait3A_574 = tpu.memref_slice %arg8[%dma_wait3A_573] : memref<10000xi32, #tpu.memory_space<vmem>> -> memref<624xi32, #tpu.memory_space<vmem>>
    %dma_wait3A_575 = arith.constant 0 : i32
    %dma_wait3A_576 = tpu.memref_slice %arg21[%dma_wait3A_575] : memref<80000xf32, #tpu.memory_space<vmem_shared>> -> memref<80000xf32, #tpu.memory_space<vmem_shared>>
    tpu.wait_indirect_dma semaphore(%arg17 : memref<!tpu.dma_semaphore, #tpu.memory_space<semaphore_mem>>) src(%dma_wait3A_572 : memref<624xf32, #tpu.memory_space<vmem>>) dst(%dma_wait3A_576 : memref<80000xf32, #tpu.memory_space<vmem_shared>>)
    %dma_start3A_577 = arith.constant 0 : i32
    %dma_start3A_578 = arith.constant 0 : i32
    %dma_start3A_579 = tpu.memref_slice %arg9[%dma_start3A_577, %dma_start3A_578] : memref<624x16xf32, #tpu.memory_space<vmem>> -> memref<624x16xf32, #tpu.memory_space<vmem>>
    %dma_start3A_580 = arith.constant 3744 : i32
    %dma_start3A_581 = tpu.memref_slice %arg7[%dma_start3A_580] : memref<10000xi32, #tpu.memory_space<vmem>> -> memref<624xi32, #tpu.memory_space<vmem>>
    %dma_start3A_582 = arith.constant 0 : i32
    %dma_start3A_583 = arith.constant 0 : i32
    %dma_start3A_584 = tpu.memref_slice %arg2[%dma_start3A_582, %dma_start3A_583] : memref<80000x16xf32, #tpu.memory_space<hbm>> -> memref<80000x16xf32, #tpu.memory_space<hbm>>
    tpu.enqueue_indirect_dma source(%dma_start3A_584 : memref<80000x16xf32, #tpu.memory_space<hbm>>) target(%dma_start3A_579 : memref<624x16xf32, #tpu.memory_space<vmem>>) offsets(%dma_start3A_581 : memref<624xi32, #tpu.memory_space<vmem>>) semaphore(%arg15 : memref<!tpu.dma_semaphore, #tpu.memory_space<semaphore_mem>>)
    %dma_wait3A_585 = arith.constant 0 : i32
    %dma_wait3A_586 = arith.constant 0 : i32
    %dma_wait3A_587 = tpu.memref_slice %arg10[%dma_wait3A_585, %dma_wait3A_586] : memref<624x16xf32, #tpu.memory_space<vmem>> -> memref<624x16xf32, #tpu.memory_space<vmem>>
    %dma_wait3A_588 = arith.constant 3120 : i32
    %dma_wait3A_589 = tpu.memref_slice %arg7[%dma_wait3A_588] : memref<10000xi32, #tpu.memory_space<vmem>> -> memref<624xi32, #tpu.memory_space<vmem>>
    %dma_wait3A_590 = arith.constant 0 : i32
    %dma_wait3A_591 = arith.constant 0 : i32
    %dma_wait3A_592 = tpu.memref_slice %arg2[%dma_wait3A_590, %dma_wait3A_591] : memref<80000x16xf32, #tpu.memory_space<hbm>> -> memref<80000x16xf32, #tpu.memory_space<hbm>>
    tpu.wait_indirect_dma semaphore(%arg16 : memref<!tpu.dma_semaphore, #tpu.memory_space<semaphore_mem>>) src(%dma_wait3A_592 : memref<80000x16xf32, #tpu.memory_space<hbm>>) dst(%dma_wait3A_587 : memref<624x16xf32, #tpu.memory_space<vmem>>)
    %dma_start3A_593 = arith.constant 0 : i32
    %dma_start3A_594 = arith.constant 0 : i32
    %dma_start3A_595 = tpu.memref_slice %arg10[%dma_start3A_593, %dma_start3A_594] : memref<624x16xf32, #tpu.memory_space<vmem>> -> memref<624x16xf32, #tpu.memory_space<vmem>>
    %dma_start3A_596 = arith.constant 3120 : i32
    %dma_start3A_597 = tpu.memref_slice %arg8[%dma_start3A_596] : memref<10000xi32, #tpu.memory_space<vmem>> -> memref<624xi32, #tpu.memory_space<vmem>>
    %dma_start3A_598 = arith.constant 0 : i32
    %dma_start3A_599 = arith.constant 0 : i32
    %dma_start3A_600 = tpu.memref_slice %arg12[%dma_start3A_598, %dma_start3A_599] : memref<80000x16xf32, #tpu.memory_space<vmem_shared>> -> memref<80000x16xf32, #tpu.memory_space<vmem_shared>>
    tpu.enqueue_indirect_dma source(%dma_start3A_595 : memref<624x16xf32, #tpu.memory_space<vmem>>) target(%dma_start3A_600 : memref<80000x16xf32, #tpu.memory_space<vmem_shared>>) offsets(%dma_start3A_597 : memref<624xi32, #tpu.memory_space<vmem>>) semaphore(%arg18 : memref<!tpu.dma_semaphore, #tpu.memory_space<semaphore_mem>>) {add = true}
    %dma_start3A_601 = arith.constant 0 : i32
    %dma_start3A_602 = tpu.memref_slice %arg19[%dma_start3A_601] : memref<624xf32, #tpu.memory_space<vmem>> -> memref<624xf32, #tpu.memory_space<vmem>>
    %dma_start3A_603 = arith.constant 3120 : i32
    %dma_start3A_604 = tpu.memref_slice %arg8[%dma_start3A_603] : memref<10000xi32, #tpu.memory_space<vmem>> -> memref<624xi32, #tpu.memory_space<vmem>>
    %dma_start3A_605 = arith.constant 0 : i32
    %dma_start3A_606 = tpu.memref_slice %arg21[%dma_start3A_605] : memref<80000xf32, #tpu.memory_space<vmem_shared>> -> memref<80000xf32, #tpu.memory_space<vmem_shared>>
    tpu.enqueue_indirect_dma source(%dma_start3A_602 : memref<624xf32, #tpu.memory_space<vmem>>) target(%dma_start3A_606 : memref<80000xf32, #tpu.memory_space<vmem_shared>>) offsets(%dma_start3A_604 : memref<624xi32, #tpu.memory_space<vmem>>) semaphore(%arg18 : memref<!tpu.dma_semaphore, #tpu.memory_space<semaphore_mem>>) {add = true}
    %dma_wait3A_607 = arith.constant 0 : i32
    %dma_wait3A_608 = arith.constant 0 : i32
    %dma_wait3A_609 = tpu.memref_slice %arg10[%dma_wait3A_607, %dma_wait3A_608] : memref<624x16xf32, #tpu.memory_space<vmem>> -> memref<624x16xf32, #tpu.memory_space<vmem>>
    %dma_wait3A_610 = arith.constant 3120 : i32
    %dma_wait3A_611 = tpu.memref_slice %arg8[%dma_wait3A_610] : memref<10000xi32, #tpu.memory_space<vmem>> -> memref<624xi32, #tpu.memory_space<vmem>>
    %dma_wait3A_612 = arith.constant 0 : i32
    %dma_wait3A_613 = arith.constant 0 : i32
    %dma_wait3A_614 = tpu.memref_slice %arg12[%dma_wait3A_612, %dma_wait3A_613] : memref<80000x16xf32, #tpu.memory_space<vmem_shared>> -> memref<80000x16xf32, #tpu.memory_space<vmem_shared>>
    tpu.wait_indirect_dma semaphore(%arg18 : memref<!tpu.dma_semaphore, #tpu.memory_space<semaphore_mem>>) src(%dma_wait3A_609 : memref<624x16xf32, #tpu.memory_space<vmem>>) dst(%dma_wait3A_614 : memref<80000x16xf32, #tpu.memory_space<vmem_shared>>)
    %dma_wait3A_615 = arith.constant 0 : i32
    %dma_wait3A_616 = tpu.memref_slice %arg19[%dma_wait3A_615] : memref<624xf32, #tpu.memory_space<vmem>> -> memref<624xf32, #tpu.memory_space<vmem>>
    %dma_wait3A_617 = arith.constant 3120 : i32
    %dma_wait3A_618 = tpu.memref_slice %arg8[%dma_wait3A_617] : memref<10000xi32, #tpu.memory_space<vmem>> -> memref<624xi32, #tpu.memory_space<vmem>>
    %dma_wait3A_619 = arith.constant 0 : i32
    %dma_wait3A_620 = tpu.memref_slice %arg21[%dma_wait3A_619] : memref<80000xf32, #tpu.memory_space<vmem_shared>> -> memref<80000xf32, #tpu.memory_space<vmem_shared>>
    tpu.wait_indirect_dma semaphore(%arg18 : memref<!tpu.dma_semaphore, #tpu.memory_space<semaphore_mem>>) src(%dma_wait3A_616 : memref<624xf32, #tpu.memory_space<vmem>>) dst(%dma_wait3A_620 : memref<80000xf32, #tpu.memory_space<vmem_shared>>)
    %dma_start3A_621 = arith.constant 0 : i32
    %dma_start3A_622 = arith.constant 0 : i32
    %dma_start3A_623 = tpu.memref_slice %arg10[%dma_start3A_621, %dma_start3A_622] : memref<624x16xf32, #tpu.memory_space<vmem>> -> memref<624x16xf32, #tpu.memory_space<vmem>>
    %dma_start3A_624 = arith.constant 4368 : i32
    %dma_start3A_625 = tpu.memref_slice %arg7[%dma_start3A_624] : memref<10000xi32, #tpu.memory_space<vmem>> -> memref<624xi32, #tpu.memory_space<vmem>>
    %dma_start3A_626 = arith.constant 0 : i32
    %dma_start3A_627 = arith.constant 0 : i32
    %dma_start3A_628 = tpu.memref_slice %arg2[%dma_start3A_626, %dma_start3A_627] : memref<80000x16xf32, #tpu.memory_space<hbm>> -> memref<80000x16xf32, #tpu.memory_space<hbm>>
    tpu.enqueue_indirect_dma source(%dma_start3A_628 : memref<80000x16xf32, #tpu.memory_space<hbm>>) target(%dma_start3A_623 : memref<624x16xf32, #tpu.memory_space<vmem>>) offsets(%dma_start3A_625 : memref<624xi32, #tpu.memory_space<vmem>>) semaphore(%arg16 : memref<!tpu.dma_semaphore, #tpu.memory_space<semaphore_mem>>)
    %dma_wait3A_629 = arith.constant 0 : i32
    %dma_wait3A_630 = arith.constant 0 : i32
    %dma_wait3A_631 = tpu.memref_slice %arg9[%dma_wait3A_629, %dma_wait3A_630] : memref<624x16xf32, #tpu.memory_space<vmem>> -> memref<624x16xf32, #tpu.memory_space<vmem>>
    %dma_wait3A_632 = arith.constant 3744 : i32
    %dma_wait3A_633 = tpu.memref_slice %arg7[%dma_wait3A_632] : memref<10000xi32, #tpu.memory_space<vmem>> -> memref<624xi32, #tpu.memory_space<vmem>>
    %dma_wait3A_634 = arith.constant 0 : i32
    %dma_wait3A_635 = arith.constant 0 : i32
    %dma_wait3A_636 = tpu.memref_slice %arg2[%dma_wait3A_634, %dma_wait3A_635] : memref<80000x16xf32, #tpu.memory_space<hbm>> -> memref<80000x16xf32, #tpu.memory_space<hbm>>
    tpu.wait_indirect_dma semaphore(%arg15 : memref<!tpu.dma_semaphore, #tpu.memory_space<semaphore_mem>>) src(%dma_wait3A_636 : memref<80000x16xf32, #tpu.memory_space<hbm>>) dst(%dma_wait3A_631 : memref<624x16xf32, #tpu.memory_space<vmem>>)
    %dma_start3A_637 = arith.constant 0 : i32
    %dma_start3A_638 = arith.constant 0 : i32
    %dma_start3A_639 = tpu.memref_slice %arg9[%dma_start3A_637, %dma_start3A_638] : memref<624x16xf32, #tpu.memory_space<vmem>> -> memref<624x16xf32, #tpu.memory_space<vmem>>
    %dma_start3A_640 = arith.constant 3744 : i32
    %dma_start3A_641 = tpu.memref_slice %arg8[%dma_start3A_640] : memref<10000xi32, #tpu.memory_space<vmem>> -> memref<624xi32, #tpu.memory_space<vmem>>
    %dma_start3A_642 = arith.constant 0 : i32
    %dma_start3A_643 = arith.constant 0 : i32
    %dma_start3A_644 = tpu.memref_slice %arg12[%dma_start3A_642, %dma_start3A_643] : memref<80000x16xf32, #tpu.memory_space<vmem_shared>> -> memref<80000x16xf32, #tpu.memory_space<vmem_shared>>
    tpu.enqueue_indirect_dma source(%dma_start3A_639 : memref<624x16xf32, #tpu.memory_space<vmem>>) target(%dma_start3A_644 : memref<80000x16xf32, #tpu.memory_space<vmem_shared>>) offsets(%dma_start3A_641 : memref<624xi32, #tpu.memory_space<vmem>>) semaphore(%arg17 : memref<!tpu.dma_semaphore, #tpu.memory_space<semaphore_mem>>) {add = true}
    %dma_start3A_645 = arith.constant 0 : i32
    %dma_start3A_646 = tpu.memref_slice %arg19[%dma_start3A_645] : memref<624xf32, #tpu.memory_space<vmem>> -> memref<624xf32, #tpu.memory_space<vmem>>
    %dma_start3A_647 = arith.constant 3744 : i32
    %dma_start3A_648 = tpu.memref_slice %arg8[%dma_start3A_647] : memref<10000xi32, #tpu.memory_space<vmem>> -> memref<624xi32, #tpu.memory_space<vmem>>
    %dma_start3A_649 = arith.constant 0 : i32
    %dma_start3A_650 = tpu.memref_slice %arg21[%dma_start3A_649] : memref<80000xf32, #tpu.memory_space<vmem_shared>> -> memref<80000xf32, #tpu.memory_space<vmem_shared>>
    tpu.enqueue_indirect_dma source(%dma_start3A_646 : memref<624xf32, #tpu.memory_space<vmem>>) target(%dma_start3A_650 : memref<80000xf32, #tpu.memory_space<vmem_shared>>) offsets(%dma_start3A_648 : memref<624xi32, #tpu.memory_space<vmem>>) semaphore(%arg17 : memref<!tpu.dma_semaphore, #tpu.memory_space<semaphore_mem>>) {add = true}
    %dma_wait3A_651 = arith.constant 0 : i32
    %dma_wait3A_652 = arith.constant 0 : i32
    %dma_wait3A_653 = tpu.memref_slice %arg9[%dma_wait3A_651, %dma_wait3A_652] : memref<624x16xf32, #tpu.memory_space<vmem>> -> memref<624x16xf32, #tpu.memory_space<vmem>>
    %dma_wait3A_654 = arith.constant 3744 : i32
    %dma_wait3A_655 = tpu.memref_slice %arg8[%dma_wait3A_654] : memref<10000xi32, #tpu.memory_space<vmem>> -> memref<624xi32, #tpu.memory_space<vmem>>
    %dma_wait3A_656 = arith.constant 0 : i32
    %dma_wait3A_657 = arith.constant 0 : i32
    %dma_wait3A_658 = tpu.memref_slice %arg12[%dma_wait3A_656, %dma_wait3A_657] : memref<80000x16xf32, #tpu.memory_space<vmem_shared>> -> memref<80000x16xf32, #tpu.memory_space<vmem_shared>>
    tpu.wait_indirect_dma semaphore(%arg17 : memref<!tpu.dma_semaphore, #tpu.memory_space<semaphore_mem>>) src(%dma_wait3A_653 : memref<624x16xf32, #tpu.memory_space<vmem>>) dst(%dma_wait3A_658 : memref<80000x16xf32, #tpu.memory_space<vmem_shared>>)
    %dma_wait3A_659 = arith.constant 0 : i32
    %dma_wait3A_660 = tpu.memref_slice %arg19[%dma_wait3A_659] : memref<624xf32, #tpu.memory_space<vmem>> -> memref<624xf32, #tpu.memory_space<vmem>>
    %dma_wait3A_661 = arith.constant 3744 : i32
    %dma_wait3A_662 = tpu.memref_slice %arg8[%dma_wait3A_661] : memref<10000xi32, #tpu.memory_space<vmem>> -> memref<624xi32, #tpu.memory_space<vmem>>
    %dma_wait3A_663 = arith.constant 0 : i32
    %dma_wait3A_664 = tpu.memref_slice %arg21[%dma_wait3A_663] : memref<80000xf32, #tpu.memory_space<vmem_shared>> -> memref<80000xf32, #tpu.memory_space<vmem_shared>>
    tpu.wait_indirect_dma semaphore(%arg17 : memref<!tpu.dma_semaphore, #tpu.memory_space<semaphore_mem>>) src(%dma_wait3A_660 : memref<624xf32, #tpu.memory_space<vmem>>) dst(%dma_wait3A_664 : memref<80000xf32, #tpu.memory_space<vmem_shared>>)
    %dma_start3A_665 = arith.constant 0 : i32
    %dma_start3A_666 = arith.constant 0 : i32
    %dma_start3A_667 = tpu.memref_slice %arg9[%dma_start3A_665, %dma_start3A_666] : memref<624x16xf32, #tpu.memory_space<vmem>> -> memref<624x16xf32, #tpu.memory_space<vmem>>
    %dma_start3A_668 = arith.constant 4992 : i32
    %dma_start3A_669 = tpu.memref_slice %arg7[%dma_start3A_668] : memref<10000xi32, #tpu.memory_space<vmem>> -> memref<624xi32, #tpu.memory_space<vmem>>
    %dma_start3A_670 = arith.constant 0 : i32
    %dma_start3A_671 = arith.constant 0 : i32
    %dma_start3A_672 = tpu.memref_slice %arg2[%dma_start3A_670, %dma_start3A_671] : memref<80000x16xf32, #tpu.memory_space<hbm>> -> memref<80000x16xf32, #tpu.memory_space<hbm>>
    tpu.enqueue_indirect_dma source(%dma_start3A_672 : memref<80000x16xf32, #tpu.memory_space<hbm>>) target(%dma_start3A_667 : memref<624x16xf32, #tpu.memory_space<vmem>>) offsets(%dma_start3A_669 : memref<624xi32, #tpu.memory_space<vmem>>) semaphore(%arg15 : memref<!tpu.dma_semaphore, #tpu.memory_space<semaphore_mem>>)
    %dma_wait3A_673 = arith.constant 0 : i32
    %dma_wait3A_674 = arith.constant 0 : i32
    %dma_wait3A_675 = tpu.memref_slice %arg10[%dma_wait3A_673, %dma_wait3A_674] : memref<624x16xf32, #tpu.memory_space<vmem>> -> memref<624x16xf32, #tpu.memory_space<vmem>>
    %dma_wait3A_676 = arith.constant 4368 : i32
    %dma_wait3A_677 = tpu.memref_slice %arg7[%dma_wait3A_676] : memref<10000xi32, #tpu.memory_space<vmem>> -> memref<624xi32, #tpu.memory_space<vmem>>
    %dma_wait3A_678 = arith.constant 0 : i32
    %dma_wait3A_679 = arith.constant 0 : i32
    %dma_wait3A_680 = tpu.memref_slice %arg2[%dma_wait3A_678, %dma_wait3A_679] : memref<80000x16xf32, #tpu.memory_space<hbm>> -> memref<80000x16xf32, #tpu.memory_space<hbm>>
    tpu.wait_indirect_dma semaphore(%arg16 : memref<!tpu.dma_semaphore, #tpu.memory_space<semaphore_mem>>) src(%dma_wait3A_680 : memref<80000x16xf32, #tpu.memory_space<hbm>>) dst(%dma_wait3A_675 : memref<624x16xf32, #tpu.memory_space<vmem>>)
    %dma_start3A_681 = arith.constant 0 : i32
    %dma_start3A_682 = arith.constant 0 : i32
    %dma_start3A_683 = tpu.memref_slice %arg10[%dma_start3A_681, %dma_start3A_682] : memref<624x16xf32, #tpu.memory_space<vmem>> -> memref<624x16xf32, #tpu.memory_space<vmem>>
    %dma_start3A_684 = arith.constant 4368 : i32
    %dma_start3A_685 = tpu.memref_slice %arg8[%dma_start3A_684] : memref<10000xi32, #tpu.memory_space<vmem>> -> memref<624xi32, #tpu.memory_space<vmem>>
    %dma_start3A_686 = arith.constant 0 : i32
    %dma_start3A_687 = arith.constant 0 : i32
    %dma_start3A_688 = tpu.memref_slice %arg12[%dma_start3A_686, %dma_start3A_687] : memref<80000x16xf32, #tpu.memory_space<vmem_shared>> -> memref<80000x16xf32, #tpu.memory_space<vmem_shared>>
    tpu.enqueue_indirect_dma source(%dma_start3A_683 : memref<624x16xf32, #tpu.memory_space<vmem>>) target(%dma_start3A_688 : memref<80000x16xf32, #tpu.memory_space<vmem_shared>>) offsets(%dma_start3A_685 : memref<624xi32, #tpu.memory_space<vmem>>) semaphore(%arg18 : memref<!tpu.dma_semaphore, #tpu.memory_space<semaphore_mem>>) {add = true}
    %dma_start3A_689 = arith.constant 0 : i32
    %dma_start3A_690 = tpu.memref_slice %arg19[%dma_start3A_689] : memref<624xf32, #tpu.memory_space<vmem>> -> memref<624xf32, #tpu.memory_space<vmem>>
    %dma_start3A_691 = arith.constant 4368 : i32
    %dma_start3A_692 = tpu.memref_slice %arg8[%dma_start3A_691] : memref<10000xi32, #tpu.memory_space<vmem>> -> memref<624xi32, #tpu.memory_space<vmem>>
    %dma_start3A_693 = arith.constant 0 : i32
    %dma_start3A_694 = tpu.memref_slice %arg21[%dma_start3A_693] : memref<80000xf32, #tpu.memory_space<vmem_shared>> -> memref<80000xf32, #tpu.memory_space<vmem_shared>>
    tpu.enqueue_indirect_dma source(%dma_start3A_690 : memref<624xf32, #tpu.memory_space<vmem>>) target(%dma_start3A_694 : memref<80000xf32, #tpu.memory_space<vmem_shared>>) offsets(%dma_start3A_692 : memref<624xi32, #tpu.memory_space<vmem>>) semaphore(%arg18 : memref<!tpu.dma_semaphore, #tpu.memory_space<semaphore_mem>>) {add = true}
    %dma_wait3A_695 = arith.constant 0 : i32
    %dma_wait3A_696 = arith.constant 0 : i32
    %dma_wait3A_697 = tpu.memref_slice %arg10[%dma_wait3A_695, %dma_wait3A_696] : memref<624x16xf32, #tpu.memory_space<vmem>> -> memref<624x16xf32, #tpu.memory_space<vmem>>
    %dma_wait3A_698 = arith.constant 4368 : i32
    %dma_wait3A_699 = tpu.memref_slice %arg8[%dma_wait3A_698] : memref<10000xi32, #tpu.memory_space<vmem>> -> memref<624xi32, #tpu.memory_space<vmem>>
    %dma_wait3A_700 = arith.constant 0 : i32
    %dma_wait3A_701 = arith.constant 0 : i32
    %dma_wait3A_702 = tpu.memref_slice %arg12[%dma_wait3A_700, %dma_wait3A_701] : memref<80000x16xf32, #tpu.memory_space<vmem_shared>> -> memref<80000x16xf32, #tpu.memory_space<vmem_shared>>
    tpu.wait_indirect_dma semaphore(%arg18 : memref<!tpu.dma_semaphore, #tpu.memory_space<semaphore_mem>>) src(%dma_wait3A_697 : memref<624x16xf32, #tpu.memory_space<vmem>>) dst(%dma_wait3A_702 : memref<80000x16xf32, #tpu.memory_space<vmem_shared>>)
    %dma_wait3A_703 = arith.constant 0 : i32
    %dma_wait3A_704 = tpu.memref_slice %arg19[%dma_wait3A_703] : memref<624xf32, #tpu.memory_space<vmem>> -> memref<624xf32, #tpu.memory_space<vmem>>
    %dma_wait3A_705 = arith.constant 4368 : i32
    %dma_wait3A_706 = tpu.memref_slice %arg8[%dma_wait3A_705] : memref<10000xi32, #tpu.memory_space<vmem>> -> memref<624xi32, #tpu.memory_space<vmem>>
    %dma_wait3A_707 = arith.constant 0 : i32
    %dma_wait3A_708 = tpu.memref_slice %arg21[%dma_wait3A_707] : memref<80000xf32, #tpu.memory_space<vmem_shared>> -> memref<80000xf32, #tpu.memory_space<vmem_shared>>
    tpu.wait_indirect_dma semaphore(%arg18 : memref<!tpu.dma_semaphore, #tpu.memory_space<semaphore_mem>>) src(%dma_wait3A_704 : memref<624xf32, #tpu.memory_space<vmem>>) dst(%dma_wait3A_708 : memref<80000xf32, #tpu.memory_space<vmem_shared>>)
    %dma_start3A_709 = arith.constant 0 : i32
    %dma_start3A_710 = arith.constant 0 : i32
    %dma_start3A_711 = tpu.memref_slice %arg10[%dma_start3A_709, %dma_start3A_710] : memref<624x16xf32, #tpu.memory_space<vmem>> -> memref<624x16xf32, #tpu.memory_space<vmem>>
    %dma_start3A_712 = arith.constant 5616 : i32
    %dma_start3A_713 = tpu.memref_slice %arg7[%dma_start3A_712] : memref<10000xi32, #tpu.memory_space<vmem>> -> memref<624xi32, #tpu.memory_space<vmem>>
    %dma_start3A_714 = arith.constant 0 : i32
    %dma_start3A_715 = arith.constant 0 : i32
    %dma_start3A_716 = tpu.memref_slice %arg2[%dma_start3A_714, %dma_start3A_715] : memref<80000x16xf32, #tpu.memory_space<hbm>> -> memref<80000x16xf32, #tpu.memory_space<hbm>>
    tpu.enqueue_indirect_dma source(%dma_start3A_716 : memref<80000x16xf32, #tpu.memory_space<hbm>>) target(%dma_start3A_711 : memref<624x16xf32, #tpu.memory_space<vmem>>) offsets(%dma_start3A_713 : memref<624xi32, #tpu.memory_space<vmem>>) semaphore(%arg16 : memref<!tpu.dma_semaphore, #tpu.memory_space<semaphore_mem>>)
    %dma_wait3A_717 = arith.constant 0 : i32
    %dma_wait3A_718 = arith.constant 0 : i32
    %dma_wait3A_719 = tpu.memref_slice %arg9[%dma_wait3A_717, %dma_wait3A_718] : memref<624x16xf32, #tpu.memory_space<vmem>> -> memref<624x16xf32, #tpu.memory_space<vmem>>
    %dma_wait3A_720 = arith.constant 4992 : i32
    %dma_wait3A_721 = tpu.memref_slice %arg7[%dma_wait3A_720] : memref<10000xi32, #tpu.memory_space<vmem>> -> memref<624xi32, #tpu.memory_space<vmem>>
    %dma_wait3A_722 = arith.constant 0 : i32
    %dma_wait3A_723 = arith.constant 0 : i32
    %dma_wait3A_724 = tpu.memref_slice %arg2[%dma_wait3A_722, %dma_wait3A_723] : memref<80000x16xf32, #tpu.memory_space<hbm>> -> memref<80000x16xf32, #tpu.memory_space<hbm>>
    tpu.wait_indirect_dma semaphore(%arg15 : memref<!tpu.dma_semaphore, #tpu.memory_space<semaphore_mem>>) src(%dma_wait3A_724 : memref<80000x16xf32, #tpu.memory_space<hbm>>) dst(%dma_wait3A_719 : memref<624x16xf32, #tpu.memory_space<vmem>>)
    %dma_start3A_725 = arith.constant 0 : i32
    %dma_start3A_726 = arith.constant 0 : i32
    %dma_start3A_727 = tpu.memref_slice %arg9[%dma_start3A_725, %dma_start3A_726] : memref<624x16xf32, #tpu.memory_space<vmem>> -> memref<624x16xf32, #tpu.memory_space<vmem>>
    %dma_start3A_728 = arith.constant 4992 : i32
    %dma_start3A_729 = tpu.memref_slice %arg8[%dma_start3A_728] : memref<10000xi32, #tpu.memory_space<vmem>> -> memref<624xi32, #tpu.memory_space<vmem>>
    %dma_start3A_730 = arith.constant 0 : i32
    %dma_start3A_731 = arith.constant 0 : i32
    %dma_start3A_732 = tpu.memref_slice %arg12[%dma_start3A_730, %dma_start3A_731] : memref<80000x16xf32, #tpu.memory_space<vmem_shared>> -> memref<80000x16xf32, #tpu.memory_space<vmem_shared>>
    tpu.enqueue_indirect_dma source(%dma_start3A_727 : memref<624x16xf32, #tpu.memory_space<vmem>>) target(%dma_start3A_732 : memref<80000x16xf32, #tpu.memory_space<vmem_shared>>) offsets(%dma_start3A_729 : memref<624xi32, #tpu.memory_space<vmem>>) semaphore(%arg17 : memref<!tpu.dma_semaphore, #tpu.memory_space<semaphore_mem>>) {add = true}
    %dma_start3A_733 = arith.constant 0 : i32
    %dma_start3A_734 = tpu.memref_slice %arg19[%dma_start3A_733] : memref<624xf32, #tpu.memory_space<vmem>> -> memref<624xf32, #tpu.memory_space<vmem>>
    %dma_start3A_735 = arith.constant 4992 : i32
    %dma_start3A_736 = tpu.memref_slice %arg8[%dma_start3A_735] : memref<10000xi32, #tpu.memory_space<vmem>> -> memref<624xi32, #tpu.memory_space<vmem>>
    %dma_start3A_737 = arith.constant 0 : i32
    %dma_start3A_738 = tpu.memref_slice %arg21[%dma_start3A_737] : memref<80000xf32, #tpu.memory_space<vmem_shared>> -> memref<80000xf32, #tpu.memory_space<vmem_shared>>
    tpu.enqueue_indirect_dma source(%dma_start3A_734 : memref<624xf32, #tpu.memory_space<vmem>>) target(%dma_start3A_738 : memref<80000xf32, #tpu.memory_space<vmem_shared>>) offsets(%dma_start3A_736 : memref<624xi32, #tpu.memory_space<vmem>>) semaphore(%arg17 : memref<!tpu.dma_semaphore, #tpu.memory_space<semaphore_mem>>) {add = true}
    %dma_wait3A_739 = arith.constant 0 : i32
    %dma_wait3A_740 = arith.constant 0 : i32
    %dma_wait3A_741 = tpu.memref_slice %arg9[%dma_wait3A_739, %dma_wait3A_740] : memref<624x16xf32, #tpu.memory_space<vmem>> -> memref<624x16xf32, #tpu.memory_space<vmem>>
    %dma_wait3A_742 = arith.constant 4992 : i32
    %dma_wait3A_743 = tpu.memref_slice %arg8[%dma_wait3A_742] : memref<10000xi32, #tpu.memory_space<vmem>> -> memref<624xi32, #tpu.memory_space<vmem>>
    %dma_wait3A_744 = arith.constant 0 : i32
    %dma_wait3A_745 = arith.constant 0 : i32
    %dma_wait3A_746 = tpu.memref_slice %arg12[%dma_wait3A_744, %dma_wait3A_745] : memref<80000x16xf32, #tpu.memory_space<vmem_shared>> -> memref<80000x16xf32, #tpu.memory_space<vmem_shared>>
    tpu.wait_indirect_dma semaphore(%arg17 : memref<!tpu.dma_semaphore, #tpu.memory_space<semaphore_mem>>) src(%dma_wait3A_741 : memref<624x16xf32, #tpu.memory_space<vmem>>) dst(%dma_wait3A_746 : memref<80000x16xf32, #tpu.memory_space<vmem_shared>>)
    %dma_wait3A_747 = arith.constant 0 : i32
    %dma_wait3A_748 = tpu.memref_slice %arg19[%dma_wait3A_747] : memref<624xf32, #tpu.memory_space<vmem>> -> memref<624xf32, #tpu.memory_space<vmem>>
    %dma_wait3A_749 = arith.constant 4992 : i32
    %dma_wait3A_750 = tpu.memref_slice %arg8[%dma_wait3A_749] : memref<10000xi32, #tpu.memory_space<vmem>> -> memref<624xi32, #tpu.memory_space<vmem>>
    %dma_wait3A_751 = arith.constant 0 : i32
    %dma_wait3A_752 = tpu.memref_slice %arg21[%dma_wait3A_751] : memref<80000xf32, #tpu.memory_space<vmem_shared>> -> memref<80000xf32, #tpu.memory_space<vmem_shared>>
    tpu.wait_indirect_dma semaphore(%arg17 : memref<!tpu.dma_semaphore, #tpu.memory_space<semaphore_mem>>) src(%dma_wait3A_748 : memref<624xf32, #tpu.memory_space<vmem>>) dst(%dma_wait3A_752 : memref<80000xf32, #tpu.memory_space<vmem_shared>>)
    %dma_start3A_753 = arith.constant 0 : i32
    %dma_start3A_754 = arith.constant 0 : i32
    %dma_start3A_755 = tpu.memref_slice %arg9[%dma_start3A_753, %dma_start3A_754] : memref<624x16xf32, #tpu.memory_space<vmem>> -> memref<624x16xf32, #tpu.memory_space<vmem>>
    %dma_start3A_756 = arith.constant 6240 : i32
    %dma_start3A_757 = tpu.memref_slice %arg7[%dma_start3A_756] : memref<10000xi32, #tpu.memory_space<vmem>> -> memref<624xi32, #tpu.memory_space<vmem>>
    %dma_start3A_758 = arith.constant 0 : i32
    %dma_start3A_759 = arith.constant 0 : i32
    %dma_start3A_760 = tpu.memref_slice %arg2[%dma_start3A_758, %dma_start3A_759] : memref<80000x16xf32, #tpu.memory_space<hbm>> -> memref<80000x16xf32, #tpu.memory_space<hbm>>
    tpu.enqueue_indirect_dma source(%dma_start3A_760 : memref<80000x16xf32, #tpu.memory_space<hbm>>) target(%dma_start3A_755 : memref<624x16xf32, #tpu.memory_space<vmem>>) offsets(%dma_start3A_757 : memref<624xi32, #tpu.memory_space<vmem>>) semaphore(%arg15 : memref<!tpu.dma_semaphore, #tpu.memory_space<semaphore_mem>>)
    %dma_wait3A_761 = arith.constant 0 : i32
    %dma_wait3A_762 = arith.constant 0 : i32
    %dma_wait3A_763 = tpu.memref_slice %arg10[%dma_wait3A_761, %dma_wait3A_762] : memref<624x16xf32, #tpu.memory_space<vmem>> -> memref<624x16xf32, #tpu.memory_space<vmem>>
    %dma_wait3A_764 = arith.constant 5616 : i32
    %dma_wait3A_765 = tpu.memref_slice %arg7[%dma_wait3A_764] : memref<10000xi32, #tpu.memory_space<vmem>> -> memref<624xi32, #tpu.memory_space<vmem>>
    %dma_wait3A_766 = arith.constant 0 : i32
    %dma_wait3A_767 = arith.constant 0 : i32
    %dma_wait3A_768 = tpu.memref_slice %arg2[%dma_wait3A_766, %dma_wait3A_767] : memref<80000x16xf32, #tpu.memory_space<hbm>> -> memref<80000x16xf32, #tpu.memory_space<hbm>>
    tpu.wait_indirect_dma semaphore(%arg16 : memref<!tpu.dma_semaphore, #tpu.memory_space<semaphore_mem>>) src(%dma_wait3A_768 : memref<80000x16xf32, #tpu.memory_space<hbm>>) dst(%dma_wait3A_763 : memref<624x16xf32, #tpu.memory_space<vmem>>)
    %dma_start3A_769 = arith.constant 0 : i32
    %dma_start3A_770 = arith.constant 0 : i32
    %dma_start3A_771 = tpu.memref_slice %arg10[%dma_start3A_769, %dma_start3A_770] : memref<624x16xf32, #tpu.memory_space<vmem>> -> memref<624x16xf32, #tpu.memory_space<vmem>>
    %dma_start3A_772 = arith.constant 5616 : i32
    %dma_start3A_773 = tpu.memref_slice %arg8[%dma_start3A_772] : memref<10000xi32, #tpu.memory_space<vmem>> -> memref<624xi32, #tpu.memory_space<vmem>>
    %dma_start3A_774 = arith.constant 0 : i32
    %dma_start3A_775 = arith.constant 0 : i32
    %dma_start3A_776 = tpu.memref_slice %arg12[%dma_start3A_774, %dma_start3A_775] : memref<80000x16xf32, #tpu.memory_space<vmem_shared>> -> memref<80000x16xf32, #tpu.memory_space<vmem_shared>>
    tpu.enqueue_indirect_dma source(%dma_start3A_771 : memref<624x16xf32, #tpu.memory_space<vmem>>) target(%dma_start3A_776 : memref<80000x16xf32, #tpu.memory_space<vmem_shared>>) offsets(%dma_start3A_773 : memref<624xi32, #tpu.memory_space<vmem>>) semaphore(%arg18 : memref<!tpu.dma_semaphore, #tpu.memory_space<semaphore_mem>>) {add = true}
    %dma_start3A_777 = arith.constant 0 : i32
    %dma_start3A_778 = tpu.memref_slice %arg19[%dma_start3A_777] : memref<624xf32, #tpu.memory_space<vmem>> -> memref<624xf32, #tpu.memory_space<vmem>>
    %dma_start3A_779 = arith.constant 5616 : i32
    %dma_start3A_780 = tpu.memref_slice %arg8[%dma_start3A_779] : memref<10000xi32, #tpu.memory_space<vmem>> -> memref<624xi32, #tpu.memory_space<vmem>>
    %dma_start3A_781 = arith.constant 0 : i32
    %dma_start3A_782 = tpu.memref_slice %arg21[%dma_start3A_781] : memref<80000xf32, #tpu.memory_space<vmem_shared>> -> memref<80000xf32, #tpu.memory_space<vmem_shared>>
    tpu.enqueue_indirect_dma source(%dma_start3A_778 : memref<624xf32, #tpu.memory_space<vmem>>) target(%dma_start3A_782 : memref<80000xf32, #tpu.memory_space<vmem_shared>>) offsets(%dma_start3A_780 : memref<624xi32, #tpu.memory_space<vmem>>) semaphore(%arg18 : memref<!tpu.dma_semaphore, #tpu.memory_space<semaphore_mem>>) {add = true}
    %dma_wait3A_783 = arith.constant 0 : i32
    %dma_wait3A_784 = arith.constant 0 : i32
    %dma_wait3A_785 = tpu.memref_slice %arg10[%dma_wait3A_783, %dma_wait3A_784] : memref<624x16xf32, #tpu.memory_space<vmem>> -> memref<624x16xf32, #tpu.memory_space<vmem>>
    %dma_wait3A_786 = arith.constant 5616 : i32
    %dma_wait3A_787 = tpu.memref_slice %arg8[%dma_wait3A_786] : memref<10000xi32, #tpu.memory_space<vmem>> -> memref<624xi32, #tpu.memory_space<vmem>>
    %dma_wait3A_788 = arith.constant 0 : i32
    %dma_wait3A_789 = arith.constant 0 : i32
    %dma_wait3A_790 = tpu.memref_slice %arg12[%dma_wait3A_788, %dma_wait3A_789] : memref<80000x16xf32, #tpu.memory_space<vmem_shared>> -> memref<80000x16xf32, #tpu.memory_space<vmem_shared>>
    tpu.wait_indirect_dma semaphore(%arg18 : memref<!tpu.dma_semaphore, #tpu.memory_space<semaphore_mem>>) src(%dma_wait3A_785 : memref<624x16xf32, #tpu.memory_space<vmem>>) dst(%dma_wait3A_790 : memref<80000x16xf32, #tpu.memory_space<vmem_shared>>)
    %dma_wait3A_791 = arith.constant 0 : i32
    %dma_wait3A_792 = tpu.memref_slice %arg19[%dma_wait3A_791] : memref<624xf32, #tpu.memory_space<vmem>> -> memref<624xf32, #tpu.memory_space<vmem>>
    %dma_wait3A_793 = arith.constant 5616 : i32
    %dma_wait3A_794 = tpu.memref_slice %arg8[%dma_wait3A_793] : memref<10000xi32, #tpu.memory_space<vmem>> -> memref<624xi32, #tpu.memory_space<vmem>>
    %dma_wait3A_795 = arith.constant 0 : i32
    %dma_wait3A_796 = tpu.memref_slice %arg21[%dma_wait3A_795] : memref<80000xf32, #tpu.memory_space<vmem_shared>> -> memref<80000xf32, #tpu.memory_space<vmem_shared>>
    tpu.wait_indirect_dma semaphore(%arg18 : memref<!tpu.dma_semaphore, #tpu.memory_space<semaphore_mem>>) src(%dma_wait3A_792 : memref<624xf32, #tpu.memory_space<vmem>>) dst(%dma_wait3A_796 : memref<80000xf32, #tpu.memory_space<vmem_shared>>)
    %dma_start3A_797 = arith.constant 0 : i32
    %dma_start3A_798 = arith.constant 0 : i32
    %dma_start3A_799 = tpu.memref_slice %arg10[%dma_start3A_797, %dma_start3A_798] : memref<624x16xf32, #tpu.memory_space<vmem>> -> memref<624x16xf32, #tpu.memory_space<vmem>>
    %dma_start3A_800 = arith.constant 6864 : i32
    %dma_start3A_801 = tpu.memref_slice %arg7[%dma_start3A_800] : memref<10000xi32, #tpu.memory_space<vmem>> -> memref<624xi32, #tpu.memory_space<vmem>>
    %dma_start3A_802 = arith.constant 0 : i32
    %dma_start3A_803 = arith.constant 0 : i32
    %dma_start3A_804 = tpu.memref_slice %arg2[%dma_start3A_802, %dma_start3A_803] : memref<80000x16xf32, #tpu.memory_space<hbm>> -> memref<80000x16xf32, #tpu.memory_space<hbm>>
    tpu.enqueue_indirect_dma source(%dma_start3A_804 : memref<80000x16xf32, #tpu.memory_space<hbm>>) target(%dma_start3A_799 : memref<624x16xf32, #tpu.memory_space<vmem>>) offsets(%dma_start3A_801 : memref<624xi32, #tpu.memory_space<vmem>>) semaphore(%arg16 : memref<!tpu.dma_semaphore, #tpu.memory_space<semaphore_mem>>)
    %dma_wait3A_805 = arith.constant 0 : i32
    %dma_wait3A_806 = arith.constant 0 : i32
    %dma_wait3A_807 = tpu.memref_slice %arg9[%dma_wait3A_805, %dma_wait3A_806] : memref<624x16xf32, #tpu.memory_space<vmem>> -> memref<624x16xf32, #tpu.memory_space<vmem>>
    %dma_wait3A_808 = arith.constant 6240 : i32
    %dma_wait3A_809 = tpu.memref_slice %arg7[%dma_wait3A_808] : memref<10000xi32, #tpu.memory_space<vmem>> -> memref<624xi32, #tpu.memory_space<vmem>>
    %dma_wait3A_810 = arith.constant 0 : i32
    %dma_wait3A_811 = arith.constant 0 : i32
    %dma_wait3A_812 = tpu.memref_slice %arg2[%dma_wait3A_810, %dma_wait3A_811] : memref<80000x16xf32, #tpu.memory_space<hbm>> -> memref<80000x16xf32, #tpu.memory_space<hbm>>
    tpu.wait_indirect_dma semaphore(%arg15 : memref<!tpu.dma_semaphore, #tpu.memory_space<semaphore_mem>>) src(%dma_wait3A_812 : memref<80000x16xf32, #tpu.memory_space<hbm>>) dst(%dma_wait3A_807 : memref<624x16xf32, #tpu.memory_space<vmem>>)
    %dma_start3A_813 = arith.constant 0 : i32
    %dma_start3A_814 = arith.constant 0 : i32
    %dma_start3A_815 = tpu.memref_slice %arg9[%dma_start3A_813, %dma_start3A_814] : memref<624x16xf32, #tpu.memory_space<vmem>> -> memref<624x16xf32, #tpu.memory_space<vmem>>
    %dma_start3A_816 = arith.constant 6240 : i32
    %dma_start3A_817 = tpu.memref_slice %arg8[%dma_start3A_816] : memref<10000xi32, #tpu.memory_space<vmem>> -> memref<624xi32, #tpu.memory_space<vmem>>
    %dma_start3A_818 = arith.constant 0 : i32
    %dma_start3A_819 = arith.constant 0 : i32
    %dma_start3A_820 = tpu.memref_slice %arg12[%dma_start3A_818, %dma_start3A_819] : memref<80000x16xf32, #tpu.memory_space<vmem_shared>> -> memref<80000x16xf32, #tpu.memory_space<vmem_shared>>
    tpu.enqueue_indirect_dma source(%dma_start3A_815 : memref<624x16xf32, #tpu.memory_space<vmem>>) target(%dma_start3A_820 : memref<80000x16xf32, #tpu.memory_space<vmem_shared>>) offsets(%dma_start3A_817 : memref<624xi32, #tpu.memory_space<vmem>>) semaphore(%arg17 : memref<!tpu.dma_semaphore, #tpu.memory_space<semaphore_mem>>) {add = true}
    %dma_start3A_821 = arith.constant 0 : i32
    %dma_start3A_822 = tpu.memref_slice %arg19[%dma_start3A_821] : memref<624xf32, #tpu.memory_space<vmem>> -> memref<624xf32, #tpu.memory_space<vmem>>
    %dma_start3A_823 = arith.constant 6240 : i32
    %dma_start3A_824 = tpu.memref_slice %arg8[%dma_start3A_823] : memref<10000xi32, #tpu.memory_space<vmem>> -> memref<624xi32, #tpu.memory_space<vmem>>
    %dma_start3A_825 = arith.constant 0 : i32
    %dma_start3A_826 = tpu.memref_slice %arg21[%dma_start3A_825] : memref<80000xf32, #tpu.memory_space<vmem_shared>> -> memref<80000xf32, #tpu.memory_space<vmem_shared>>
    tpu.enqueue_indirect_dma source(%dma_start3A_822 : memref<624xf32, #tpu.memory_space<vmem>>) target(%dma_start3A_826 : memref<80000xf32, #tpu.memory_space<vmem_shared>>) offsets(%dma_start3A_824 : memref<624xi32, #tpu.memory_space<vmem>>) semaphore(%arg17 : memref<!tpu.dma_semaphore, #tpu.memory_space<semaphore_mem>>) {add = true}
    %dma_wait3A_827 = arith.constant 0 : i32
    %dma_wait3A_828 = arith.constant 0 : i32
    %dma_wait3A_829 = tpu.memref_slice %arg9[%dma_wait3A_827, %dma_wait3A_828] : memref<624x16xf32, #tpu.memory_space<vmem>> -> memref<624x16xf32, #tpu.memory_space<vmem>>
    %dma_wait3A_830 = arith.constant 6240 : i32
    %dma_wait3A_831 = tpu.memref_slice %arg8[%dma_wait3A_830] : memref<10000xi32, #tpu.memory_space<vmem>> -> memref<624xi32, #tpu.memory_space<vmem>>
    %dma_wait3A_832 = arith.constant 0 : i32
    %dma_wait3A_833 = arith.constant 0 : i32
    %dma_wait3A_834 = tpu.memref_slice %arg12[%dma_wait3A_832, %dma_wait3A_833] : memref<80000x16xf32, #tpu.memory_space<vmem_shared>> -> memref<80000x16xf32, #tpu.memory_space<vmem_shared>>
    tpu.wait_indirect_dma semaphore(%arg17 : memref<!tpu.dma_semaphore, #tpu.memory_space<semaphore_mem>>) src(%dma_wait3A_829 : memref<624x16xf32, #tpu.memory_space<vmem>>) dst(%dma_wait3A_834 : memref<80000x16xf32, #tpu.memory_space<vmem_shared>>)
    %dma_wait3A_835 = arith.constant 0 : i32
    %dma_wait3A_836 = tpu.memref_slice %arg19[%dma_wait3A_835] : memref<624xf32, #tpu.memory_space<vmem>> -> memref<624xf32, #tpu.memory_space<vmem>>
    %dma_wait3A_837 = arith.constant 6240 : i32
    %dma_wait3A_838 = tpu.memref_slice %arg8[%dma_wait3A_837] : memref<10000xi32, #tpu.memory_space<vmem>> -> memref<624xi32, #tpu.memory_space<vmem>>
    %dma_wait3A_839 = arith.constant 0 : i32
    %dma_wait3A_840 = tpu.memref_slice %arg21[%dma_wait3A_839] : memref<80000xf32, #tpu.memory_space<vmem_shared>> -> memref<80000xf32, #tpu.memory_space<vmem_shared>>
    tpu.wait_indirect_dma semaphore(%arg17 : memref<!tpu.dma_semaphore, #tpu.memory_space<semaphore_mem>>) src(%dma_wait3A_836 : memref<624xf32, #tpu.memory_space<vmem>>) dst(%dma_wait3A_840 : memref<80000xf32, #tpu.memory_space<vmem_shared>>)
    %dma_start3A_841 = arith.constant 0 : i32
    %dma_start3A_842 = arith.constant 0 : i32
    %dma_start3A_843 = tpu.memref_slice %arg9[%dma_start3A_841, %dma_start3A_842] : memref<624x16xf32, #tpu.memory_space<vmem>> -> memref<624x16xf32, #tpu.memory_space<vmem>>
    %dma_start3A_844 = arith.constant 7488 : i32
    %dma_start3A_845 = tpu.memref_slice %arg7[%dma_start3A_844] : memref<10000xi32, #tpu.memory_space<vmem>> -> memref<624xi32, #tpu.memory_space<vmem>>
    %dma_start3A_846 = arith.constant 0 : i32
    %dma_start3A_847 = arith.constant 0 : i32
    %dma_start3A_848 = tpu.memref_slice %arg2[%dma_start3A_846, %dma_start3A_847] : memref<80000x16xf32, #tpu.memory_space<hbm>> -> memref<80000x16xf32, #tpu.memory_space<hbm>>
    tpu.enqueue_indirect_dma source(%dma_start3A_848 : memref<80000x16xf32, #tpu.memory_space<hbm>>) target(%dma_start3A_843 : memref<624x16xf32, #tpu.memory_space<vmem>>) offsets(%dma_start3A_845 : memref<624xi32, #tpu.memory_space<vmem>>) semaphore(%arg15 : memref<!tpu.dma_semaphore, #tpu.memory_space<semaphore_mem>>)
    %dma_wait3A_849 = arith.constant 0 : i32
    %dma_wait3A_850 = arith.constant 0 : i32
    %dma_wait3A_851 = tpu.memref_slice %arg10[%dma_wait3A_849, %dma_wait3A_850] : memref<624x16xf32, #tpu.memory_space<vmem>> -> memref<624x16xf32, #tpu.memory_space<vmem>>
    %dma_wait3A_852 = arith.constant 6864 : i32
    %dma_wait3A_853 = tpu.memref_slice %arg7[%dma_wait3A_852] : memref<10000xi32, #tpu.memory_space<vmem>> -> memref<624xi32, #tpu.memory_space<vmem>>
    %dma_wait3A_854 = arith.constant 0 : i32
    %dma_wait3A_855 = arith.constant 0 : i32
    %dma_wait3A_856 = tpu.memref_slice %arg2[%dma_wait3A_854, %dma_wait3A_855] : memref<80000x16xf32, #tpu.memory_space<hbm>> -> memref<80000x16xf32, #tpu.memory_space<hbm>>
    tpu.wait_indirect_dma semaphore(%arg16 : memref<!tpu.dma_semaphore, #tpu.memory_space<semaphore_mem>>) src(%dma_wait3A_856 : memref<80000x16xf32, #tpu.memory_space<hbm>>) dst(%dma_wait3A_851 : memref<624x16xf32, #tpu.memory_space<vmem>>)
    %dma_start3A_857 = arith.constant 0 : i32
    %dma_start3A_858 = arith.constant 0 : i32
    %dma_start3A_859 = tpu.memref_slice %arg10[%dma_start3A_857, %dma_start3A_858] : memref<624x16xf32, #tpu.memory_space<vmem>> -> memref<624x16xf32, #tpu.memory_space<vmem>>
    %dma_start3A_860 = arith.constant 6864 : i32
    %dma_start3A_861 = tpu.memref_slice %arg8[%dma_start3A_860] : memref<10000xi32, #tpu.memory_space<vmem>> -> memref<624xi32, #tpu.memory_space<vmem>>
    %dma_start3A_862 = arith.constant 0 : i32
    %dma_start3A_863 = arith.constant 0 : i32
    %dma_start3A_864 = tpu.memref_slice %arg12[%dma_start3A_862, %dma_start3A_863] : memref<80000x16xf32, #tpu.memory_space<vmem_shared>> -> memref<80000x16xf32, #tpu.memory_space<vmem_shared>>
    tpu.enqueue_indirect_dma source(%dma_start3A_859 : memref<624x16xf32, #tpu.memory_space<vmem>>) target(%dma_start3A_864 : memref<80000x16xf32, #tpu.memory_space<vmem_shared>>) offsets(%dma_start3A_861 : memref<624xi32, #tpu.memory_space<vmem>>) semaphore(%arg18 : memref<!tpu.dma_semaphore, #tpu.memory_space<semaphore_mem>>) {add = true}
    %dma_start3A_865 = arith.constant 0 : i32
    %dma_start3A_866 = tpu.memref_slice %arg19[%dma_start3A_865] : memref<624xf32, #tpu.memory_space<vmem>> -> memref<624xf32, #tpu.memory_space<vmem>>
    %dma_start3A_867 = arith.constant 6864 : i32
    %dma_start3A_868 = tpu.memref_slice %arg8[%dma_start3A_867] : memref<10000xi32, #tpu.memory_space<vmem>> -> memref<624xi32, #tpu.memory_space<vmem>>
    %dma_start3A_869 = arith.constant 0 : i32
    %dma_start3A_870 = tpu.memref_slice %arg21[%dma_start3A_869] : memref<80000xf32, #tpu.memory_space<vmem_shared>> -> memref<80000xf32, #tpu.memory_space<vmem_shared>>
    tpu.enqueue_indirect_dma source(%dma_start3A_866 : memref<624xf32, #tpu.memory_space<vmem>>) target(%dma_start3A_870 : memref<80000xf32, #tpu.memory_space<vmem_shared>>) offsets(%dma_start3A_868 : memref<624xi32, #tpu.memory_space<vmem>>) semaphore(%arg18 : memref<!tpu.dma_semaphore, #tpu.memory_space<semaphore_mem>>) {add = true}
    %dma_wait3A_871 = arith.constant 0 : i32
    %dma_wait3A_872 = arith.constant 0 : i32
    %dma_wait3A_873 = tpu.memref_slice %arg10[%dma_wait3A_871, %dma_wait3A_872] : memref<624x16xf32, #tpu.memory_space<vmem>> -> memref<624x16xf32, #tpu.memory_space<vmem>>
    %dma_wait3A_874 = arith.constant 6864 : i32
    %dma_wait3A_875 = tpu.memref_slice %arg8[%dma_wait3A_874] : memref<10000xi32, #tpu.memory_space<vmem>> -> memref<624xi32, #tpu.memory_space<vmem>>
    %dma_wait3A_876 = arith.constant 0 : i32
    %dma_wait3A_877 = arith.constant 0 : i32
    %dma_wait3A_878 = tpu.memref_slice %arg12[%dma_wait3A_876, %dma_wait3A_877] : memref<80000x16xf32, #tpu.memory_space<vmem_shared>> -> memref<80000x16xf32, #tpu.memory_space<vmem_shared>>
    tpu.wait_indirect_dma semaphore(%arg18 : memref<!tpu.dma_semaphore, #tpu.memory_space<semaphore_mem>>) src(%dma_wait3A_873 : memref<624x16xf32, #tpu.memory_space<vmem>>) dst(%dma_wait3A_878 : memref<80000x16xf32, #tpu.memory_space<vmem_shared>>)
    %dma_wait3A_879 = arith.constant 0 : i32
    %dma_wait3A_880 = tpu.memref_slice %arg19[%dma_wait3A_879] : memref<624xf32, #tpu.memory_space<vmem>> -> memref<624xf32, #tpu.memory_space<vmem>>
    %dma_wait3A_881 = arith.constant 6864 : i32
    %dma_wait3A_882 = tpu.memref_slice %arg8[%dma_wait3A_881] : memref<10000xi32, #tpu.memory_space<vmem>> -> memref<624xi32, #tpu.memory_space<vmem>>
    %dma_wait3A_883 = arith.constant 0 : i32
    %dma_wait3A_884 = tpu.memref_slice %arg21[%dma_wait3A_883] : memref<80000xf32, #tpu.memory_space<vmem_shared>> -> memref<80000xf32, #tpu.memory_space<vmem_shared>>
    tpu.wait_indirect_dma semaphore(%arg18 : memref<!tpu.dma_semaphore, #tpu.memory_space<semaphore_mem>>) src(%dma_wait3A_880 : memref<624xf32, #tpu.memory_space<vmem>>) dst(%dma_wait3A_884 : memref<80000xf32, #tpu.memory_space<vmem_shared>>)
    %dma_start3A_885 = arith.constant 0 : i32
    %dma_start3A_886 = arith.constant 0 : i32
    %dma_start3A_887 = tpu.memref_slice %arg10[%dma_start3A_885, %dma_start3A_886] : memref<624x16xf32, #tpu.memory_space<vmem>> -> memref<624x16xf32, #tpu.memory_space<vmem>>
    %dma_start3A_888 = arith.constant 8112 : i32
    %dma_start3A_889 = tpu.memref_slice %arg7[%dma_start3A_888] : memref<10000xi32, #tpu.memory_space<vmem>> -> memref<624xi32, #tpu.memory_space<vmem>>
    %dma_start3A_890 = arith.constant 0 : i32
    %dma_start3A_891 = arith.constant 0 : i32
    %dma_start3A_892 = tpu.memref_slice %arg2[%dma_start3A_890, %dma_start3A_891] : memref<80000x16xf32, #tpu.memory_space<hbm>> -> memref<80000x16xf32, #tpu.memory_space<hbm>>
    tpu.enqueue_indirect_dma source(%dma_start3A_892 : memref<80000x16xf32, #tpu.memory_space<hbm>>) target(%dma_start3A_887 : memref<624x16xf32, #tpu.memory_space<vmem>>) offsets(%dma_start3A_889 : memref<624xi32, #tpu.memory_space<vmem>>) semaphore(%arg16 : memref<!tpu.dma_semaphore, #tpu.memory_space<semaphore_mem>>)
    %dma_wait3A_893 = arith.constant 0 : i32
    %dma_wait3A_894 = arith.constant 0 : i32
    %dma_wait3A_895 = tpu.memref_slice %arg9[%dma_wait3A_893, %dma_wait3A_894] : memref<624x16xf32, #tpu.memory_space<vmem>> -> memref<624x16xf32, #tpu.memory_space<vmem>>
    %dma_wait3A_896 = arith.constant 7488 : i32
    %dma_wait3A_897 = tpu.memref_slice %arg7[%dma_wait3A_896] : memref<10000xi32, #tpu.memory_space<vmem>> -> memref<624xi32, #tpu.memory_space<vmem>>
    %dma_wait3A_898 = arith.constant 0 : i32
    %dma_wait3A_899 = arith.constant 0 : i32
    %dma_wait3A_900 = tpu.memref_slice %arg2[%dma_wait3A_898, %dma_wait3A_899] : memref<80000x16xf32, #tpu.memory_space<hbm>> -> memref<80000x16xf32, #tpu.memory_space<hbm>>
    tpu.wait_indirect_dma semaphore(%arg15 : memref<!tpu.dma_semaphore, #tpu.memory_space<semaphore_mem>>) src(%dma_wait3A_900 : memref<80000x16xf32, #tpu.memory_space<hbm>>) dst(%dma_wait3A_895 : memref<624x16xf32, #tpu.memory_space<vmem>>)
    %dma_start3A_901 = arith.constant 0 : i32
    %dma_start3A_902 = arith.constant 0 : i32
    %dma_start3A_903 = tpu.memref_slice %arg9[%dma_start3A_901, %dma_start3A_902] : memref<624x16xf32, #tpu.memory_space<vmem>> -> memref<624x16xf32, #tpu.memory_space<vmem>>
    %dma_start3A_904 = arith.constant 7488 : i32
    %dma_start3A_905 = tpu.memref_slice %arg8[%dma_start3A_904] : memref<10000xi32, #tpu.memory_space<vmem>> -> memref<624xi32, #tpu.memory_space<vmem>>
    %dma_start3A_906 = arith.constant 0 : i32
    %dma_start3A_907 = arith.constant 0 : i32
    %dma_start3A_908 = tpu.memref_slice %arg12[%dma_start3A_906, %dma_start3A_907] : memref<80000x16xf32, #tpu.memory_space<vmem_shared>> -> memref<80000x16xf32, #tpu.memory_space<vmem_shared>>
    tpu.enqueue_indirect_dma source(%dma_start3A_903 : memref<624x16xf32, #tpu.memory_space<vmem>>) target(%dma_start3A_908 : memref<80000x16xf32, #tpu.memory_space<vmem_shared>>) offsets(%dma_start3A_905 : memref<624xi32, #tpu.memory_space<vmem>>) semaphore(%arg17 : memref<!tpu.dma_semaphore, #tpu.memory_space<semaphore_mem>>) {add = true}
    %dma_start3A_909 = arith.constant 0 : i32
    %dma_start3A_910 = tpu.memref_slice %arg19[%dma_start3A_909] : memref<624xf32, #tpu.memory_space<vmem>> -> memref<624xf32, #tpu.memory_space<vmem>>
    %dma_start3A_911 = arith.constant 7488 : i32
    %dma_start3A_912 = tpu.memref_slice %arg8[%dma_start3A_911] : memref<10000xi32, #tpu.memory_space<vmem>> -> memref<624xi32, #tpu.memory_space<vmem>>
    %dma_start3A_913 = arith.constant 0 : i32
    %dma_start3A_914 = tpu.memref_slice %arg21[%dma_start3A_913] : memref<80000xf32, #tpu.memory_space<vmem_shared>> -> memref<80000xf32, #tpu.memory_space<vmem_shared>>
    tpu.enqueue_indirect_dma source(%dma_start3A_910 : memref<624xf32, #tpu.memory_space<vmem>>) target(%dma_start3A_914 : memref<80000xf32, #tpu.memory_space<vmem_shared>>) offsets(%dma_start3A_912 : memref<624xi32, #tpu.memory_space<vmem>>) semaphore(%arg17 : memref<!tpu.dma_semaphore, #tpu.memory_space<semaphore_mem>>) {add = true}
    %dma_wait3A_915 = arith.constant 0 : i32
    %dma_wait3A_916 = arith.constant 0 : i32
    %dma_wait3A_917 = tpu.memref_slice %arg9[%dma_wait3A_915, %dma_wait3A_916] : memref<624x16xf32, #tpu.memory_space<vmem>> -> memref<624x16xf32, #tpu.memory_space<vmem>>
    %dma_wait3A_918 = arith.constant 7488 : i32
    %dma_wait3A_919 = tpu.memref_slice %arg8[%dma_wait3A_918] : memref<10000xi32, #tpu.memory_space<vmem>> -> memref<624xi32, #tpu.memory_space<vmem>>
    %dma_wait3A_920 = arith.constant 0 : i32
    %dma_wait3A_921 = arith.constant 0 : i32
    %dma_wait3A_922 = tpu.memref_slice %arg12[%dma_wait3A_920, %dma_wait3A_921] : memref<80000x16xf32, #tpu.memory_space<vmem_shared>> -> memref<80000x16xf32, #tpu.memory_space<vmem_shared>>
    tpu.wait_indirect_dma semaphore(%arg17 : memref<!tpu.dma_semaphore, #tpu.memory_space<semaphore_mem>>) src(%dma_wait3A_917 : memref<624x16xf32, #tpu.memory_space<vmem>>) dst(%dma_wait3A_922 : memref<80000x16xf32, #tpu.memory_space<vmem_shared>>)
    %dma_wait3A_923 = arith.constant 0 : i32
    %dma_wait3A_924 = tpu.memref_slice %arg19[%dma_wait3A_923] : memref<624xf32, #tpu.memory_space<vmem>> -> memref<624xf32, #tpu.memory_space<vmem>>
    %dma_wait3A_925 = arith.constant 7488 : i32
    %dma_wait3A_926 = tpu.memref_slice %arg8[%dma_wait3A_925] : memref<10000xi32, #tpu.memory_space<vmem>> -> memref<624xi32, #tpu.memory_space<vmem>>
    %dma_wait3A_927 = arith.constant 0 : i32
    %dma_wait3A_928 = tpu.memref_slice %arg21[%dma_wait3A_927] : memref<80000xf32, #tpu.memory_space<vmem_shared>> -> memref<80000xf32, #tpu.memory_space<vmem_shared>>
    tpu.wait_indirect_dma semaphore(%arg17 : memref<!tpu.dma_semaphore, #tpu.memory_space<semaphore_mem>>) src(%dma_wait3A_924 : memref<624xf32, #tpu.memory_space<vmem>>) dst(%dma_wait3A_928 : memref<80000xf32, #tpu.memory_space<vmem_shared>>)
    %dma_start3A_929 = arith.constant 0 : i32
    %dma_start3A_930 = arith.constant 0 : i32
    %dma_start3A_931 = tpu.memref_slice %arg9[%dma_start3A_929, %dma_start3A_930] : memref<624x16xf32, #tpu.memory_space<vmem>> -> memref<624x16xf32, #tpu.memory_space<vmem>>
    %dma_start3A_932 = arith.constant 8736 : i32
    %dma_start3A_933 = tpu.memref_slice %arg7[%dma_start3A_932] : memref<10000xi32, #tpu.memory_space<vmem>> -> memref<624xi32, #tpu.memory_space<vmem>>
    %dma_start3A_934 = arith.constant 0 : i32
    %dma_start3A_935 = arith.constant 0 : i32
    %dma_start3A_936 = tpu.memref_slice %arg2[%dma_start3A_934, %dma_start3A_935] : memref<80000x16xf32, #tpu.memory_space<hbm>> -> memref<80000x16xf32, #tpu.memory_space<hbm>>
    tpu.enqueue_indirect_dma source(%dma_start3A_936 : memref<80000x16xf32, #tpu.memory_space<hbm>>) target(%dma_start3A_931 : memref<624x16xf32, #tpu.memory_space<vmem>>) offsets(%dma_start3A_933 : memref<624xi32, #tpu.memory_space<vmem>>) semaphore(%arg15 : memref<!tpu.dma_semaphore, #tpu.memory_space<semaphore_mem>>)
    %dma_wait3A_937 = arith.constant 0 : i32
    %dma_wait3A_938 = arith.constant 0 : i32
    %dma_wait3A_939 = tpu.memref_slice %arg10[%dma_wait3A_937, %dma_wait3A_938] : memref<624x16xf32, #tpu.memory_space<vmem>> -> memref<624x16xf32, #tpu.memory_space<vmem>>
    %dma_wait3A_940 = arith.constant 8112 : i32
    %dma_wait3A_941 = tpu.memref_slice %arg7[%dma_wait3A_940] : memref<10000xi32, #tpu.memory_space<vmem>> -> memref<624xi32, #tpu.memory_space<vmem>>
    %dma_wait3A_942 = arith.constant 0 : i32
    %dma_wait3A_943 = arith.constant 0 : i32
    %dma_wait3A_944 = tpu.memref_slice %arg2[%dma_wait3A_942, %dma_wait3A_943] : memref<80000x16xf32, #tpu.memory_space<hbm>> -> memref<80000x16xf32, #tpu.memory_space<hbm>>
    tpu.wait_indirect_dma semaphore(%arg16 : memref<!tpu.dma_semaphore, #tpu.memory_space<semaphore_mem>>) src(%dma_wait3A_944 : memref<80000x16xf32, #tpu.memory_space<hbm>>) dst(%dma_wait3A_939 : memref<624x16xf32, #tpu.memory_space<vmem>>)
    %dma_start3A_945 = arith.constant 0 : i32
    %dma_start3A_946 = arith.constant 0 : i32
    %dma_start3A_947 = tpu.memref_slice %arg10[%dma_start3A_945, %dma_start3A_946] : memref<624x16xf32, #tpu.memory_space<vmem>> -> memref<624x16xf32, #tpu.memory_space<vmem>>
    %dma_start3A_948 = arith.constant 8112 : i32
    %dma_start3A_949 = tpu.memref_slice %arg8[%dma_start3A_948] : memref<10000xi32, #tpu.memory_space<vmem>> -> memref<624xi32, #tpu.memory_space<vmem>>
    %dma_start3A_950 = arith.constant 0 : i32
    %dma_start3A_951 = arith.constant 0 : i32
    %dma_start3A_952 = tpu.memref_slice %arg12[%dma_start3A_950, %dma_start3A_951] : memref<80000x16xf32, #tpu.memory_space<vmem_shared>> -> memref<80000x16xf32, #tpu.memory_space<vmem_shared>>
    tpu.enqueue_indirect_dma source(%dma_start3A_947 : memref<624x16xf32, #tpu.memory_space<vmem>>) target(%dma_start3A_952 : memref<80000x16xf32, #tpu.memory_space<vmem_shared>>) offsets(%dma_start3A_949 : memref<624xi32, #tpu.memory_space<vmem>>) semaphore(%arg18 : memref<!tpu.dma_semaphore, #tpu.memory_space<semaphore_mem>>) {add = true}
    %dma_start3A_953 = arith.constant 0 : i32
    %dma_start3A_954 = tpu.memref_slice %arg19[%dma_start3A_953] : memref<624xf32, #tpu.memory_space<vmem>> -> memref<624xf32, #tpu.memory_space<vmem>>
    %dma_start3A_955 = arith.constant 8112 : i32
    %dma_start3A_956 = tpu.memref_slice %arg8[%dma_start3A_955] : memref<10000xi32, #tpu.memory_space<vmem>> -> memref<624xi32, #tpu.memory_space<vmem>>
    %dma_start3A_957 = arith.constant 0 : i32
    %dma_start3A_958 = tpu.memref_slice %arg21[%dma_start3A_957] : memref<80000xf32, #tpu.memory_space<vmem_shared>> -> memref<80000xf32, #tpu.memory_space<vmem_shared>>
    tpu.enqueue_indirect_dma source(%dma_start3A_954 : memref<624xf32, #tpu.memory_space<vmem>>) target(%dma_start3A_958 : memref<80000xf32, #tpu.memory_space<vmem_shared>>) offsets(%dma_start3A_956 : memref<624xi32, #tpu.memory_space<vmem>>) semaphore(%arg18 : memref<!tpu.dma_semaphore, #tpu.memory_space<semaphore_mem>>) {add = true}
    %dma_wait3A_959 = arith.constant 0 : i32
    %dma_wait3A_960 = arith.constant 0 : i32
    %dma_wait3A_961 = tpu.memref_slice %arg10[%dma_wait3A_959, %dma_wait3A_960] : memref<624x16xf32, #tpu.memory_space<vmem>> -> memref<624x16xf32, #tpu.memory_space<vmem>>
    %dma_wait3A_962 = arith.constant 8112 : i32
    %dma_wait3A_963 = tpu.memref_slice %arg8[%dma_wait3A_962] : memref<10000xi32, #tpu.memory_space<vmem>> -> memref<624xi32, #tpu.memory_space<vmem>>
    %dma_wait3A_964 = arith.constant 0 : i32
    %dma_wait3A_965 = arith.constant 0 : i32
    %dma_wait3A_966 = tpu.memref_slice %arg12[%dma_wait3A_964, %dma_wait3A_965] : memref<80000x16xf32, #tpu.memory_space<vmem_shared>> -> memref<80000x16xf32, #tpu.memory_space<vmem_shared>>
    tpu.wait_indirect_dma semaphore(%arg18 : memref<!tpu.dma_semaphore, #tpu.memory_space<semaphore_mem>>) src(%dma_wait3A_961 : memref<624x16xf32, #tpu.memory_space<vmem>>) dst(%dma_wait3A_966 : memref<80000x16xf32, #tpu.memory_space<vmem_shared>>)
    %dma_wait3A_967 = arith.constant 0 : i32
    %dma_wait3A_968 = tpu.memref_slice %arg19[%dma_wait3A_967] : memref<624xf32, #tpu.memory_space<vmem>> -> memref<624xf32, #tpu.memory_space<vmem>>
    %dma_wait3A_969 = arith.constant 8112 : i32
    %dma_wait3A_970 = tpu.memref_slice %arg8[%dma_wait3A_969] : memref<10000xi32, #tpu.memory_space<vmem>> -> memref<624xi32, #tpu.memory_space<vmem>>
    %dma_wait3A_971 = arith.constant 0 : i32
    %dma_wait3A_972 = tpu.memref_slice %arg21[%dma_wait3A_971] : memref<80000xf32, #tpu.memory_space<vmem_shared>> -> memref<80000xf32, #tpu.memory_space<vmem_shared>>
    tpu.wait_indirect_dma semaphore(%arg18 : memref<!tpu.dma_semaphore, #tpu.memory_space<semaphore_mem>>) src(%dma_wait3A_968 : memref<624xf32, #tpu.memory_space<vmem>>) dst(%dma_wait3A_972 : memref<80000xf32, #tpu.memory_space<vmem_shared>>)
    %dma_start3A_973 = arith.constant 0 : i32
    %dma_start3A_974 = arith.constant 0 : i32
    %dma_start3A_975 = tpu.memref_slice %arg10[%dma_start3A_973, %dma_start3A_974] : memref<624x16xf32, #tpu.memory_space<vmem>> -> memref<624x16xf32, #tpu.memory_space<vmem>>
    %dma_start3A_976 = arith.constant 9360 : i32
    %dma_start3A_977 = tpu.memref_slice %arg7[%dma_start3A_976] : memref<10000xi32, #tpu.memory_space<vmem>> -> memref<624xi32, #tpu.memory_space<vmem>>
    %dma_start3A_978 = arith.constant 0 : i32
    %dma_start3A_979 = arith.constant 0 : i32
    %dma_start3A_980 = tpu.memref_slice %arg2[%dma_start3A_978, %dma_start3A_979] : memref<80000x16xf32, #tpu.memory_space<hbm>> -> memref<80000x16xf32, #tpu.memory_space<hbm>>
    tpu.enqueue_indirect_dma source(%dma_start3A_980 : memref<80000x16xf32, #tpu.memory_space<hbm>>) target(%dma_start3A_975 : memref<624x16xf32, #tpu.memory_space<vmem>>) offsets(%dma_start3A_977 : memref<624xi32, #tpu.memory_space<vmem>>) semaphore(%arg16 : memref<!tpu.dma_semaphore, #tpu.memory_space<semaphore_mem>>)
    %dma_wait3A_981 = arith.constant 0 : i32
    %dma_wait3A_982 = arith.constant 0 : i32
    %dma_wait3A_983 = tpu.memref_slice %arg9[%dma_wait3A_981, %dma_wait3A_982] : memref<624x16xf32, #tpu.memory_space<vmem>> -> memref<624x16xf32, #tpu.memory_space<vmem>>
    %dma_wait3A_984 = arith.constant 8736 : i32
    %dma_wait3A_985 = tpu.memref_slice %arg7[%dma_wait3A_984] : memref<10000xi32, #tpu.memory_space<vmem>> -> memref<624xi32, #tpu.memory_space<vmem>>
    %dma_wait3A_986 = arith.constant 0 : i32
    %dma_wait3A_987 = arith.constant 0 : i32
    %dma_wait3A_988 = tpu.memref_slice %arg2[%dma_wait3A_986, %dma_wait3A_987] : memref<80000x16xf32, #tpu.memory_space<hbm>> -> memref<80000x16xf32, #tpu.memory_space<hbm>>
    tpu.wait_indirect_dma semaphore(%arg15 : memref<!tpu.dma_semaphore, #tpu.memory_space<semaphore_mem>>) src(%dma_wait3A_988 : memref<80000x16xf32, #tpu.memory_space<hbm>>) dst(%dma_wait3A_983 : memref<624x16xf32, #tpu.memory_space<vmem>>)
    %dma_start3A_989 = arith.constant 0 : i32
    %dma_start3A_990 = arith.constant 0 : i32
    %dma_start3A_991 = tpu.memref_slice %arg9[%dma_start3A_989, %dma_start3A_990] : memref<624x16xf32, #tpu.memory_space<vmem>> -> memref<624x16xf32, #tpu.memory_space<vmem>>
    %dma_start3A_992 = arith.constant 8736 : i32
    %dma_start3A_993 = tpu.memref_slice %arg8[%dma_start3A_992] : memref<10000xi32, #tpu.memory_space<vmem>> -> memref<624xi32, #tpu.memory_space<vmem>>
    %dma_start3A_994 = arith.constant 0 : i32
    %dma_start3A_995 = arith.constant 0 : i32
    %dma_start3A_996 = tpu.memref_slice %arg12[%dma_start3A_994, %dma_start3A_995] : memref<80000x16xf32, #tpu.memory_space<vmem_shared>> -> memref<80000x16xf32, #tpu.memory_space<vmem_shared>>
    tpu.enqueue_indirect_dma source(%dma_start3A_991 : memref<624x16xf32, #tpu.memory_space<vmem>>) target(%dma_start3A_996 : memref<80000x16xf32, #tpu.memory_space<vmem_shared>>) offsets(%dma_start3A_993 : memref<624xi32, #tpu.memory_space<vmem>>) semaphore(%arg17 : memref<!tpu.dma_semaphore, #tpu.memory_space<semaphore_mem>>) {add = true}
    %dma_start3A_997 = arith.constant 0 : i32
    %dma_start3A_998 = tpu.memref_slice %arg19[%dma_start3A_997] : memref<624xf32, #tpu.memory_space<vmem>> -> memref<624xf32, #tpu.memory_space<vmem>>
    %dma_start3A_999 = arith.constant 8736 : i32
    %dma_start3A_1000 = tpu.memref_slice %arg8[%dma_start3A_999] : memref<10000xi32, #tpu.memory_space<vmem>> -> memref<624xi32, #tpu.memory_space<vmem>>
    %dma_start3A_1001 = arith.constant 0 : i32
    %dma_start3A_1002 = tpu.memref_slice %arg21[%dma_start3A_1001] : memref<80000xf32, #tpu.memory_space<vmem_shared>> -> memref<80000xf32, #tpu.memory_space<vmem_shared>>
    tpu.enqueue_indirect_dma source(%dma_start3A_998 : memref<624xf32, #tpu.memory_space<vmem>>) target(%dma_start3A_1002 : memref<80000xf32, #tpu.memory_space<vmem_shared>>) offsets(%dma_start3A_1000 : memref<624xi32, #tpu.memory_space<vmem>>) semaphore(%arg17 : memref<!tpu.dma_semaphore, #tpu.memory_space<semaphore_mem>>) {add = true}
    %dma_wait3A_1003 = arith.constant 0 : i32
    %dma_wait3A_1004 = arith.constant 0 : i32
    %dma_wait3A_1005 = tpu.memref_slice %arg9[%dma_wait3A_1003, %dma_wait3A_1004] : memref<624x16xf32, #tpu.memory_space<vmem>> -> memref<624x16xf32, #tpu.memory_space<vmem>>
    %dma_wait3A_1006 = arith.constant 8736 : i32
    %dma_wait3A_1007 = tpu.memref_slice %arg8[%dma_wait3A_1006] : memref<10000xi32, #tpu.memory_space<vmem>> -> memref<624xi32, #tpu.memory_space<vmem>>
    %dma_wait3A_1008 = arith.constant 0 : i32
    %dma_wait3A_1009 = arith.constant 0 : i32
    %dma_wait3A_1010 = tpu.memref_slice %arg12[%dma_wait3A_1008, %dma_wait3A_1009] : memref<80000x16xf32, #tpu.memory_space<vmem_shared>> -> memref<80000x16xf32, #tpu.memory_space<vmem_shared>>
    tpu.wait_indirect_dma semaphore(%arg17 : memref<!tpu.dma_semaphore, #tpu.memory_space<semaphore_mem>>) src(%dma_wait3A_1005 : memref<624x16xf32, #tpu.memory_space<vmem>>) dst(%dma_wait3A_1010 : memref<80000x16xf32, #tpu.memory_space<vmem_shared>>)
    %dma_wait3A_1011 = arith.constant 0 : i32
    %dma_wait3A_1012 = tpu.memref_slice %arg19[%dma_wait3A_1011] : memref<624xf32, #tpu.memory_space<vmem>> -> memref<624xf32, #tpu.memory_space<vmem>>
    %dma_wait3A_1013 = arith.constant 8736 : i32
    %dma_wait3A_1014 = tpu.memref_slice %arg8[%dma_wait3A_1013] : memref<10000xi32, #tpu.memory_space<vmem>> -> memref<624xi32, #tpu.memory_space<vmem>>
    %dma_wait3A_1015 = arith.constant 0 : i32
    %dma_wait3A_1016 = tpu.memref_slice %arg21[%dma_wait3A_1015] : memref<80000xf32, #tpu.memory_space<vmem_shared>> -> memref<80000xf32, #tpu.memory_space<vmem_shared>>
    tpu.wait_indirect_dma semaphore(%arg17 : memref<!tpu.dma_semaphore, #tpu.memory_space<semaphore_mem>>) src(%dma_wait3A_1012 : memref<624xf32, #tpu.memory_space<vmem>>) dst(%dma_wait3A_1016 : memref<80000xf32, #tpu.memory_space<vmem_shared>>)
    %dma_start3A_1017 = arith.constant 0 : i32
    %dma_start3A_1018 = arith.constant 0 : i32
    %dma_start3A_1019 = tpu.memref_slice %arg9[%dma_start3A_1017, %dma_start3A_1018] : memref<624x16xf32, #tpu.memory_space<vmem>> -> memref<16x16xf32, #tpu.memory_space<vmem>>
    %dma_start3A_1020 = arith.constant 9984 : i32
    %dma_start3A_1021 = tpu.memref_slice %arg7[%dma_start3A_1020] : memref<10000xi32, #tpu.memory_space<vmem>> -> memref<16xi32, #tpu.memory_space<vmem>>
    %dma_start3A_1022 = arith.constant 0 : i32
    %dma_start3A_1023 = arith.constant 0 : i32
    %dma_start3A_1024 = tpu.memref_slice %arg2[%dma_start3A_1022, %dma_start3A_1023] : memref<80000x16xf32, #tpu.memory_space<hbm>> -> memref<80000x16xf32, #tpu.memory_space<hbm>>
    tpu.enqueue_indirect_dma source(%dma_start3A_1024 : memref<80000x16xf32, #tpu.memory_space<hbm>>) target(%dma_start3A_1019 : memref<16x16xf32, #tpu.memory_space<vmem>>) offsets(%dma_start3A_1021 : memref<16xi32, #tpu.memory_space<vmem>>) semaphore(%arg15 : memref<!tpu.dma_semaphore, #tpu.memory_space<semaphore_mem>>)
    %dma_wait3A_1025 = arith.constant 0 : i32
    %dma_wait3A_1026 = arith.constant 0 : i32
    %dma_wait3A_1027 = tpu.memref_slice %arg10[%dma_wait3A_1025, %dma_wait3A_1026] : memref<624x16xf32, #tpu.memory_space<vmem>> -> memref<624x16xf32, #tpu.memory_space<vmem>>
    %dma_wait3A_1028 = arith.constant 9360 : i32
    %dma_wait3A_1029 = tpu.memref_slice %arg7[%dma_wait3A_1028] : memref<10000xi32, #tpu.memory_space<vmem>> -> memref<624xi32, #tpu.memory_space<vmem>>
    %dma_wait3A_1030 = arith.constant 0 : i32
    %dma_wait3A_1031 = arith.constant 0 : i32
    %dma_wait3A_1032 = tpu.memref_slice %arg2[%dma_wait3A_1030, %dma_wait3A_1031] : memref<80000x16xf32, #tpu.memory_space<hbm>> -> memref<80000x16xf32, #tpu.memory_space<hbm>>
    tpu.wait_indirect_dma semaphore(%arg16 : memref<!tpu.dma_semaphore, #tpu.memory_space<semaphore_mem>>) src(%dma_wait3A_1032 : memref<80000x16xf32, #tpu.memory_space<hbm>>) dst(%dma_wait3A_1027 : memref<624x16xf32, #tpu.memory_space<vmem>>)
    %dma_start3A_1033 = arith.constant 0 : i32
    %dma_start3A_1034 = arith.constant 0 : i32
    %dma_start3A_1035 = tpu.memref_slice %arg10[%dma_start3A_1033, %dma_start3A_1034] : memref<624x16xf32, #tpu.memory_space<vmem>> -> memref<624x16xf32, #tpu.memory_space<vmem>>
    %dma_start3A_1036 = arith.constant 9360 : i32
    %dma_start3A_1037 = tpu.memref_slice %arg8[%dma_start3A_1036] : memref<10000xi32, #tpu.memory_space<vmem>> -> memref<624xi32, #tpu.memory_space<vmem>>
    %dma_start3A_1038 = arith.constant 0 : i32
    %dma_start3A_1039 = arith.constant 0 : i32
    %dma_start3A_1040 = tpu.memref_slice %arg12[%dma_start3A_1038, %dma_start3A_1039] : memref<80000x16xf32, #tpu.memory_space<vmem_shared>> -> memref<80000x16xf32, #tpu.memory_space<vmem_shared>>
    tpu.enqueue_indirect_dma source(%dma_start3A_1035 : memref<624x16xf32, #tpu.memory_space<vmem>>) target(%dma_start3A_1040 : memref<80000x16xf32, #tpu.memory_space<vmem_shared>>) offsets(%dma_start3A_1037 : memref<624xi32, #tpu.memory_space<vmem>>) semaphore(%arg18 : memref<!tpu.dma_semaphore, #tpu.memory_space<semaphore_mem>>) {add = true}
    %dma_start3A_1041 = arith.constant 0 : i32
    %dma_start3A_1042 = tpu.memref_slice %arg19[%dma_start3A_1041] : memref<624xf32, #tpu.memory_space<vmem>> -> memref<624xf32, #tpu.memory_space<vmem>>
    %dma_start3A_1043 = arith.constant 9360 : i32
    %dma_start3A_1044 = tpu.memref_slice %arg8[%dma_start3A_1043] : memref<10000xi32, #tpu.memory_space<vmem>> -> memref<624xi32, #tpu.memory_space<vmem>>
    %dma_start3A_1045 = arith.constant 0 : i32
    %dma_start3A_1046 = tpu.memref_slice %arg21[%dma_start3A_1045] : memref<80000xf32, #tpu.memory_space<vmem_shared>> -> memref<80000xf32, #tpu.memory_space<vmem_shared>>
    tpu.enqueue_indirect_dma source(%dma_start3A_1042 : memref<624xf32, #tpu.memory_space<vmem>>) target(%dma_start3A_1046 : memref<80000xf32, #tpu.memory_space<vmem_shared>>) offsets(%dma_start3A_1044 : memref<624xi32, #tpu.memory_space<vmem>>) semaphore(%arg18 : memref<!tpu.dma_semaphore, #tpu.memory_space<semaphore_mem>>) {add = true}
    %dma_wait3A_1047 = arith.constant 0 : i32
    %dma_wait3A_1048 = arith.constant 0 : i32
    %dma_wait3A_1049 = tpu.memref_slice %arg9[%dma_wait3A_1047, %dma_wait3A_1048] : memref<624x16xf32, #tpu.memory_space<vmem>> -> memref<16x16xf32, #tpu.memory_space<vmem>>
    %dma_wait3A_1050 = arith.constant 9984 : i32
    %dma_wait3A_1051 = tpu.memref_slice %arg7[%dma_wait3A_1050] : memref<10000xi32, #tpu.memory_space<vmem>> -> memref<16xi32, #tpu.memory_space<vmem>>
    %dma_wait3A_1052 = arith.constant 0 : i32
    %dma_wait3A_1053 = arith.constant 0 : i32
    %dma_wait3A_1054 = tpu.memref_slice %arg2[%dma_wait3A_1052, %dma_wait3A_1053] : memref<80000x16xf32, #tpu.memory_space<hbm>> -> memref<80000x16xf32, #tpu.memory_space<hbm>>
    tpu.wait_indirect_dma semaphore(%arg15 : memref<!tpu.dma_semaphore, #tpu.memory_space<semaphore_mem>>) src(%dma_wait3A_1054 : memref<80000x16xf32, #tpu.memory_space<hbm>>) dst(%dma_wait3A_1049 : memref<16x16xf32, #tpu.memory_space<vmem>>)
    %dma_start3A_1055 = arith.constant 0 : i32
    %dma_start3A_1056 = arith.constant 0 : i32
    %dma_start3A_1057 = tpu.memref_slice %arg9[%dma_start3A_1055, %dma_start3A_1056] : memref<624x16xf32, #tpu.memory_space<vmem>> -> memref<16x16xf32, #tpu.memory_space<vmem>>
    %dma_start3A_1058 = arith.constant 9984 : i32
    %dma_start3A_1059 = tpu.memref_slice %arg8[%dma_start3A_1058] : memref<10000xi32, #tpu.memory_space<vmem>> -> memref<16xi32, #tpu.memory_space<vmem>>
    %dma_start3A_1060 = arith.constant 0 : i32
    %dma_start3A_1061 = arith.constant 0 : i32
    %dma_start3A_1062 = tpu.memref_slice %arg12[%dma_start3A_1060, %dma_start3A_1061] : memref<80000x16xf32, #tpu.memory_space<vmem_shared>> -> memref<80000x16xf32, #tpu.memory_space<vmem_shared>>
    tpu.enqueue_indirect_dma source(%dma_start3A_1057 : memref<16x16xf32, #tpu.memory_space<vmem>>) target(%dma_start3A_1062 : memref<80000x16xf32, #tpu.memory_space<vmem_shared>>) offsets(%dma_start3A_1059 : memref<16xi32, #tpu.memory_space<vmem>>) semaphore(%arg17 : memref<!tpu.dma_semaphore, #tpu.memory_space<semaphore_mem>>) {add = true}
    %dma_start3A_1063 = arith.constant 0 : i32
    %dma_start3A_1064 = tpu.memref_slice %arg19[%dma_start3A_1063] : memref<624xf32, #tpu.memory_space<vmem>> -> memref<16xf32, #tpu.memory_space<vmem>>
    %dma_start3A_1065 = arith.constant 9984 : i32
    %dma_start3A_1066 = tpu.memref_slice %arg8[%dma_start3A_1065] : memref<10000xi32, #tpu.memory_space<vmem>> -> memref<16xi32, #tpu.memory_space<vmem>>
    %dma_start3A_1067 = arith.constant 0 : i32
    %dma_start3A_1068 = tpu.memref_slice %arg21[%dma_start3A_1067] : memref<80000xf32, #tpu.memory_space<vmem_shared>> -> memref<80000xf32, #tpu.memory_space<vmem_shared>>
    tpu.enqueue_indirect_dma source(%dma_start3A_1064 : memref<16xf32, #tpu.memory_space<vmem>>) target(%dma_start3A_1068 : memref<80000xf32, #tpu.memory_space<vmem_shared>>) offsets(%dma_start3A_1066 : memref<16xi32, #tpu.memory_space<vmem>>) semaphore(%arg17 : memref<!tpu.dma_semaphore, #tpu.memory_space<semaphore_mem>>) {add = true}
    %dma_wait3A_1069 = arith.constant 0 : i32
    %dma_wait3A_1070 = arith.constant 0 : i32
    %dma_wait3A_1071 = tpu.memref_slice %arg10[%dma_wait3A_1069, %dma_wait3A_1070] : memref<624x16xf32, #tpu.memory_space<vmem>> -> memref<624x16xf32, #tpu.memory_space<vmem>>
    %dma_wait3A_1072 = arith.constant 9360 : i32
    %dma_wait3A_1073 = tpu.memref_slice %arg8[%dma_wait3A_1072] : memref<10000xi32, #tpu.memory_space<vmem>> -> memref<624xi32, #tpu.memory_space<vmem>>
    %dma_wait3A_1074 = arith.constant 0 : i32
    %dma_wait3A_1075 = arith.constant 0 : i32
    %dma_wait3A_1076 = tpu.memref_slice %arg12[%dma_wait3A_1074, %dma_wait3A_1075] : memref<80000x16xf32, #tpu.memory_space<vmem_shared>> -> memref<80000x16xf32, #tpu.memory_space<vmem_shared>>
    tpu.wait_indirect_dma semaphore(%arg18 : memref<!tpu.dma_semaphore, #tpu.memory_space<semaphore_mem>>) src(%dma_wait3A_1071 : memref<624x16xf32, #tpu.memory_space<vmem>>) dst(%dma_wait3A_1076 : memref<80000x16xf32, #tpu.memory_space<vmem_shared>>)
    %dma_wait3A_1077 = arith.constant 0 : i32
    %dma_wait3A_1078 = tpu.memref_slice %arg19[%dma_wait3A_1077] : memref<624xf32, #tpu.memory_space<vmem>> -> memref<624xf32, #tpu.memory_space<vmem>>
    %dma_wait3A_1079 = arith.constant 9360 : i32
    %dma_wait3A_1080 = tpu.memref_slice %arg8[%dma_wait3A_1079] : memref<10000xi32, #tpu.memory_space<vmem>> -> memref<624xi32, #tpu.memory_space<vmem>>
    %dma_wait3A_1081 = arith.constant 0 : i32
    %dma_wait3A_1082 = tpu.memref_slice %arg21[%dma_wait3A_1081] : memref<80000xf32, #tpu.memory_space<vmem_shared>> -> memref<80000xf32, #tpu.memory_space<vmem_shared>>
    tpu.wait_indirect_dma semaphore(%arg18 : memref<!tpu.dma_semaphore, #tpu.memory_space<semaphore_mem>>) src(%dma_wait3A_1078 : memref<624xf32, #tpu.memory_space<vmem>>) dst(%dma_wait3A_1082 : memref<80000xf32, #tpu.memory_space<vmem_shared>>)
    %dma_wait3A_1083 = arith.constant 0 : i32
    %dma_wait3A_1084 = arith.constant 0 : i32
    %dma_wait3A_1085 = tpu.memref_slice %arg9[%dma_wait3A_1083, %dma_wait3A_1084] : memref<624x16xf32, #tpu.memory_space<vmem>> -> memref<16x16xf32, #tpu.memory_space<vmem>>
    %dma_wait3A_1086 = arith.constant 9984 : i32
    %dma_wait3A_1087 = tpu.memref_slice %arg8[%dma_wait3A_1086] : memref<10000xi32, #tpu.memory_space<vmem>> -> memref<16xi32, #tpu.memory_space<vmem>>
    %dma_wait3A_1088 = arith.constant 0 : i32
    %dma_wait3A_1089 = arith.constant 0 : i32
    %dma_wait3A_1090 = tpu.memref_slice %arg12[%dma_wait3A_1088, %dma_wait3A_1089] : memref<80000x16xf32, #tpu.memory_space<vmem_shared>> -> memref<80000x16xf32, #tpu.memory_space<vmem_shared>>
    tpu.wait_indirect_dma semaphore(%arg17 : memref<!tpu.dma_semaphore, #tpu.memory_space<semaphore_mem>>) src(%dma_wait3A_1085 : memref<16x16xf32, #tpu.memory_space<vmem>>) dst(%dma_wait3A_1090 : memref<80000x16xf32, #tpu.memory_space<vmem_shared>>)
    %dma_wait3A_1091 = arith.constant 0 : i32
    %dma_wait3A_1092 = tpu.memref_slice %arg19[%dma_wait3A_1091] : memref<624xf32, #tpu.memory_space<vmem>> -> memref<16xf32, #tpu.memory_space<vmem>>
    %dma_wait3A_1093 = arith.constant 9984 : i32
    %dma_wait3A_1094 = tpu.memref_slice %arg8[%dma_wait3A_1093] : memref<10000xi32, #tpu.memory_space<vmem>> -> memref<16xi32, #tpu.memory_space<vmem>>
    %dma_wait3A_1095 = arith.constant 0 : i32
    %dma_wait3A_1096 = tpu.memref_slice %arg21[%dma_wait3A_1095] : memref<80000xf32, #tpu.memory_space<vmem_shared>> -> memref<80000xf32, #tpu.memory_space<vmem_shared>>
    tpu.wait_indirect_dma semaphore(%arg17 : memref<!tpu.dma_semaphore, #tpu.memory_space<semaphore_mem>>) src(%dma_wait3A_1092 : memref<16xf32, #tpu.memory_space<vmem>>) dst(%dma_wait3A_1096 : memref<80000xf32, #tpu.memory_space<vmem_shared>>)
    %barrier3A_1097 = arith.constant 0 : index
    tpu.barrier barrier_id(%barrier3A_1097)
    %mul3A_1098 = arith.constant 5000 : i32
    %mul3A_1099 = arith.muli %arg1, %mul3A_1098 : i32
    %mul3A_1100 = arith.constant 5000 : i32
    %mul3A_1101 = arith.muli %arg1, %mul3A_1100 : i32
    "tpu.region"() ({
      %run_scoped3A = tpu.sem_alloc : memref<!tpu.dma_semaphore, #tpu.memory_space<semaphore_mem>>
      %dma_start3A_1104 = arith.constant 0 : i32
      %dma_start3A_1105 = tpu.memref_slice %arg5[%arg0, %mul3A_1101, %dma_start3A_1104] : memref<2x80000x16xf32, #tpu.memory_space<hbm>> -> memref<1x5000x16xf32, #tpu.memory_space<hbm>>
      %dma_start3A_1106 = tpu.memref_squeeze %dma_start3A_1105 : memref<1x5000x16xf32, #tpu.memory_space<hbm>> -> memref<5000x16xf32, #tpu.memory_space<hbm>>
      %dma_start3A_1107 = arith.constant 0 : i32
      %dma_start3A_1108 = tpu.memref_slice %arg12[%mul3A_1099, %dma_start3A_1107] : memref<80000x16xf32, #tpu.memory_space<vmem_shared>> -> memref<5000x16xf32, #tpu.memory_space<vmem_shared>>
      tpu.enqueue_dma source(%dma_start3A_1108 : memref<5000x16xf32, #tpu.memory_space<vmem_shared>>) target(%dma_start3A_1106 : memref<5000x16xf32, #tpu.memory_space<hbm>>) target_semaphore(%run_scoped3A : memref<!tpu.dma_semaphore, #tpu.memory_space<semaphore_mem>>)
      %dma_wait3A_1109 = arith.constant 0 : i32
      %dma_wait3A_1110 = tpu.memref_slice %arg5[%arg0, %mul3A_1101, %dma_wait3A_1109] : memref<2x80000x16xf32, #tpu.memory_space<hbm>> -> memref<1x5000x16xf32, #tpu.memory_space<hbm>>
      %dma_wait3A_1111 = tpu.memref_squeeze %dma_wait3A_1110 : memref<1x5000x16xf32, #tpu.memory_space<hbm>> -> memref<5000x16xf32, #tpu.memory_space<hbm>>
      %dma_wait3A_1112 = arith.constant 0 : i32
      %dma_wait3A_1113 = tpu.memref_slice %arg12[%mul3A_1099, %dma_wait3A_1112] : memref<80000x16xf32, #tpu.memory_space<vmem_shared>> -> memref<5000x16xf32, #tpu.memory_space<vmem_shared>>
      tpu.wait_dma2 semaphore(%run_scoped3A : memref<!tpu.dma_semaphore, #tpu.memory_space<semaphore_mem>>) src(%dma_wait3A_1113 : memref<5000x16xf32, #tpu.memory_space<vmem_shared>>) dst(%dma_wait3A_1111 : memref<5000x16xf32, #tpu.memory_space<hbm>>)
      tpu.yield
    }) : () -> ()
    %mul3A_1102 = arith.constant 5000 : i32
    %mul3A_1103 = arith.muli %arg1, %mul3A_1102 : i32
    "tpu.region"() ({
      %run_scoped3A = tpu.sem_alloc : memref<!tpu.dma_semaphore, #tpu.memory_space<semaphore_mem>>
      %dma_start3A_1104 = arith.constant 0 : i32
      %dma_start3A_1105 = tpu.memref_slice %arg6[%arg0, %arg1, %dma_start3A_1104] : memref<2x16x5000xf32, #tpu.memory_space<hbm>> -> memref<1x1x5000xf32, #tpu.memory_space<hbm>>
      %dma_start3A_1106 = tpu.memref_squeeze %dma_start3A_1105 : memref<1x1x5000xf32, #tpu.memory_space<hbm>> -> memref<5000xf32, #tpu.memory_space<hbm>>
      %dma_start3A_1107 = tpu.memref_slice %arg21[%mul3A_1103] : memref<80000xf32, #tpu.memory_space<vmem_shared>> -> memref<5000xf32, #tpu.memory_space<vmem_shared>>
      tpu.enqueue_dma source(%dma_start3A_1107 : memref<5000xf32, #tpu.memory_space<vmem_shared>>) target(%dma_start3A_1106 : memref<5000xf32, #tpu.memory_space<hbm>>) target_semaphore(%run_scoped3A : memref<!tpu.dma_semaphore, #tpu.memory_space<semaphore_mem>>)
      %dma_wait3A_1108 = arith.constant 0 : i32
      %dma_wait3A_1109 = tpu.memref_slice %arg6[%arg0, %arg1, %dma_wait3A_1108] : memref<2x16x5000xf32, #tpu.memory_space<hbm>> -> memref<1x1x5000xf32, #tpu.memory_space<hbm>>
      %dma_wait3A_1110 = tpu.memref_squeeze %dma_wait3A_1109 : memref<1x1x5000xf32, #tpu.memory_space<hbm>> -> memref<5000xf32, #tpu.memory_space<hbm>>
      %dma_wait3A_1111 = tpu.memref_slice %arg21[%mul3A_1103] : memref<80000xf32, #tpu.memory_space<vmem_shared>> -> memref<5000xf32, #tpu.memory_space<vmem_shared>>
      tpu.wait_dma2 semaphore(%run_scoped3A : memref<!tpu.dma_semaphore, #tpu.memory_space<semaphore_mem>>) src(%dma_wait3A_1111 : memref<5000xf32, #tpu.memory_space<vmem_shared>>) dst(%dma_wait3A_1110 : memref<5000xf32, #tpu.memory_space<hbm>>)
      tpu.yield
    }) : () -> ()
    return
  }
}

module attributes {stable_mosaic.version = 14 : i64} {
  func.func @_idx_body(%arg0: i32, %arg1: memref<625x512xi32, #tpu.memory_space<vmem>>, %arg2: memref<625x512xi32, #tpu.memory_space<vmem>>, %arg3: memref<625x512xi32, #tpu.memory_space<vmem>>, %arg4: memref<625x512xi32, #tpu.memory_space<vmem>>, %arg5: memref<625x512xi32, #tpu.memory_space<vmem>>) attributes {dimension_semantics = [#tpu.dimension_semantics<arbitrary>], iteration_bounds = array<i64: 1>, scalar_prefetch = 0 : i64, scratch_operands = 0 : i64, tpu.core_type = #tpu.core_type<tc>, window_params = [{pipeline_mode = #tpu.pipeline_mode<synchronous>, transform_indices = @transform_0, window_bounds = array<i64: 625, 512>}, {pipeline_mode = #tpu.pipeline_mode<synchronous>, transform_indices = @transform_1, window_bounds = array<i64: 625, 512>}, {pipeline_mode = #tpu.pipeline_mode<synchronous>, transform_indices = @transform_2, window_bounds = array<i64: 625, 512>}, {pipeline_mode = #tpu.pipeline_mode<synchronous>, transform_indices = @transform_3, window_bounds = array<i64: 625, 512>}, {pipeline_mode = #tpu.pipeline_mode<synchronous>, transform_indices = @transform_4, window_bounds = array<i64: 625, 512>}]} {
    %get3A = arith.constant 0 : index
    %get3A_0 = arith.constant 0 : index
    %get3A_1 = vector.load %arg3[%get3A, %get3A_0] : memref<625x512xi32, #tpu.memory_space<vmem>>, vector<625x512xi32>
    %get3A_2 = arith.constant 0 : index
    %get3A_3 = arith.constant 0 : index
    %get3A_4 = vector.load %arg1[%get3A_2, %get3A_3] : memref<625x512xi32, #tpu.memory_space<vmem>>, vector<625x512xi32>
    %mul3A = arith.constant 8 : i32
    %mul3A_5 = vector.broadcast %mul3A : i32 to vector<625x512xi32>
    %mul3A_6 = arith.muli %get3A_4, %mul3A_5 : vector<625x512xi32>
    %add3A = arith.addi %mul3A_6, %get3A_1 : vector<625x512xi32>
    %swap3A = arith.constant 0 : index
    %swap3A_7 = arith.constant 0 : index
    %swap3A_8 = vector.load %arg4[%swap3A, %swap3A_7] : memref<625x512xi32, #tpu.memory_space<vmem>>, vector<625x512xi32>
    tpu.vector_store %arg4[%swap3A, %swap3A_7], %add3A {strides = array<i32>} : memref<625x512xi32, #tpu.memory_space<vmem>>, vector<625x512xi32>,
    %get3A_9 = arith.constant 0 : index
    %get3A_10 = arith.constant 0 : index
    %get3A_11 = vector.load %arg2[%get3A_9, %get3A_10] : memref<625x512xi32, #tpu.memory_space<vmem>>, vector<625x512xi32>
    %mul3A_12 = arith.constant 8 : i32
    %mul3A_13 = vector.broadcast %mul3A_12 : i32 to vector<625x512xi32>
    %mul3A_14 = arith.muli %get3A_11, %mul3A_13 : vector<625x512xi32>
    %add3A_15 = arith.addi %mul3A_14, %get3A_1 : vector<625x512xi32>
    %swap3A_16 = arith.constant 0 : index
    %swap3A_17 = arith.constant 0 : index
    %swap3A_18 = vector.load %arg5[%swap3A_16, %swap3A_17] : memref<625x512xi32, #tpu.memory_space<vmem>>, vector<625x512xi32>
    tpu.vector_store %arg5[%swap3A_16, %swap3A_17], %add3A_15 {strides = array<i32>} : memref<625x512xi32, #tpu.memory_space<vmem>>, vector<625x512xi32>,
    return
  }
  func.func @transform_0(%arg0: i32) -> (i32, i32) {
    %c0_i32 = arith.constant 0 : i32
    %c0_i32_0 = arith.constant 0 : i32
    %c0_i32_1 = arith.constant 0 : i32
    return %c0_i32, %c0_i32_0 : i32, i32
  }
  func.func @transform_1(%arg0: i32) -> (i32, i32) {
    %c0_i32 = arith.constant 0 : i32
    %c0_i32_0 = arith.constant 0 : i32
    %c0_i32_1 = arith.constant 0 : i32
    return %c0_i32, %c0_i32_0 : i32, i32
  }
  func.func @transform_2(%arg0: i32) -> (i32, i32) {
    %c0_i32 = arith.constant 0 : i32
    %c0_i32_0 = arith.constant 0 : i32
    %c0_i32_1 = arith.constant 0 : i32
    return %c0_i32, %c0_i32_0 : i32, i32
  }
  func.func @transform_3(%arg0: i32) -> (i32, i32) {
    %c0_i32 = arith.constant 0 : i32
    %c0_i32_0 = arith.constant 0 : i32
    %c0_i32_1 = arith.constant 0 : i32
    return %c0_i32, %c0_i32_0 : i32, i32
  }
  func.func @transform_4(%arg0: i32) -> (i32, i32) {
    %c0_i32 = arith.constant 0 : i32
    %c0_i32_0 = arith.constant 0 : i32
    %c0_i32_1 = arith.constant 0 : i32
    return %c0_i32, %c0_i32_0 : i32, i32
  }
}

module attributes {stable_mosaic.version = 14 : i64} {
  func.func @_proj_body(%arg0: i32, %arg1: memref<1000x128xf32, #tpu.memory_space<vmem>>, %arg2: memref<128x144xf32, #tpu.memory_space<vmem>>, %arg3: memref<1000x128xf32, #tpu.memory_space<vmem>>, %arg4: memref<1000x16xf32, #tpu.memory_space<vmem>>) attributes {dimension_semantics = [#tpu.dimension_semantics<arbitrary>], iteration_bounds = array<i64: 10>, scalar_prefetch = 0 : i64, scratch_operands = 0 : i64, tpu.core_type = #tpu.core_type<tc>, window_params = [{transform_indices = @transform_0, window_bounds = array<i64: 1000, 128>}, {pipeline_mode = #tpu.pipeline_mode<synchronous>, transform_indices = @transform_1, window_bounds = array<i64: 128, 144>}, {transform_indices = @transform_2, window_bounds = array<i64: 1000, 128>}, {transform_indices = @transform_3, window_bounds = array<i64: 1000, 16>}]} {
    %get3A = arith.constant 0 : index
    %get3A_0 = arith.constant 0 : index
    %get3A_1 = vector.load %arg1[%get3A, %get3A_0] : memref<1000x128xf32, #tpu.memory_space<vmem>>, vector<1000x128xf32>
    %get3A_2 = arith.constant 0 : index
    %get3A_3 = arith.constant 0 : index
    %get3A_4 = vector.load %arg2[%get3A_2, %get3A_3] : memref<128x144xf32, #tpu.memory_space<vmem>>, vector<128x144xf32>
    %dot_general3A = arith.constant dense<0.000000e+00> : vector<1000x144xf32>
    %dot_general3A_5 = tpu.matmul %get3A_1, %get3A_4, %dot_general3A {dimension_numbers = #tpu.dot_dimension_numbers<[1], [0], [0], [1], [0, 0, 1, 1], [], []>, transpose_lhs_hint = false} : vector<1000x128xf32>, vector<128x144xf32>, vector<1000x144xf32> -> vector<1000x144xf32>
    %slice3A = vector.extract_strided_slice %dot_general3A_5 {offsets = [0, 0], sizes = [1000, 128], strides = [1, 1]} : vector<1000x144xf32> to vector<1000x128xf32>
    %swap3A = arith.constant 0 : index
    %swap3A_6 = arith.constant 0 : index
    %swap3A_7 = vector.load %arg3[%swap3A, %swap3A_6] : memref<1000x128xf32, #tpu.memory_space<vmem>>, vector<1000x128xf32>
    tpu.vector_store %arg3[%swap3A, %swap3A_6], %slice3A {strides = array<i32>} : memref<1000x128xf32, #tpu.memory_space<vmem>>, vector<1000x128xf32>,
    %slice3A_8 = vector.extract_strided_slice %dot_general3A_5 {offsets = [0, 128], sizes = [1000, 16], strides = [1, 1]} : vector<1000x144xf32> to vector<1000x16xf32>
    %swap3A_9 = arith.constant 0 : index
    %swap3A_10 = arith.constant 0 : index
    %swap3A_11 = vector.load %arg4[%swap3A_9, %swap3A_10] : memref<1000x16xf32, #tpu.memory_space<vmem>>, vector<1000x16xf32>
    tpu.vector_store %arg4[%swap3A_9, %swap3A_10], %slice3A_8 {strides = array<i32>} : memref<1000x16xf32, #tpu.memory_space<vmem>>, vector<1000x16xf32>,
    return
  }
  func.func @transform_0(%arg0: i32) -> (i32, i32) {
    %c0_i32 = arith.constant 0 : i32
    %c0_i32_0 = arith.constant 0 : i32
    return %arg0, %c0_i32 : i32, i32
  }
  func.func @transform_1(%arg0: i32) -> (i32, i32) {
    %c0_i32 = arith.constant 0 : i32
    %c0_i32_0 = arith.constant 0 : i32
    %c0_i32_1 = arith.constant 0 : i32
    return %c0_i32, %c0_i32_0 : i32, i32
  }
  func.func @transform_2(%arg0: i32) -> (i32, i32) {
    %c0_i32 = arith.constant 0 : i32
    %c0_i32_0 = arith.constant 0 : i32
    return %arg0, %c0_i32 : i32, i32
  }
  func.func @transform_3(%arg0: i32) -> (i32, i32) {
    %c0_i32 = arith.constant 0 : i32
    %c0_i32_0 = arith.constant 0 : i32
    return %arg0, %c0_i32 : i32, i32
  }
}

module attributes {stable_mosaic.version = 14 : i64} {
  func.func @_norm1_body(%arg0: i32, %arg1: memref<2000x16xf32, #tpu.memory_space<vmem>>, %arg2: memref<2x2000x128xf32, #tpu.memory_space<vmem>>, %arg3: memref<2x2000x8xf32, #tpu.memory_space<vmem>>, %arg4: memref<8x16xf32, #tpu.memory_space<vmem>>, %arg5: memref<16x144xf32, #tpu.memory_space<vmem>>, %arg6: memref<2000x128xf32, #tpu.memory_space<vmem>>, %arg7: memref<2000x16xf32, #tpu.memory_space<vmem>>) attributes {dimension_semantics = [#tpu.dimension_semantics<arbitrary>], iteration_bounds = array<i64: 5>, scalar_prefetch = 0 : i64, scratch_operands = 0 : i64, tpu.core_type = #tpu.core_type<tc>, window_params = [{transform_indices = @transform_0, window_bounds = array<i64: 2000, 16>}, {transform_indices = @transform_1, window_bounds = array<i64: 2, 2000, 128>}, {transform_indices = @transform_2, window_bounds = array<i64: 2, 2000, 8>}, {pipeline_mode = #tpu.pipeline_mode<synchronous>, transform_indices = @transform_3, window_bounds = array<i64: 8, 16>}, {pipeline_mode = #tpu.pipeline_mode<synchronous>, transform_indices = @transform_4, window_bounds = array<i64: 16, 144>}, {transform_indices = @transform_5, window_bounds = array<i64: 2000, 128>}, {transform_indices = @transform_6, window_bounds = array<i64: 2000, 16>}]} {
    %get3A = arith.constant 0 : index
    %get3A_0 = arith.constant 0 : index
    %get3A_1 = vector.load %arg1[%get3A, %get3A_0] : memref<2000x16xf32, #tpu.memory_space<vmem>>, vector<2000x16xf32>
    %get3A_2 = arith.constant 0 : index
    %get3A_3 = arith.constant 0 : index
    %get3A_4 = arith.constant 0 : index
    %get3A_5 = vector.load %arg2[%get3A_2, %get3A_3, %get3A_4] : memref<2x2000x128xf32, #tpu.memory_space<vmem>>, vector<2x2000x128xf32>
    %get3A_6 = arith.constant 0 : index
    %get3A_7 = arith.constant 0 : index
    %get3A_8 = arith.constant 0 : index
    %get3A_9 = vector.load %arg3[%get3A_6, %get3A_7, %get3A_8] : memref<2x2000x8xf32, #tpu.memory_space<vmem>>, vector<2x2000x8xf32>
    %get3A_10 = arith.constant 0 : index
    %get3A_11 = arith.constant 0 : index
    %get3A_12 = vector.load %arg4[%get3A_10, %get3A_11] : memref<8x16xf32, #tpu.memory_space<vmem>>, vector<8x16xf32>
    %slice3A = vector.extract_strided_slice %get3A_9 {offsets = [0, 0, 0], sizes = [1, 2000, 8], strides = [1, 1, 1]} : vector<2x2000x8xf32> to vector<1x2000x8xf32>
    %squeeze3A = vector.shape_cast %slice3A : vector<1x2000x8xf32> to vector<2000x8xf32>
    %slice3A_13 = vector.extract_strided_slice %get3A_9 {offsets = [1, 0, 0], sizes = [1, 2000, 8], strides = [1, 1, 1]} : vector<2x2000x8xf32> to vector<1x2000x8xf32>
    %squeeze3A_14 = vector.shape_cast %slice3A_13 : vector<1x2000x8xf32> to vector<2000x8xf32>
    %add3A = arith.addf %squeeze3A, %squeeze3A_14 : vector<2000x8xf32>
    %max3A = arith.constant 1.000000e+00 : f32
    %max3A_15 = vector.broadcast %max3A : f32 to vector<2000x8xf32>
    %max3A_16 = arith.maximumf %add3A, %max3A_15 : vector<2000x8xf32>
    %div3A = arith.constant 1.000000e+00 : f32
    %div3A_17 = vector.broadcast %div3A : f32 to vector<2000x8xf32>
    %div3A_18 = arith.divf %div3A_17, %max3A_16 : vector<2000x8xf32>
    %slice3A_19 = vector.extract_strided_slice %get3A_5 {offsets = [0, 0, 0], sizes = [1, 2000, 128], strides = [1, 1, 1]} : vector<2x2000x128xf32> to vector<1x2000x128xf32>
    %squeeze3A_20 = vector.shape_cast %slice3A_19 : vector<1x2000x128xf32> to vector<2000x128xf32>
    %slice3A_21 = vector.extract_strided_slice %get3A_5 {offsets = [1, 0, 0], sizes = [1, 2000, 128], strides = [1, 1, 1]} : vector<2x2000x128xf32> to vector<1x2000x128xf32>
    %squeeze3A_22 = vector.shape_cast %slice3A_21 : vector<1x2000x128xf32> to vector<2000x128xf32>
    %add3A_23 = arith.addf %squeeze3A_20, %squeeze3A_22 : vector<2000x128xf32>
    %slice3A_24 = vector.extract_strided_slice %get3A_12 {offsets = [0, 0], sizes = [1, 16], strides = [1, 1]} : vector<8x16xf32> to vector<1x16xf32>
    %add3A_25 = vector.broadcast %slice3A_24 : vector<1x16xf32> to vector<2000x16xf32>
    %add3A_26 = arith.addf %get3A_1, %add3A_25 : vector<2000x16xf32>
    %slice3A_27 = vector.extract_strided_slice %add3A_23 {offsets = [0, 0], sizes = [2000, 16], strides = [1, 1]} : vector<2000x128xf32> to vector<2000x16xf32>
    %slice3A_28 = vector.extract_strided_slice %div3A_18 {offsets = [0, 0], sizes = [2000, 1], strides = [1, 1]} : vector<2000x8xf32> to vector<2000x1xf32>
    %mul3A = vector.broadcast %slice3A_28 : vector<2000x1xf32> to vector<2000x16xf32>
    %mul3A_29 = arith.mulf %slice3A_27, %mul3A : vector<2000x16xf32>
    %add3A_30 = arith.addf %add3A_26, %mul3A_29 : vector<2000x16xf32>
    %slice3A_31 = vector.extract_strided_slice %add3A_23 {offsets = [0, 16], sizes = [2000, 16], strides = [1, 1]} : vector<2000x128xf32> to vector<2000x16xf32>
    %slice3A_32 = vector.extract_strided_slice %div3A_18 {offsets = [0, 1], sizes = [2000, 1], strides = [1, 1]} : vector<2000x8xf32> to vector<2000x1xf32>
    %mul3A_33 = vector.broadcast %slice3A_32 : vector<2000x1xf32> to vector<2000x16xf32>
    %mul3A_34 = arith.mulf %slice3A_31, %mul3A_33 : vector<2000x16xf32>
    %add3A_35 = arith.addf %add3A_30, %mul3A_34 : vector<2000x16xf32>
    %slice3A_36 = vector.extract_strided_slice %add3A_23 {offsets = [0, 32], sizes = [2000, 16], strides = [1, 1]} : vector<2000x128xf32> to vector<2000x16xf32>
    %slice3A_37 = vector.extract_strided_slice %div3A_18 {offsets = [0, 2], sizes = [2000, 1], strides = [1, 1]} : vector<2000x8xf32> to vector<2000x1xf32>
    %mul3A_38 = vector.broadcast %slice3A_37 : vector<2000x1xf32> to vector<2000x16xf32>
    %mul3A_39 = arith.mulf %slice3A_36, %mul3A_38 : vector<2000x16xf32>
    %add3A_40 = arith.addf %add3A_35, %mul3A_39 : vector<2000x16xf32>
    %slice3A_41 = vector.extract_strided_slice %add3A_23 {offsets = [0, 48], sizes = [2000, 16], strides = [1, 1]} : vector<2000x128xf32> to vector<2000x16xf32>
    %slice3A_42 = vector.extract_strided_slice %div3A_18 {offsets = [0, 3], sizes = [2000, 1], strides = [1, 1]} : vector<2000x8xf32> to vector<2000x1xf32>
    %mul3A_43 = vector.broadcast %slice3A_42 : vector<2000x1xf32> to vector<2000x16xf32>
    %mul3A_44 = arith.mulf %slice3A_41, %mul3A_43 : vector<2000x16xf32>
    %add3A_45 = arith.addf %add3A_40, %mul3A_44 : vector<2000x16xf32>
    %slice3A_46 = vector.extract_strided_slice %add3A_23 {offsets = [0, 64], sizes = [2000, 16], strides = [1, 1]} : vector<2000x128xf32> to vector<2000x16xf32>
    %slice3A_47 = vector.extract_strided_slice %div3A_18 {offsets = [0, 4], sizes = [2000, 1], strides = [1, 1]} : vector<2000x8xf32> to vector<2000x1xf32>
    %mul3A_48 = vector.broadcast %slice3A_47 : vector<2000x1xf32> to vector<2000x16xf32>
    %mul3A_49 = arith.mulf %slice3A_46, %mul3A_48 : vector<2000x16xf32>
    %add3A_50 = arith.addf %add3A_45, %mul3A_49 : vector<2000x16xf32>
    %slice3A_51 = vector.extract_strided_slice %add3A_23 {offsets = [0, 80], sizes = [2000, 16], strides = [1, 1]} : vector<2000x128xf32> to vector<2000x16xf32>
    %slice3A_52 = vector.extract_strided_slice %div3A_18 {offsets = [0, 5], sizes = [2000, 1], strides = [1, 1]} : vector<2000x8xf32> to vector<2000x1xf32>
    %mul3A_53 = vector.broadcast %slice3A_52 : vector<2000x1xf32> to vector<2000x16xf32>
    %mul3A_54 = arith.mulf %slice3A_51, %mul3A_53 : vector<2000x16xf32>
    %add3A_55 = arith.addf %add3A_50, %mul3A_54 : vector<2000x16xf32>
    %slice3A_56 = vector.extract_strided_slice %add3A_23 {offsets = [0, 96], sizes = [2000, 16], strides = [1, 1]} : vector<2000x128xf32> to vector<2000x16xf32>
    %slice3A_57 = vector.extract_strided_slice %div3A_18 {offsets = [0, 6], sizes = [2000, 1], strides = [1, 1]} : vector<2000x8xf32> to vector<2000x1xf32>
    %mul3A_58 = vector.broadcast %slice3A_57 : vector<2000x1xf32> to vector<2000x16xf32>
    %mul3A_59 = arith.mulf %slice3A_56, %mul3A_58 : vector<2000x16xf32>
    %add3A_60 = arith.addf %add3A_55, %mul3A_59 : vector<2000x16xf32>
    %slice3A_61 = vector.extract_strided_slice %add3A_23 {offsets = [0, 112], sizes = [2000, 16], strides = [1, 1]} : vector<2000x128xf32> to vector<2000x16xf32>
    %slice3A_62 = vector.extract_strided_slice %div3A_18 {offsets = [0, 7], sizes = [2000, 1], strides = [1, 1]} : vector<2000x8xf32> to vector<2000x1xf32>
    %mul3A_63 = vector.broadcast %slice3A_62 : vector<2000x1xf32> to vector<2000x16xf32>
    %mul3A_64 = arith.mulf %slice3A_61, %mul3A_63 : vector<2000x16xf32>
    %add3A_65 = arith.addf %add3A_60, %mul3A_64 : vector<2000x16xf32>
    %max3A_66 = arith.constant 0.000000e+00 : f32
    %max3A_67 = vector.broadcast %max3A_66 : f32 to vector<2000x16xf32>
    %max3A_68 = arith.maximumf %add3A_65, %max3A_67 : vector<2000x16xf32>
    %get3A_69 = arith.constant 0 : index
    %get3A_70 = arith.constant 0 : index
    %get3A_71 = vector.load %arg5[%get3A_69, %get3A_70] : memref<16x144xf32, #tpu.memory_space<vmem>>, vector<16x144xf32>
    %dot_general3A = arith.constant dense<0.000000e+00> : vector<2000x144xf32>
    %dot_general3A_72 = tpu.matmul %max3A_68, %get3A_71, %dot_general3A {dimension_numbers = #tpu.dot_dimension_numbers<[1], [0], [0], [1], [0, 0, 1, 1], [], []>, transpose_lhs_hint = false} : vector<2000x16xf32>, vector<16x144xf32>, vector<2000x144xf32> -> vector<2000x144xf32>
    %slice3A_73 = vector.extract_strided_slice %dot_general3A_72 {offsets = [0, 0], sizes = [2000, 128], strides = [1, 1]} : vector<2000x144xf32> to vector<2000x128xf32>
    %swap3A = arith.constant 0 : index
    %swap3A_74 = arith.constant 0 : index
    %swap3A_75 = vector.load %arg6[%swap3A, %swap3A_74] : memref<2000x128xf32, #tpu.memory_space<vmem>>, vector<2000x128xf32>
    tpu.vector_store %arg6[%swap3A, %swap3A_74], %slice3A_73 {strides = array<i32>} : memref<2000x128xf32, #tpu.memory_space<vmem>>, vector<2000x128xf32>,
    %slice3A_76 = vector.extract_strided_slice %dot_general3A_72 {offsets = [0, 128], sizes = [2000, 16], strides = [1, 1]} : vector<2000x144xf32> to vector<2000x16xf32>
    %swap3A_77 = arith.constant 0 : index
    %swap3A_78 = arith.constant 0 : index
    %swap3A_79 = vector.load %arg7[%swap3A_77, %swap3A_78] : memref<2000x16xf32, #tpu.memory_space<vmem>>, vector<2000x16xf32>
    tpu.vector_store %arg7[%swap3A_77, %swap3A_78], %slice3A_76 {strides = array<i32>} : memref<2000x16xf32, #tpu.memory_space<vmem>>, vector<2000x16xf32>,
    return
  }
  func.func @transform_0(%arg0: i32) -> (i32, i32) {
    %c0_i32 = arith.constant 0 : i32
    %c0_i32_0 = arith.constant 0 : i32
    return %arg0, %c0_i32 : i32, i32
  }
  func.func @transform_1(%arg0: i32) -> (i32, i32, i32) {
    %c0_i32 = arith.constant 0 : i32
    %c0_i32_0 = arith.constant 0 : i32
    %c0_i32_1 = arith.constant 0 : i32
    return %c0_i32, %arg0, %c0_i32_0 : i32, i32, i32
  }
  func.func @transform_2(%arg0: i32) -> (i32, i32, i32) {
    %c0_i32 = arith.constant 0 : i32
    %c0_i32_0 = arith.constant 0 : i32
    %c0_i32_1 = arith.constant 0 : i32
    return %c0_i32, %arg0, %c0_i32_0 : i32, i32, i32
  }
  func.func @transform_3(%arg0: i32) -> (i32, i32) {
    %c0_i32 = arith.constant 0 : i32
    %c0_i32_0 = arith.constant 0 : i32
    %c0_i32_1 = arith.constant 0 : i32
    return %c0_i32, %c0_i32_0 : i32, i32
  }
  func.func @transform_4(%arg0: i32) -> (i32, i32) {
    %c0_i32 = arith.constant 0 : i32
    %c0_i32_0 = arith.constant 0 : i32
    %c0_i32_1 = arith.constant 0 : i32
    return %c0_i32, %c0_i32_0 : i32, i32
  }
  func.func @transform_5(%arg0: i32) -> (i32, i32) {
    %c0_i32 = arith.constant 0 : i32
    %c0_i32_0 = arith.constant 0 : i32
    return %arg0, %c0_i32 : i32, i32
  }
  func.func @transform_6(%arg0: i32) -> (i32, i32) {
    %c0_i32 = arith.constant 0 : i32
    %c0_i32_0 = arith.constant 0 : i32
    return %arg0, %c0_i32 : i32, i32
  }
}

module attributes {stable_mosaic.version = 14 : i64} {
  func.func @_final_body(%arg0: i32, %arg1: memref<2000x16xf32, #tpu.memory_space<vmem>>, %arg2: memref<2x2000x128xf32, #tpu.memory_space<vmem>>, %arg3: memref<2x2000x8xf32, #tpu.memory_space<vmem>>, %arg4: memref<8x16xf32, #tpu.memory_space<vmem>>, %arg5: memref<2000x16xf32, #tpu.memory_space<vmem>>) attributes {dimension_semantics = [#tpu.dimension_semantics<arbitrary>], iteration_bounds = array<i64: 5>, scalar_prefetch = 0 : i64, scratch_operands = 0 : i64, tpu.core_type = #tpu.core_type<tc>, window_params = [{transform_indices = @transform_0, window_bounds = array<i64: 2000, 16>}, {transform_indices = @transform_1, window_bounds = array<i64: 2, 2000, 128>}, {transform_indices = @transform_2, window_bounds = array<i64: 2, 2000, 8>}, {pipeline_mode = #tpu.pipeline_mode<synchronous>, transform_indices = @transform_3, window_bounds = array<i64: 8, 16>}, {transform_indices = @transform_4, window_bounds = array<i64: 2000, 16>}]} {
    %get3A = arith.constant 0 : index
    %get3A_0 = arith.constant 0 : index
    %get3A_1 = vector.load %arg1[%get3A, %get3A_0] : memref<2000x16xf32, #tpu.memory_space<vmem>>, vector<2000x16xf32>
    %get3A_2 = arith.constant 0 : index
    %get3A_3 = arith.constant 0 : index
    %get3A_4 = arith.constant 0 : index
    %get3A_5 = vector.load %arg2[%get3A_2, %get3A_3, %get3A_4] : memref<2x2000x128xf32, #tpu.memory_space<vmem>>, vector<2x2000x128xf32>
    %get3A_6 = arith.constant 0 : index
    %get3A_7 = arith.constant 0 : index
    %get3A_8 = arith.constant 0 : index
    %get3A_9 = vector.load %arg3[%get3A_6, %get3A_7, %get3A_8] : memref<2x2000x8xf32, #tpu.memory_space<vmem>>, vector<2x2000x8xf32>
    %get3A_10 = arith.constant 0 : index
    %get3A_11 = arith.constant 0 : index
    %get3A_12 = vector.load %arg4[%get3A_10, %get3A_11] : memref<8x16xf32, #tpu.memory_space<vmem>>, vector<8x16xf32>
    %slice3A = vector.extract_strided_slice %get3A_9 {offsets = [0, 0, 0], sizes = [1, 2000, 8], strides = [1, 1, 1]} : vector<2x2000x8xf32> to vector<1x2000x8xf32>
    %squeeze3A = vector.shape_cast %slice3A : vector<1x2000x8xf32> to vector<2000x8xf32>
    %slice3A_13 = vector.extract_strided_slice %get3A_9 {offsets = [1, 0, 0], sizes = [1, 2000, 8], strides = [1, 1, 1]} : vector<2x2000x8xf32> to vector<1x2000x8xf32>
    %squeeze3A_14 = vector.shape_cast %slice3A_13 : vector<1x2000x8xf32> to vector<2000x8xf32>
    %add3A = arith.addf %squeeze3A, %squeeze3A_14 : vector<2000x8xf32>
    %max3A = arith.constant 1.000000e+00 : f32
    %max3A_15 = vector.broadcast %max3A : f32 to vector<2000x8xf32>
    %max3A_16 = arith.maximumf %add3A, %max3A_15 : vector<2000x8xf32>
    %div3A = arith.constant 1.000000e+00 : f32
    %div3A_17 = vector.broadcast %div3A : f32 to vector<2000x8xf32>
    %div3A_18 = arith.divf %div3A_17, %max3A_16 : vector<2000x8xf32>
    %slice3A_19 = vector.extract_strided_slice %get3A_5 {offsets = [0, 0, 0], sizes = [1, 2000, 128], strides = [1, 1, 1]} : vector<2x2000x128xf32> to vector<1x2000x128xf32>
    %squeeze3A_20 = vector.shape_cast %slice3A_19 : vector<1x2000x128xf32> to vector<2000x128xf32>
    %slice3A_21 = vector.extract_strided_slice %get3A_5 {offsets = [1, 0, 0], sizes = [1, 2000, 128], strides = [1, 1, 1]} : vector<2x2000x128xf32> to vector<1x2000x128xf32>
    %squeeze3A_22 = vector.shape_cast %slice3A_21 : vector<1x2000x128xf32> to vector<2000x128xf32>
    %add3A_23 = arith.addf %squeeze3A_20, %squeeze3A_22 : vector<2000x128xf32>
    %slice3A_24 = vector.extract_strided_slice %get3A_12 {offsets = [0, 0], sizes = [1, 16], strides = [1, 1]} : vector<8x16xf32> to vector<1x16xf32>
    %add3A_25 = vector.broadcast %slice3A_24 : vector<1x16xf32> to vector<2000x16xf32>
    %add3A_26 = arith.addf %get3A_1, %add3A_25 : vector<2000x16xf32>
    %slice3A_27 = vector.extract_strided_slice %add3A_23 {offsets = [0, 0], sizes = [2000, 16], strides = [1, 1]} : vector<2000x128xf32> to vector<2000x16xf32>
    %slice3A_28 = vector.extract_strided_slice %div3A_18 {offsets = [0, 0], sizes = [2000, 1], strides = [1, 1]} : vector<2000x8xf32> to vector<2000x1xf32>
    %mul3A = vector.broadcast %slice3A_28 : vector<2000x1xf32> to vector<2000x16xf32>
    %mul3A_29 = arith.mulf %slice3A_27, %mul3A : vector<2000x16xf32>
    %add3A_30 = arith.addf %add3A_26, %mul3A_29 : vector<2000x16xf32>
    %slice3A_31 = vector.extract_strided_slice %add3A_23 {offsets = [0, 16], sizes = [2000, 16], strides = [1, 1]} : vector<2000x128xf32> to vector<2000x16xf32>
    %slice3A_32 = vector.extract_strided_slice %div3A_18 {offsets = [0, 1], sizes = [2000, 1], strides = [1, 1]} : vector<2000x8xf32> to vector<2000x1xf32>
    %mul3A_33 = vector.broadcast %slice3A_32 : vector<2000x1xf32> to vector<2000x16xf32>
    %mul3A_34 = arith.mulf %slice3A_31, %mul3A_33 : vector<2000x16xf32>
    %add3A_35 = arith.addf %add3A_30, %mul3A_34 : vector<2000x16xf32>
    %slice3A_36 = vector.extract_strided_slice %add3A_23 {offsets = [0, 32], sizes = [2000, 16], strides = [1, 1]} : vector<2000x128xf32> to vector<2000x16xf32>
    %slice3A_37 = vector.extract_strided_slice %div3A_18 {offsets = [0, 2], sizes = [2000, 1], strides = [1, 1]} : vector<2000x8xf32> to vector<2000x1xf32>
    %mul3A_38 = vector.broadcast %slice3A_37 : vector<2000x1xf32> to vector<2000x16xf32>
    %mul3A_39 = arith.mulf %slice3A_36, %mul3A_38 : vector<2000x16xf32>
    %add3A_40 = arith.addf %add3A_35, %mul3A_39 : vector<2000x16xf32>
    %slice3A_41 = vector.extract_strided_slice %add3A_23 {offsets = [0, 48], sizes = [2000, 16], strides = [1, 1]} : vector<2000x128xf32> to vector<2000x16xf32>
    %slice3A_42 = vector.extract_strided_slice %div3A_18 {offsets = [0, 3], sizes = [2000, 1], strides = [1, 1]} : vector<2000x8xf32> to vector<2000x1xf32>
    %mul3A_43 = vector.broadcast %slice3A_42 : vector<2000x1xf32> to vector<2000x16xf32>
    %mul3A_44 = arith.mulf %slice3A_41, %mul3A_43 : vector<2000x16xf32>
    %add3A_45 = arith.addf %add3A_40, %mul3A_44 : vector<2000x16xf32>
    %slice3A_46 = vector.extract_strided_slice %add3A_23 {offsets = [0, 64], sizes = [2000, 16], strides = [1, 1]} : vector<2000x128xf32> to vector<2000x16xf32>
    %slice3A_47 = vector.extract_strided_slice %div3A_18 {offsets = [0, 4], sizes = [2000, 1], strides = [1, 1]} : vector<2000x8xf32> to vector<2000x1xf32>
    %mul3A_48 = vector.broadcast %slice3A_47 : vector<2000x1xf32> to vector<2000x16xf32>
    %mul3A_49 = arith.mulf %slice3A_46, %mul3A_48 : vector<2000x16xf32>
    %add3A_50 = arith.addf %add3A_45, %mul3A_49 : vector<2000x16xf32>
    %slice3A_51 = vector.extract_strided_slice %add3A_23 {offsets = [0, 80], sizes = [2000, 16], strides = [1, 1]} : vector<2000x128xf32> to vector<2000x16xf32>
    %slice3A_52 = vector.extract_strided_slice %div3A_18 {offsets = [0, 5], sizes = [2000, 1], strides = [1, 1]} : vector<2000x8xf32> to vector<2000x1xf32>
    %mul3A_53 = vector.broadcast %slice3A_52 : vector<2000x1xf32> to vector<2000x16xf32>
    %mul3A_54 = arith.mulf %slice3A_51, %mul3A_53 : vector<2000x16xf32>
    %add3A_55 = arith.addf %add3A_50, %mul3A_54 : vector<2000x16xf32>
    %slice3A_56 = vector.extract_strided_slice %add3A_23 {offsets = [0, 96], sizes = [2000, 16], strides = [1, 1]} : vector<2000x128xf32> to vector<2000x16xf32>
    %slice3A_57 = vector.extract_strided_slice %div3A_18 {offsets = [0, 6], sizes = [2000, 1], strides = [1, 1]} : vector<2000x8xf32> to vector<2000x1xf32>
    %mul3A_58 = vector.broadcast %slice3A_57 : vector<2000x1xf32> to vector<2000x16xf32>
    %mul3A_59 = arith.mulf %slice3A_56, %mul3A_58 : vector<2000x16xf32>
    %add3A_60 = arith.addf %add3A_55, %mul3A_59 : vector<2000x16xf32>
    %slice3A_61 = vector.extract_strided_slice %add3A_23 {offsets = [0, 112], sizes = [2000, 16], strides = [1, 1]} : vector<2000x128xf32> to vector<2000x16xf32>
    %slice3A_62 = vector.extract_strided_slice %div3A_18 {offsets = [0, 7], sizes = [2000, 1], strides = [1, 1]} : vector<2000x8xf32> to vector<2000x1xf32>
    %mul3A_63 = vector.broadcast %slice3A_62 : vector<2000x1xf32> to vector<2000x16xf32>
    %mul3A_64 = arith.mulf %slice3A_61, %mul3A_63 : vector<2000x16xf32>
    %add3A_65 = arith.addf %add3A_60, %mul3A_64 : vector<2000x16xf32>
    %reduce_max3A = arith.constant dense<0xFF800000> : vector<2000xf32>
    %reduce_max3A_66 = vector.multi_reduction <maximumf>, %add3A_65, %reduce_max3A [1] : vector<2000x16xf32> to vector<2000xf32>
    %broadcast_in_dim3A = vector.shape_cast %reduce_max3A_66 : vector<2000xf32> to vector<2000x1xf32>
    %sub3A = vector.broadcast %broadcast_in_dim3A : vector<2000x1xf32> to vector<2000x16xf32>
    %sub3A_67 = arith.subf %add3A_65, %sub3A : vector<2000x16xf32>
    %exp3A = math.exp %sub3A_67 : vector<2000x16xf32>
    %reduce_sum3A = arith.constant dense<0.000000e+00> : vector<2000xf32>
    %reduce_sum3A_68 = vector.multi_reduction <add>, %exp3A, %reduce_sum3A [1] : vector<2000x16xf32> to vector<2000xf32>
    %broadcast_in_dim3A_69 = vector.shape_cast %reduce_sum3A_68 : vector<2000xf32> to vector<2000x1xf32>
    %log3A = math.log %broadcast_in_dim3A_69 : vector<2000x1xf32>
    %sub3A_70 = vector.broadcast %broadcast_in_dim3A : vector<2000x1xf32> to vector<2000x16xf32>
    %sub3A_71 = arith.subf %add3A_65, %sub3A_70 : vector<2000x16xf32>
    %sub3A_72 = vector.broadcast %log3A : vector<2000x1xf32> to vector<2000x16xf32>
    %sub3A_73 = arith.subf %sub3A_71, %sub3A_72 : vector<2000x16xf32>
    %swap3A = arith.constant 0 : index
    %swap3A_74 = arith.constant 0 : index
    %swap3A_75 = vector.load %arg5[%swap3A, %swap3A_74] : memref<2000x16xf32, #tpu.memory_space<vmem>>, vector<2000x16xf32>
    tpu.vector_store %arg5[%swap3A, %swap3A_74], %sub3A_73 {strides = array<i32>} : memref<2000x16xf32, #tpu.memory_space<vmem>>, vector<2000x16xf32>,
    return
  }
  func.func @transform_0(%arg0: i32) -> (i32, i32) {
    %c0_i32 = arith.constant 0 : i32
    %c0_i32_0 = arith.constant 0 : i32
    return %arg0, %c0_i32 : i32, i32
  }
  func.func @transform_1(%arg0: i32) -> (i32, i32, i32) {
    %c0_i32 = arith.constant 0 : i32
    %c0_i32_0 = arith.constant 0 : i32
    %c0_i32_1 = arith.constant 0 : i32
    return %c0_i32, %arg0, %c0_i32_0 : i32, i32, i32
  }
  func.func @transform_2(%arg0: i32) -> (i32, i32, i32) {
    %c0_i32 = arith.constant 0 : i32
    %c0_i32_0 = arith.constant 0 : i32
    %c0_i32_1 = arith.constant 0 : i32
    return %c0_i32, %arg0, %c0_i32_0 : i32, i32, i32
  }
  func.func @transform_3(%arg0: i32) -> (i32, i32) {
    %c0_i32 = arith.constant 0 : i32
    %c0_i32_0 = arith.constant 0 : i32
    %c0_i32_1 = arith.constant 0 : i32
    return %c0_i32, %c0_i32_0 : i32, i32
  }
  func.func @transform_4(%arg0: i32) -> (i32, i32) {
    %c0_i32 = arith.constant 0 : i32
    %c0_i32_0 = arith.constant 0 : i32
    return %arg0, %c0_i32 : i32, i32
  }
}

</mosaic_0001>

<sc_bundles>
// kernel: _rgcn.11.cloned.1.call-start
scs
__scs_entry_jumppad:
0x0: {  	(pc) =	sbr.rel $0x88, $3  }
0x1: {  	(tag) =	ssettag $0x0;
	lr =	simm.s32 $0x1  }
0x2: {  	[smem:$0x3F98] =	sst lr;
	_ =	strace $0xD0000000  }
0x3: {  	_ = 	snop  }
0x4: {  	_ = 	snop  }
0x5: {  	_ = 	snop  }
0x6: {  	_ = 	snop  }
0x7: {  	_ = 	snop  }
__scs_overlays_trampoline_lowered:
0x8: {  	[smem:$0x3FA7] =	sst s0  }
0x9: {  	[smem:$0x3FA8] =	sst s1  }
0xa: {  	[smem:$0x3FA9] =	sst s2  }
0xb: {  	[smem:$0x3FAA] =	sst s3  }
0xc: {  	[smem:$0x3FAB] =	sst s4  }
0xd: {  	[smem:$0x3FAC] =	sst s5  }
0xe: {  	[smem:$0x3FAD] =	sst s6  }
0xf: {  	[smem:$0x3FAE] =	sst s7  }
0x10: {  	[smem:$0x3FAF] =	sst s8  }
0x11: {  	[smem:$0x3FB0] =	sst s9;
	s0 =	simm.s32 @!p0 $0x0  }
0x12: {  	s1 =	sld [smem:$0x3F96];
	s0 =	simm.s32 @p0 $0x1  }
0x13: {  	[smem:$0x3FB1] =	sst s0;
	s0 =	simm.s32 @!p1 $0x0  }
0x14: {  	s2 =	sld [smem:$0x3F95];
	s0 =	simm.s32 @p1 $0x1  }
0x15: {  	[smem:$0x3FB2] =	sst s0;
	s0 =	simm.s32 @!p2 $0x0  }
0x16: {  	s3 =	sld [smem:$0x3FDB];
	s0 =	simm.s32 @p2 $0x1  }
0x17: {  	s4 =	simm.s32 $0x1BF5;
	[smem:$0x3FB4] =	sst s0  }
0x18: {  	s0 =	sld [smem:$0x3F97];
	_ =	swait.ge [sflag:s4], $0x0  }
0x19: {  	s7 =	sld [smem:$0x3F98]  }
0x1a: {  	s8 =	sadd.s32 $0xFFFFE003, lr  }
0x1b: {  	s9 =	sadd.s32 $0xFFFFFEF7, lr;
	s5 =	simm.s32 $0xFFFFFFFF;
	p2 =	slt.u32 s8, $0xFFFFF086  }
0x1c: {  	p1 =	slt.u32 s9, $0xF7A;
	s5 =	simm.s32 @!p2 $0x0  }
0x1d: {  	s5 =	simm.s32 @p1 $0x1;
	p0 =	seq.s32 s7, s2  }
0x1e: {  	s7 =	smul.u32 @!p0 $0xF7A, s2;
	p2 =	seq.s32 @!p0 s5, $0x0  }
0x1f: {  	s9 =	smul.u32 $0xF7A, s1;
	s8 =	simm.s32 @!p0 $0x1BF5;
	p2 =	por !p2, p0  }
0x20: {  	[sflag:s8] =	ssyncset.s32 @!p0 $0xFFFFF086;
	s6 =	sadd.s32 @!p0 s3, s7;
	s7 =	simm.s32 @!p0 $0x108  }
0x21: {  	s3 =	sadd.s32 s3, s9;
	s6 =	sadd.s32 @!p0 $0x88, s6;
	s7 =	simm.s32 @p2 $0x1082  }
0x22: {  	[simem:s7], [sflag:s8] =	dma.local @!p0 [hbm:s6], $0xF7A  }
0x23: {  	s9 =	sor.u32 $0xD0000000, s2;
	s6 =	simm.s32 $0x108;
	_ =	swait.ge @!p0 [sflag:s8], $0x0  }
0x24: {  	s3 =	sadd.s32 $0x88, s3;
	s6 =	simm.s32 @!p1 $0x1082;
	[sflag:s4] =	ssyncset.s32 $0xFFFFF086  }
0x25: {  	[simem:s6], [sflag:s4] =	dma.local [hbm:s3], $0xF7A  }
0x26: {  	[smem:$0x3F98] =	sst s1;
	(tag) =	ssettag s2;
	_ =	strace s9  }
0x27: {  	s1 =	sld [smem:$0x3FA8]  }
0x28: {  	s2 =	sld [smem:$0x3FA9]  }
0x29: {  	s4 =	sld [smem:$0x3FAB]  }
0x2a: {  	p0 =	seq.s32 s5, $0x0;
	s5 =	sld [smem:$0x3FAC]  }
0x2b: {  	s6 =	sld [smem:$0x3FAD]  }
0x2c: {  	s7 =	sld [smem:$0x3FAE]  }
0x2d: {  	s3 =	simm.s32 $0x108;
	s8 =	sld [smem:$0x3FAF]  }
0x2e: {  	s3 =	simm.s32 @!p0 $0x1082;
	s9 =	sld [smem:$0x3FB0]  }
0x2f: {  	lr =	sadd.s32 s0, s3;
	s0 =	sld [smem:$0x3FA7]  }
0x30: {  	s3 =	sld [smem:$0x3FAA]  }
0x31: {  	[smem:$0x3FB3] =	sst s10  }
0x32: {  	s10 =	sld [smem:$0x3FB1];
	_ =	sdelay $0x3  }
0x33: {  	p0 =	seq.s32 s10, $0x1;
	s10 =	sld [smem:$0x3FB3];
	_ =	sdelay $0x3  }
0x34: {  	[smem:$0x3FB3] =	sst s10  }
0x35: {  	s10 =	sld [smem:$0x3FB2];
	_ =	sdelay $0x3  }
0x36: {  	p1 =	seq.s32 s10, $0x1;
	s10 =	sld [smem:$0x3FB3];
	_ =	sdelay $0x3  }
0x37: {  	[smem:$0x3FB3] =	sst s10  }
0x38: {  	s10 =	sld [smem:$0x3FB4]  }
0x39: {  	_ = 	snop;
	(pc) =	sbr.ind lr, $3  }
0x3a: {  	_ = 	snop  }
0x3b: {  	_ = 	snop  }
0x3c: {  	p2 =	seq.s32 s10, $0x1;
	s10 =	sld [smem:$0x3FB3]  }
0x3d: {  	_ =	shalt  }
0x3e: {  	_ =	shalt  }
0x3f: {  	_ =	shalt  }
0x40: {  	_ =	shalt  }
0x41: {  	_ =	shalt  }
0x42: {  	_ =	shalt  }
0x43: {  	_ =	shalt  }
0x44: {  	_ =	shalt  }
0x45: {  	_ =	shalt  }
0x46: {  	_ =	shalt  }
0x47: {  	_ =	shalt  }
0x48: {  	_ =	shalt  }
0x49: {  	_ =	shalt  }
0x4a: {  	_ =	shalt  }
0x4b: {  	_ =	shalt  }
0x4c: {  	_ =	shalt  }
0x4d: {  	_ =	shalt  }
0x4e: {  	_ =	shalt  }
0x4f: {  	_ =	shalt  }
0x50: {  	_ =	shalt  }
0x51: {  	_ =	shalt  }
0x52: {  	_ =	shalt  }
0x53: {  	_ =	shalt  }
0x54: {  	_ =	shalt  }
0x55: {  	_ =	shalt  }
0x56: {  	_ =	shalt  }
0x57: {  	_ =	shalt  }
0x58: {  	_ =	shalt  }
0x59: {  	_ =	shalt  }
0x5a: {  	_ =	shalt  }
0x5b: {  	_ =	shalt  }
0x5c: {  	_ =	shalt  }
0x5d: {  	_ =	shalt  }
0x5e: {  	_ =	shalt  }
0x5f: {  	_ =	shalt  }
0x60: {  	_ =	shalt  }
0x61: {  	_ =	shalt  }
0x62: {  	_ =	shalt  }
0x63: {  	_ =	shalt  }
0x64: {  	_ =	shalt  }
0x65: {  	_ =	shalt  }
0x66: {  	_ =	shalt  }
0x67: {  	_ =	shalt  }
0x68: {  	_ =	shalt  }
0x69: {  	_ =	shalt  }
0x6a: {  	_ =	shalt  }
0x6b: {  	_ =	shalt  }
0x6c: {  	_ =	shalt  }
0x6d: {  	_ =	shalt  }
0x6e: {  	_ =	shalt  }
0x6f: {  	_ =	shalt  }
0x70: {  	_ =	shalt  }
0x71: {  	_ =	shalt  }
0x72: {  	_ =	shalt  }
0x73: {  	_ =	shalt  }
0x74: {  	_ =	shalt  }
0x75: {  	_ =	shalt  }
0x76: {  	_ =	shalt  }
0x77: {  	_ =	shalt  }
0x78: {  	_ =	shalt  }
0x79: {  	_ =	shalt  }
0x7a: {  	_ =	shalt  }
0x7b: {  	_ =	shalt  }
0x7c: {  	_ =	shalt  }
0x7d: {  	_ =	shalt  }
0x7e: {  	_ =	shalt  }
0x7f: {  	_ =	shalt  }
0x80: {  	_ =	shalt  }
0x81: {  	_ =	shalt  }
0x82: {  	_ =	shalt  }
0x83: {  	_ =	shalt  }
0x84: {  	_ =	shalt  }
0x85: {  	_ =	shalt  }
0x86: {  	_ =	shalt  }
0x87: {  	_ =	shalt  }
.Lfunc_end0:
.L_simem_size_0:
called_computation.1_lowered:
.L_overlay_start_0:
0x88: {  	s2 =	sld [smem:$0x3FD9]  }
0x89: {  	s3 =	sld [smem:$0x3FFE];
	_ =	sdelay $0x1  }
0x8a: {  	s1 =	srdreg.scid  }
0x8b: {  	s0 =	sand.u32 $0x1, s1  }
0x8c: {  	s16 =	sshll.u32 s0, $0xA;
	s2 =	sadd.s32 s3, s2  }
0x8d: {  	s2 =	sadd.s32 s2, s16  }
0x8e: {  	[smem:$0x3FBF] =	sst s2  }
0x8f: {  	_ = 	snop  }
0x90: {  	(tm) =	ssettm $0x1  }
0x91: {  	s17 =	sld [smem:$0x3FFB];
	_ =	sdelay $0x3  }
0x92: {  	_ =	strace s17  }
0x93: {  	s2 =	sld [smem:$0x3FFC];
	_ =	sdelay $0x3  }
0x94: {  	_ =	strace s2  }
0x95: {  	s2 =	sld [smem:$0x3FFD];
	_ =	sdelay $0x3  }
0x96: {  	_ =	strace s2  }
0x97: {  	_ =	strace $0x8FFFFFFF  }
0x98: {  	s18 =	sld [smem:$0x3FDB];
	_ =	sdelay $0x1  }
0x99: {  	s19 =	simm.s32 $_scs_section_size  }
0x9a: {  	s4 =	simm.s32 $_size__tile_overlayer_lowered;
	s5 =	simm.s32 $_tile_overlayer_lowered  }
0x9b: {  	s22 =	simm.s32 $0x1BFF;
	s21 =	sshll.u32 s5, $0x1;
	s2 =	sadd.s32 s19, s18  }
0x9c: {  	s6 =	simm.s32 $0x0;
	s20 =	sshll.u32 s4, $0x1;
	s4 =	sadd.s32 s21, s2  }
0x9d: {  	[timem:s6], [sflag:s22] =	dma.local [hbm:s4], s20  }
0x9e: {  	_ =	swait.ge [sflag:s22], s20  }
0x9f: {  	s3 =	ssub.s32 $0x0, s20;
	[sflag:s22] =	ssyncset.done $0x0  }
0xa0: {  	[sflag:s22] =	ssyncadd.s32 s3;
	_ =	sdelay $0x1  }
0xa1: {  	s23 =	simm.s32 $0x1B8B  }
0xa2: {  	_ =	swait.ge [sflag:s23], $0x1  }
0xa3: {  	[sflag:s23] =	ssyncset.done $0x0  }
0xa4: {  	s25 =	simm.s32 $0x1B8E;
	s24 =	sld [smem:$0x3FFE];
	[sflag:s23] =	ssyncadd.s32 $0xFFFFFFFF  }
0xa5: {  	s26 =	simm.s32 $execute0_lowered;
	[smem:$0x3FD2] =	sst s25  }
0xa6: {  	s4 =	sshll.u32 s26, $0x1;
	_ =	strace $0x80000049;
	[dreg:$0x1] =	wrdreg $0xFFFFFFFF  }
0xa7: {  	s28 =	simm.s32 $_size_execute0_lowered;
	s2 =	sadd.s32 s2, s4;
	[dreg:$0x0] =	wrdreg $0x0  }
0xa8: {  	s4 =	sshll.u32 s28, $0x1;
	[dreg:$0x2] =	wrdreg s2  }
0xa9: {  	[dreg:$0x3] =	wrdreg s4  }
0xaa: {  	[dreg:$0x4] =	wrdreg $0xC0  }
0xab: {  	_ =	task [dreg:s6], $0x5FFFF  }
0xac: {  	[dreg:$0x1] =	wrdreg $0xFFFFFFFF  }
0xad: {  	[dreg:$0x0] =	wrdreg $0x60  }
0xae: {  	[dreg:$0x2] =	wrdreg s24  }
0xaf: {  	[dreg:$0x3] =	wrdreg $0xC6C00  }
0xb0: {  	[dreg:$0x4] =	wrdreg $0x9  }
0xb1: {  	_ =	task.clear_ibuf [dreg:s6], $0x5FFFF;
	_ =	strace $0x90000049  }
0xb2: {  	s29 =	simm.s32 $0x9;
	_ =	strace $0x8000004B  }
0xb3: {  	_ =	swait.ge [sflag:s29], $0x1  }
0xb4: {  	[sflag:s29] =	ssyncadd.s32 $0xFFFFFFFF  }
0xb5: {  	_ =	strace $0x9000004B  }
0xb6: {  	_ =	sfence  }
0xb7: {  	s30 =	sld [smem:$0x0];
	_ =	sdelay $0x2  }
0xb8: {  	s31 =	sshll.u32 s1, $0xD;
	s1 =	sshrl.u32 s1, $0x2  }
0xb9: {  	s3 =	sand.u32 $0x4000, s31;
	s1 =	sadd.s32 s1, s30  }
0xba: {  	s0 =	sor.u32 s3, s0;
	s1 =	sshll.u32 s1, $0x11  }
0xbb: {  	s0 =	sor.u32 s1, s0  }
0xbc: {  	s0 =	sadd.s32 $0x8F2B, s0  }
0xbd: {  	[sflag:s0] =	ssyncadd.remote.s32 $0x1  }
0xbe: {  	_ =	sfence.sel $0xFFFF  }
0xbf: {  	[dreg:$0x0] =	wrdreg $0xFFFFFFFF;
	(pc) =	sbr.abs _section_cstart, $3  }
0xc0: {  	[dreg:$0x1] =	wrdreg $0xFFFFFFFF  }
0xc1: {  	_ =	task.clear_ibuf [dreg:s6], $0x2FFFF;
	_ =	strace $0x9FFFFFFF  }
0xc2: {  	(tm) =	ssettm $0x7FFFFFFF  }
0xc3: {  	_ =	shalt  }
tec
execute0_lowered:
.L_overlay_start_1:
0x0: {  	(tag) =	ssettag $0x1  }
0x1: {  	s0 =	rddreg [dreg:$0x0]  }
0x2: {  	s2 =	rddreg [dreg:$0x1]  }
0x3: {  	s1 =	srdreg.scid;
	s8 =	stileid.u32;
	s3 =	simm.s32 $0x0  }
0x4: {  	s30 =	simm.s32 $0x2710;
	s31 =	simm.s32 $0xB720;
	s10 =	simm.s32 $0x5  }
0x5: {  	s11 =	simm.s32 $0x4;
	s12 =	simm.s32 $0x6;
	s1 =	sand.u32 $0x1, s1  }
0x6: {  	s13 =	simm.s32 $0x2F8;
	s5 =	smul.u32 $0x13880, s8;
	s4 =	sshll.u32 s1, $0x4  }
0x7: {  	[smem:$0x7FF] =	sst s3;
	s7 =	smul.u32 $0x138800, s1;
	s6 =	sor.u32 s8, s4  }
0x8: {  	_ =	strace $0x8000004A;
	s1 =	ssub.s32 $0x2, s1;
	s6 =	smul.u32 $0x4E2, s6  }
0x9: {  	s4 =	sadd.s32 $0x16200, s0;
	s8 =	smul.u32 $0x4E200, s8;
	s9 =	sshrl.u32 s1, $0x1  }
0xa: {  	s7 =	sadd.s32 s5, s7;
	s1 =	ssub.s32 s1, s9;
	s6 =	sadd.s32 s6, s0  }
0xb: {  	s9 =	simm.s32 $0x3;
	s14 =	sshrl.u32 s8, $0x2;
	s15 =	sadd.s32 $0xC400, s6  }
0xc: {  	s16 =	sadd.s32 s14, s2;
	s6 =	sadd.s32 $0x2600, s6;
	[dreg:$0x3] =	wrdreg s15  }
0xd: {  	s7 =	sshrl.u32 s7, $0x3;
	s17 =	sadd.s32 $0xFA0, s16;
	[dreg:$0x4] =	wrdreg s6  }
0xe: {  	s29 =	smax.u32 s1, $0x1;
	s18 =	sadd.s32 $0x1F40, s16;
	[dreg:$0x5] =	wrdreg s17  }
0xf: {  	s1 =	simm.s32 $0x348;
	s19 =	sadd.s32 $0x2EE0, s16;
	[dreg:$0x6] =	wrdreg s18  }
0x10: {  	s8 =	simm.s32 $0x82A0;
	s20 =	sadd.s32 $0x3E80, s16;
	[dreg:$0x7] =	wrdreg s19  }
0x11: {  	s0 =	sadd.s32 s7, s0;
	s21 =	sadd.s32 $0x4E20, s16;
	[dreg:$0x8] =	wrdreg s20  }
0x12: {  	s7 =	sadd.s32 s5, s2;
	s22 =	sadd.s32 $0x5DC0, s16;
	[dreg:$0x9] =	wrdreg s21  }
0x13: {  	s5 =	simm.s32 $0x4E20;
	s23 =	sadd.s32 $0x6D60, s16;
	[dreg:$0xa] =	wrdreg s22  }
0x14: {  	s14 =	simm.s32 $0x7;
	s24 =	sadd.s32 $0x7D00, s16;
	[dreg:$0xb] =	wrdreg s23  }
0x15: {  	s25 =	sadd.s32 $0x8CA0, s16;
	s26 =	sadd.s32 $0x9C40, s16;
	[dreg:$0xc] =	wrdreg s24  }
0x16: {  	s28 =	sadd.s32 $0x3D400, s0;
	s0 =	simm.s32 $0x1;
	[dreg:$0xd] =	wrdreg s25  }
0x17: {  	[dreg:$0xe] =	wrdreg s26;
	s18 =	sadd.s32 $0xABE0, s16;
	s19 =	sadd.s32 $0xBB80, s16  }
0x18: {  	s20 =	sadd.s32 $0xCB20, s16;
	s21 =	sadd.s32 $0xDAC0, s16;
	s22 =	sadd.s32 $0xEA60, s16  }
0x19: {  	s23 =	sadd.s32 $0xFA00, s16;
	s24 =	sadd.s32 $0x109A0, s16;
	s25 =	sadd.s32 $0x11940, s16  }
0x1a: {  	v0 =	vimm.f32 $0.0e+00;
	s26 =	sadd.s32 $0x128E0, s16;
	s6 =	simm.s32 $0x2;
	s15 =	simm.s32 $0x0  }
.LBB2_1:
0x1b: {  	s16 =	rddreg [dreg:$0x3]  }
0x1c: {  	[tilespmem:s3], [sflag:$0x1] =	stream.linear.gather [hbm4b:s16+s3], $0x2710, $0x38;
	[tilespmem:$0x1FF40] =	vst v63  }
0x1d: {  	s17 =	rddreg [dreg:$0x4]  }
0x1e: {  	[tilespmem:s30], [sflag:$0x1] =	stream.linear.gather [hbm4b:s17+s3], $0x2710, $0x38;
	[tilespmem:$0x1FF40] =	vst v63  }
0x1f: {  	s16 =	simm.s32 $0x40;
	s17 =	simm.s32 $0x0  }
.LBB2_2:
0x20: {  	p0 =	sne.s32 s16, $0x3E40;
	[tilespmem:s17+$0xB720] =	vst v0;
	s17 =	smov.u32 s16;
	s16 =	sadd.s32 $0x40, s16  }
.Ltmp0:
0x21: {  	(pc) =	sbr.rel @p0 .LBB2_2-.Ltmp0, $2  }
0x22: {  	_ =	sdelay $0x2  }
0x23: {  	s17 =	sshra.s32 s17, $0x2  }
0x24: {  	[tilespmem:s17+$0xB720] =	vst v0  }
0x25: {  	[spmem:s7] =	stream.linear.scatter [tilespmem:s31], [sflag:$0x2], $0xFA0, $0x38;
	[tilespmem:$0x1FF40] =	vst v63  }
0x26: {  	s16 =	rddreg [dreg:$0x5]  }
0x27: {  	[spmem:s16] =	stream.linear.scatter [tilespmem:s31], [sflag:$0x2], $0xFA0, $0x38;
	[tilespmem:$0x1FF40] =	vst v63  }
0x28: {  	s17 =	rddreg [dreg:$0x6]  }
0x29: {  	[spmem:s17] =	stream.linear.scatter [tilespmem:s31], [sflag:$0x2], $0xFA0, $0x38;
	[tilespmem:$0x1FF40] =	vst v63  }
0x2a: {  	s17 =	rddreg [dreg:$0x7]  }
0x2b: {  	[spmem:s17] =	stream.linear.scatter [tilespmem:s31], [sflag:$0x2], $0xFA0, $0x38;
	[tilespmem:$0x1FF40] =	vst v63  }
0x2c: {  	s17 =	rddreg [dreg:$0x8]  }
0x2d: {  	[spmem:s17] =	stream.linear.scatter [tilespmem:s31], [sflag:$0x2], $0xFA0, $0x38;
	[tilespmem:$0x1FF40] =	vst v63  }
0x2e: {  	s17 =	rddreg [dreg:$0x9]  }
0x2f: {  	[spmem:s17] =	stream.linear.scatter [tilespmem:s31], [sflag:$0x2], $0xFA0, $0x38;
	[tilespmem:$0x1FF40] =	vst v63  }
0x30: {  	s17 =	rddreg [dreg:$0xa]  }
0x31: {  	[spmem:s17] =	stream.linear.scatter [tilespmem:s31], [sflag:$0x2], $0xFA0, $0x38;
	[tilespmem:$0x1FF40] =	vst v63  }
0x32: {  	s17 =	rddreg [dreg:$0xb]  }
0x33: {  	[spmem:s17] =	stream.linear.scatter [tilespmem:s31], [sflag:$0x2], $0xFA0, $0x38;
	[tilespmem:$0x1FF40] =	vst v63  }
0x34: {  	s17 =	rddreg [dreg:$0xc]  }
0x35: {  	[spmem:s17] =	stream.linear.scatter [tilespmem:s31], [sflag:$0x2], $0xFA0, $0x38;
	[tilespmem:$0x1FF40] =	vst v63  }
0x36: {  	s17 =	rddreg [dreg:$0xd]  }
0x37: {  	[spmem:s17] =	stream.linear.scatter [tilespmem:s31], [sflag:$0x2], $0xFA0, $0x38;
	[tilespmem:$0x1FF40] =	vst v63  }
0x38: {  	s17 =	rddreg [dreg:$0xe]  }
0x39: {  	[spmem:s17] =	stream.linear.scatter [tilespmem:s31], [sflag:$0x2], $0xFA0, $0x38;
	[tilespmem:$0x1FF40] =	vst v63  }
0x3a: {  	_ = 	snop  }
0x3b: {  	[spmem:s18] =	stream.linear.scatter [tilespmem:s31], [sflag:$0x2], $0xFA0, $0x38;
	[tilespmem:$0x1FF40] =	vst v63  }
0x3c: {  	_ = 	snop  }
0x3d: {  	[spmem:s19] =	stream.linear.scatter [tilespmem:s31], [sflag:$0x2], $0xFA0, $0x38;
	[tilespmem:$0x1FF40] =	vst v63  }
0x3e: {  	_ = 	snop  }
0x3f: {  	[spmem:s20] =	stream.linear.scatter [tilespmem:s31], [sflag:$0x2], $0xFA0, $0x38;
	[tilespmem:$0x1FF40] =	vst v63  }
0x40: {  	_ = 	snop  }
0x41: {  	[spmem:s21] =	stream.linear.scatter [tilespmem:s31], [sflag:$0x2], $0xFA0, $0x38;
	[tilespmem:$0x1FF40] =	vst v63  }
0x42: {  	_ = 	snop  }
0x43: {  	[spmem:s22] =	stream.linear.scatter [tilespmem:s31], [sflag:$0x2], $0xFA0, $0x38;
	[tilespmem:$0x1FF40] =	vst v63  }
0x44: {  	_ = 	snop  }
0x45: {  	[spmem:s23] =	stream.linear.scatter [tilespmem:s31], [sflag:$0x2], $0xFA0, $0x38;
	[tilespmem:$0x1FF40] =	vst v63  }
0x46: {  	_ = 	snop  }
0x47: {  	[spmem:s24] =	stream.linear.scatter [tilespmem:s31], [sflag:$0x2], $0xFA0, $0x38;
	[tilespmem:$0x1FF40] =	vst v63  }
0x48: {  	_ = 	snop  }
0x49: {  	[spmem:s25] =	stream.linear.scatter [tilespmem:s31], [sflag:$0x2], $0xFA0, $0x38;
	[tilespmem:$0x1FF40] =	vst v63  }
0x4a: {  	_ = 	snop  }
0x4b: {  	[spmem:s26] =	stream.linear.scatter [tilespmem:s31], [sflag:$0x2], $0xFA0, $0x38;
	[tilespmem:$0x1FF40] =	vst v63  }
0x4c: {  	_ =	swait.ge [sflag:s0], $0x2710  }
0x4d: {  	[sflag:s0] =	ssyncset.done $0x0  }
0x4e: {  	[sflag:s0] =	ssyncadd.s32 $0xFFFFD8F0  }
0x4f: {  	_ =	swait.ge [sflag:s0], $0x2710  }
0x50: {  	[sflag:s0] =	ssyncset.done $0x0  }
0x51: {  	[sflag:s0] =	ssyncadd.s32 $0xFFFFD8F0  }
0x52: {  	[tilespmem:s5], [sflag:$0x3] =	stream.indirect.gather [hbm4b:s4+s1], $0x10, s3, s1, $0xb8;
	[tilespmem:$0x1FF40] =	vst v63  }
0x53: {  	_ =	swait.ge [sflag:s6], $0xFA0  }
0x54: {  	[sflag:s6] =	ssyncset.done $0x0  }
0x55: {  	[sflag:s6] =	ssyncadd.s32 $0xFFFFF060  }
0x56: {  	_ =	swait.ge [sflag:s6], $0xFA0  }
0x57: {  	[sflag:s6] =	ssyncset.done $0x0  }
0x58: {  	[sflag:s6] =	ssyncadd.s32 $0xFFFFF060  }
0x59: {  	_ =	swait.ge [sflag:s6], $0xFA0  }
0x5a: {  	[sflag:s6] =	ssyncset.done $0x0  }
0x5b: {  	[sflag:s6] =	ssyncadd.s32 $0xFFFFF060  }
0x5c: {  	_ =	swait.ge [sflag:s6], $0xFA0  }
0x5d: {  	[sflag:s6] =	ssyncset.done $0x0  }
0x5e: {  	[sflag:s6] =	ssyncadd.s32 $0xFFFFF060  }
0x5f: {  	_ =	swait.ge [sflag:s6], $0xFA0  }
0x60: {  	[sflag:s6] =	ssyncset.done $0x0  }
0x61: {  	[sflag:s6] =	ssyncadd.s32 $0xFFFFF060  }
0x62: {  	_ =	swait.ge [sflag:s6], $0xFA0  }
0x63: {  	[sflag:s6] =	ssyncset.done $0x0  }
0x64: {  	[sflag:s6] =	ssyncadd.s32 $0xFFFFF060  }
0x65: {  	_ =	swait.ge [sflag:s6], $0xFA0  }
0x66: {  	[sflag:s6] =	ssyncset.done $0x0  }
0x67: {  	[sflag:s6] =	ssyncadd.s32 $0xFFFFF060  }
0x68: {  	_ =	swait.ge [sflag:s6], $0xFA0  }
0x69: {  	[sflag:s6] =	ssyncset.done $0x0  }
0x6a: {  	[sflag:s6] =	ssyncadd.s32 $0xFFFFF060  }
0x6b: {  	_ =	swait.ge [sflag:s6], $0xFA0  }
0x6c: {  	[sflag:s6] =	ssyncset.done $0x0  }
0x6d: {  	[sflag:s6] =	ssyncadd.s32 $0xFFFFF060  }
0x6e: {  	_ =	swait.ge [sflag:s6], $0xFA0  }
0x6f: {  	[sflag:s6] =	ssyncset.done $0x0  }
0x70: {  	[sflag:s6] =	ssyncadd.s32 $0xFFFFF060  }
0x71: {  	_ =	swait.ge [sflag:s6], $0xFA0  }
0x72: {  	[sflag:s6] =	ssyncset.done $0x0  }
0x73: {  	[sflag:s6] =	ssyncadd.s32 $0xFFFFF060  }
0x74: {  	_ =	swait.ge [sflag:s6], $0xFA0  }
0x75: {  	[sflag:s6] =	ssyncset.done $0x0  }
0x76: {  	[sflag:s6] =	ssyncadd.s32 $0xFFFFF060  }
0x77: {  	_ =	swait.ge [sflag:s6], $0xFA0  }
0x78: {  	[sflag:s6] =	ssyncset.done $0x0  }
0x79: {  	[sflag:s6] =	ssyncadd.s32 $0xFFFFF060  }
0x7a: {  	_ =	swait.ge [sflag:s6], $0xFA0  }
0x7b: {  	[sflag:s6] =	ssyncset.done $0x0  }
0x7c: {  	[sflag:s6] =	ssyncadd.s32 $0xFFFFF060  }
0x7d: {  	_ =	swait.ge [sflag:s6], $0xFA0  }
0x7e: {  	[sflag:s6] =	ssyncset.done $0x0  }
0x7f: {  	[sflag:s6] =	ssyncadd.s32 $0xFFFFF060  }
0x80: {  	_ =	swait.ge [sflag:s6], $0xFA0  }
0x81: {  	[sflag:s6] =	ssyncset.done $0x0  }
0x82: {  	[sflag:s6] =	ssyncadd.s32 $0xFFFFF060  }
0x83: {  	_ =	swait.ge [sflag:s6], $0xFA0  }
0x84: {  	[sflag:s6] =	ssyncset.done $0x0  }
0x85: {  	[sflag:s6] =	ssyncadd.s32 $0xFFFFF060  }
0x86: {  	_ =	swait.ge [sflag:s6], $0xFA0  }
0x87: {  	[sflag:s6] =	ssyncset.done $0x0  }
0x88: {  	[sflag:s6] =	ssyncadd.s32 $0xFFFFF060  }
0x89: {  	_ =	swait.ge [sflag:s6], $0xFA0  }
0x8a: {  	[sflag:s6] =	ssyncset.done $0x0  }
0x8b: {  	[sflag:s6] =	ssyncadd.s32 $0xFFFFF060  }
0x8c: {  	_ =	swait.ge [sflag:s6], $0xFA0  }
0x8d: {  	[sflag:s6] =	ssyncset.done $0x0  }
0x8e: {  	[sflag:s6] =	ssyncadd.s32 $0xFFFFF060  }
0x8f: {  	[bflag:$0x0] =	sbarrier.arrive $0xFFFF  }
0x90: {  	[tilespmem:s8], [sflag:$0x4] =	stream.indirect.gather [hbm4b:s4+s1], $0x10, s1, s1, $0xb8;
	[tilespmem:$0x1FF40] =	vst v63  }
0x91: {  	_ =	swait.ge [sflag:s9], $0x3480  }
0x92: {  	[sflag:s9] =	ssyncset.done $0x0  }
0x93: {  	[sflag:s9] =	ssyncadd.s32 $0xFFFFCB80  }
0x94: {  	[spmem:s2] =	stream.indirect.scatter.add.f32 [tilespmem:s5], [sflag:$0x5], $0x10, s30, s1, $0xb8;
	[tilespmem:$0x1FF40] =	vst v63  }
0x95: {  	_ =	swait.ge [sflag:s10], $0x3480  }
0x96: {  	[sflag:s10] =	ssyncset.done $0x0  }
0x97: {  	s17 =	simm.s32 $0x690;
	[sflag:s10] =	ssyncadd.s32 $0xFFFFCB80  }
0x98: {  	[tilespmem:s5], [sflag:$0x3] =	stream.indirect.gather [hbm4b:s4+s1], $0x10, s17, s1, $0xb8;
	[tilespmem:$0x1FF40] =	vst v63  }
0x99: {  	_ =	swait.ge [sflag:s11], $0x3480  }
0x9a: {  	[sflag:s11] =	ssyncset.done $0x0  }
0x9b: {  	s17 =	simm.s32 $0x2A58;
	[sflag:s11] =	ssyncadd.s32 $0xFFFFCB80  }
0x9c: {  	[spmem:s2] =	stream.indirect.scatter.add.f32 [tilespmem:s8], [sflag:$0x6], $0x10, s17, s1, $0xb8;
	[tilespmem:$0x1FF40] =	vst v63  }
0x9d: {  	_ =	swait.ge [sflag:s12], $0x3480  }
0x9e: {  	[sflag:s12] =	ssyncset.done $0x0  }
0x9f: {  	s17 =	simm.s32 $0x9D8;
	[sflag:s12] =	ssyncadd.s32 $0xFFFFCB80  }
0xa0: {  	[tilespmem:s8], [sflag:$0x4] =	stream.indirect.gather [hbm4b:s4+s1], $0x10, s17, s1, $0xb8;
	[tilespmem:$0x1FF40] =	vst v63  }
0xa1: {  	_ =	swait.ge [sflag:s9], $0x3480  }
0xa2: {  	[sflag:s9] =	ssyncset.done $0x0  }
0xa3: {  	s17 =	simm.s32 $0x2DA0;
	[sflag:s9] =	ssyncadd.s32 $0xFFFFCB80  }
0xa4: {  	[spmem:s2] =	stream.indirect.scatter.add.f32 [tilespmem:s5], [sflag:$0x5], $0x10, s17, s1, $0xb8;
	[tilespmem:$0x1FF40] =	vst v63  }
0xa5: {  	_ =	swait.ge [sflag:s10], $0x3480  }
0xa6: {  	[sflag:s10] =	ssyncset.done $0x0  }
0xa7: {  	s17 =	simm.s32 $0xD20;
	[sflag:s10] =	ssyncadd.s32 $0xFFFFCB80  }
0xa8: {  	[tilespmem:s5], [sflag:$0x3] =	stream.indirect.gather [hbm4b:s4+s1], $0x10, s17, s1, $0xb8;
	[tilespmem:$0x1FF40] =	vst v63  }
0xa9: {  	_ =	swait.ge [sflag:s11], $0x3480  }
0xaa: {  	[sflag:s11] =	ssyncset.done $0x0  }
0xab: {  	s17 =	simm.s32 $0x30E8;
	[sflag:s11] =	ssyncadd.s32 $0xFFFFCB80  }
0xac: {  	[spmem:s2] =	stream.indirect.scatter.add.f32 [tilespmem:s8], [sflag:$0x6], $0x10, s17, s1, $0xb8;
	[tilespmem:$0x1FF40] =	vst v63  }
0xad: {  	_ =	swait.ge [sflag:s12], $0x3480  }
0xae: {  	[sflag:s12] =	ssyncset.done $0x0  }
0xaf: {  	s17 =	simm.s32 $0x1068;
	[sflag:s12] =	ssyncadd.s32 $0xFFFFCB80  }
0xb0: {  	[tilespmem:s8], [sflag:$0x4] =	stream.indirect.gather [hbm4b:s4+s1], $0x10, s17, s1, $0xb8;
	[tilespmem:$0x1FF40] =	vst v63  }
0xb1: {  	_ =	swait.ge [sflag:s9], $0x3480  }
0xb2: {  	[sflag:s9] =	ssyncset.done $0x0  }
0xb3: {  	s17 =	simm.s32 $0x3430;
	[sflag:s9] =	ssyncadd.s32 $0xFFFFCB80  }
0xb4: {  	[spmem:s2] =	stream.indirect.scatter.add.f32 [tilespmem:s5], [sflag:$0x5], $0x10, s17, s1, $0xb8;
	[tilespmem:$0x1FF40] =	vst v63  }
0xb5: {  	_ =	swait.ge [sflag:s10], $0x3480  }
0xb6: {  	[sflag:s10] =	ssyncset.done $0x0  }
0xb7: {  	s17 =	simm.s32 $0x13B0;
	[sflag:s10] =	ssyncadd.s32 $0xFFFFCB80  }
0xb8: {  	[tilespmem:s5], [sflag:$0x3] =	stream.indirect.gather [hbm4b:s4+s1], $0x10, s17, s1, $0xb8;
	[tilespmem:$0x1FF40] =	vst v63  }
0xb9: {  	_ =	swait.ge [sflag:s11], $0x3480  }
0xba: {  	[sflag:s11] =	ssyncset.done $0x0  }
0xbb: {  	s17 =	simm.s32 $0x3778;
	[sflag:s11] =	ssyncadd.s32 $0xFFFFCB80  }
0xbc: {  	[spmem:s2] =	stream.indirect.scatter.add.f32 [tilespmem:s8], [sflag:$0x6], $0x10, s17, s1, $0xb8;
	[tilespmem:$0x1FF40] =	vst v63  }
0xbd: {  	_ =	swait.ge [sflag:s12], $0x3480  }
0xbe: {  	[sflag:s12] =	ssyncset.done $0x0  }
0xbf: {  	s17 =	simm.s32 $0x16F8;
	[sflag:s12] =	ssyncadd.s32 $0xFFFFCB80  }
0xc0: {  	[tilespmem:s8], [sflag:$0x4] =	stream.indirect.gather [hbm4b:s4+s1], $0x10, s17, s1, $0xb8;
	[tilespmem:$0x1FF40] =	vst v63  }
0xc1: {  	_ =	swait.ge [sflag:s9], $0x3480  }
0xc2: {  	[sflag:s9] =	ssyncset.done $0x0  }
0xc3: {  	s17 =	simm.s32 $0x3AC0;
	[sflag:s9] =	ssyncadd.s32 $0xFFFFCB80  }
0xc4: {  	[spmem:s2] =	stream.indirect.scatter.add.f32 [tilespmem:s5], [sflag:$0x5], $0x10, s17, s1, $0xb8;
	[tilespmem:$0x1FF40] =	vst v63  }
0xc5: {  	_ =	swait.ge [sflag:s10], $0x3480  }
0xc6: {  	[sflag:s10] =	ssyncset.done $0x0  }
0xc7: {  	s17 =	simm.s32 $0x1A40;
	[sflag:s10] =	ssyncadd.s32 $0xFFFFCB80  }
0xc8: {  	[tilespmem:s5], [sflag:$0x3] =	stream.indirect.gather [hbm4b:s4+s1], $0x10, s17, s1, $0xb8;
	[tilespmem:$0x1FF40] =	vst v63  }
0xc9: {  	_ =	swait.ge [sflag:s11], $0x3480  }
0xca: {  	[sflag:s11] =	ssyncset.done $0x0  }
0xcb: {  	s17 =	simm.s32 $0x3E08;
	[sflag:s11] =	ssyncadd.s32 $0xFFFFCB80  }
0xcc: {  	[spmem:s2] =	stream.indirect.scatter.add.f32 [tilespmem:s8], [sflag:$0x6], $0x10, s17, s1, $0xb8;
	[tilespmem:$0x1FF40] =	vst v63  }
0xcd: {  	_ =	swait.ge [sflag:s12], $0x3480  }
0xce: {  	[sflag:s12] =	ssyncset.done $0x0  }
0xcf: {  	s17 =	simm.s32 $0x1D88;
	[sflag:s12] =	ssyncadd.s32 $0xFFFFCB80  }
0xd0: {  	[tilespmem:s8], [sflag:$0x4] =	stream.indirect.gather [hbm4b:s4+s1], $0x10, s17, s1, $0xb8;
	[tilespmem:$0x1FF40] =	vst v63  }
0xd1: {  	_ =	swait.ge [sflag:s9], $0x3480  }
0xd2: {  	[sflag:s9] =	ssyncset.done $0x0  }
0xd3: {  	s17 =	simm.s32 $0x4150;
	[sflag:s9] =	ssyncadd.s32 $0xFFFFCB80  }
0xd4: {  	[spmem:s2] =	stream.indirect.scatter.add.f32 [tilespmem:s5], [sflag:$0x5], $0x10, s17, s1, $0xb8;
	[tilespmem:$0x1FF40] =	vst v63  }
0xd5: {  	_ =	swait.ge [sflag:s10], $0x3480  }
0xd6: {  	[sflag:s10] =	ssyncset.done $0x0  }
0xd7: {  	s17 =	simm.s32 $0x20D0;
	[sflag:s10] =	ssyncadd.s32 $0xFFFFCB80  }
0xd8: {  	[tilespmem:s5], [sflag:$0x3] =	stream.indirect.gather [hbm4b:s4+s1], $0x10, s17, s1, $0xb8;
	[tilespmem:$0x1FF40] =	vst v63  }
0xd9: {  	_ =	swait.ge [sflag:s11], $0x3480  }
0xda: {  	[sflag:s11] =	ssyncset.done $0x0  }
0xdb: {  	s17 =	simm.s32 $0x4498;
	[sflag:s11] =	ssyncadd.s32 $0xFFFFCB80  }
0xdc: {  	[spmem:s2] =	stream.indirect.scatter.add.f32 [tilespmem:s8], [sflag:$0x6], $0x10, s17, s1, $0xb8;
	[tilespmem:$0x1FF40] =	vst v63  }
0xdd: {  	_ =	swait.ge [sflag:s12], $0x3480  }
0xde: {  	[sflag:s12] =	ssyncset.done $0x0  }
0xdf: {  	s17 =	simm.s32 $0x2418;
	[sflag:s12] =	ssyncadd.s32 $0xFFFFCB80  }
0xe0: {  	[tilespmem:s8], [sflag:$0x4] =	stream.indirect.gather [hbm4b:s4+s13], $0x10, s17, s13, $0xb8;
	[tilespmem:$0x1FF40] =	vst v63  }
0xe1: {  	_ =	swait.ge [sflag:s9], $0x3480  }
0xe2: {  	[sflag:s9] =	ssyncset.done $0x0  }
0xe3: {  	s17 =	simm.s32 $0x47E0;
	[sflag:s9] =	ssyncadd.s32 $0xFFFFCB80  }
0xe4: {  	[spmem:s2] =	stream.indirect.scatter.add.f32 [tilespmem:s5], [sflag:$0x5], $0x10, s17, s1, $0xb8;
	[tilespmem:$0x1FF40] =	vst v63  }
0xe5: {  	_ =	swait.ge [sflag:s11], $0x2F80  }
0xe6: {  	[sflag:s11] =	ssyncset.done $0x0  }
0xe7: {  	s17 =	simm.s32 $0x4B28;
	[sflag:s11] =	ssyncadd.s32 $0xFFFFD080  }
0xe8: {  	[spmem:s2] =	stream.indirect.scatter.add.f32 [tilespmem:s8], [sflag:$0x6], $0x10, s17, s13, $0xb8;
	[tilespmem:$0x1FF40] =	vst v63  }
0xe9: {  	_ =	swait.ge [sflag:s10], $0x3480  }
0xea: {  	[sflag:s10] =	ssyncset.done $0x0  }
0xeb: {  	[sflag:s10] =	ssyncadd.s32 $0xFFFFCB80  }
0xec: {  	s15 =	sadd.s32 $0x1, s15;
	_ =	swait.ge [sflag:s12], $0x2F80  }
0xed: {  	p0 =	sne.s32 s15, s29;
	s17 =	stileid.u32;
	[sflag:s12] =	ssyncset.done $0x0  }
0xee: {  	s16 =	sshll.u32 s17, $0x6;
	s17 =	sshrl.u32 s7, $0x3;
	[sflag:s12] =	ssyncadd.s32 $0xFFFFD080  }
.Ltmp1:
0xef: {  	s16 =	sor.u32 $0x1C07, s16;
	[bflag:$0x0] =	sbarrier.arrive $0xFFFF;
	(pc) =	sbr.rel @p0 .LBB2_1-.Ltmp1, $4  }
0xf0: {  	[hbm:s28], [sflag:s16] =	dma.local [spmem:s17], $0x2710  }
0xf1: {  	_ =	swait.ge [sflag:s14], $0x2710  }
0xf2: {  	[sflag:s14] =	ssyncset.done $0x0  }
0xf3: {  	[sflag:s14] =	ssyncadd.s32 $0xFFFFD8F0  }
0xf4: {  	_ =	sfence.sel $0x180000  }
0xf5: {  	[bflag:$0x0] =	sbarrier.arrive $0xFFFF  }
0xf6: {  	_ =	strace $0x9000004A  }
0xf7: {  	s0 =	stileid.u32;
	[bflag:$0x2] =	sbarrier.arrive $0xFFFF  }
0xf8: {  	p0 =	sne.s32 s0, $0x0;
	s0 =	rddreg [dreg:$0x2]  }
0xf9: {  	s0 =	sadd.s32 @!p0 $0x100000, s0  }
0xfa: {  	[sflag:s0] =	ssyncadd.tile.s32 @!p0 $0x1;
	_ =	shalt  }
.Lfunc_end2:
_tile_overlayer_lowered:
.L_overlay_start_2:
0xfb: {  	(tag) =	ssettag $0x2  }
0xfc: {  	s0 =	rddreg [dreg:$0x0];
	s2 =	stileid.u32  }
0xfd: {  	s1 =	rddreg [dreg:$0x1];
	p0 =	sne.s32 s2, $0x0  }
0xfe: {  	s3 =	rddreg [dreg:$0x2];
	[bflag:$0x3] =	sbarrier.arrive $0xFFFF;
	s2 =	simm.s32 @!p0 $0x1C07  }
0xff: {  	[timem:s3], [sflag:s2] =	dma.local @!p0 [hbm:s0], s1  }
0x100: {  	s0 =	simm.s32 @!p0 $0x7  }
0x101: {  	_ =	swait.ge @!p0 [sflag:s0], s1  }
0x102: {  	s1 =	ssub.s32 @!p0 $0x0, s1;
	[sflag:s0] =	ssyncset.done @!p0 $0x0  }
0x103: {  	[sflag:s0] =	ssyncadd.s32 @!p0 s1  }
0x104: {  	[bflag:$0x3] =	sbarrier.arrive $0xFFFF  }
0x105: {  	_ =	shalt  }

// kernel: _rgcn.8.cloned.1.call-start
scs
__scs_entry_jumppad:
0x0: {  	(pc) =	sbr.rel $0x88, $3  }
0x1: {  	(tag) =	ssettag $0x0;
	lr =	simm.s32 $0x1  }
0x2: {  	[smem:$0x3F98] =	sst lr;
	_ =	strace $0xD0000000  }
0x3: {  	_ = 	snop  }
0x4: {  	_ = 	snop  }
0x5: {  	_ = 	snop  }
0x6: {  	_ = 	snop  }
0x7: {  	_ = 	snop  }
__scs_overlays_trampoline_lowered:
0x8: {  	[smem:$0x3FA7] =	sst s0  }
0x9: {  	[smem:$0x3FA8] =	sst s1  }
0xa: {  	[smem:$0x3FA9] =	sst s2  }
0xb: {  	[smem:$0x3FAA] =	sst s3  }
0xc: {  	[smem:$0x3FAB] =	sst s4  }
0xd: {  	[smem:$0x3FAC] =	sst s5  }
0xe: {  	[smem:$0x3FAD] =	sst s6  }
0xf: {  	[smem:$0x3FAE] =	sst s7  }
0x10: {  	[smem:$0x3FAF] =	sst s8  }
0x11: {  	[smem:$0x3FB0] =	sst s9;
	s0 =	simm.s32 @!p0 $0x0  }
0x12: {  	s1 =	sld [smem:$0x3F96];
	s0 =	simm.s32 @p0 $0x1  }
0x13: {  	[smem:$0x3FB1] =	sst s0;
	s0 =	simm.s32 @!p1 $0x0  }
0x14: {  	s2 =	sld [smem:$0x3F95];
	s0 =	simm.s32 @p1 $0x1  }
0x15: {  	[smem:$0x3FB2] =	sst s0;
	s0 =	simm.s32 @!p2 $0x0  }
0x16: {  	s3 =	sld [smem:$0x3FDB];
	s0 =	simm.s32 @p2 $0x1  }
0x17: {  	s4 =	simm.s32 $0x1BF5;
	[smem:$0x3FB4] =	sst s0  }
0x18: {  	s0 =	sld [smem:$0x3F97];
	_ =	swait.ge [sflag:s4], $0x0  }
0x19: {  	s7 =	sld [smem:$0x3F98]  }
0x1a: {  	s8 =	sadd.s32 $0xFFFFE003, lr  }
0x1b: {  	s9 =	sadd.s32 $0xFFFFFEF7, lr;
	s5 =	simm.s32 $0xFFFFFFFF;
	p2 =	slt.u32 s8, $0xFFFFF086  }
0x1c: {  	p1 =	slt.u32 s9, $0xF7A;
	s5 =	simm.s32 @!p2 $0x0  }
0x1d: {  	s5 =	simm.s32 @p1 $0x1;
	p0 =	seq.s32 s7, s2  }
0x1e: {  	s7 =	smul.u32 @!p0 $0xF7A, s2;
	p2 =	seq.s32 @!p0 s5, $0x0  }
0x1f: {  	s9 =	smul.u32 $0xF7A, s1;
	s8 =	simm.s32 @!p0 $0x1BF5;
	p2 =	por !p2, p0  }
0x20: {  	[sflag:s8] =	ssyncset.s32 @!p0 $0xFFFFF086;
	s6 =	sadd.s32 @!p0 s3, s7;
	s7 =	simm.s32 @!p0 $0x108  }
0x21: {  	s3 =	sadd.s32 s3, s9;
	s6 =	sadd.s32 @!p0 $0x88, s6;
	s7 =	simm.s32 @p2 $0x1082  }
0x22: {  	[simem:s7], [sflag:s8] =	dma.local @!p0 [hbm:s6], $0xF7A  }
0x23: {  	s9 =	sor.u32 $0xD0000000, s2;
	s6 =	simm.s32 $0x108;
	_ =	swait.ge @!p0 [sflag:s8], $0x0  }
0x24: {  	s3 =	sadd.s32 $0x88, s3;
	s6 =	simm.s32 @!p1 $0x1082;
	[sflag:s4] =	ssyncset.s32 $0xFFFFF086  }
0x25: {  	[simem:s6], [sflag:s4] =	dma.local [hbm:s3], $0xF7A  }
0x26: {  	[smem:$0x3F98] =	sst s1;
	(tag) =	ssettag s2;
	_ =	strace s9  }
0x27: {  	s1 =	sld [smem:$0x3FA8]  }
0x28: {  	s2 =	sld [smem:$0x3FA9]  }
0x29: {  	s4 =	sld [smem:$0x3FAB]  }
0x2a: {  	p0 =	seq.s32 s5, $0x0;
	s5 =	sld [smem:$0x3FAC]  }
0x2b: {  	s6 =	sld [smem:$0x3FAD]  }
0x2c: {  	s7 =	sld [smem:$0x3FAE]  }
0x2d: {  	s3 =	simm.s32 $0x108;
	s8 =	sld [smem:$0x3FAF]  }
0x2e: {  	s3 =	simm.s32 @!p0 $0x1082;
	s9 =	sld [smem:$0x3FB0]  }
0x2f: {  	lr =	sadd.s32 s0, s3;
	s0 =	sld [smem:$0x3FA7]  }
0x30: {  	s3 =	sld [smem:$0x3FAA]  }
0x31: {  	[smem:$0x3FB3] =	sst s10  }
0x32: {  	s10 =	sld [smem:$0x3FB1];
	_ =	sdelay $0x3  }
0x33: {  	p0 =	seq.s32 s10, $0x1;
	s10 =	sld [smem:$0x3FB3];
	_ =	sdelay $0x3  }
0x34: {  	[smem:$0x3FB3] =	sst s10  }
0x35: {  	s10 =	sld [smem:$0x3FB2];
	_ =	sdelay $0x3  }
0x36: {  	p1 =	seq.s32 s10, $0x1;
	s10 =	sld [smem:$0x3FB3];
	_ =	sdelay $0x3  }
0x37: {  	[smem:$0x3FB3] =	sst s10  }
0x38: {  	s10 =	sld [smem:$0x3FB4]  }
0x39: {  	_ = 	snop;
	(pc) =	sbr.ind lr, $3  }
0x3a: {  	_ = 	snop  }
0x3b: {  	_ = 	snop  }
0x3c: {  	p2 =	seq.s32 s10, $0x1;
	s10 =	sld [smem:$0x3FB3]  }
0x3d: {  	_ =	shalt  }
0x3e: {  	_ =	shalt  }
0x3f: {  	_ =	shalt  }
0x40: {  	_ =	shalt  }
0x41: {  	_ =	shalt  }
0x42: {  	_ =	shalt  }
0x43: {  	_ =	shalt  }
0x44: {  	_ =	shalt  }
0x45: {  	_ =	shalt  }
0x46: {  	_ =	shalt  }
0x47: {  	_ =	shalt  }
0x48: {  	_ =	shalt  }
0x49: {  	_ =	shalt  }
0x4a: {  	_ =	shalt  }
0x4b: {  	_ =	shalt  }
0x4c: {  	_ =	shalt  }
0x4d: {  	_ =	shalt  }
0x4e: {  	_ =	shalt  }
0x4f: {  	_ =	shalt  }
0x50: {  	_ =	shalt  }
0x51: {  	_ =	shalt  }
0x52: {  	_ =	shalt  }
0x53: {  	_ =	shalt  }
0x54: {  	_ =	shalt  }
0x55: {  	_ =	shalt  }
0x56: {  	_ =	shalt  }
0x57: {  	_ =	shalt  }
0x58: {  	_ =	shalt  }
0x59: {  	_ =	shalt  }
0x5a: {  	_ =	shalt  }
0x5b: {  	_ =	shalt  }
0x5c: {  	_ =	shalt  }
0x5d: {  	_ =	shalt  }
0x5e: {  	_ =	shalt  }
0x5f: {  	_ =	shalt  }
0x60: {  	_ =	shalt  }
0x61: {  	_ =	shalt  }
0x62: {  	_ =	shalt  }
0x63: {  	_ =	shalt  }
0x64: {  	_ =	shalt  }
0x65: {  	_ =	shalt  }
0x66: {  	_ =	shalt  }
0x67: {  	_ =	shalt  }
0x68: {  	_ =	shalt  }
0x69: {  	_ =	shalt  }
0x6a: {  	_ =	shalt  }
0x6b: {  	_ =	shalt  }
0x6c: {  	_ =	shalt  }
0x6d: {  	_ =	shalt  }
0x6e: {  	_ =	shalt  }
0x6f: {  	_ =	shalt  }
0x70: {  	_ =	shalt  }
0x71: {  	_ =	shalt  }
0x72: {  	_ =	shalt  }
0x73: {  	_ =	shalt  }
0x74: {  	_ =	shalt  }
0x75: {  	_ =	shalt  }
0x76: {  	_ =	shalt  }
0x77: {  	_ =	shalt  }
0x78: {  	_ =	shalt  }
0x79: {  	_ =	shalt  }
0x7a: {  	_ =	shalt  }
0x7b: {  	_ =	shalt  }
0x7c: {  	_ =	shalt  }
0x7d: {  	_ =	shalt  }
0x7e: {  	_ =	shalt  }
0x7f: {  	_ =	shalt  }
0x80: {  	_ =	shalt  }
0x81: {  	_ =	shalt  }
0x82: {  	_ =	shalt  }
0x83: {  	_ =	shalt  }
0x84: {  	_ =	shalt  }
0x85: {  	_ =	shalt  }
0x86: {  	_ =	shalt  }
0x87: {  	_ =	shalt  }
.Lfunc_end0:
.L_simem_size_0:
called_computation_lowered:
.L_overlay_start_0:
0x88: {  	s2 =	sld [smem:$0x3FD9]  }
0x89: {  	s3 =	sld [smem:$0x3FFE];
	_ =	sdelay $0x1  }
0x8a: {  	s1 =	srdreg.scid  }
0x8b: {  	s0 =	sand.u32 $0x1, s1  }
0x8c: {  	s17 =	sshll.u32 s0, $0xA;
	s2 =	sadd.s32 s3, s2  }
0x8d: {  	s2 =	sadd.s32 s2, s17  }
0x8e: {  	[smem:$0x3FBF] =	sst s2  }
0x8f: {  	_ = 	snop  }
0x90: {  	s2 =	sld [smem:$0x3FD0];
	(tm) =	ssettm $0x1  }
0x91: {  	s18 =	sld [smem:$0x3FFB];
	_ =	sdelay $0x3  }
0x92: {  	_ =	strace s18  }
0x93: {  	s3 =	sld [smem:$0x3FFC];
	_ =	sdelay $0x3  }
0x94: {  	_ =	strace s3  }
0x95: {  	s3 =	sld [smem:$0x3FFD];
	_ =	sdelay $0x3  }
0x96: {  	_ =	strace s3  }
0x97: {  	_ =	strace $0x8FFFFFFF  }
0x98: {  	s19 =	sld [smem:$0x3FDB];
	_ =	sdelay $0x1  }
0x99: {  	s4 =	simm.s32 $_scs_section_size  }
0x9a: {  	s5 =	simm.s32 $_size__tile_overlayer_lowered;
	s6 =	simm.s32 $_tile_overlayer_lowered  }
0x9b: {  	s22 =	simm.s32 $0x1BFF;
	s21 =	sshll.u32 s6, $0x1;
	s3 =	sadd.s32 s4, s19  }
0x9c: {  	s7 =	simm.s32 $0x0;
	s20 =	sshll.u32 s5, $0x1;
	s5 =	sadd.s32 s21, s3  }
0x9d: {  	[timem:s7], [sflag:s22] =	dma.local [hbm:s5], s20  }
0x9e: {  	_ =	swait.ge [sflag:s22], s20  }
0x9f: {  	s4 =	ssub.s32 $0x0, s20;
	[sflag:s22] =	ssyncset.done $0x0  }
0xa0: {  	[sflag:s22] =	ssyncadd.s32 s4;
	_ =	sdelay $0x1  }
0xa1: {  	s23 =	simm.s32 $0x1B8B  }
0xa2: {  	_ =	swait.ge [sflag:s23], $0x1  }
0xa3: {  	[sflag:s23] =	ssyncset.done $0x0  }
0xa4: {  	s25 =	simm.s32 $0x1B8E;
	s24 =	sld [smem:$0x3FFE];
	[sflag:s23] =	ssyncadd.s32 $0xFFFFFFFF  }
0xa5: {  	s26 =	simm.s32 $execute0_lowered;
	[smem:$0x3FD2] =	sst s25  }
0xa6: {  	s5 =	sshll.u32 s26, $0x1;
	_ =	strace $0x80000046;
	[dreg:$0x1] =	wrdreg $0xFFFFFFFF  }
0xa7: {  	s28 =	simm.s32 $_size_execute0_lowered;
	s3 =	sadd.s32 s3, s5;
	[dreg:$0x0] =	wrdreg $0x0  }
0xa8: {  	s5 =	sshll.u32 s28, $0x1;
	[dreg:$0x2] =	wrdreg s3  }
0xa9: {  	[dreg:$0x3] =	wrdreg s5  }
0xaa: {  	[dreg:$0x4] =	wrdreg $0xC0  }
0xab: {  	_ =	task [dreg:s7], $0x5FFFF  }
0xac: {  	[dreg:$0x1] =	wrdreg $0xFFFFFFFF  }
0xad: {  	[dreg:$0x0] =	wrdreg $0x60  }
0xae: {  	[dreg:$0x2] =	wrdreg s24  }
0xaf: {  	[dreg:$0x3] =	wrdreg s2  }
0xb0: {  	[dreg:$0x4] =	wrdreg $0xABC00  }
0xb1: {  	[dreg:$0x5] =	wrdreg $0x1EAA00  }
0xb2: {  	[dreg:$0x6] =	wrdreg $0x9  }
0xb3: {  	_ =	task.clear_ibuf [dreg:s7], $0x7FFFF;
	_ =	strace $0x90000046  }
0xb4: {  	s29 =	simm.s32 $0x9;
	_ =	strace $0x80000048  }
0xb5: {  	_ =	swait.ge [sflag:s29], $0x1  }
0xb6: {  	[sflag:s29] =	ssyncadd.s32 $0xFFFFFFFF  }
0xb7: {  	_ =	strace $0x90000048  }
0xb8: {  	_ =	sfence  }
0xb9: {  	s30 =	sld [smem:$0x0];
	_ =	sdelay $0x2  }
0xba: {  	s31 =	sshll.u32 s1, $0xD;
	s1 =	sshrl.u32 s1, $0x2  }
0xbb: {  	s3 =	sand.u32 $0x4000, s31;
	s1 =	sadd.s32 s1, s30  }
0xbc: {  	s0 =	sor.u32 s3, s0;
	s1 =	sshll.u32 s1, $0x11  }
0xbd: {  	s0 =	sor.u32 s1, s0  }
0xbe: {  	s0 =	sadd.s32 $0x8F2B, s0  }
0xbf: {  	[sflag:s0] =	ssyncadd.remote.s32 $0x1  }
0xc0: {  	_ =	sfence.sel $0xFFFF  }
0xc1: {  	[dreg:$0x0] =	wrdreg $0xFFFFFFFF;
	(pc) =	sbr.abs _section_cstart, $3  }
0xc2: {  	[dreg:$0x1] =	wrdreg $0xFFFFFFFF  }
0xc3: {  	_ =	task.clear_ibuf [dreg:s7], $0x2FFFF;
	_ =	strace $0x9FFFFFFF  }
0xc4: {  	(tm) =	ssettm $0x7FFFFFFF  }
0xc5: {  	_ =	shalt  }
tec
execute0_lowered:
.L_overlay_start_1:
0x0: {  	(tag) =	ssettag $0x1  }
0x1: {  	s0 =	rddreg [dreg:$0x0]  }
0x2: {  	s1 =	rddreg [dreg:$0x1]  }
0x3: {  	s2 =	rddreg [dreg:$0x2]  }
0x4: {  	s3 =	rddreg [dreg:$0x3];
	s12 =	stileid.u32  }
0x5: {  	s5 =	srdreg.scid;
	s4 =	simm.s32 $0x0;
	s11 =	smul.u32 $0x4E200, s12  }
0x6: {  	s28 =	simm.s32 $0x4E10;
	s29 =	simm.s32 $0x7;
	s31 =	simm.s32 $0x0  }
0x7: {  	s6 =	sand.u32 $0x1, s5;
	s7 =	smul.u32 $0x13880, s12;
	s17 =	sshrl.u32 s11, $0x2  }
0x8: {  	[smem:$0x7FF] =	sst s4;
	s8 =	smul.u32 $0x138800, s6;
	s11 =	sadd.s32 s17, s2  }
0x9: {  	s5 =	sshll.u32 s6, $0x4;
	_ =	strace $0x80000047;
	s18 =	sadd.s32 $0xFA0, s11  }
0xa: {  	s10 =	ssub.s32 $0x2, s6;
	s19 =	sadd.s32 $0x1F40, s11;
	[dreg:$0x7] =	wrdreg s18  }
0xb: {  	s6 =	smul.u32 $0x13880, s6;
	s20 =	sadd.s32 $0x2EE0, s11;
	[dreg:$0x8] =	wrdreg s19  }
0xc: {  	s9 =	sor.u32 s12, s5;
	s21 =	sadd.s32 $0x3E80, s11;
	[dreg:$0x9] =	wrdreg s20  }
0xd: {  	s5 =	sadd.s32 $0x16200, s0;
	s22 =	sadd.s32 $0x4E20, s11;
	[dreg:$0xa] =	wrdreg s21  }
0xe: {  	s15 =	sshrl.u32 s10, $0x1;
	s23 =	sadd.s32 $0x5DC0, s11;
	[dreg:$0xb] =	wrdreg s22  }
0xf: {  	s9 =	smul.u32 $0x4E2, s9;
	s24 =	sadd.s32 $0x6D60, s11;
	[dreg:$0xc] =	wrdreg s23  }
0x10: {  	s8 =	sadd.s32 s7, s8;
	s25 =	sadd.s32 $0x7D00, s11;
	[dreg:$0xd] =	wrdreg s24  }
0x11: {  	s10 =	ssub.s32 s10, s15;
	s26 =	sadd.s32 $0x8CA0, s11;
	[dreg:$0xe] =	wrdreg s25  }
0x12: {  	s8 =	sshrl.u32 s8, $0x3;
	s13 =	sadd.s32 $0xABE0, s11;
	[dreg:$0xf] =	wrdreg s26  }
0x13: {  	s14 =	sadd.s32 $0xBB80, s11;
	s15 =	sadd.s32 $0xCB20, s11;
	[dreg:$0x11] =	wrdreg s13  }
0x14: {  	s17 =	sadd.s32 $0xEA60, s11;
	s9 =	sadd.s32 s9, s0;
	[dreg:$0x13] =	wrdreg s14  }
0x15: {  	s0 =	sadd.s32 s8, s0;
	s8 =	sadd.s32 s7, s2;
	[dreg:$0x14] =	wrdreg s15  }
0x16: {  	[dreg:$0x16] =	wrdreg s17;
	s18 =	sadd.s32 $0xFA00, s11;
	s19 =	sadd.s32 $0x109A0, s11  }
0x17: {  	s20 =	sadd.s32 $0x11940, s11;
	s21 =	sadd.s32 $0x128E0, s11;
	s22 =	smax.u32 s10, $0x1  }
0x18: {  	s10 =	simm.s32 $0x2710;
	s13 =	simm.s32 $0x1;
	[dreg:$0x17] =	wrdreg s18  }
0x19: {  	s14 =	simm.s32 $0x270;
	s15 =	simm.s32 $0x4E20;
	[dreg:$0x18] =	wrdreg s19  }
0x1a: {  	s17 =	simm.s32 $0x7520;
	s7 =	simm.s32 $0x41E0;
	[dreg:$0x19] =	wrdreg s20  }
0x1b: {  	s16 =	sadd.s32 $0xC400, s9;
	s9 =	sadd.s32 $0x2600, s9;
	[dreg:$0x1a] =	wrdreg s21  }
0x1c: {  	s0 =	sadd.s32 $0x3D400, s0;
	[dreg:$0x1c] =	wrdreg s22;
	s18 =	simm.s32 $0x3  }
0x1d: {  	s19 =	simm.s32 $0x1E440;
	s20 =	simm.s32 $0x5;
	[dreg:$0x5] =	wrdreg s16  }
0x1e: {  	s21 =	simm.s32 $0x4;
	s22 =	simm.s32 $0x46C0;
	[dreg:$0x6] =	wrdreg s9  }
0x1f: {  	s9 =	smul.u32 $0x1388, s12;
	s12 =	sadd.s32 $0x9C40, s11;
	[dreg:$0x1b] =	wrdreg s0  }
0x20: {  	s16 =	sadd.s32 $0xDAC0, s11;
	s11 =	simm.s32 $0x9C20;
	[dreg:$0x10] =	wrdreg s12  }
0x21: {  	[dreg:$0x15] =	wrdreg s16;
	s12 =	simm.s32 $0x1E6B0;
	s30 =	sadd.s32 s9, s3  }
0x22: {  	s16 =	simm.s32 $0x2;
	s6 =	sadd.s32 s9, s6;
	s23 =	sadd.s32 $0x3F0, s30  }
0x23: {  	s9 =	simm.s32 $0x4450;
	s24 =	sadd.s32 $0x7E0, s30;
	[dreg:$0x1d] =	wrdreg s23  }
0x24: {  	s6 =	sshrl.u32 s6, $0x3;
	s25 =	sadd.s32 $0xBD0, s30;
	[dreg:$0x1e] =	wrdreg s24  }
0x25: {  	s26 =	sadd.s32 $0xFC0, s30;
	s1 =	sadd.s32 s1, s6;
	[dreg:$0x1f] =	wrdreg s25  }
0x26: {  	[smem:$0x7FD] =	sst s26;
	s23 =	simm.s32 $0x6;
	s24 =	simm.s32 $0x4930  }
0x27: {  	v0 =	vimm.f32 $0.0e+00;
	v1 =	vimm.f32 $1.000000000e+00;
	s25 =	simm.s32 $0x10;
	s26 =	simm.s32 $0x4BA0;
	[dreg:$0x12] =	wrdreg s1  }
.LBB2_1:
0x28: {  	s0 =	rddreg [dreg:$0x5]  }
0x29: {  	[tilespmem:s4], [sflag:$0x1] =	stream.linear.gather [hbm4b:s0+s4], $0x2710, $0x38;
	[tilespmem:$0x1FE28] =	vst v63  }
0x2a: {  	s6 =	rddreg [dreg:$0x6];
	s1 =	simm.s32 $0x0;
	s0 =	simm.s32 $0x40  }
0x2b: {  	[tilespmem:s10], [sflag:$0x1] =	stream.linear.gather [hbm4b:s6+s4], $0x2710, $0x38;
	[tilespmem:$0x1FE28] =	vst v63  }
.LBB2_2:
0x2c: {  	p0 =	sne.s32 s0, $0x3E40;
	[tilespmem:s1+$0x9C20] =	vst v0;
	s1 =	smov.u32 s0;
	s0 =	sadd.s32 $0x40, s0  }
.Ltmp0:
0x2d: {  	(pc) =	sbr.rel @p0 .LBB2_2-.Ltmp0, $2  }
0x2e: {  	_ =	sdelay $0x2  }
0x2f: {  	s1 =	sshra.s32 s1, $0x2  }
0x30: {  	[tilespmem:s1+$0x9C20] =	vst v0  }
0x31: {  	[spmem:s8] =	stream.linear.scatter [tilespmem:s11], [sflag:$0x2], $0xFA0, $0x38;
	[tilespmem:$0x1FE28] =	vst v63  }
0x32: {  	s0 =	rddreg [dreg:$0x7]  }
0x33: {  	[spmem:s0] =	stream.linear.scatter [tilespmem:s11], [sflag:$0x2], $0xFA0, $0x38;
	[tilespmem:$0x1FE28] =	vst v63  }
0x34: {  	s1 =	rddreg [dreg:$0x8]  }
0x35: {  	[spmem:s1] =	stream.linear.scatter [tilespmem:s11], [sflag:$0x2], $0xFA0, $0x38;
	[tilespmem:$0x1FE28] =	vst v63  }
0x36: {  	s6 =	rddreg [dreg:$0x9]  }
0x37: {  	[spmem:s6] =	stream.linear.scatter [tilespmem:s11], [sflag:$0x2], $0xFA0, $0x38;
	[tilespmem:$0x1FE28] =	vst v63  }
0x38: {  	s1 =	rddreg [dreg:$0xa]  }
0x39: {  	[spmem:s1] =	stream.linear.scatter [tilespmem:s11], [sflag:$0x2], $0xFA0, $0x38;
	[tilespmem:$0x1FE28] =	vst v63  }
0x3a: {  	s6 =	rddreg [dreg:$0xb]  }
0x3b: {  	[spmem:s6] =	stream.linear.scatter [tilespmem:s11], [sflag:$0x2], $0xFA0, $0x38;
	[tilespmem:$0x1FE28] =	vst v63  }
0x3c: {  	s1 =	rddreg [dreg:$0xc]  }
0x3d: {  	[spmem:s1] =	stream.linear.scatter [tilespmem:s11], [sflag:$0x2], $0xFA0, $0x38;
	[tilespmem:$0x1FE28] =	vst v63  }
0x3e: {  	s6 =	rddreg [dreg:$0xd]  }
0x3f: {  	[spmem:s6] =	stream.linear.scatter [tilespmem:s11], [sflag:$0x2], $0xFA0, $0x38;
	[tilespmem:$0x1FE28] =	vst v63  }
0x40: {  	s1 =	rddreg [dreg:$0xe]  }
0x41: {  	[spmem:s1] =	stream.linear.scatter [tilespmem:s11], [sflag:$0x2], $0xFA0, $0x38;
	[tilespmem:$0x1FE28] =	vst v63  }
0x42: {  	s6 =	rddreg [dreg:$0xf]  }
0x43: {  	[spmem:s6] =	stream.linear.scatter [tilespmem:s11], [sflag:$0x2], $0xFA0, $0x38;
	[tilespmem:$0x1FE28] =	vst v63  }
0x44: {  	s1 =	rddreg [dreg:$0x10]  }
0x45: {  	[spmem:s1] =	stream.linear.scatter [tilespmem:s11], [sflag:$0x2], $0xFA0, $0x38;
	[tilespmem:$0x1FE28] =	vst v63  }
0x46: {  	s6 =	rddreg [dreg:$0x11]  }
0x47: {  	[spmem:s6] =	stream.linear.scatter [tilespmem:s11], [sflag:$0x2], $0xFA0, $0x38;
	[tilespmem:$0x1FE28] =	vst v63  }
0x48: {  	s1 =	rddreg [dreg:$0x13]  }
0x49: {  	[spmem:s1] =	stream.linear.scatter [tilespmem:s11], [sflag:$0x2], $0xFA0, $0x38;
	[tilespmem:$0x1FE28] =	vst v63  }
0x4a: {  	s6 =	rddreg [dreg:$0x14]  }
0x4b: {  	[spmem:s6] =	stream.linear.scatter [tilespmem:s11], [sflag:$0x2], $0xFA0, $0x38;
	[tilespmem:$0x1FE28] =	vst v63  }
0x4c: {  	s1 =	rddreg [dreg:$0x15]  }
0x4d: {  	[spmem:s1] =	stream.linear.scatter [tilespmem:s11], [sflag:$0x2], $0xFA0, $0x38;
	[tilespmem:$0x1FE28] =	vst v63  }
0x4e: {  	s6 =	rddreg [dreg:$0x16]  }
0x4f: {  	[spmem:s6] =	stream.linear.scatter [tilespmem:s11], [sflag:$0x2], $0xFA0, $0x38;
	[tilespmem:$0x1FE28] =	vst v63  }
0x50: {  	s1 =	rddreg [dreg:$0x17]  }
0x51: {  	[spmem:s1] =	stream.linear.scatter [tilespmem:s11], [sflag:$0x2], $0xFA0, $0x38;
	[tilespmem:$0x1FE28] =	vst v63  }
0x52: {  	s6 =	rddreg [dreg:$0x18]  }
0x53: {  	[spmem:s6] =	stream.linear.scatter [tilespmem:s11], [sflag:$0x2], $0xFA0, $0x38;
	[tilespmem:$0x1FE28] =	vst v63  }
0x54: {  	s1 =	rddreg [dreg:$0x19]  }
0x55: {  	[spmem:s1] =	stream.linear.scatter [tilespmem:s11], [sflag:$0x2], $0xFA0, $0x38;
	[tilespmem:$0x1FE28] =	vst v63  }
0x56: {  	s6 =	rddreg [dreg:$0x1a]  }
0x57: {  	[spmem:s6] =	stream.linear.scatter [tilespmem:s11], [sflag:$0x2], $0xFA0, $0x38;
	[tilespmem:$0x1FE28] =	vst v63  }
0x58: {  	[tilespmem:$0x1E440] =	vst v1  }
0x59: {  	[tilespmem:$0x1E450] =	vst v1  }
0x5a: {  	[tilespmem:$0x1E460] =	vst v1  }
0x5b: {  	[tilespmem:$0x1E470] =	vst v1  }
0x5c: {  	[tilespmem:$0x1E480] =	vst v1  }
0x5d: {  	[tilespmem:$0x1E490] =	vst v1  }
0x5e: {  	[tilespmem:$0x1E4A0] =	vst v1  }
0x5f: {  	[tilespmem:$0x1E4B0] =	vst v1  }
0x60: {  	[tilespmem:$0x1E4C0] =	vst v1  }
0x61: {  	[tilespmem:$0x1E4D0] =	vst v1  }
0x62: {  	[tilespmem:$0x1E4E0] =	vst v1  }
0x63: {  	[tilespmem:$0x1E4F0] =	vst v1  }
0x64: {  	[tilespmem:$0x1E500] =	vst v1  }
0x65: {  	[tilespmem:$0x1E510] =	vst v1  }
0x66: {  	[tilespmem:$0x1E520] =	vst v1  }
0x67: {  	[tilespmem:$0x1E530] =	vst v1  }
0x68: {  	[tilespmem:$0x1E540] =	vst v1  }
0x69: {  	[tilespmem:$0x1E550] =	vst v1  }
0x6a: {  	[tilespmem:$0x1E560] =	vst v1  }
0x6b: {  	[tilespmem:$0x1E570] =	vst v1  }
0x6c: {  	[tilespmem:$0x1E580] =	vst v1  }
0x6d: {  	[tilespmem:$0x1E590] =	vst v1  }
0x6e: {  	[tilespmem:$0x1E5A0] =	vst v1  }
0x6f: {  	[tilespmem:$0x1E5B0] =	vst v1  }
0x70: {  	[tilespmem:$0x1E5C0] =	vst v1  }
0x71: {  	[tilespmem:$0x1E5D0] =	vst v1  }
0x72: {  	[tilespmem:$0x1E5E0] =	vst v1  }
0x73: {  	[tilespmem:$0x1E5F0] =	vst v1  }
0x74: {  	[tilespmem:$0x1E600] =	vst v1  }
0x75: {  	[tilespmem:$0x1E610] =	vst v1  }
0x76: {  	[tilespmem:$0x1E620] =	vst v1  }
0x77: {  	[tilespmem:$0x1E630] =	vst v1  }
0x78: {  	[tilespmem:$0x1E640] =	vst v1  }
0x79: {  	[tilespmem:$0x1E650] =	vst v1  }
0x7a: {  	[tilespmem:$0x1E660] =	vst v1  }
0x7b: {  	[tilespmem:$0x1E670] =	vst v1  }
0x7c: {  	[tilespmem:$0x1E680] =	vst v1  }
0x7d: {  	[tilespmem:$0x1E690] =	vst v1  }
0x7e: {  	s0 =	simm.s32 $0x40;
	s1 =	simm.s32 $0x0;
	[tilespmem:$0x1E6A0] =	vst v1  }
.LBB2_4:
0x7f: {  	p0 =	sne.s32 s0, $0xF80;
	[tilespmem:s1+$0x1E6B0] =	vst v0;
	s1 =	smov.u32 s0;
	s0 =	sadd.s32 $0x40, s0  }
.Ltmp1:
0x80: {  	(pc) =	sbr.rel @p0 .LBB2_4-.Ltmp1, $2  }
0x81: {  	_ =	sdelay $0x2  }
0x82: {  	s1 =	sshra.s32 s1, $0x2  }
0x83: {  	[tilespmem:s1+$0x1E6B0] =	vst v0;
	s0 =	rddreg [dreg:$0x1d]  }
0x84: {  	[spmem:s30] =	stream.linear.scatter [tilespmem:s12], [sflag:$0x2], $0x3F0, $0x38;
	[tilespmem:$0x1FE28] =	vst v63  }
0x85: {  	s1 =	rddreg [dreg:$0x1e]  }
0x86: {  	[spmem:s0] =	stream.linear.scatter [tilespmem:s12], [sflag:$0x2], $0x3F0, $0x38;
	[tilespmem:$0x1FE28] =	vst v63  }
0x87: {  	s6 =	rddreg [dreg:$0x1f]  }
0x88: {  	[spmem:s1] =	stream.linear.scatter [tilespmem:s12], [sflag:$0x2], $0x3F0, $0x38;
	[tilespmem:$0x1FE28] =	vst v63  }
0x89: {  	s1 =	sld [smem:$0x7FD]  }
0x8a: {  	[spmem:s6] =	stream.linear.scatter [tilespmem:s12], [sflag:$0x2], $0x3F0, $0x38;
	[tilespmem:$0x1FE28] =	vst v63  }
0x8b: {  	_ = 	snop  }
0x8c: {  	[spmem:s1] =	stream.linear.scatter [tilespmem:s12], [sflag:$0x2], $0x3C8, $0x38;
	[tilespmem:$0x1FE28] =	vst v63  }
0x8d: {  	_ =	swait.ge [sflag:s13], $0x2710  }
0x8e: {  	[sflag:s13] =	ssyncset.done $0x0  }
0x8f: {  	[sflag:s13] =	ssyncadd.s32 $0xFFFFD8F0  }
0x90: {  	_ =	swait.ge [sflag:s13], $0x2710  }
0x91: {  	[sflag:s13] =	ssyncset.done $0x0  }
0x92: {  	[sflag:s13] =	ssyncadd.s32 $0xFFFFD8F0  }
0x93: {  	[tilespmem:s15], [sflag:$0x3] =	stream.indirect.gather [hbm4b:s5+s14], $0x10, s4, s14, $0xb8;
	[tilespmem:$0x1FE28] =	vst v63  }
0x94: {  	_ =	swait.ge [sflag:s16], $0xFA0  }
0x95: {  	[sflag:s16] =	ssyncset.done $0x0  }
0x96: {  	[sflag:s16] =	ssyncadd.s32 $0xFFFFF060  }
0x97: {  	_ =	swait.ge [sflag:s16], $0xFA0  }
0x98: {  	[sflag:s16] =	ssyncset.done $0x0  }
0x99: {  	[sflag:s16] =	ssyncadd.s32 $0xFFFFF060  }
0x9a: {  	_ =	swait.ge [sflag:s16], $0xFA0  }
0x9b: {  	[sflag:s16] =	ssyncset.done $0x0  }
0x9c: {  	[sflag:s16] =	ssyncadd.s32 $0xFFFFF060  }
0x9d: {  	_ =	swait.ge [sflag:s16], $0xFA0  }
0x9e: {  	[sflag:s16] =	ssyncset.done $0x0  }
0x9f: {  	[sflag:s16] =	ssyncadd.s32 $0xFFFFF060  }
0xa0: {  	_ =	swait.ge [sflag:s16], $0xFA0  }
0xa1: {  	[sflag:s16] =	ssyncset.done $0x0  }
0xa2: {  	[sflag:s16] =	ssyncadd.s32 $0xFFFFF060  }
0xa3: {  	_ =	swait.ge [sflag:s16], $0xFA0  }
0xa4: {  	[sflag:s16] =	ssyncset.done $0x0  }
0xa5: {  	[sflag:s16] =	ssyncadd.s32 $0xFFFFF060  }
0xa6: {  	_ =	swait.ge [sflag:s16], $0xFA0  }
0xa7: {  	[sflag:s16] =	ssyncset.done $0x0  }
0xa8: {  	[sflag:s16] =	ssyncadd.s32 $0xFFFFF060  }
0xa9: {  	_ =	swait.ge [sflag:s16], $0xFA0  }
0xaa: {  	[sflag:s16] =	ssyncset.done $0x0  }
0xab: {  	[sflag:s16] =	ssyncadd.s32 $0xFFFFF060  }
0xac: {  	_ =	swait.ge [sflag:s16], $0xFA0  }
0xad: {  	[sflag:s16] =	ssyncset.done $0x0  }
0xae: {  	[sflag:s16] =	ssyncadd.s32 $0xFFFFF060  }
0xaf: {  	_ =	swait.ge [sflag:s16], $0xFA0  }
0xb0: {  	[sflag:s16] =	ssyncset.done $0x0  }
0xb1: {  	[sflag:s16] =	ssyncadd.s32 $0xFFFFF060  }
0xb2: {  	_ =	swait.ge [sflag:s16], $0xFA0  }
0xb3: {  	[sflag:s16] =	ssyncset.done $0x0  }
0xb4: {  	[sflag:s16] =	ssyncadd.s32 $0xFFFFF060  }
0xb5: {  	_ =	swait.ge [sflag:s16], $0xFA0  }
0xb6: {  	[sflag:s16] =	ssyncset.done $0x0  }
0xb7: {  	[sflag:s16] =	ssyncadd.s32 $0xFFFFF060  }
0xb8: {  	_ =	swait.ge [sflag:s16], $0xFA0  }
0xb9: {  	[sflag:s16] =	ssyncset.done $0x0  }
0xba: {  	[sflag:s16] =	ssyncadd.s32 $0xFFFFF060  }
0xbb: {  	_ =	swait.ge [sflag:s16], $0xFA0  }
0xbc: {  	[sflag:s16] =	ssyncset.done $0x0  }
0xbd: {  	[sflag:s16] =	ssyncadd.s32 $0xFFFFF060  }
0xbe: {  	_ =	swait.ge [sflag:s16], $0xFA0  }
0xbf: {  	[sflag:s16] =	ssyncset.done $0x0  }
0xc0: {  	[sflag:s16] =	ssyncadd.s32 $0xFFFFF060  }
0xc1: {  	_ =	swait.ge [sflag:s16], $0xFA0  }
0xc2: {  	[sflag:s16] =	ssyncset.done $0x0  }
0xc3: {  	[sflag:s16] =	ssyncadd.s32 $0xFFFFF060  }
0xc4: {  	_ =	swait.ge [sflag:s16], $0xFA0  }
0xc5: {  	[sflag:s16] =	ssyncset.done $0x0  }
0xc6: {  	[sflag:s16] =	ssyncadd.s32 $0xFFFFF060  }
0xc7: {  	_ =	swait.ge [sflag:s16], $0xFA0  }
0xc8: {  	[sflag:s16] =	ssyncset.done $0x0  }
0xc9: {  	[sflag:s16] =	ssyncadd.s32 $0xFFFFF060  }
0xca: {  	_ =	swait.ge [sflag:s16], $0xFA0  }
0xcb: {  	[sflag:s16] =	ssyncset.done $0x0  }
0xcc: {  	[sflag:s16] =	ssyncadd.s32 $0xFFFFF060  }
0xcd: {  	_ =	swait.ge [sflag:s16], $0xFA0  }
0xce: {  	[sflag:s16] =	ssyncset.done $0x0  }
0xcf: {  	[sflag:s16] =	ssyncadd.s32 $0xFFFFF060  }
0xd0: {  	_ =	swait.ge [sflag:s16], $0x3F0  }
0xd1: {  	[sflag:s16] =	ssyncset.done $0x0  }
0xd2: {  	[sflag:s16] =	ssyncadd.s32 $0xFFFFFC10  }
0xd3: {  	_ =	swait.ge [sflag:s16], $0x3F0  }
0xd4: {  	[sflag:s16] =	ssyncset.done $0x0  }
0xd5: {  	[sflag:s16] =	ssyncadd.s32 $0xFFFFFC10  }
0xd6: {  	_ =	swait.ge [sflag:s16], $0x3F0  }
0xd7: {  	[sflag:s16] =	ssyncset.done $0x0  }
0xd8: {  	[sflag:s16] =	ssyncadd.s32 $0xFFFFFC10  }
0xd9: {  	_ =	swait.ge [sflag:s16], $0x3F0  }
0xda: {  	[sflag:s16] =	ssyncset.done $0x0  }
0xdb: {  	[sflag:s16] =	ssyncadd.s32 $0xFFFFFC10  }
0xdc: {  	_ =	swait.ge [sflag:s16], $0x3C8  }
0xdd: {  	[sflag:s16] =	ssyncset.done $0x0  }
0xde: {  	[sflag:s16] =	ssyncadd.s32 $0xFFFFFC38  }
0xdf: {  	[bflag:$0x0] =	sbarrier.arrive $0xFFFF  }
0xe0: {  	[tilespmem:s17], [sflag:$0x4] =	stream.indirect.gather [hbm4b:s5+s14], $0x10, s14, s14, $0xb8;
	[tilespmem:$0x1FE28] =	vst v63  }
0xe1: {  	_ =	swait.ge [sflag:s18], $0x2700  }
0xe2: {  	[sflag:s18] =	ssyncset.done $0x0  }
0xe3: {  	[sflag:s18] =	ssyncadd.s32 $0xFFFFD900  }
0xe4: {  	[spmem:s2] =	stream.indirect.scatter.add.f32 [tilespmem:s15], [sflag:$0x5], $0x10, s10, s14, $0xb8;
	[tilespmem:$0x1FE28] =	vst v63  }
0xe5: {  	_ = 	snop  }
0xe6: {  	[spmem:s3] =	stream.indirect.scatter.add.f32 [tilespmem:s19], [sflag:$0x5], $0x1, s10, s14, $0xb8;
	[tilespmem:$0x1FE28] =	vst v63  }
0xe7: {  	_ =	swait.ge [sflag:s20], $0x2700  }
0xe8: {  	[sflag:s20] =	ssyncset.done $0x0  }
0xe9: {  	[sflag:s20] =	ssyncadd.s32 $0xFFFFD900  }
0xea: {  	_ =	swait.ge [sflag:s20], $0x270  }
0xeb: {  	[sflag:s20] =	ssyncset.done $0x0  }
0xec: {  	s6 =	simm.s32 $0x4E0;
	[sflag:s20] =	ssyncadd.s32 $0xFFFFFD90  }
0xed: {  	[tilespmem:s15], [sflag:$0x3] =	stream.indirect.gather [hbm4b:s5+s14], $0x10, s6, s14, $0xb8;
	[tilespmem:$0x1FE28] =	vst v63  }
0xee: {  	_ =	swait.ge [sflag:s21], $0x2700  }
0xef: {  	[sflag:s21] =	ssyncset.done $0x0  }
0xf0: {  	s1 =	simm.s32 $0x2980;
	[sflag:s21] =	ssyncadd.s32 $0xFFFFD900  }
0xf1: {  	[spmem:s2] =	stream.indirect.scatter.add.f32 [tilespmem:s17], [sflag:$0x6], $0x10, s1, s14, $0xb8;
	[tilespmem:$0x1FE28] =	vst v63  }
0xf2: {  	_ = 	snop  }
0xf3: {  	[spmem:s3] =	stream.indirect.scatter.add.f32 [tilespmem:s19], [sflag:$0x6], $0x1, s1, s14, $0xb8;
	[tilespmem:$0x1FE28] =	vst v63  }
0xf4: {  	_ =	swait.ge [sflag:s23], $0x2700  }
0xf5: {  	[sflag:s23] =	ssyncset.done $0x0  }
0xf6: {  	[sflag:s23] =	ssyncadd.s32 $0xFFFFD900  }
0xf7: {  	_ =	swait.ge [sflag:s23], $0x270  }
0xf8: {  	[sflag:s23] =	ssyncset.done $0x0  }
0xf9: {  	s6 =	simm.s32 $0x750;
	[sflag:s23] =	ssyncadd.s32 $0xFFFFFD90  }
0xfa: {  	[tilespmem:s17], [sflag:$0x4] =	stream.indirect.gather [hbm4b:s5+s14], $0x10, s6, s14, $0xb8;
	[tilespmem:$0x1FE28] =	vst v63  }
0xfb: {  	_ =	swait.ge [sflag:s18], $0x2700  }
0xfc: {  	[sflag:s18] =	ssyncset.done $0x0  }
0xfd: {  	s1 =	simm.s32 $0x2BF0;
	[sflag:s18] =	ssyncadd.s32 $0xFFFFD900  }
0xfe: {  	[spmem:s2] =	stream.indirect.scatter.add.f32 [tilespmem:s15], [sflag:$0x5], $0x10, s1, s14, $0xb8;
	[tilespmem:$0x1FE28] =	vst v63  }
0xff: {  	_ = 	snop  }
0x100: {  	[spmem:s3] =	stream.indirect.scatter.add.f32 [tilespmem:s19], [sflag:$0x5], $0x1, s1, s14, $0xb8;
	[tilespmem:$0x1FE28] =	vst v63  }
0x101: {  	_ =	swait.ge [sflag:s20], $0x2700  }
0x102: {  	[sflag:s20] =	ssyncset.done $0x0  }
0x103: {  	[sflag:s20] =	ssyncadd.s32 $0xFFFFD900  }
0x104: {  	_ =	swait.ge [sflag:s20], $0x270  }
0x105: {  	[sflag:s20] =	ssyncset.done $0x0  }
0x106: {  	s6 =	simm.s32 $0x9C0;
	[sflag:s20] =	ssyncadd.s32 $0xFFFFFD90  }
0x107: {  	[tilespmem:s15], [sflag:$0x3] =	stream.indirect.gather [hbm4b:s5+s14], $0x10, s6, s14, $0xb8;
	[tilespmem:$0x1FE28] =	vst v63  }
0x108: {  	_ =	swait.ge [sflag:s21], $0x2700  }
0x109: {  	[sflag:s21] =	ssyncset.done $0x0  }
0x10a: {  	s1 =	simm.s32 $0x2E60;
	[sflag:s21] =	ssyncadd.s32 $0xFFFFD900  }
0x10b: {  	[spmem:s2] =	stream.indirect.scatter.add.f32 [tilespmem:s17], [sflag:$0x6], $0x10, s1, s14, $0xb8;
	[tilespmem:$0x1FE28] =	vst v63  }
0x10c: {  	_ = 	snop  }
0x10d: {  	[spmem:s3] =	stream.indirect.scatter.add.f32 [tilespmem:s19], [sflag:$0x6], $0x1, s1, s14, $0xb8;
	[tilespmem:$0x1FE28] =	vst v63  }
0x10e: {  	_ =	swait.ge [sflag:s23], $0x2700  }
0x10f: {  	[sflag:s23] =	ssyncset.done $0x0  }
0x110: {  	[sflag:s23] =	ssyncadd.s32 $0xFFFFD900  }
0x111: {  	_ =	swait.ge [sflag:s23], $0x270  }
0x112: {  	[sflag:s23] =	ssyncset.done $0x0  }
0x113: {  	s6 =	simm.s32 $0xC30;
	[sflag:s23] =	ssyncadd.s32 $0xFFFFFD90  }
0x114: {  	[tilespmem:s17], [sflag:$0x4] =	stream.indirect.gather [hbm4b:s5+s14], $0x10, s6, s14, $0xb8;
	[tilespmem:$0x1FE28] =	vst v63  }
0x115: {  	_ =	swait.ge [sflag:s18], $0x2700  }
0x116: {  	[sflag:s18] =	ssyncset.done $0x0  }
0x117: {  	s1 =	simm.s32 $0x30D0;
	[sflag:s18] =	ssyncadd.s32 $0xFFFFD900  }
0x118: {  	[spmem:s2] =	stream.indirect.scatter.add.f32 [tilespmem:s15], [sflag:$0x5], $0x10, s1, s14, $0xb8;
	[tilespmem:$0x1FE28] =	vst v63  }
0x119: {  	_ = 	snop  }
0x11a: {  	[spmem:s3] =	stream.indirect.scatter.add.f32 [tilespmem:s19], [sflag:$0x5], $0x1, s1, s14, $0xb8;
	[tilespmem:$0x1FE28] =	vst v63  }
0x11b: {  	_ =	swait.ge [sflag:s20], $0x2700  }
0x11c: {  	[sflag:s20] =	ssyncset.done $0x0  }
0x11d: {  	[sflag:s20] =	ssyncadd.s32 $0xFFFFD900  }
0x11e: {  	_ =	swait.ge [sflag:s20], $0x270  }
0x11f: {  	[sflag:s20] =	ssyncset.done $0x0  }
0x120: {  	s6 =	simm.s32 $0xEA0;
	[sflag:s20] =	ssyncadd.s32 $0xFFFFFD90  }
0x121: {  	[tilespmem:s15], [sflag:$0x3] =	stream.indirect.gather [hbm4b:s5+s14], $0x10, s6, s14, $0xb8;
	[tilespmem:$0x1FE28] =	vst v63  }
0x122: {  	_ =	swait.ge [sflag:s21], $0x2700  }
0x123: {  	[sflag:s21] =	ssyncset.done $0x0  }
0x124: {  	s1 =	simm.s32 $0x3340;
	[sflag:s21] =	ssyncadd.s32 $0xFFFFD900  }
0x125: {  	[spmem:s2] =	stream.indirect.scatter.add.f32 [tilespmem:s17], [sflag:$0x6], $0x10, s1, s14, $0xb8;
	[tilespmem:$0x1FE28] =	vst v63  }
0x126: {  	_ = 	snop  }
0x127: {  	[spmem:s3] =	stream.indirect.scatter.add.f32 [tilespmem:s19], [sflag:$0x6], $0x1, s1, s14, $0xb8;
	[tilespmem:$0x1FE28] =	vst v63  }
0x128: {  	_ =	swait.ge [sflag:s23], $0x2700  }
0x129: {  	[sflag:s23] =	ssyncset.done $0x0  }
0x12a: {  	[sflag:s23] =	ssyncadd.s32 $0xFFFFD900  }
0x12b: {  	_ =	swait.ge [sflag:s23], $0x270  }
0x12c: {  	[sflag:s23] =	ssyncset.done $0x0  }
0x12d: {  	s6 =	simm.s32 $0x1110;
	[sflag:s23] =	ssyncadd.s32 $0xFFFFFD90  }
0x12e: {  	[tilespmem:s17], [sflag:$0x4] =	stream.indirect.gather [hbm4b:s5+s14], $0x10, s6, s14, $0xb8;
	[tilespmem:$0x1FE28] =	vst v63  }
0x12f: {  	_ =	swait.ge [sflag:s18], $0x2700  }
0x130: {  	[sflag:s18] =	ssyncset.done $0x0  }
0x131: {  	s1 =	simm.s32 $0x35B0;
	[sflag:s18] =	ssyncadd.s32 $0xFFFFD900  }
0x132: {  	[spmem:s2] =	stream.indirect.scatter.add.f32 [tilespmem:s15], [sflag:$0x5], $0x10, s1, s14, $0xb8;
	[tilespmem:$0x1FE28] =	vst v63  }
0x133: {  	_ = 	snop  }
0x134: {  	[spmem:s3] =	stream.indirect.scatter.add.f32 [tilespmem:s19], [sflag:$0x5], $0x1, s1, s14, $0xb8;
	[tilespmem:$0x1FE28] =	vst v63  }
0x135: {  	_ =	swait.ge [sflag:s20], $0x2700  }
0x136: {  	[sflag:s20] =	ssyncset.done $0x0  }
0x137: {  	[sflag:s20] =	ssyncadd.s32 $0xFFFFD900  }
0x138: {  	_ =	swait.ge [sflag:s20], $0x270  }
0x139: {  	[sflag:s20] =	ssyncset.done $0x0  }
0x13a: {  	s6 =	simm.s32 $0x1380;
	[sflag:s20] =	ssyncadd.s32 $0xFFFFFD90  }
0x13b: {  	[tilespmem:s15], [sflag:$0x3] =	stream.indirect.gather [hbm4b:s5+s14], $0x10, s6, s14, $0xb8;
	[tilespmem:$0x1FE28] =	vst v63  }
0x13c: {  	_ =	swait.ge [sflag:s21], $0x2700  }
0x13d: {  	[sflag:s21] =	ssyncset.done $0x0  }
0x13e: {  	s1 =	simm.s32 $0x3820;
	[sflag:s21] =	ssyncadd.s32 $0xFFFFD900  }
0x13f: {  	[spmem:s2] =	stream.indirect.scatter.add.f32 [tilespmem:s17], [sflag:$0x6], $0x10, s1, s14, $0xb8;
	[tilespmem:$0x1FE28] =	vst v63  }
0x140: {  	_ = 	snop  }
0x141: {  	[spmem:s3] =	stream.indirect.scatter.add.f32 [tilespmem:s19], [sflag:$0x6], $0x1, s1, s14, $0xb8;
	[tilespmem:$0x1FE28] =	vst v63  }
0x142: {  	_ =	swait.ge [sflag:s23], $0x2700  }
0x143: {  	[sflag:s23] =	ssyncset.done $0x0  }
0x144: {  	[sflag:s23] =	ssyncadd.s32 $0xFFFFD900  }
0x145: {  	_ =	swait.ge [sflag:s23], $0x270  }
0x146: {  	[sflag:s23] =	ssyncset.done $0x0  }
0x147: {  	s6 =	simm.s32 $0x15F0;
	[sflag:s23] =	ssyncadd.s32 $0xFFFFFD90  }
0x148: {  	[tilespmem:s17], [sflag:$0x4] =	stream.indirect.gather [hbm4b:s5+s14], $0x10, s6, s14, $0xb8;
	[tilespmem:$0x1FE28] =	vst v63  }
0x149: {  	_ =	swait.ge [sflag:s18], $0x2700  }
0x14a: {  	[sflag:s18] =	ssyncset.done $0x0  }
0x14b: {  	s1 =	simm.s32 $0x3A90;
	[sflag:s18] =	ssyncadd.s32 $0xFFFFD900  }
0x14c: {  	[spmem:s2] =	stream.indirect.scatter.add.f32 [tilespmem:s15], [sflag:$0x5], $0x10, s1, s14, $0xb8;
	[tilespmem:$0x1FE28] =	vst v63  }
0x14d: {  	_ = 	snop  }
0x14e: {  	[spmem:s3] =	stream.indirect.scatter.add.f32 [tilespmem:s19], [sflag:$0x5], $0x1, s1, s14, $0xb8;
	[tilespmem:$0x1FE28] =	vst v63  }
0x14f: {  	_ =	swait.ge [sflag:s20], $0x2700  }
0x150: {  	[sflag:s20] =	ssyncset.done $0x0  }
0x151: {  	[sflag:s20] =	ssyncadd.s32 $0xFFFFD900  }
0x152: {  	_ =	swait.ge [sflag:s20], $0x270  }
0x153: {  	[sflag:s20] =	ssyncset.done $0x0  }
0x154: {  	s6 =	simm.s32 $0x1860;
	[sflag:s20] =	ssyncadd.s32 $0xFFFFFD90  }
0x155: {  	[tilespmem:s15], [sflag:$0x3] =	stream.indirect.gather [hbm4b:s5+s14], $0x10, s6, s14, $0xb8;
	[tilespmem:$0x1FE28] =	vst v63  }
0x156: {  	_ =	swait.ge [sflag:s21], $0x2700  }
0x157: {  	[sflag:s21] =	ssyncset.done $0x0  }
0x158: {  	s1 =	simm.s32 $0x3D00;
	[sflag:s21] =	ssyncadd.s32 $0xFFFFD900  }
0x159: {  	[spmem:s2] =	stream.indirect.scatter.add.f32 [tilespmem:s17], [sflag:$0x6], $0x10, s1, s14, $0xb8;
	[tilespmem:$0x1FE28] =	vst v63  }
0x15a: {  	_ = 	snop  }
0x15b: {  	[spmem:s3] =	stream.indirect.scatter.add.f32 [tilespmem:s19], [sflag:$0x6], $0x1, s1, s14, $0xb8;
	[tilespmem:$0x1FE28] =	vst v63  }
0x15c: {  	_ =	swait.ge [sflag:s23], $0x2700  }
0x15d: {  	[sflag:s23] =	ssyncset.done $0x0  }
0x15e: {  	[sflag:s23] =	ssyncadd.s32 $0xFFFFD900  }
0x15f: {  	_ =	swait.ge [sflag:s23], $0x270  }
0x160: {  	[sflag:s23] =	ssyncset.done $0x0  }
0x161: {  	s6 =	simm.s32 $0x1AD0;
	[sflag:s23] =	ssyncadd.s32 $0xFFFFFD90  }
0x162: {  	[tilespmem:s17], [sflag:$0x4] =	stream.indirect.gather [hbm4b:s5+s14], $0x10, s6, s14, $0xb8;
	[tilespmem:$0x1FE28] =	vst v63  }
0x163: {  	_ =	swait.ge [sflag:s18], $0x2700  }
0x164: {  	[sflag:s18] =	ssyncset.done $0x0  }
0x165: {  	s1 =	simm.s32 $0x3F70;
	[sflag:s18] =	ssyncadd.s32 $0xFFFFD900  }
0x166: {  	[spmem:s2] =	stream.indirect.scatter.add.f32 [tilespmem:s15], [sflag:$0x5], $0x10, s1, s14, $0xb8;
	[tilespmem:$0x1FE28] =	vst v63  }
0x167: {  	_ = 	snop  }
0x168: {  	[spmem:s3] =	stream.indirect.scatter.add.f32 [tilespmem:s19], [sflag:$0x5], $0x1, s1, s14, $0xb8;
	[tilespmem:$0x1FE28] =	vst v63  }
0x169: {  	_ =	swait.ge [sflag:s20], $0x2700  }
0x16a: {  	[sflag:s20] =	ssyncset.done $0x0  }
0x16b: {  	[sflag:s20] =	ssyncadd.s32 $0xFFFFD900  }
0x16c: {  	_ =	swait.ge [sflag:s20], $0x270  }
0x16d: {  	[sflag:s20] =	ssyncset.done $0x0  }
0x16e: {  	s6 =	simm.s32 $0x1D40;
	[sflag:s20] =	ssyncadd.s32 $0xFFFFFD90  }
0x16f: {  	[tilespmem:s15], [sflag:$0x3] =	stream.indirect.gather [hbm4b:s5+s14], $0x10, s6, s14, $0xb8;
	[tilespmem:$0x1FE28] =	vst v63  }
0x170: {  	_ =	swait.ge [sflag:s21], $0x2700  }
0x171: {  	[sflag:s21] =	ssyncset.done $0x0  }
0x172: {  	[sflag:s21] =	ssyncadd.s32 $0xFFFFD900  }
0x173: {  	[spmem:s2] =	stream.indirect.scatter.add.f32 [tilespmem:s17], [sflag:$0x6], $0x10, s7, s14, $0xb8;
	[tilespmem:$0x1FE28] =	vst v63  }
0x174: {  	_ = 	snop  }
0x175: {  	[spmem:s3] =	stream.indirect.scatter.add.f32 [tilespmem:s19], [sflag:$0x6], $0x1, s7, s14, $0xb8;
	[tilespmem:$0x1FE28] =	vst v63  }
0x176: {  	_ =	swait.ge [sflag:s23], $0x2700  }
0x177: {  	[sflag:s23] =	ssyncset.done $0x0  }
0x178: {  	[sflag:s23] =	ssyncadd.s32 $0xFFFFD900  }
0x179: {  	_ =	swait.ge [sflag:s23], $0x270  }
0x17a: {  	[sflag:s23] =	ssyncset.done $0x0  }
0x17b: {  	s1 =	simm.s32 $0x1FB0;
	[sflag:s23] =	ssyncadd.s32 $0xFFFFFD90  }
0x17c: {  	[tilespmem:s17], [sflag:$0x4] =	stream.indirect.gather [hbm4b:s5+s14], $0x10, s1, s14, $0xb8;
	[tilespmem:$0x1FE28] =	vst v63  }
0x17d: {  	_ =	swait.ge [sflag:s18], $0x2700  }
0x17e: {  	[sflag:s18] =	ssyncset.done $0x0  }
0x17f: {  	[sflag:s18] =	ssyncadd.s32 $0xFFFFD900  }
0x180: {  	[spmem:s2] =	stream.indirect.scatter.add.f32 [tilespmem:s15], [sflag:$0x5], $0x10, s9, s14, $0xb8;
	[tilespmem:$0x1FE28] =	vst v63  }
0x181: {  	_ = 	snop  }
0x182: {  	[spmem:s3] =	stream.indirect.scatter.add.f32 [tilespmem:s19], [sflag:$0x5], $0x1, s9, s14, $0xb8;
	[tilespmem:$0x1FE28] =	vst v63  }
0x183: {  	_ =	swait.ge [sflag:s20], $0x2700  }
0x184: {  	[sflag:s20] =	ssyncset.done $0x0  }
0x185: {  	[sflag:s20] =	ssyncadd.s32 $0xFFFFD900  }
0x186: {  	_ =	swait.ge [sflag:s20], $0x270  }
0x187: {  	[sflag:s20] =	ssyncset.done $0x0  }
0x188: {  	s6 =	simm.s32 $0x2220;
	[sflag:s20] =	ssyncadd.s32 $0xFFFFFD90  }
0x189: {  	[tilespmem:s15], [sflag:$0x3] =	stream.indirect.gather [hbm4b:s5+s14], $0x10, s6, s14, $0xb8;
	[tilespmem:$0x1FE28] =	vst v63  }
0x18a: {  	_ =	swait.ge [sflag:s21], $0x2700  }
0x18b: {  	[sflag:s21] =	ssyncset.done $0x0  }
0x18c: {  	[sflag:s21] =	ssyncadd.s32 $0xFFFFD900  }
0x18d: {  	[spmem:s2] =	stream.indirect.scatter.add.f32 [tilespmem:s17], [sflag:$0x6], $0x10, s22, s14, $0xb8;
	[tilespmem:$0x1FE28] =	vst v63  }
0x18e: {  	_ = 	snop  }
0x18f: {  	[spmem:s3] =	stream.indirect.scatter.add.f32 [tilespmem:s19], [sflag:$0x6], $0x1, s22, s14, $0xb8;
	[tilespmem:$0x1FE28] =	vst v63  }
0x190: {  	_ =	swait.ge [sflag:s23], $0x2700  }
0x191: {  	[sflag:s23] =	ssyncset.done $0x0  }
0x192: {  	[sflag:s23] =	ssyncadd.s32 $0xFFFFD900  }
0x193: {  	_ =	swait.ge [sflag:s23], $0x270  }
0x194: {  	[sflag:s23] =	ssyncset.done $0x0  }
0x195: {  	s1 =	simm.s32 $0x2490;
	[sflag:s23] =	ssyncadd.s32 $0xFFFFFD90  }
0x196: {  	[tilespmem:s17], [sflag:$0x4] =	stream.indirect.gather [hbm4b:s5+s14], $0x10, s1, s14, $0xb8;
	[tilespmem:$0x1FE28] =	vst v63  }
0x197: {  	_ =	swait.ge [sflag:s18], $0x2700  }
0x198: {  	[sflag:s18] =	ssyncset.done $0x0  }
0x199: {  	[sflag:s18] =	ssyncadd.s32 $0xFFFFD900  }
0x19a: {  	[spmem:s2] =	stream.indirect.scatter.add.f32 [tilespmem:s15], [sflag:$0x5], $0x10, s24, s14, $0xb8;
	[tilespmem:$0x1FE28] =	vst v63  }
0x19b: {  	_ = 	snop  }
0x19c: {  	[spmem:s3] =	stream.indirect.scatter.add.f32 [tilespmem:s19], [sflag:$0x5], $0x1, s24, s14, $0xb8;
	[tilespmem:$0x1FE28] =	vst v63  }
0x19d: {  	_ =	swait.ge [sflag:s20], $0x2700  }
0x19e: {  	[sflag:s20] =	ssyncset.done $0x0  }
0x19f: {  	[sflag:s20] =	ssyncadd.s32 $0xFFFFD900  }
0x1a0: {  	_ =	swait.ge [sflag:s20], $0x270  }
0x1a1: {  	[sflag:s20] =	ssyncset.done $0x0  }
0x1a2: {  	s6 =	simm.s32 $0x2700;
	[sflag:s20] =	ssyncadd.s32 $0xFFFFFD90  }
0x1a3: {  	[tilespmem:s15], [sflag:$0x3] =	stream.indirect.gather [hbm4b:s5+s25], $0x10, s6, s25, $0xb8;
	[tilespmem:$0x1FE28] =	vst v63  }
0x1a4: {  	_ =	swait.ge [sflag:s21], $0x2700  }
0x1a5: {  	[sflag:s21] =	ssyncset.done $0x0  }
0x1a6: {  	[sflag:s21] =	ssyncadd.s32 $0xFFFFD900  }
0x1a7: {  	[spmem:s2] =	stream.indirect.scatter.add.f32 [tilespmem:s17], [sflag:$0x6], $0x10, s26, s14, $0xb8;
	[tilespmem:$0x1FE28] =	vst v63  }
0x1a8: {  	_ = 	snop  }
0x1a9: {  	[spmem:s3] =	stream.indirect.scatter.add.f32 [tilespmem:s19], [sflag:$0x6], $0x1, s26, s14, $0xb8;
	[tilespmem:$0x1FE28] =	vst v63  }
0x1aa: {  	_ =	swait.ge [sflag:s18], $0x100  }
0x1ab: {  	[sflag:s18] =	ssyncset.done $0x0  }
0x1ac: {  	[sflag:s18] =	ssyncadd.s32 $0xFFFFFF00  }
0x1ad: {  	[spmem:s2] =	stream.indirect.scatter.add.f32 [tilespmem:s15], [sflag:$0x5], $0x10, s28, s25, $0xb8;
	[tilespmem:$0x1FE28] =	vst v63  }
0x1ae: {  	_ = 	snop  }
0x1af: {  	[spmem:s3] =	stream.indirect.scatter.add.f32 [tilespmem:s19], [sflag:$0x5], $0x1, s28, s25, $0xb8;
	[tilespmem:$0x1FE28] =	vst v63  }
0x1b0: {  	_ =	swait.ge [sflag:s23], $0x2700  }
0x1b1: {  	[sflag:s23] =	ssyncset.done $0x0  }
0x1b2: {  	[sflag:s23] =	ssyncadd.s32 $0xFFFFD900  }
0x1b3: {  	_ =	swait.ge [sflag:s23], $0x270  }
0x1b4: {  	[sflag:s23] =	ssyncset.done $0x0  }
0x1b5: {  	[sflag:s23] =	ssyncadd.s32 $0xFFFFFD90  }
0x1b6: {  	_ =	swait.ge [sflag:s20], $0x100  }
0x1b7: {  	[sflag:s20] =	ssyncset.done $0x0  }
0x1b8: {  	[sflag:s20] =	ssyncadd.s32 $0xFFFFFF00  }
0x1b9: {  	_ =	swait.ge [sflag:s20], $0x10  }
0x1ba: {  	[sflag:s20] =	ssyncset.done $0x0  }
0x1bb: {  	s1 =	stileid.u32;
	[sflag:s20] =	ssyncadd.s32 $0xFFFFFFF0  }
0x1bc: {  	s0 =	sshll.u32 s1, $0x6;
	[bflag:$0x0] =	sbarrier.arrive $0xFFFF  }
0x1bd: {  	s1 =	sshrl.u32 s8, $0x3;
	s0 =	sor.u32 $0x1C07, s0;
	s6 =	rddreg [dreg:$0x1b]  }
0x1be: {  	[hbm:s6], [sflag:s0] =	dma.local [spmem:s1], $0x2710  }
0x1bf: {  	_ =	swait.ge [sflag:s29], $0x2710  }
0x1c0: {  	[sflag:s29] =	ssyncset.done $0x0  }
0x1c1: {  	s1 =	sshrl.u32 s30, $0x3;
	s6 =	rddreg [dreg:$0x12];
	[sflag:s29] =	ssyncadd.s32 $0xFFFFD8F0  }
0x1c2: {  	[hbm:s6], [sflag:s0] =	dma.local [spmem:s1], $0x271  }
0x1c3: {  	_ =	swait.ge [sflag:s29], $0x271  }
0x1c4: {  	s31 =	sadd.s32 $0x1, s31;
	s6 =	rddreg [dreg:$0x1c]  }
0x1c5: {  	p0 =	sne.s32 s31, s6  }
.Ltmp2:
0x1c6: {  	_ = 	snop;
	(pc) =	sbr.rel @p0 .LBB2_1-.Ltmp2, $3  }
0x1c7: {  	_ =	sdelay $0x1  }
0x1c8: {  	[sflag:s29] =	ssyncset.done $0x0  }
0x1c9: {  	[sflag:s29] =	ssyncadd.s32 $0xFFFFFD8F  }
0x1ca: {  	_ =	sfence.sel $0x180000  }
0x1cb: {  	[bflag:$0x0] =	sbarrier.arrive $0xFFFF  }
0x1cc: {  	_ =	strace $0x90000047  }
0x1cd: {  	s0 =	stileid.u32;
	[bflag:$0x2] =	sbarrier.arrive $0xFFFF  }
0x1ce: {  	p0 =	sne.s32 s0, $0x0;
	s0 =	rddreg [dreg:$0x4]  }
0x1cf: {  	s0 =	sadd.s32 @!p0 $0x100000, s0  }
0x1d0: {  	[sflag:s0] =	ssyncadd.tile.s32 @!p0 $0x1;
	_ =	shalt  }
.Lfunc_end2:
_tile_overlayer_lowered:
.L_overlay_start_2:
0x1d1: {  	(tag) =	ssettag $0x2  }
0x1d2: {  	s0 =	rddreg [dreg:$0x0];
	s2 =	stileid.u32  }
0x1d3: {  	s1 =	rddreg [dreg:$0x1];
	p0 =	sne.s32 s2, $0x0  }
0x1d4: {  	s3 =	rddreg [dreg:$0x2];
	[bflag:$0x3] =	sbarrier.arrive $0xFFFF;
	s2 =	simm.s32 @!p0 $0x1C07  }
0x1d5: {  	[timem:s3], [sflag:s2] =	dma.local @!p0 [hbm:s0], s1  }
0x1d6: {  	s0 =	simm.s32 @!p0 $0x7  }
0x1d7: {  	_ =	swait.ge @!p0 [sflag:s0], s1  }
0x1d8: {  	s1 =	ssub.s32 @!p0 $0x0, s1;
	[sflag:s0] =	ssyncset.done @!p0 $0x0  }
0x1d9: {  	[sflag:s0] =	ssyncadd.s32 @!p0 s1  }
0x1da: {  	[bflag:$0x3] =	sbarrier.arrive $0xFFFF  }
0x1db: {  	_ =	shalt  }

</sc_bundles>
